<compile_context>
chip_gen: v7x
topology: tpu7x:2x2x1
jax: 0.10.2.dev20260603
libtpu: 0.0.44.dev20260713+nightly
codegen_flags: <defaults>
</compile_context>

<pallas_src>
import jax
import jax.numpy as jnp
from jax import lax
from jax.experimental import pallas as pl
from jax.experimental.pallas import tpu as pltpu
from jax.experimental.pallas import tpu_sc as plsc

_K = 1024
_B = 128
_N = 32768
_F = 4
_L = 128
_NT = _N // _L
_NC = 2
_NS = 16
_NW = _NC * _NS
_BPW = _B // _NW
_CTILES = 128
_NCHUNK = _NT // _CTILES
_NBUF = 3


def _sq16(x, y, cx, cy):
    dx = x - cx
    dy = y - cy
    return dx * dx + dy * dy


def _count_chunk(buf, cx, cy, t0, t1, qn_rel, acc0, acc1):

    def body(q, carry):
        a0, a1 = carry
        thr = jnp.where(q < qn_rel, t1, t0)
        for u in range(_L // 16):
            x = buf[q, 0, pl.ds(u * 16, 16)]
            y = buf[q, 1, pl.ds(u * 16, 16)]
            sqb = plsc.bitcast(_sq16(x, y, cx, cy), jnp.int32)
            cnt = plsc.all_reduce_population_count(sqb > thr)
            if u % 2 == 0:
                a0 = a0 + cnt
            else:
                a1 = a1 + cnt
        return a0, a1

    return lax.fori_loop(0, _CTILES, body, (acc0, acc1), unroll=1)


def _sc_body(feats, curr_ids, next_ids, out,
             curr_v, next_v, blk8, bufs, out_v, sems, bsem):
    wid = lax.axis_index("s") * _NC + lax.axis_index("c")

    def chunk_src(task):
        bb = task // _NCHUNK
        g = task % _NCHUNK
        b = wid * _BPW + bb
        return feats.at[b, pl.ds(g * _CTILES, _CTILES), pl.ds(0, 2)]

    ntasks = _BPW * _NCHUNK
    handles = [None] * ntasks
    for t in range(2):
        handles[t] = pltpu.async_copy(chunk_src(t), bufs[t % _NBUF],
                                      sems[t % _NBUF])

    pltpu.sync_copy(curr_ids, curr_v)
    pltpu.sync_copy(next_ids, next_v)

    iota = lax.iota(jnp.int32, 16)
    zeros16 = jnp.zeros((16,), jnp.int32)
    ones16 = jnp.ones((16,), jnp.int32)

    currs, nxts, qcs, qns = [], [], [], []
    blk_handles = []
    for bb in range(_BPW):
        b = wid * _BPW + bb
        b_v = jnp.full((16,), b, jnp.int32)
        curr = plsc.load_gather(curr_v, [b_v])[0]
        nxt = plsc.load_gather(next_v, [b_v])[0]
        qc = lax.shift_right_logical(curr, 7)
        qn = lax.shift_right_logical(nxt, 7)
        blk_handles.append(pltpu.async_copy(
            feats.at[b, qc, pl.ds(0, 2)], blk8.at[2 * bb], bsem))
        blk_handles.append(pltpu.async_copy(
            feats.at[b, qn, pl.ds(0, 2)], blk8.at[2 * bb + 1], bsem))
        currs.append(curr)
        nxts.append(nxt)
        qcs.append(qc)
        qns.append(qn)
    for h in blk_handles:
        h.wait()

    t0s, t1s, corrs = [], [], []
    for bb in range(_BPW):
        lc_v = jnp.full((16,), currs[bb] & jnp.int32(_L - 1), jnp.int32)
        ln_v = jnp.full((16,), nxts[bb] & jnp.int32(_L - 1), jnp.int32)
        c_row = jnp.full((16,), 2 * bb, jnp.int32)
        n_row = jnp.full((16,), 2 * bb + 1, jnp.int32)
        cx = plsc.load_gather(blk8, [c_row, zeros16, lc_v])
        cy = plsc.load_gather(blk8, [c_row, ones16, lc_v])
        nx = plsc.load_gather(blk8, [n_row, zeros16, ln_v])
        ny = plsc.load_gather(blk8, [n_row, ones16, ln_v])
        sqn = _sq16(nx, ny, cx, cy)
        t0 = plsc.bitcast(sqn, jnp.int32)
        t1 = t0 - ones16
        corr = zeros16
        ntile_base = qns[bb] * _L
        nxt_v = jnp.full((16,), nxts[bb], jnp.int32)
        for u in range(_L // 16):
            x = blk8[2 * bb + 1, 0, pl.ds(u * 16, 16)]
            y = blk8[2 * bb + 1, 1, pl.ds(u * 16, 16)]
            sq = _sq16(x, y, cx, cy)
            gidx = jnp.full((16,), ntile_base + u * 16, jnp.int32) + iota
            hit = jnp.logical_and(sq == sqn, gidx < nxt_v)
            corr = corr + hit.astype(jnp.int32)
        t0s.append(t0)
        t1s.append(t1)
        corrs.append(corr)

    outvec = jnp.zeros((16,), jnp.float32)
    for bb in range(_BPW):
        lc_v = jnp.full((16,), currs[bb] & jnp.int32(_L - 1), jnp.int32)
        c_row = jnp.full((16,), 2 * bb, jnp.int32)
        cx = plsc.load_gather(blk8, [c_row, zeros16, lc_v])
        cy = plsc.load_gather(blk8, [c_row, ones16, lc_v])

        acc0 = jnp.sum(corrs[bb]) + zeros16
        acc1 = zeros16
        for g in range(_NCHUNK):
            t = bb * _NCHUNK + g
            handles[t].wait()
            if t + 2 < ntasks:
                handles[t + 2] = pltpu.async_copy(
                    chunk_src(t + 2), bufs[(t + 2) % _NBUF],
                    sems[(t + 2) % _NBUF])
            qn_rel = qns[bb] - g * _CTILES
            acc0, acc1 = _count_chunk(bufs[t % _NBUF], cx, cy,
                                      t0s[bb], t1s[bb], qn_rel, acc0, acc1)

        total = acc0[0] + acc1[0]
        p0 = jnp.where(total < _K, jnp.float32(1.0), jnp.float32(0.0))
        outvec = jnp.where(iota == 2 * bb, p0, outvec)
        outvec = jnp.where(iota == 2 * bb + 1, jnp.float32(1.0) - p0,
                           outvec)

    out_v[...] = outvec
    o_off = pl.multiple_of(wid * 2 * _BPW, 2 * _BPW)
    pltpu.sync_copy(out_v.at[pl.ds(0, 2 * _BPW)],
                    out.at[pl.ds(o_off, 2 * _BPW)])


@jax.jit
def _run(planar, curr_node_id, next_node_id):
    mesh = plsc.VectorSubcoreMesh(core_axis_name="c", subcore_axis_name="s")

    def body(feats, curr_ids, next_ids, out, curr_v, next_v, blk8,
             b0, b1, b2, out_v, s0, s1, s2, bsem):
        _sc_body(feats, curr_ids, next_ids, out, curr_v, next_v, blk8,
                 (b0, b1, b2), out_v, (s0, s1, s2), bsem)

    out = pl.kernel(
        body,
        out_type=jax.ShapeDtypeStruct((_B * 2,), jnp.float32),
        mesh=mesh,
        compiler_params=pltpu.CompilerParams(needs_layout_passes=False),
        scratch_types=[
            pltpu.VMEM((_B,), jnp.int32),
            pltpu.VMEM((_B,), jnp.int32),
            pltpu.VMEM((2 * _BPW, 2, _L), jnp.float32),
            pltpu.VMEM((_CTILES, 2, _L), jnp.float32),
            pltpu.VMEM((_CTILES, 2, _L), jnp.float32),
            pltpu.VMEM((_CTILES, 2, _L), jnp.float32),
            pltpu.VMEM((16,), jnp.float32),
            pltpu.SemaphoreType.DMA,
            pltpu.SemaphoreType.DMA,
            pltpu.SemaphoreType.DMA,
            pltpu.SemaphoreType.DMA,
        ],
    )(planar, curr_node_id, next_node_id)
    return out.reshape(_B, 2)


def kernel(node_feats, mask, curr_node_id, next_node_id):
    del mask
    planar = node_feats.reshape(_B, _NT, _L, _F).transpose(0, 1, 3, 2)
    return _run(planar, curr_node_id.astype(jnp.int32),
                next_node_id.astype(jnp.int32))

# --- scband reference (transcript-rebuilt; emitter-appended) ---
"""Pipeline reference for scband-k-nearest-predictor-45320494908047 (READ-ONLY COPY).

The authoritative reference and input builder live on the scoring server;
editing this copy changes nothing except your own understanding.
"""

import jax, jax.numpy as jnp
import numpy as np

K = 1024  # init k, k_type='num'


def setup_inputs(seed: int = 0) -> dict:
    key = jax.random.key(seed)
    k1, k2, k3, k4 = jax.random.split(key, 4)
    B, N, D = 128, 32768, 4
    node_feats = jax.random.uniform(k1, (B, N, D), dtype=jnp.float32)
    mask = jax.random.randint(k2, (B, N), 0, 2).astype(jnp.int32)
    curr_node_id = jax.random.randint(k3, (B,), 0, N).astype(jnp.int32)
    next_node_id = jax.random.randint(k4, (B,), 0, N).astype(jnp.int32)
    return {"node_feats": node_feats, "mask": mask,
            "curr_node_id": curr_node_id, "next_node_id": next_node_id}


def reference(node_feats, mask, curr_node_id, next_node_id):
    coord_dim = 2
    batch_size = node_feats.shape[0]
    coords = node_feats[:, :, :coord_dim]  # [B, N, 2]
    # computed in the original forward (used only when k_type == 'ratio')
    num_candidates = (mask > 0).sum(axis=-1)
    _ = jnp.round(num_candidates.astype(jnp.float32) * 1.0).astype(jnp.int32)
    # gather current node coordinates, broadcast against all nodes
    curr_coord = jnp.take_along_axis(coords, curr_node_id[:, None, None].astype(jnp.int32) * jnp.ones((1, 1, coord_dim), jnp.int32), axis=1)  # [B, N->1 broadcastable, 2]
    curr_coord = jnp.take_along_axis(coords, curr_node_id[:, None, None], axis=1)  # [B, 1, 2]
    dist_from_curr_node = jnp.linalg.norm(curr_coord - coords, axis=-1)  # [B, N]
    # top-k largest distances per batch element (k_type='num' -> static k)
    _, topk_ids = jax.lax.top_k(dist_from_curr_node, K)  # [B, K]
    visit_topk = jnp.any(topk_ids == next_node_id[:, None], axis=-1)  # [B] bool (torch.isin)
    idx = (1 - visit_topk.astype(jnp.int32))  # [B]
    probs = jnp.zeros((batch_size, 2), dtype=jnp.float32)
    probs = probs.at[jnp.arange(batch_size), idx].set(1.0)
    return probs

if __name__ == "__main__":
    import jax
    _d = setup_inputs()
    print(jax.jit(kernel)(*tuple(_d.values())))

</pallas_src>

<mosaic_0001>
#map = affine_map<(d0, d1) -> (0, 0, 0, 0)>
#map1 = affine_map<(d0, d1) -> (0)>
module attributes {stable_mosaic.version = 14 : i64} {
  func.func @body(%arg0: i32, %arg1: i32, %arg2: memref<128x256x4x128xf32, #tpu.memory_space<hbm>>, %arg3: memref<128xi32, #tpu.memory_space<hbm>>, %arg4: memref<128xi32, #tpu.memory_space<hbm>>, %arg5: memref<256xf32, #tpu.memory_space<hbm>>, %arg6: memref<128xi32, #tpu.memory_space<vmem>>, %arg7: memref<128xi32, #tpu.memory_space<vmem>>, %arg8: memref<8x2x128xf32, #tpu.memory_space<vmem>>, %arg9: memref<128x2x128xf32, #tpu.memory_space<vmem>>, %arg10: memref<128x2x128xf32, #tpu.memory_space<vmem>>, %arg11: memref<128x2x128xf32, #tpu.memory_space<vmem>>, %arg12: memref<16xf32, #tpu.memory_space<vmem>>, %arg13: memref<!tpu.dma_semaphore, #tpu.memory_space<semaphore_mem>>, %arg14: memref<!tpu.dma_semaphore, #tpu.memory_space<semaphore_mem>>, %arg15: memref<!tpu.dma_semaphore, #tpu.memory_space<semaphore_mem>>, %arg16: memref<!tpu.dma_semaphore, #tpu.memory_space<semaphore_mem>>) attributes {dimension_semantics = [#tpu.dimension_semantics<core_parallel>, #tpu.dimension_semantics<subcore_parallel>], iteration_bounds = array<i64: 2, 16>, scalar_prefetch = 0 : i64, scratch_operands = 11 : i64, tpu.core_type = #tpu.core_type<sc_vector_subcore>, window_params = [{transform_indices = #map}, {transform_indices = #map1}, {transform_indices = #map1}, {transform_indices = #map1}]} {
    %mul3A = arith.constant 2 : i32
    %mul3A_0 = arith.muli %arg1, %mul3A : i32
    %add3A = arith.addi %mul3A_0, %arg0 : i32
    %mul3A_1 = arith.constant 4 : i32
    %mul3A_2 = arith.muli %add3A, %mul3A_1 : i32
    %add3A_3 = arith.constant 0 : i32
    %add3A_4 = arith.addi %mul3A_2, %add3A_3 : i32
    %dma_start3A = arith.constant 0 : i32
    %dma_start3A_5 = arith.constant 0 : i32
    %dma_start3A_6 = arith.constant 0 : i32
    %dma_start3A_7 = tpu.memref_slice %arg2[%add3A_4, %dma_start3A, %dma_start3A_5, %dma_start3A_6] : memref<128x256x4x128xf32, #tpu.memory_space<hbm>> -> memref<1x128x2x128xf32, #tpu.memory_space<hbm>>
    %dma_start3A_8 = tpu.memref_squeeze %dma_start3A_7 : memref<1x128x2x128xf32, #tpu.memory_space<hbm>> -> memref<128x2x128xf32, #tpu.memory_space<hbm>>
    %dma_start3A_9 = arith.constant 0 : i32
    %dma_start3A_10 = arith.constant 0 : i32
    %dma_start3A_11 = arith.constant 0 : i32
    %dma_start3A_12 = tpu.memref_slice %arg2[%add3A_4, %dma_start3A_9, %dma_start3A_10, %dma_start3A_11] : memref<128x256x4x128xf32, #tpu.memory_space<hbm>> -> memref<1x128x2x128xf32, #tpu.memory_space<hbm>>
    %dma_start3A_13 = tpu.memref_squeeze %dma_start3A_12 : memref<1x128x2x128xf32, #tpu.memory_space<hbm>> -> memref<128x2x128xf32, #tpu.memory_space<hbm>>
    tpu.enqueue_dma source(%dma_start3A_13 : memref<128x2x128xf32, #tpu.memory_space<hbm>>) target(%arg9 : memref<128x2x128xf32, #tpu.memory_space<vmem>>) target_semaphore(%arg13 : memref<!tpu.dma_semaphore, #tpu.memory_space<semaphore_mem>>)
    %mul3A_14 = arith.constant 4 : i32
    %mul3A_15 = arith.muli %add3A, %mul3A_14 : i32
    %add3A_16 = arith.constant 0 : i32
    %add3A_17 = arith.addi %mul3A_15, %add3A_16 : i32
    %dma_start3A_18 = arith.constant 128 : i32
    %dma_start3A_19 = arith.constant 0 : i32
    %dma_start3A_20 = arith.constant 0 : i32
    %dma_start3A_21 = tpu.memref_slice %arg2[%add3A_17, %dma_start3A_18, %dma_start3A_19, %dma_start3A_20] : memref<128x256x4x128xf32, #tpu.memory_space<hbm>> -> memref<1x128x2x128xf32, #tpu.memory_space<hbm>>
    %dma_start3A_22 = tpu.memref_squeeze %dma_start3A_21 : memref<1x128x2x128xf32, #tpu.memory_space<hbm>> -> memref<128x2x128xf32, #tpu.memory_space<hbm>>
    %dma_start3A_23 = arith.constant 128 : i32
    %dma_start3A_24 = arith.constant 0 : i32
    %dma_start3A_25 = arith.constant 0 : i32
    %dma_start3A_26 = tpu.memref_slice %arg2[%add3A_17, %dma_start3A_23, %dma_start3A_24, %dma_start3A_25] : memref<128x256x4x128xf32, #tpu.memory_space<hbm>> -> memref<1x128x2x128xf32, #tpu.memory_space<hbm>>
    %dma_start3A_27 = tpu.memref_squeeze %dma_start3A_26 : memref<1x128x2x128xf32, #tpu.memory_space<hbm>> -> memref<128x2x128xf32, #tpu.memory_space<hbm>>
    tpu.enqueue_dma source(%dma_start3A_27 : memref<128x2x128xf32, #tpu.memory_space<hbm>>) target(%arg10 : memref<128x2x128xf32, #tpu.memory_space<vmem>>) target_semaphore(%arg14 : memref<!tpu.dma_semaphore, #tpu.memory_space<semaphore_mem>>)
    "tpu.region"() ({
      %run_scoped3A = tpu.sem_alloc : memref<!tpu.dma_semaphore, #tpu.memory_space<semaphore_mem>>
      tpu.enqueue_dma source(%arg3 : memref<128xi32, #tpu.memory_space<hbm>>) target(%arg6 : memref<128xi32, #tpu.memory_space<vmem>>) target_semaphore(%run_scoped3A : memref<!tpu.dma_semaphore, #tpu.memory_space<semaphore_mem>>)
      tpu.wait_dma2 semaphore(%run_scoped3A : memref<!tpu.dma_semaphore, #tpu.memory_space<semaphore_mem>>) src(%arg3 : memref<128xi32, #tpu.memory_space<hbm>>) dst(%arg6 : memref<128xi32, #tpu.memory_space<vmem>>)
      tpu.yield
    }) : () -> ()
    "tpu.region"() ({
      %run_scoped3A = tpu.sem_alloc : memref<!tpu.dma_semaphore, #tpu.memory_space<semaphore_mem>>
      tpu.enqueue_dma source(%arg4 : memref<128xi32, #tpu.memory_space<hbm>>) target(%arg7 : memref<128xi32, #tpu.memory_space<vmem>>) target_semaphore(%run_scoped3A : memref<!tpu.dma_semaphore, #tpu.memory_space<semaphore_mem>>)
      tpu.wait_dma2 semaphore(%run_scoped3A : memref<!tpu.dma_semaphore, #tpu.memory_space<semaphore_mem>>) src(%arg4 : memref<128xi32, #tpu.memory_space<hbm>>) dst(%arg7 : memref<128xi32, #tpu.memory_space<vmem>>)
      tpu.yield
    }) : () -> ()
    %iota3A = tpu.iota {dimensions = array<i32: 0>} : vector<16xi32>
    %broadcast_in_dim3A = arith.constant 0 : i32
    %broadcast_in_dim3A_28 = vector.broadcast %broadcast_in_dim3A : i32 to vector<16xi32>
    %broadcast_in_dim3A_29 = arith.constant 1 : i32
    %broadcast_in_dim3A_30 = vector.broadcast %broadcast_in_dim3A_29 : i32 to vector<16xi32>
    %mul3A_31 = arith.constant 4 : i32
    %mul3A_32 = arith.muli %add3A, %mul3A_31 : i32
    %add3A_33 = arith.constant 0 : i32
    %add3A_34 = arith.addi %mul3A_32, %add3A_33 : i32
    %broadcast_in_dim3A_35 = vector.broadcast %add3A_34 : i32 to vector<16xi32>
    %gather3A = tpu.vector_load_idx %arg6[%broadcast_in_dim3A_35] : memref<128xi32, #tpu.memory_space<vmem>>[vector<16xi32>], vector<16xi32>,
    %slice3A = vector.extract_strided_slice %gather3A {offsets = [0], sizes = [1], strides = [1]} : vector<16xi32> to vector<1xi32>
    %squeeze3A = vector.extract %slice3A[0] : i32 from vector<1xi32>
    %gather3A_36 = tpu.vector_load_idx %arg7[%broadcast_in_dim3A_35] : memref<128xi32, #tpu.memory_space<vmem>>[vector<16xi32>], vector<16xi32>,
    %slice3A_37 = vector.extract_strided_slice %gather3A_36 {offsets = [0], sizes = [1], strides = [1]} : vector<16xi32> to vector<1xi32>
    %squeeze3A_38 = vector.extract %slice3A_37[0] : i32 from vector<1xi32>
    %shift_right_logical3A = arith.constant 7 : i32
    %shift_right_logical3A_39 = arith.shrui %squeeze3A, %shift_right_logical3A : i32
    %shift_right_logical3A_40 = arith.constant 7 : i32
    %shift_right_logical3A_41 = arith.shrui %squeeze3A_38, %shift_right_logical3A_40 : i32
    %dma_start3A_42 = arith.constant 0 : i32
    %dma_start3A_43 = arith.constant 0 : i32
    %dma_start3A_44 = arith.constant 0 : i32
    %dma_start3A_45 = tpu.memref_slice %arg8[%dma_start3A_42, %dma_start3A_43, %dma_start3A_44] : memref<8x2x128xf32, #tpu.memory_space<vmem>> -> memref<1x2x128xf32, #tpu.memory_space<vmem>>
    %dma_start3A_46 = tpu.memref_squeeze %dma_start3A_45 : memref<1x2x128xf32, #tpu.memory_space<vmem>> -> memref<2x128xf32, #tpu.memory_space<vmem>>
    %dma_start3A_47 = arith.constant 0 : i32
    %dma_start3A_48 = arith.constant 0 : i32
    %dma_start3A_49 = tpu.memref_slice %arg2[%add3A_34, %shift_right_logical3A_39, %dma_start3A_47, %dma_start3A_48] : memref<128x256x4x128xf32, #tpu.memory_space<hbm>> -> memref<1x1x2x128xf32, #tpu.memory_space<hbm>>
    %dma_start3A_50 = tpu.memref_squeeze %dma_start3A_49 : memref<1x1x2x128xf32, #tpu.memory_space<hbm>> -> memref<2x128xf32, #tpu.memory_space<hbm>>
    %dma_start3A_51 = arith.constant 0 : i32
    %dma_start3A_52 = arith.constant 0 : i32
    %dma_start3A_53 = tpu.memref_slice %arg8[%dma_start3A_42, %dma_start3A_51, %dma_start3A_52] : memref<8x2x128xf32, #tpu.memory_space<vmem>> -> memref<1x2x128xf32, #tpu.memory_space<vmem>>
    %dma_start3A_54 = tpu.memref_squeeze %dma_start3A_53 : memref<1x2x128xf32, #tpu.memory_space<vmem>> -> memref<2x128xf32, #tpu.memory_space<vmem>>
    %dma_start3A_55 = arith.constant 0 : i32
    %dma_start3A_56 = arith.constant 0 : i32
    %dma_start3A_57 = tpu.memref_slice %arg2[%add3A_34, %shift_right_logical3A_39, %dma_start3A_55, %dma_start3A_56] : memref<128x256x4x128xf32, #tpu.memory_space<hbm>> -> memref<1x1x2x128xf32, #tpu.memory_space<hbm>>
    %dma_start3A_58 = tpu.memref_squeeze %dma_start3A_57 : memref<1x1x2x128xf32, #tpu.memory_space<hbm>> -> memref<2x128xf32, #tpu.memory_space<hbm>>
    tpu.enqueue_dma source(%dma_start3A_58 : memref<2x128xf32, #tpu.memory_space<hbm>>) target(%dma_start3A_54 : memref<2x128xf32, #tpu.memory_space<vmem>>) target_semaphore(%arg16 : memref<!tpu.dma_semaphore, #tpu.memory_space<semaphore_mem>>)
    %dma_start3A_59 = arith.constant 1 : i32
    %dma_start3A_60 = arith.constant 0 : i32
    %dma_start3A_61 = arith.constant 0 : i32
    %dma_start3A_62 = tpu.memref_slice %arg8[%dma_start3A_59, %dma_start3A_60, %dma_start3A_61] : memref<8x2x128xf32, #tpu.memory_space<vmem>> -> memref<1x2x128xf32, #tpu.memory_space<vmem>>
    %dma_start3A_63 = tpu.memref_squeeze %dma_start3A_62 : memref<1x2x128xf32, #tpu.memory_space<vmem>> -> memref<2x128xf32, #tpu.memory_space<vmem>>
    %dma_start3A_64 = arith.constant 0 : i32
    %dma_start3A_65 = arith.constant 0 : i32
    %dma_start3A_66 = tpu.memref_slice %arg2[%add3A_34, %shift_right_logical3A_41, %dma_start3A_64, %dma_start3A_65] : memref<128x256x4x128xf32, #tpu.memory_space<hbm>> -> memref<1x1x2x128xf32, #tpu.memory_space<hbm>>
    %dma_start3A_67 = tpu.memref_squeeze %dma_start3A_66 : memref<1x1x2x128xf32, #tpu.memory_space<hbm>> -> memref<2x128xf32, #tpu.memory_space<hbm>>
    %dma_start3A_68 = arith.constant 0 : i32
    %dma_start3A_69 = arith.constant 0 : i32
    %dma_start3A_70 = tpu.memref_slice %arg8[%dma_start3A_59, %dma_start3A_68, %dma_start3A_69] : memref<8x2x128xf32, #tpu.memory_space<vmem>> -> memref<1x2x128xf32, #tpu.memory_space<vmem>>
    %dma_start3A_71 = tpu.memref_squeeze %dma_start3A_70 : memref<1x2x128xf32, #tpu.memory_space<vmem>> -> memref<2x128xf32, #tpu.memory_space<vmem>>
    %dma_start3A_72 = arith.constant 0 : i32
    %dma_start3A_73 = arith.constant 0 : i32
    %dma_start3A_74 = tpu.memref_slice %arg2[%add3A_34, %shift_right_logical3A_41, %dma_start3A_72, %dma_start3A_73] : memref<128x256x4x128xf32, #tpu.memory_space<hbm>> -> memref<1x1x2x128xf32, #tpu.memory_space<hbm>>
    %dma_start3A_75 = tpu.memref_squeeze %dma_start3A_74 : memref<1x1x2x128xf32, #tpu.memory_space<hbm>> -> memref<2x128xf32, #tpu.memory_space<hbm>>
    tpu.enqueue_dma source(%dma_start3A_75 : memref<2x128xf32, #tpu.memory_space<hbm>>) target(%dma_start3A_71 : memref<2x128xf32, #tpu.memory_space<vmem>>) target_semaphore(%arg16 : memref<!tpu.dma_semaphore, #tpu.memory_space<semaphore_mem>>)
    %mul3A_76 = arith.constant 4 : i32
    %mul3A_77 = arith.muli %add3A, %mul3A_76 : i32
    %add3A_78 = arith.constant 1 : i32
    %add3A_79 = arith.addi %mul3A_77, %add3A_78 : i32
    %broadcast_in_dim3A_80 = vector.broadcast %add3A_79 : i32 to vector<16xi32>
    %gather3A_81 = tpu.vector_load_idx %arg6[%broadcast_in_dim3A_80] : memref<128xi32, #tpu.memory_space<vmem>>[vector<16xi32>], vector<16xi32>,
    %slice3A_82 = vector.extract_strided_slice %gather3A_81 {offsets = [0], sizes = [1], strides = [1]} : vector<16xi32> to vector<1xi32>
    %squeeze3A_83 = vector.extract %slice3A_82[0] : i32 from vector<1xi32>
    %gather3A_84 = tpu.vector_load_idx %arg7[%broadcast_in_dim3A_80] : memref<128xi32, #tpu.memory_space<vmem>>[vector<16xi32>], vector<16xi32>,
    %slice3A_85 = vector.extract_strided_slice %gather3A_84 {offsets = [0], sizes = [1], strides = [1]} : vector<16xi32> to vector<1xi32>
    %squeeze3A_86 = vector.extract %slice3A_85[0] : i32 from vector<1xi32>
    %shift_right_logical3A_87 = arith.constant 7 : i32
    %shift_right_logical3A_88 = arith.shrui %squeeze3A_83, %shift_right_logical3A_87 : i32
    %shift_right_logical3A_89 = arith.constant 7 : i32
    %shift_right_logical3A_90 = arith.shrui %squeeze3A_86, %shift_right_logical3A_89 : i32
    %dma_start3A_91 = arith.constant 2 : i32
    %dma_start3A_92 = arith.constant 0 : i32
    %dma_start3A_93 = arith.constant 0 : i32
    %dma_start3A_94 = tpu.memref_slice %arg8[%dma_start3A_91, %dma_start3A_92, %dma_start3A_93] : memref<8x2x128xf32, #tpu.memory_space<vmem>> -> memref<1x2x128xf32, #tpu.memory_space<vmem>>
    %dma_start3A_95 = tpu.memref_squeeze %dma_start3A_94 : memref<1x2x128xf32, #tpu.memory_space<vmem>> -> memref<2x128xf32, #tpu.memory_space<vmem>>
    %dma_start3A_96 = arith.constant 0 : i32
    %dma_start3A_97 = arith.constant 0 : i32
    %dma_start3A_98 = tpu.memref_slice %arg2[%add3A_79, %shift_right_logical3A_88, %dma_start3A_96, %dma_start3A_97] : memref<128x256x4x128xf32, #tpu.memory_space<hbm>> -> memref<1x1x2x128xf32, #tpu.memory_space<hbm>>
    %dma_start3A_99 = tpu.memref_squeeze %dma_start3A_98 : memref<1x1x2x128xf32, #tpu.memory_space<hbm>> -> memref<2x128xf32, #tpu.memory_space<hbm>>
    %dma_start3A_100 = arith.constant 0 : i32
    %dma_start3A_101 = arith.constant 0 : i32
    %dma_start3A_102 = tpu.memref_slice %arg8[%dma_start3A_91, %dma_start3A_100, %dma_start3A_101] : memref<8x2x128xf32, #tpu.memory_space<vmem>> -> memref<1x2x128xf32, #tpu.memory_space<vmem>>
    %dma_start3A_103 = tpu.memref_squeeze %dma_start3A_102 : memref<1x2x128xf32, #tpu.memory_space<vmem>> -> memref<2x128xf32, #tpu.memory_space<vmem>>
    %dma_start3A_104 = arith.constant 0 : i32
    %dma_start3A_105 = arith.constant 0 : i32
    %dma_start3A_106 = tpu.memref_slice %arg2[%add3A_79, %shift_right_logical3A_88, %dma_start3A_104, %dma_start3A_105] : memref<128x256x4x128xf32, #tpu.memory_space<hbm>> -> memref<1x1x2x128xf32, #tpu.memory_space<hbm>>
    %dma_start3A_107 = tpu.memref_squeeze %dma_start3A_106 : memref<1x1x2x128xf32, #tpu.memory_space<hbm>> -> memref<2x128xf32, #tpu.memory_space<hbm>>
    tpu.enqueue_dma source(%dma_start3A_107 : memref<2x128xf32, #tpu.memory_space<hbm>>) target(%dma_start3A_103 : memref<2x128xf32, #tpu.memory_space<vmem>>) target_semaphore(%arg16 : memref<!tpu.dma_semaphore, #tpu.memory_space<semaphore_mem>>)
    %dma_start3A_108 = arith.constant 3 : i32
    %dma_start3A_109 = arith.constant 0 : i32
    %dma_start3A_110 = arith.constant 0 : i32
    %dma_start3A_111 = tpu.memref_slice %arg8[%dma_start3A_108, %dma_start3A_109, %dma_start3A_110] : memref<8x2x128xf32, #tpu.memory_space<vmem>> -> memref<1x2x128xf32, #tpu.memory_space<vmem>>
    %dma_start3A_112 = tpu.memref_squeeze %dma_start3A_111 : memref<1x2x128xf32, #tpu.memory_space<vmem>> -> memref<2x128xf32, #tpu.memory_space<vmem>>
    %dma_start3A_113 = arith.constant 0 : i32
    %dma_start3A_114 = arith.constant 0 : i32
    %dma_start3A_115 = tpu.memref_slice %arg2[%add3A_79, %shift_right_logical3A_90, %dma_start3A_113, %dma_start3A_114] : memref<128x256x4x128xf32, #tpu.memory_space<hbm>> -> memref<1x1x2x128xf32, #tpu.memory_space<hbm>>
    %dma_start3A_116 = tpu.memref_squeeze %dma_start3A_115 : memref<1x1x2x128xf32, #tpu.memory_space<hbm>> -> memref<2x128xf32, #tpu.memory_space<hbm>>
    %dma_start3A_117 = arith.constant 0 : i32
    %dma_start3A_118 = arith.constant 0 : i32
    %dma_start3A_119 = tpu.memref_slice %arg8[%dma_start3A_108, %dma_start3A_117, %dma_start3A_118] : memref<8x2x128xf32, #tpu.memory_space<vmem>> -> memref<1x2x128xf32, #tpu.memory_space<vmem>>
    %dma_start3A_120 = tpu.memref_squeeze %dma_start3A_119 : memref<1x2x128xf32, #tpu.memory_space<vmem>> -> memref<2x128xf32, #tpu.memory_space<vmem>>
    %dma_start3A_121 = arith.constant 0 : i32
    %dma_start3A_122 = arith.constant 0 : i32
    %dma_start3A_123 = tpu.memref_slice %arg2[%add3A_79, %shift_right_logical3A_90, %dma_start3A_121, %dma_start3A_122] : memref<128x256x4x128xf32, #tpu.memory_space<hbm>> -> memref<1x1x2x128xf32, #tpu.memory_space<hbm>>
    %dma_start3A_124 = tpu.memref_squeeze %dma_start3A_123 : memref<1x1x2x128xf32, #tpu.memory_space<hbm>> -> memref<2x128xf32, #tpu.memory_space<hbm>>
    tpu.enqueue_dma source(%dma_start3A_124 : memref<2x128xf32, #tpu.memory_space<hbm>>) target(%dma_start3A_120 : memref<2x128xf32, #tpu.memory_space<vmem>>) target_semaphore(%arg16 : memref<!tpu.dma_semaphore, #tpu.memory_space<semaphore_mem>>)
    %mul3A_125 = arith.constant 4 : i32
    %mul3A_126 = arith.muli %add3A, %mul3A_125 : i32
    %add3A_127 = arith.constant 2 : i32
    %add3A_128 = arith.addi %mul3A_126, %add3A_127 : i32
    %broadcast_in_dim3A_129 = vector.broadcast %add3A_128 : i32 to vector<16xi32>
    %gather3A_130 = tpu.vector_load_idx %arg6[%broadcast_in_dim3A_129] : memref<128xi32, #tpu.memory_space<vmem>>[vector<16xi32>], vector<16xi32>,
    %slice3A_131 = vector.extract_strided_slice %gather3A_130 {offsets = [0], sizes = [1], strides = [1]} : vector<16xi32> to vector<1xi32>
    %squeeze3A_132 = vector.extract %slice3A_131[0] : i32 from vector<1xi32>
    %gather3A_133 = tpu.vector_load_idx %arg7[%broadcast_in_dim3A_129] : memref<128xi32, #tpu.memory_space<vmem>>[vector<16xi32>], vector<16xi32>,
    %slice3A_134 = vector.extract_strided_slice %gather3A_133 {offsets = [0], sizes = [1], strides = [1]} : vector<16xi32> to vector<1xi32>
    %squeeze3A_135 = vector.extract %slice3A_134[0] : i32 from vector<1xi32>
    %shift_right_logical3A_136 = arith.constant 7 : i32
    %shift_right_logical3A_137 = arith.shrui %squeeze3A_132, %shift_right_logical3A_136 : i32
    %shift_right_logical3A_138 = arith.constant 7 : i32
    %shift_right_logical3A_139 = arith.shrui %squeeze3A_135, %shift_right_logical3A_138 : i32
    %dma_start3A_140 = arith.constant 4 : i32
    %dma_start3A_141 = arith.constant 0 : i32
    %dma_start3A_142 = arith.constant 0 : i32
    %dma_start3A_143 = tpu.memref_slice %arg8[%dma_start3A_140, %dma_start3A_141, %dma_start3A_142] : memref<8x2x128xf32, #tpu.memory_space<vmem>> -> memref<1x2x128xf32, #tpu.memory_space<vmem>>
    %dma_start3A_144 = tpu.memref_squeeze %dma_start3A_143 : memref<1x2x128xf32, #tpu.memory_space<vmem>> -> memref<2x128xf32, #tpu.memory_space<vmem>>
    %dma_start3A_145 = arith.constant 0 : i32
    %dma_start3A_146 = arith.constant 0 : i32
    %dma_start3A_147 = tpu.memref_slice %arg2[%add3A_128, %shift_right_logical3A_137, %dma_start3A_145, %dma_start3A_146] : memref<128x256x4x128xf32, #tpu.memory_space<hbm>> -> memref<1x1x2x128xf32, #tpu.memory_space<hbm>>
    %dma_start3A_148 = tpu.memref_squeeze %dma_start3A_147 : memref<1x1x2x128xf32, #tpu.memory_space<hbm>> -> memref<2x128xf32, #tpu.memory_space<hbm>>
    %dma_start3A_149 = arith.constant 0 : i32
    %dma_start3A_150 = arith.constant 0 : i32
    %dma_start3A_151 = tpu.memref_slice %arg8[%dma_start3A_140, %dma_start3A_149, %dma_start3A_150] : memref<8x2x128xf32, #tpu.memory_space<vmem>> -> memref<1x2x128xf32, #tpu.memory_space<vmem>>
    %dma_start3A_152 = tpu.memref_squeeze %dma_start3A_151 : memref<1x2x128xf32, #tpu.memory_space<vmem>> -> memref<2x128xf32, #tpu.memory_space<vmem>>
    %dma_start3A_153 = arith.constant 0 : i32
    %dma_start3A_154 = arith.constant 0 : i32
    %dma_start3A_155 = tpu.memref_slice %arg2[%add3A_128, %shift_right_logical3A_137, %dma_start3A_153, %dma_start3A_154] : memref<128x256x4x128xf32, #tpu.memory_space<hbm>> -> memref<1x1x2x128xf32, #tpu.memory_space<hbm>>
    %dma_start3A_156 = tpu.memref_squeeze %dma_start3A_155 : memref<1x1x2x128xf32, #tpu.memory_space<hbm>> -> memref<2x128xf32, #tpu.memory_space<hbm>>
    tpu.enqueue_dma source(%dma_start3A_156 : memref<2x128xf32, #tpu.memory_space<hbm>>) target(%dma_start3A_152 : memref<2x128xf32, #tpu.memory_space<vmem>>) target_semaphore(%arg16 : memref<!tpu.dma_semaphore, #tpu.memory_space<semaphore_mem>>)
    %dma_start3A_157 = arith.constant 5 : i32
    %dma_start3A_158 = arith.constant 0 : i32
    %dma_start3A_159 = arith.constant 0 : i32
    %dma_start3A_160 = tpu.memref_slice %arg8[%dma_start3A_157, %dma_start3A_158, %dma_start3A_159] : memref<8x2x128xf32, #tpu.memory_space<vmem>> -> memref<1x2x128xf32, #tpu.memory_space<vmem>>
    %dma_start3A_161 = tpu.memref_squeeze %dma_start3A_160 : memref<1x2x128xf32, #tpu.memory_space<vmem>> -> memref<2x128xf32, #tpu.memory_space<vmem>>
    %dma_start3A_162 = arith.constant 0 : i32
    %dma_start3A_163 = arith.constant 0 : i32
    %dma_start3A_164 = tpu.memref_slice %arg2[%add3A_128, %shift_right_logical3A_139, %dma_start3A_162, %dma_start3A_163] : memref<128x256x4x128xf32, #tpu.memory_space<hbm>> -> memref<1x1x2x128xf32, #tpu.memory_space<hbm>>
    %dma_start3A_165 = tpu.memref_squeeze %dma_start3A_164 : memref<1x1x2x128xf32, #tpu.memory_space<hbm>> -> memref<2x128xf32, #tpu.memory_space<hbm>>
    %dma_start3A_166 = arith.constant 0 : i32
    %dma_start3A_167 = arith.constant 0 : i32
    %dma_start3A_168 = tpu.memref_slice %arg8[%dma_start3A_157, %dma_start3A_166, %dma_start3A_167] : memref<8x2x128xf32, #tpu.memory_space<vmem>> -> memref<1x2x128xf32, #tpu.memory_space<vmem>>
    %dma_start3A_169 = tpu.memref_squeeze %dma_start3A_168 : memref<1x2x128xf32, #tpu.memory_space<vmem>> -> memref<2x128xf32, #tpu.memory_space<vmem>>
    %dma_start3A_170 = arith.constant 0 : i32
    %dma_start3A_171 = arith.constant 0 : i32
    %dma_start3A_172 = tpu.memref_slice %arg2[%add3A_128, %shift_right_logical3A_139, %dma_start3A_170, %dma_start3A_171] : memref<128x256x4x128xf32, #tpu.memory_space<hbm>> -> memref<1x1x2x128xf32, #tpu.memory_space<hbm>>
    %dma_start3A_173 = tpu.memref_squeeze %dma_start3A_172 : memref<1x1x2x128xf32, #tpu.memory_space<hbm>> -> memref<2x128xf32, #tpu.memory_space<hbm>>
    tpu.enqueue_dma source(%dma_start3A_173 : memref<2x128xf32, #tpu.memory_space<hbm>>) target(%dma_start3A_169 : memref<2x128xf32, #tpu.memory_space<vmem>>) target_semaphore(%arg16 : memref<!tpu.dma_semaphore, #tpu.memory_space<semaphore_mem>>)
    %mul3A_174 = arith.constant 4 : i32
    %mul3A_175 = arith.muli %add3A, %mul3A_174 : i32
    %add3A_176 = arith.constant 3 : i32
    %add3A_177 = arith.addi %mul3A_175, %add3A_176 : i32
    %broadcast_in_dim3A_178 = vector.broadcast %add3A_177 : i32 to vector<16xi32>
    %gather3A_179 = tpu.vector_load_idx %arg6[%broadcast_in_dim3A_178] : memref<128xi32, #tpu.memory_space<vmem>>[vector<16xi32>], vector<16xi32>,
    %slice3A_180 = vector.extract_strided_slice %gather3A_179 {offsets = [0], sizes = [1], strides = [1]} : vector<16xi32> to vector<1xi32>
    %squeeze3A_181 = vector.extract %slice3A_180[0] : i32 from vector<1xi32>
    %gather3A_182 = tpu.vector_load_idx %arg7[%broadcast_in_dim3A_178] : memref<128xi32, #tpu.memory_space<vmem>>[vector<16xi32>], vector<16xi32>,
    %slice3A_183 = vector.extract_strided_slice %gather3A_182 {offsets = [0], sizes = [1], strides = [1]} : vector<16xi32> to vector<1xi32>
    %squeeze3A_184 = vector.extract %slice3A_183[0] : i32 from vector<1xi32>
    %shift_right_logical3A_185 = arith.constant 7 : i32
    %shift_right_logical3A_186 = arith.shrui %squeeze3A_181, %shift_right_logical3A_185 : i32
    %shift_right_logical3A_187 = arith.constant 7 : i32
    %shift_right_logical3A_188 = arith.shrui %squeeze3A_184, %shift_right_logical3A_187 : i32
    %dma_start3A_189 = arith.constant 6 : i32
    %dma_start3A_190 = arith.constant 0 : i32
    %dma_start3A_191 = arith.constant 0 : i32
    %dma_start3A_192 = tpu.memref_slice %arg8[%dma_start3A_189, %dma_start3A_190, %dma_start3A_191] : memref<8x2x128xf32, #tpu.memory_space<vmem>> -> memref<1x2x128xf32, #tpu.memory_space<vmem>>
    %dma_start3A_193 = tpu.memref_squeeze %dma_start3A_192 : memref<1x2x128xf32, #tpu.memory_space<vmem>> -> memref<2x128xf32, #tpu.memory_space<vmem>>
    %dma_start3A_194 = arith.constant 0 : i32
    %dma_start3A_195 = arith.constant 0 : i32
    %dma_start3A_196 = tpu.memref_slice %arg2[%add3A_177, %shift_right_logical3A_186, %dma_start3A_194, %dma_start3A_195] : memref<128x256x4x128xf32, #tpu.memory_space<hbm>> -> memref<1x1x2x128xf32, #tpu.memory_space<hbm>>
    %dma_start3A_197 = tpu.memref_squeeze %dma_start3A_196 : memref<1x1x2x128xf32, #tpu.memory_space<hbm>> -> memref<2x128xf32, #tpu.memory_space<hbm>>
    %dma_start3A_198 = arith.constant 0 : i32
    %dma_start3A_199 = arith.constant 0 : i32
    %dma_start3A_200 = tpu.memref_slice %arg8[%dma_start3A_189, %dma_start3A_198, %dma_start3A_199] : memref<8x2x128xf32, #tpu.memory_space<vmem>> -> memref<1x2x128xf32, #tpu.memory_space<vmem>>
    %dma_start3A_201 = tpu.memref_squeeze %dma_start3A_200 : memref<1x2x128xf32, #tpu.memory_space<vmem>> -> memref<2x128xf32, #tpu.memory_space<vmem>>
    %dma_start3A_202 = arith.constant 0 : i32
    %dma_start3A_203 = arith.constant 0 : i32
    %dma_start3A_204 = tpu.memref_slice %arg2[%add3A_177, %shift_right_logical3A_186, %dma_start3A_202, %dma_start3A_203] : memref<128x256x4x128xf32, #tpu.memory_space<hbm>> -> memref<1x1x2x128xf32, #tpu.memory_space<hbm>>
    %dma_start3A_205 = tpu.memref_squeeze %dma_start3A_204 : memref<1x1x2x128xf32, #tpu.memory_space<hbm>> -> memref<2x128xf32, #tpu.memory_space<hbm>>
    tpu.enqueue_dma source(%dma_start3A_205 : memref<2x128xf32, #tpu.memory_space<hbm>>) target(%dma_start3A_201 : memref<2x128xf32, #tpu.memory_space<vmem>>) target_semaphore(%arg16 : memref<!tpu.dma_semaphore, #tpu.memory_space<semaphore_mem>>)
    %dma_start3A_206 = arith.constant 7 : i32
    %dma_start3A_207 = arith.constant 0 : i32
    %dma_start3A_208 = arith.constant 0 : i32
    %dma_start3A_209 = tpu.memref_slice %arg8[%dma_start3A_206, %dma_start3A_207, %dma_start3A_208] : memref<8x2x128xf32, #tpu.memory_space<vmem>> -> memref<1x2x128xf32, #tpu.memory_space<vmem>>
    %dma_start3A_210 = tpu.memref_squeeze %dma_start3A_209 : memref<1x2x128xf32, #tpu.memory_space<vmem>> -> memref<2x128xf32, #tpu.memory_space<vmem>>
    %dma_start3A_211 = arith.constant 0 : i32
    %dma_start3A_212 = arith.constant 0 : i32
    %dma_start3A_213 = tpu.memref_slice %arg2[%add3A_177, %shift_right_logical3A_188, %dma_start3A_211, %dma_start3A_212] : memref<128x256x4x128xf32, #tpu.memory_space<hbm>> -> memref<1x1x2x128xf32, #tpu.memory_space<hbm>>
    %dma_start3A_214 = tpu.memref_squeeze %dma_start3A_213 : memref<1x1x2x128xf32, #tpu.memory_space<hbm>> -> memref<2x128xf32, #tpu.memory_space<hbm>>
    %dma_start3A_215 = arith.constant 0 : i32
    %dma_start3A_216 = arith.constant 0 : i32
    %dma_start3A_217 = tpu.memref_slice %arg8[%dma_start3A_206, %dma_start3A_215, %dma_start3A_216] : memref<8x2x128xf32, #tpu.memory_space<vmem>> -> memref<1x2x128xf32, #tpu.memory_space<vmem>>
    %dma_start3A_218 = tpu.memref_squeeze %dma_start3A_217 : memref<1x2x128xf32, #tpu.memory_space<vmem>> -> memref<2x128xf32, #tpu.memory_space<vmem>>
    %dma_start3A_219 = arith.constant 0 : i32
    %dma_start3A_220 = arith.constant 0 : i32
    %dma_start3A_221 = tpu.memref_slice %arg2[%add3A_177, %shift_right_logical3A_188, %dma_start3A_219, %dma_start3A_220] : memref<128x256x4x128xf32, #tpu.memory_space<hbm>> -> memref<1x1x2x128xf32, #tpu.memory_space<hbm>>
    %dma_start3A_222 = tpu.memref_squeeze %dma_start3A_221 : memref<1x1x2x128xf32, #tpu.memory_space<hbm>> -> memref<2x128xf32, #tpu.memory_space<hbm>>
    tpu.enqueue_dma source(%dma_start3A_222 : memref<2x128xf32, #tpu.memory_space<hbm>>) target(%dma_start3A_218 : memref<2x128xf32, #tpu.memory_space<vmem>>) target_semaphore(%arg16 : memref<!tpu.dma_semaphore, #tpu.memory_space<semaphore_mem>>)
    %dma_wait3A = arith.constant 0 : i32
    %dma_wait3A_223 = arith.constant 0 : i32
    %dma_wait3A_224 = arith.constant 0 : i32
    %dma_wait3A_225 = tpu.memref_slice %arg8[%dma_wait3A, %dma_wait3A_223, %dma_wait3A_224] : memref<8x2x128xf32, #tpu.memory_space<vmem>> -> memref<1x2x128xf32, #tpu.memory_space<vmem>>
    %dma_wait3A_226 = tpu.memref_squeeze %dma_wait3A_225 : memref<1x2x128xf32, #tpu.memory_space<vmem>> -> memref<2x128xf32, #tpu.memory_space<vmem>>
    %dma_wait3A_227 = arith.constant 0 : i32
    %dma_wait3A_228 = arith.constant 0 : i32
    %dma_wait3A_229 = tpu.memref_slice %arg2[%add3A_34, %shift_right_logical3A_39, %dma_wait3A_227, %dma_wait3A_228] : memref<128x256x4x128xf32, #tpu.memory_space<hbm>> -> memref<1x1x2x128xf32, #tpu.memory_space<hbm>>
    %dma_wait3A_230 = tpu.memref_squeeze %dma_wait3A_229 : memref<1x1x2x128xf32, #tpu.memory_space<hbm>> -> memref<2x128xf32, #tpu.memory_space<hbm>>
    %dma_wait3A_231 = arith.constant 0 : i32
    %dma_wait3A_232 = arith.constant 0 : i32
    %dma_wait3A_233 = tpu.memref_slice %arg8[%dma_wait3A, %dma_wait3A_231, %dma_wait3A_232] : memref<8x2x128xf32, #tpu.memory_space<vmem>> -> memref<1x2x128xf32, #tpu.memory_space<vmem>>
    %dma_wait3A_234 = tpu.memref_squeeze %dma_wait3A_233 : memref<1x2x128xf32, #tpu.memory_space<vmem>> -> memref<2x128xf32, #tpu.memory_space<vmem>>
    %dma_wait3A_235 = arith.constant 0 : i32
    %dma_wait3A_236 = arith.constant 0 : i32
    %dma_wait3A_237 = tpu.memref_slice %arg2[%add3A_34, %shift_right_logical3A_39, %dma_wait3A_235, %dma_wait3A_236] : memref<128x256x4x128xf32, #tpu.memory_space<hbm>> -> memref<1x1x2x128xf32, #tpu.memory_space<hbm>>
    %dma_wait3A_238 = tpu.memref_squeeze %dma_wait3A_237 : memref<1x1x2x128xf32, #tpu.memory_space<hbm>> -> memref<2x128xf32, #tpu.memory_space<hbm>>
    tpu.wait_dma2 semaphore(%arg16 : memref<!tpu.dma_semaphore, #tpu.memory_space<semaphore_mem>>) src(%dma_wait3A_238 : memref<2x128xf32, #tpu.memory_space<hbm>>) dst(%dma_wait3A_234 : memref<2x128xf32, #tpu.memory_space<vmem>>)
    %dma_wait3A_239 = arith.constant 1 : i32
    %dma_wait3A_240 = arith.constant 0 : i32
    %dma_wait3A_241 = arith.constant 0 : i32
    %dma_wait3A_242 = tpu.memref_slice %arg8[%dma_wait3A_239, %dma_wait3A_240, %dma_wait3A_241] : memref<8x2x128xf32, #tpu.memory_space<vmem>> -> memref<1x2x128xf32, #tpu.memory_space<vmem>>
    %dma_wait3A_243 = tpu.memref_squeeze %dma_wait3A_242 : memref<1x2x128xf32, #tpu.memory_space<vmem>> -> memref<2x128xf32, #tpu.memory_space<vmem>>
    %dma_wait3A_244 = arith.constant 0 : i32
    %dma_wait3A_245 = arith.constant 0 : i32
    %dma_wait3A_246 = tpu.memref_slice %arg2[%add3A_34, %shift_right_logical3A_41, %dma_wait3A_244, %dma_wait3A_245] : memref<128x256x4x128xf32, #tpu.memory_space<hbm>> -> memref<1x1x2x128xf32, #tpu.memory_space<hbm>>
    %dma_wait3A_247 = tpu.memref_squeeze %dma_wait3A_246 : memref<1x1x2x128xf32, #tpu.memory_space<hbm>> -> memref<2x128xf32, #tpu.memory_space<hbm>>
    %dma_wait3A_248 = arith.constant 0 : i32
    %dma_wait3A_249 = arith.constant 0 : i32
    %dma_wait3A_250 = tpu.memref_slice %arg8[%dma_wait3A_239, %dma_wait3A_248, %dma_wait3A_249] : memref<8x2x128xf32, #tpu.memory_space<vmem>> -> memref<1x2x128xf32, #tpu.memory_space<vmem>>
    %dma_wait3A_251 = tpu.memref_squeeze %dma_wait3A_250 : memref<1x2x128xf32, #tpu.memory_space<vmem>> -> memref<2x128xf32, #tpu.memory_space<vmem>>
    %dma_wait3A_252 = arith.constant 0 : i32
    %dma_wait3A_253 = arith.constant 0 : i32
    %dma_wait3A_254 = tpu.memref_slice %arg2[%add3A_34, %shift_right_logical3A_41, %dma_wait3A_252, %dma_wait3A_253] : memref<128x256x4x128xf32, #tpu.memory_space<hbm>> -> memref<1x1x2x128xf32, #tpu.memory_space<hbm>>
    %dma_wait3A_255 = tpu.memref_squeeze %dma_wait3A_254 : memref<1x1x2x128xf32, #tpu.memory_space<hbm>> -> memref<2x128xf32, #tpu.memory_space<hbm>>
    tpu.wait_dma2 semaphore(%arg16 : memref<!tpu.dma_semaphore, #tpu.memory_space<semaphore_mem>>) src(%dma_wait3A_255 : memref<2x128xf32, #tpu.memory_space<hbm>>) dst(%dma_wait3A_251 : memref<2x128xf32, #tpu.memory_space<vmem>>)
    %dma_wait3A_256 = arith.constant 2 : i32
    %dma_wait3A_257 = arith.constant 0 : i32
    %dma_wait3A_258 = arith.constant 0 : i32
    %dma_wait3A_259 = tpu.memref_slice %arg8[%dma_wait3A_256, %dma_wait3A_257, %dma_wait3A_258] : memref<8x2x128xf32, #tpu.memory_space<vmem>> -> memref<1x2x128xf32, #tpu.memory_space<vmem>>
    %dma_wait3A_260 = tpu.memref_squeeze %dma_wait3A_259 : memref<1x2x128xf32, #tpu.memory_space<vmem>> -> memref<2x128xf32, #tpu.memory_space<vmem>>
    %dma_wait3A_261 = arith.constant 0 : i32
    %dma_wait3A_262 = arith.constant 0 : i32
    %dma_wait3A_263 = tpu.memref_slice %arg2[%add3A_79, %shift_right_logical3A_88, %dma_wait3A_261, %dma_wait3A_262] : memref<128x256x4x128xf32, #tpu.memory_space<hbm>> -> memref<1x1x2x128xf32, #tpu.memory_space<hbm>>
    %dma_wait3A_264 = tpu.memref_squeeze %dma_wait3A_263 : memref<1x1x2x128xf32, #tpu.memory_space<hbm>> -> memref<2x128xf32, #tpu.memory_space<hbm>>
    %dma_wait3A_265 = arith.constant 0 : i32
    %dma_wait3A_266 = arith.constant 0 : i32
    %dma_wait3A_267 = tpu.memref_slice %arg8[%dma_wait3A_256, %dma_wait3A_265, %dma_wait3A_266] : memref<8x2x128xf32, #tpu.memory_space<vmem>> -> memref<1x2x128xf32, #tpu.memory_space<vmem>>
    %dma_wait3A_268 = tpu.memref_squeeze %dma_wait3A_267 : memref<1x2x128xf32, #tpu.memory_space<vmem>> -> memref<2x128xf32, #tpu.memory_space<vmem>>
    %dma_wait3A_269 = arith.constant 0 : i32
    %dma_wait3A_270 = arith.constant 0 : i32
    %dma_wait3A_271 = tpu.memref_slice %arg2[%add3A_79, %shift_right_logical3A_88, %dma_wait3A_269, %dma_wait3A_270] : memref<128x256x4x128xf32, #tpu.memory_space<hbm>> -> memref<1x1x2x128xf32, #tpu.memory_space<hbm>>
    %dma_wait3A_272 = tpu.memref_squeeze %dma_wait3A_271 : memref<1x1x2x128xf32, #tpu.memory_space<hbm>> -> memref<2x128xf32, #tpu.memory_space<hbm>>
    tpu.wait_dma2 semaphore(%arg16 : memref<!tpu.dma_semaphore, #tpu.memory_space<semaphore_mem>>) src(%dma_wait3A_272 : memref<2x128xf32, #tpu.memory_space<hbm>>) dst(%dma_wait3A_268 : memref<2x128xf32, #tpu.memory_space<vmem>>)
    %dma_wait3A_273 = arith.constant 3 : i32
    %dma_wait3A_274 = arith.constant 0 : i32
    %dma_wait3A_275 = arith.constant 0 : i32
    %dma_wait3A_276 = tpu.memref_slice %arg8[%dma_wait3A_273, %dma_wait3A_274, %dma_wait3A_275] : memref<8x2x128xf32, #tpu.memory_space<vmem>> -> memref<1x2x128xf32, #tpu.memory_space<vmem>>
    %dma_wait3A_277 = tpu.memref_squeeze %dma_wait3A_276 : memref<1x2x128xf32, #tpu.memory_space<vmem>> -> memref<2x128xf32, #tpu.memory_space<vmem>>
    %dma_wait3A_278 = arith.constant 0 : i32
    %dma_wait3A_279 = arith.constant 0 : i32
    %dma_wait3A_280 = tpu.memref_slice %arg2[%add3A_79, %shift_right_logical3A_90, %dma_wait3A_278, %dma_wait3A_279] : memref<128x256x4x128xf32, #tpu.memory_space<hbm>> -> memref<1x1x2x128xf32, #tpu.memory_space<hbm>>
    %dma_wait3A_281 = tpu.memref_squeeze %dma_wait3A_280 : memref<1x1x2x128xf32, #tpu.memory_space<hbm>> -> memref<2x128xf32, #tpu.memory_space<hbm>>
    %dma_wait3A_282 = arith.constant 0 : i32
    %dma_wait3A_283 = arith.constant 0 : i32
    %dma_wait3A_284 = tpu.memref_slice %arg8[%dma_wait3A_273, %dma_wait3A_282, %dma_wait3A_283] : memref<8x2x128xf32, #tpu.memory_space<vmem>> -> memref<1x2x128xf32, #tpu.memory_space<vmem>>
    %dma_wait3A_285 = tpu.memref_squeeze %dma_wait3A_284 : memref<1x2x128xf32, #tpu.memory_space<vmem>> -> memref<2x128xf32, #tpu.memory_space<vmem>>
    %dma_wait3A_286 = arith.constant 0 : i32
    %dma_wait3A_287 = arith.constant 0 : i32
    %dma_wait3A_288 = tpu.memref_slice %arg2[%add3A_79, %shift_right_logical3A_90, %dma_wait3A_286, %dma_wait3A_287] : memref<128x256x4x128xf32, #tpu.memory_space<hbm>> -> memref<1x1x2x128xf32, #tpu.memory_space<hbm>>
    %dma_wait3A_289 = tpu.memref_squeeze %dma_wait3A_288 : memref<1x1x2x128xf32, #tpu.memory_space<hbm>> -> memref<2x128xf32, #tpu.memory_space<hbm>>
    tpu.wait_dma2 semaphore(%arg16 : memref<!tpu.dma_semaphore, #tpu.memory_space<semaphore_mem>>) src(%dma_wait3A_289 : memref<2x128xf32, #tpu.memory_space<hbm>>) dst(%dma_wait3A_285 : memref<2x128xf32, #tpu.memory_space<vmem>>)
    %dma_wait3A_290 = arith.constant 4 : i32
    %dma_wait3A_291 = arith.constant 0 : i32
    %dma_wait3A_292 = arith.constant 0 : i32
    %dma_wait3A_293 = tpu.memref_slice %arg8[%dma_wait3A_290, %dma_wait3A_291, %dma_wait3A_292] : memref<8x2x128xf32, #tpu.memory_space<vmem>> -> memref<1x2x128xf32, #tpu.memory_space<vmem>>
    %dma_wait3A_294 = tpu.memref_squeeze %dma_wait3A_293 : memref<1x2x128xf32, #tpu.memory_space<vmem>> -> memref<2x128xf32, #tpu.memory_space<vmem>>
    %dma_wait3A_295 = arith.constant 0 : i32
    %dma_wait3A_296 = arith.constant 0 : i32
    %dma_wait3A_297 = tpu.memref_slice %arg2[%add3A_128, %shift_right_logical3A_137, %dma_wait3A_295, %dma_wait3A_296] : memref<128x256x4x128xf32, #tpu.memory_space<hbm>> -> memref<1x1x2x128xf32, #tpu.memory_space<hbm>>
    %dma_wait3A_298 = tpu.memref_squeeze %dma_wait3A_297 : memref<1x1x2x128xf32, #tpu.memory_space<hbm>> -> memref<2x128xf32, #tpu.memory_space<hbm>>
    %dma_wait3A_299 = arith.constant 0 : i32
    %dma_wait3A_300 = arith.constant 0 : i32
    %dma_wait3A_301 = tpu.memref_slice %arg8[%dma_wait3A_290, %dma_wait3A_299, %dma_wait3A_300] : memref<8x2x128xf32, #tpu.memory_space<vmem>> -> memref<1x2x128xf32, #tpu.memory_space<vmem>>
    %dma_wait3A_302 = tpu.memref_squeeze %dma_wait3A_301 : memref<1x2x128xf32, #tpu.memory_space<vmem>> -> memref<2x128xf32, #tpu.memory_space<vmem>>
    %dma_wait3A_303 = arith.constant 0 : i32
    %dma_wait3A_304 = arith.constant 0 : i32
    %dma_wait3A_305 = tpu.memref_slice %arg2[%add3A_128, %shift_right_logical3A_137, %dma_wait3A_303, %dma_wait3A_304] : memref<128x256x4x128xf32, #tpu.memory_space<hbm>> -> memref<1x1x2x128xf32, #tpu.memory_space<hbm>>
    %dma_wait3A_306 = tpu.memref_squeeze %dma_wait3A_305 : memref<1x1x2x128xf32, #tpu.memory_space<hbm>> -> memref<2x128xf32, #tpu.memory_space<hbm>>
    tpu.wait_dma2 semaphore(%arg16 : memref<!tpu.dma_semaphore, #tpu.memory_space<semaphore_mem>>) src(%dma_wait3A_306 : memref<2x128xf32, #tpu.memory_space<hbm>>) dst(%dma_wait3A_302 : memref<2x128xf32, #tpu.memory_space<vmem>>)
    %dma_wait3A_307 = arith.constant 5 : i32
    %dma_wait3A_308 = arith.constant 0 : i32
    %dma_wait3A_309 = arith.constant 0 : i32
    %dma_wait3A_310 = tpu.memref_slice %arg8[%dma_wait3A_307, %dma_wait3A_308, %dma_wait3A_309] : memref<8x2x128xf32, #tpu.memory_space<vmem>> -> memref<1x2x128xf32, #tpu.memory_space<vmem>>
    %dma_wait3A_311 = tpu.memref_squeeze %dma_wait3A_310 : memref<1x2x128xf32, #tpu.memory_space<vmem>> -> memref<2x128xf32, #tpu.memory_space<vmem>>
    %dma_wait3A_312 = arith.constant 0 : i32
    %dma_wait3A_313 = arith.constant 0 : i32
    %dma_wait3A_314 = tpu.memref_slice %arg2[%add3A_128, %shift_right_logical3A_139, %dma_wait3A_312, %dma_wait3A_313] : memref<128x256x4x128xf32, #tpu.memory_space<hbm>> -> memref<1x1x2x128xf32, #tpu.memory_space<hbm>>
    %dma_wait3A_315 = tpu.memref_squeeze %dma_wait3A_314 : memref<1x1x2x128xf32, #tpu.memory_space<hbm>> -> memref<2x128xf32, #tpu.memory_space<hbm>>
    %dma_wait3A_316 = arith.constant 0 : i32
    %dma_wait3A_317 = arith.constant 0 : i32
    %dma_wait3A_318 = tpu.memref_slice %arg8[%dma_wait3A_307, %dma_wait3A_316, %dma_wait3A_317] : memref<8x2x128xf32, #tpu.memory_space<vmem>> -> memref<1x2x128xf32, #tpu.memory_space<vmem>>
    %dma_wait3A_319 = tpu.memref_squeeze %dma_wait3A_318 : memref<1x2x128xf32, #tpu.memory_space<vmem>> -> memref<2x128xf32, #tpu.memory_space<vmem>>
    %dma_wait3A_320 = arith.constant 0 : i32
    %dma_wait3A_321 = arith.constant 0 : i32
    %dma_wait3A_322 = tpu.memref_slice %arg2[%add3A_128, %shift_right_logical3A_139, %dma_wait3A_320, %dma_wait3A_321] : memref<128x256x4x128xf32, #tpu.memory_space<hbm>> -> memref<1x1x2x128xf32, #tpu.memory_space<hbm>>
    %dma_wait3A_323 = tpu.memref_squeeze %dma_wait3A_322 : memref<1x1x2x128xf32, #tpu.memory_space<hbm>> -> memref<2x128xf32, #tpu.memory_space<hbm>>
    tpu.wait_dma2 semaphore(%arg16 : memref<!tpu.dma_semaphore, #tpu.memory_space<semaphore_mem>>) src(%dma_wait3A_323 : memref<2x128xf32, #tpu.memory_space<hbm>>) dst(%dma_wait3A_319 : memref<2x128xf32, #tpu.memory_space<vmem>>)
    %dma_wait3A_324 = arith.constant 6 : i32
    %dma_wait3A_325 = arith.constant 0 : i32
    %dma_wait3A_326 = arith.constant 0 : i32
    %dma_wait3A_327 = tpu.memref_slice %arg8[%dma_wait3A_324, %dma_wait3A_325, %dma_wait3A_326] : memref<8x2x128xf32, #tpu.memory_space<vmem>> -> memref<1x2x128xf32, #tpu.memory_space<vmem>>
    %dma_wait3A_328 = tpu.memref_squeeze %dma_wait3A_327 : memref<1x2x128xf32, #tpu.memory_space<vmem>> -> memref<2x128xf32, #tpu.memory_space<vmem>>
    %dma_wait3A_329 = arith.constant 0 : i32
    %dma_wait3A_330 = arith.constant 0 : i32
    %dma_wait3A_331 = tpu.memref_slice %arg2[%add3A_177, %shift_right_logical3A_186, %dma_wait3A_329, %dma_wait3A_330] : memref<128x256x4x128xf32, #tpu.memory_space<hbm>> -> memref<1x1x2x128xf32, #tpu.memory_space<hbm>>
    %dma_wait3A_332 = tpu.memref_squeeze %dma_wait3A_331 : memref<1x1x2x128xf32, #tpu.memory_space<hbm>> -> memref<2x128xf32, #tpu.memory_space<hbm>>
    %dma_wait3A_333 = arith.constant 0 : i32
    %dma_wait3A_334 = arith.constant 0 : i32
    %dma_wait3A_335 = tpu.memref_slice %arg8[%dma_wait3A_324, %dma_wait3A_333, %dma_wait3A_334] : memref<8x2x128xf32, #tpu.memory_space<vmem>> -> memref<1x2x128xf32, #tpu.memory_space<vmem>>
    %dma_wait3A_336 = tpu.memref_squeeze %dma_wait3A_335 : memref<1x2x128xf32, #tpu.memory_space<vmem>> -> memref<2x128xf32, #tpu.memory_space<vmem>>
    %dma_wait3A_337 = arith.constant 0 : i32
    %dma_wait3A_338 = arith.constant 0 : i32
    %dma_wait3A_339 = tpu.memref_slice %arg2[%add3A_177, %shift_right_logical3A_186, %dma_wait3A_337, %dma_wait3A_338] : memref<128x256x4x128xf32, #tpu.memory_space<hbm>> -> memref<1x1x2x128xf32, #tpu.memory_space<hbm>>
    %dma_wait3A_340 = tpu.memref_squeeze %dma_wait3A_339 : memref<1x1x2x128xf32, #tpu.memory_space<hbm>> -> memref<2x128xf32, #tpu.memory_space<hbm>>
    tpu.wait_dma2 semaphore(%arg16 : memref<!tpu.dma_semaphore, #tpu.memory_space<semaphore_mem>>) src(%dma_wait3A_340 : memref<2x128xf32, #tpu.memory_space<hbm>>) dst(%dma_wait3A_336 : memref<2x128xf32, #tpu.memory_space<vmem>>)
    %dma_wait3A_341 = arith.constant 7 : i32
    %dma_wait3A_342 = arith.constant 0 : i32
    %dma_wait3A_343 = arith.constant 0 : i32
    %dma_wait3A_344 = tpu.memref_slice %arg8[%dma_wait3A_341, %dma_wait3A_342, %dma_wait3A_343] : memref<8x2x128xf32, #tpu.memory_space<vmem>> -> memref<1x2x128xf32, #tpu.memory_space<vmem>>
    %dma_wait3A_345 = tpu.memref_squeeze %dma_wait3A_344 : memref<1x2x128xf32, #tpu.memory_space<vmem>> -> memref<2x128xf32, #tpu.memory_space<vmem>>
    %dma_wait3A_346 = arith.constant 0 : i32
    %dma_wait3A_347 = arith.constant 0 : i32
    %dma_wait3A_348 = tpu.memref_slice %arg2[%add3A_177, %shift_right_logical3A_188, %dma_wait3A_346, %dma_wait3A_347] : memref<128x256x4x128xf32, #tpu.memory_space<hbm>> -> memref<1x1x2x128xf32, #tpu.memory_space<hbm>>
    %dma_wait3A_349 = tpu.memref_squeeze %dma_wait3A_348 : memref<1x1x2x128xf32, #tpu.memory_space<hbm>> -> memref<2x128xf32, #tpu.memory_space<hbm>>
    %dma_wait3A_350 = arith.constant 0 : i32
    %dma_wait3A_351 = arith.constant 0 : i32
    %dma_wait3A_352 = tpu.memref_slice %arg8[%dma_wait3A_341, %dma_wait3A_350, %dma_wait3A_351] : memref<8x2x128xf32, #tpu.memory_space<vmem>> -> memref<1x2x128xf32, #tpu.memory_space<vmem>>
    %dma_wait3A_353 = tpu.memref_squeeze %dma_wait3A_352 : memref<1x2x128xf32, #tpu.memory_space<vmem>> -> memref<2x128xf32, #tpu.memory_space<vmem>>
    %dma_wait3A_354 = arith.constant 0 : i32
    %dma_wait3A_355 = arith.constant 0 : i32
    %dma_wait3A_356 = tpu.memref_slice %arg2[%add3A_177, %shift_right_logical3A_188, %dma_wait3A_354, %dma_wait3A_355] : memref<128x256x4x128xf32, #tpu.memory_space<hbm>> -> memref<1x1x2x128xf32, #tpu.memory_space<hbm>>
    %dma_wait3A_357 = tpu.memref_squeeze %dma_wait3A_356 : memref<1x1x2x128xf32, #tpu.memory_space<hbm>> -> memref<2x128xf32, #tpu.memory_space<hbm>>
    tpu.wait_dma2 semaphore(%arg16 : memref<!tpu.dma_semaphore, #tpu.memory_space<semaphore_mem>>) src(%dma_wait3A_357 : memref<2x128xf32, #tpu.memory_space<hbm>>) dst(%dma_wait3A_353 : memref<2x128xf32, #tpu.memory_space<vmem>>)
    %and3A = arith.constant 127 : i32
    %and3A_358 = arith.andi %squeeze3A, %and3A : i32
    %broadcast_in_dim3A_359 = vector.broadcast %and3A_358 : i32 to vector<16xi32>
    %and3A_360 = arith.constant 127 : i32
    %and3A_361 = arith.andi %squeeze3A_38, %and3A_360 : i32
    %broadcast_in_dim3A_362 = vector.broadcast %and3A_361 : i32 to vector<16xi32>
    %broadcast_in_dim3A_363 = arith.constant 0 : i32
    %broadcast_in_dim3A_364 = vector.broadcast %broadcast_in_dim3A_363 : i32 to vector<16xi32>
    %broadcast_in_dim3A_365 = arith.constant 1 : i32
    %broadcast_in_dim3A_366 = vector.broadcast %broadcast_in_dim3A_365 : i32 to vector<16xi32>
    %gather3A_367 = tpu.vector_load_idx %arg8[%broadcast_in_dim3A_364, %broadcast_in_dim3A_28, %broadcast_in_dim3A_359] : memref<8x2x128xf32, #tpu.memory_space<vmem>>[vector<16xi32>, vector<16xi32>, vector<16xi32>], vector<16xf32>,
    %gather3A_368 = tpu.vector_load_idx %arg8[%broadcast_in_dim3A_364, %broadcast_in_dim3A_30, %broadcast_in_dim3A_359] : memref<8x2x128xf32, #tpu.memory_space<vmem>>[vector<16xi32>, vector<16xi32>, vector<16xi32>], vector<16xf32>,
    %gather3A_369 = tpu.vector_load_idx %arg8[%broadcast_in_dim3A_366, %broadcast_in_dim3A_28, %broadcast_in_dim3A_362] : memref<8x2x128xf32, #tpu.memory_space<vmem>>[vector<16xi32>, vector<16xi32>, vector<16xi32>], vector<16xf32>,
    %gather3A_370 = tpu.vector_load_idx %arg8[%broadcast_in_dim3A_366, %broadcast_in_dim3A_30, %broadcast_in_dim3A_362] : memref<8x2x128xf32, #tpu.memory_space<vmem>>[vector<16xi32>, vector<16xi32>, vector<16xi32>], vector<16xf32>,
    %sub3A = arith.subf %gather3A_369, %gather3A_367 : vector<16xf32>
    %sub3A_371 = arith.subf %gather3A_370, %gather3A_368 : vector<16xf32>
    %mul3A_372 = arith.mulf %sub3A, %sub3A : vector<16xf32>
    %mul3A_373 = arith.mulf %sub3A_371, %sub3A_371 : vector<16xf32>
    %add3A_374 = arith.addf %mul3A_372, %mul3A_373 : vector<16xf32>
    %bitcast3A = vector.bitcast %add3A_374 : vector<16xf32> to vector<16xi32>
    %sub3A_375 = arith.subi %bitcast3A, %broadcast_in_dim3A_30 : vector<16xi32>
    %mul3A_376 = arith.constant 128 : i32
    %mul3A_377 = arith.muli %shift_right_logical3A_41, %mul3A_376 : i32
    %broadcast_in_dim3A_378 = vector.broadcast %squeeze3A_38 : i32 to vector<16xi32>
    %get3A = arith.constant 1 : i32
    %get3A_379 = arith.constant 0 : i32
    %get3A_380 = arith.index_cast %get3A : i32 to index
    %get3A_381 = arith.index_cast %get3A_379 : i32 to index
    %get3A_382 = arith.constant 0 : index
    %get3A_383 = tpu.vector_load %arg8[%get3A_380, %get3A_381, %get3A_382] {strides = array<i32>} : memref<8x2x128xf32, #tpu.memory_space<vmem>>, vector<16xf32>,
    %get3A_384 = arith.constant 1 : i32
    %get3A_385 = arith.constant 1 : i32
    %get3A_386 = arith.index_cast %get3A_384 : i32 to index
    %get3A_387 = arith.index_cast %get3A_385 : i32 to index
    %get3A_388 = arith.constant 0 : index
    %get3A_389 = tpu.vector_load %arg8[%get3A_386, %get3A_387, %get3A_388] {strides = array<i32>} : memref<8x2x128xf32, #tpu.memory_space<vmem>>, vector<16xf32>,
    %sub3A_390 = arith.subf %get3A_383, %gather3A_367 : vector<16xf32>
    %sub3A_391 = arith.subf %get3A_389, %gather3A_368 : vector<16xf32>
    %mul3A_392 = arith.mulf %sub3A_390, %sub3A_390 : vector<16xf32>
    %mul3A_393 = arith.mulf %sub3A_391, %sub3A_391 : vector<16xf32>
    %add3A_394 = arith.addf %mul3A_392, %mul3A_393 : vector<16xf32>
    %add3A_395 = arith.constant 0 : i32
    %add3A_396 = arith.addi %mul3A_377, %add3A_395 : i32
    %broadcast_in_dim3A_397 = vector.broadcast %add3A_396 : i32 to vector<16xi32>
    %add3A_398 = arith.addi %broadcast_in_dim3A_397, %iota3A : vector<16xi32>
    %eq3A = arith.cmpf oeq, %add3A_394, %add3A_374 : vector<16xf32>
    %lt3A = arith.cmpi slt, %add3A_398, %broadcast_in_dim3A_378 : vector<16xi32>
    %and3A_399 = arith.andi %eq3A, %lt3A : vector<16xi1>
    %convert_element_type3A = arith.extui %and3A_399 : vector<16xi1> to vector<16xi32>
    %add3A_400 = arith.addi %broadcast_in_dim3A_28, %convert_element_type3A : vector<16xi32>
    %get3A_401 = arith.constant 1 : i32
    %get3A_402 = arith.constant 0 : i32
    %get3A_403 = arith.index_cast %get3A_401 : i32 to index
    %get3A_404 = arith.index_cast %get3A_402 : i32 to index
    %get3A_405 = arith.constant 16 : index
    %get3A_406 = tpu.vector_load %arg8[%get3A_403, %get3A_404, %get3A_405] {strides = array<i32>} : memref<8x2x128xf32, #tpu.memory_space<vmem>>, vector<16xf32>,
    %get3A_407 = arith.constant 1 : i32
    %get3A_408 = arith.constant 1 : i32
    %get3A_409 = arith.index_cast %get3A_407 : i32 to index
    %get3A_410 = arith.index_cast %get3A_408 : i32 to index
    %get3A_411 = arith.constant 16 : index
    %get3A_412 = tpu.vector_load %arg8[%get3A_409, %get3A_410, %get3A_411] {strides = array<i32>} : memref<8x2x128xf32, #tpu.memory_space<vmem>>, vector<16xf32>,
    %sub3A_413 = arith.subf %get3A_406, %gather3A_367 : vector<16xf32>
    %sub3A_414 = arith.subf %get3A_412, %gather3A_368 : vector<16xf32>
    %mul3A_415 = arith.mulf %sub3A_413, %sub3A_413 : vector<16xf32>
    %mul3A_416 = arith.mulf %sub3A_414, %sub3A_414 : vector<16xf32>
    %add3A_417 = arith.addf %mul3A_415, %mul3A_416 : vector<16xf32>
    %add3A_418 = arith.constant 16 : i32
    %add3A_419 = arith.addi %mul3A_377, %add3A_418 : i32
    %broadcast_in_dim3A_420 = vector.broadcast %add3A_419 : i32 to vector<16xi32>
    %add3A_421 = arith.addi %broadcast_in_dim3A_420, %iota3A : vector<16xi32>
    %eq3A_422 = arith.cmpf oeq, %add3A_417, %add3A_374 : vector<16xf32>
    %lt3A_423 = arith.cmpi slt, %add3A_421, %broadcast_in_dim3A_378 : vector<16xi32>
    %and3A_424 = arith.andi %eq3A_422, %lt3A_423 : vector<16xi1>
    %convert_element_type3A_425 = arith.extui %and3A_424 : vector<16xi1> to vector<16xi32>
    %add3A_426 = arith.addi %add3A_400, %convert_element_type3A_425 : vector<16xi32>
    %get3A_427 = arith.constant 1 : i32
    %get3A_428 = arith.constant 0 : i32
    %get3A_429 = arith.index_cast %get3A_427 : i32 to index
    %get3A_430 = arith.index_cast %get3A_428 : i32 to index
    %get3A_431 = arith.constant 32 : index
    %get3A_432 = tpu.vector_load %arg8[%get3A_429, %get3A_430, %get3A_431] {strides = array<i32>} : memref<8x2x128xf32, #tpu.memory_space<vmem>>, vector<16xf32>,
    %get3A_433 = arith.constant 1 : i32
    %get3A_434 = arith.constant 1 : i32
    %get3A_435 = arith.index_cast %get3A_433 : i32 to index
    %get3A_436 = arith.index_cast %get3A_434 : i32 to index
    %get3A_437 = arith.constant 32 : index
    %get3A_438 = tpu.vector_load %arg8[%get3A_435, %get3A_436, %get3A_437] {strides = array<i32>} : memref<8x2x128xf32, #tpu.memory_space<vmem>>, vector<16xf32>,
    %sub3A_439 = arith.subf %get3A_432, %gather3A_367 : vector<16xf32>
    %sub3A_440 = arith.subf %get3A_438, %gather3A_368 : vector<16xf32>
    %mul3A_441 = arith.mulf %sub3A_439, %sub3A_439 : vector<16xf32>
    %mul3A_442 = arith.mulf %sub3A_440, %sub3A_440 : vector<16xf32>
    %add3A_443 = arith.addf %mul3A_441, %mul3A_442 : vector<16xf32>
    %add3A_444 = arith.constant 32 : i32
    %add3A_445 = arith.addi %mul3A_377, %add3A_444 : i32
    %broadcast_in_dim3A_446 = vector.broadcast %add3A_445 : i32 to vector<16xi32>
    %add3A_447 = arith.addi %broadcast_in_dim3A_446, %iota3A : vector<16xi32>
    %eq3A_448 = arith.cmpf oeq, %add3A_443, %add3A_374 : vector<16xf32>
    %lt3A_449 = arith.cmpi slt, %add3A_447, %broadcast_in_dim3A_378 : vector<16xi32>
    %and3A_450 = arith.andi %eq3A_448, %lt3A_449 : vector<16xi1>
    %convert_element_type3A_451 = arith.extui %and3A_450 : vector<16xi1> to vector<16xi32>
    %add3A_452 = arith.addi %add3A_426, %convert_element_type3A_451 : vector<16xi32>
    %get3A_453 = arith.constant 1 : i32
    %get3A_454 = arith.constant 0 : i32
    %get3A_455 = arith.index_cast %get3A_453 : i32 to index
    %get3A_456 = arith.index_cast %get3A_454 : i32 to index
    %get3A_457 = arith.constant 48 : index
    %get3A_458 = tpu.vector_load %arg8[%get3A_455, %get3A_456, %get3A_457] {strides = array<i32>} : memref<8x2x128xf32, #tpu.memory_space<vmem>>, vector<16xf32>,
    %get3A_459 = arith.constant 1 : i32
    %get3A_460 = arith.constant 1 : i32
    %get3A_461 = arith.index_cast %get3A_459 : i32 to index
    %get3A_462 = arith.index_cast %get3A_460 : i32 to index
    %get3A_463 = arith.constant 48 : index
    %get3A_464 = tpu.vector_load %arg8[%get3A_461, %get3A_462, %get3A_463] {strides = array<i32>} : memref<8x2x128xf32, #tpu.memory_space<vmem>>, vector<16xf32>,
    %sub3A_465 = arith.subf %get3A_458, %gather3A_367 : vector<16xf32>
    %sub3A_466 = arith.subf %get3A_464, %gather3A_368 : vector<16xf32>
    %mul3A_467 = arith.mulf %sub3A_465, %sub3A_465 : vector<16xf32>
    %mul3A_468 = arith.mulf %sub3A_466, %sub3A_466 : vector<16xf32>
    %add3A_469 = arith.addf %mul3A_467, %mul3A_468 : vector<16xf32>
    %add3A_470 = arith.constant 48 : i32
    %add3A_471 = arith.addi %mul3A_377, %add3A_470 : i32
    %broadcast_in_dim3A_472 = vector.broadcast %add3A_471 : i32 to vector<16xi32>
    %add3A_473 = arith.addi %broadcast_in_dim3A_472, %iota3A : vector<16xi32>
    %eq3A_474 = arith.cmpf oeq, %add3A_469, %add3A_374 : vector<16xf32>
    %lt3A_475 = arith.cmpi slt, %add3A_473, %broadcast_in_dim3A_378 : vector<16xi32>
    %and3A_476 = arith.andi %eq3A_474, %lt3A_475 : vector<16xi1>
    %convert_element_type3A_477 = arith.extui %and3A_476 : vector<16xi1> to vector<16xi32>
    %add3A_478 = arith.addi %add3A_452, %convert_element_type3A_477 : vector<16xi32>
    %get3A_479 = arith.constant 1 : i32
    %get3A_480 = arith.constant 0 : i32
    %get3A_481 = arith.index_cast %get3A_479 : i32 to index
    %get3A_482 = arith.index_cast %get3A_480 : i32 to index
    %get3A_483 = arith.constant 64 : index
    %get3A_484 = tpu.vector_load %arg8[%get3A_481, %get3A_482, %get3A_483] {strides = array<i32>} : memref<8x2x128xf32, #tpu.memory_space<vmem>>, vector<16xf32>,
    %get3A_485 = arith.constant 1 : i32
    %get3A_486 = arith.constant 1 : i32
    %get3A_487 = arith.index_cast %get3A_485 : i32 to index
    %get3A_488 = arith.index_cast %get3A_486 : i32 to index
    %get3A_489 = arith.constant 64 : index
    %get3A_490 = tpu.vector_load %arg8[%get3A_487, %get3A_488, %get3A_489] {strides = array<i32>} : memref<8x2x128xf32, #tpu.memory_space<vmem>>, vector<16xf32>,
    %sub3A_491 = arith.subf %get3A_484, %gather3A_367 : vector<16xf32>
    %sub3A_492 = arith.subf %get3A_490, %gather3A_368 : vector<16xf32>
    %mul3A_493 = arith.mulf %sub3A_491, %sub3A_491 : vector<16xf32>
    %mul3A_494 = arith.mulf %sub3A_492, %sub3A_492 : vector<16xf32>
    %add3A_495 = arith.addf %mul3A_493, %mul3A_494 : vector<16xf32>
    %add3A_496 = arith.constant 64 : i32
    %add3A_497 = arith.addi %mul3A_377, %add3A_496 : i32
    %broadcast_in_dim3A_498 = vector.broadcast %add3A_497 : i32 to vector<16xi32>
    %add3A_499 = arith.addi %broadcast_in_dim3A_498, %iota3A : vector<16xi32>
    %eq3A_500 = arith.cmpf oeq, %add3A_495, %add3A_374 : vector<16xf32>
    %lt3A_501 = arith.cmpi slt, %add3A_499, %broadcast_in_dim3A_378 : vector<16xi32>
    %and3A_502 = arith.andi %eq3A_500, %lt3A_501 : vector<16xi1>
    %convert_element_type3A_503 = arith.extui %and3A_502 : vector<16xi1> to vector<16xi32>
    %add3A_504 = arith.addi %add3A_478, %convert_element_type3A_503 : vector<16xi32>
    %get3A_505 = arith.constant 1 : i32
    %get3A_506 = arith.constant 0 : i32
    %get3A_507 = arith.index_cast %get3A_505 : i32 to index
    %get3A_508 = arith.index_cast %get3A_506 : i32 to index
    %get3A_509 = arith.constant 80 : index
    %get3A_510 = tpu.vector_load %arg8[%get3A_507, %get3A_508, %get3A_509] {strides = array<i32>} : memref<8x2x128xf32, #tpu.memory_space<vmem>>, vector<16xf32>,
    %get3A_511 = arith.constant 1 : i32
    %get3A_512 = arith.constant 1 : i32
    %get3A_513 = arith.index_cast %get3A_511 : i32 to index
    %get3A_514 = arith.index_cast %get3A_512 : i32 to index
    %get3A_515 = arith.constant 80 : index
    %get3A_516 = tpu.vector_load %arg8[%get3A_513, %get3A_514, %get3A_515] {strides = array<i32>} : memref<8x2x128xf32, #tpu.memory_space<vmem>>, vector<16xf32>,
    %sub3A_517 = arith.subf %get3A_510, %gather3A_367 : vector<16xf32>
    %sub3A_518 = arith.subf %get3A_516, %gather3A_368 : vector<16xf32>
    %mul3A_519 = arith.mulf %sub3A_517, %sub3A_517 : vector<16xf32>
    %mul3A_520 = arith.mulf %sub3A_518, %sub3A_518 : vector<16xf32>
    %add3A_521 = arith.addf %mul3A_519, %mul3A_520 : vector<16xf32>
    %add3A_522 = arith.constant 80 : i32
    %add3A_523 = arith.addi %mul3A_377, %add3A_522 : i32
    %broadcast_in_dim3A_524 = vector.broadcast %add3A_523 : i32 to vector<16xi32>
    %add3A_525 = arith.addi %broadcast_in_dim3A_524, %iota3A : vector<16xi32>
    %eq3A_526 = arith.cmpf oeq, %add3A_521, %add3A_374 : vector<16xf32>
    %lt3A_527 = arith.cmpi slt, %add3A_525, %broadcast_in_dim3A_378 : vector<16xi32>
    %and3A_528 = arith.andi %eq3A_526, %lt3A_527 : vector<16xi1>
    %convert_element_type3A_529 = arith.extui %and3A_528 : vector<16xi1> to vector<16xi32>
    %add3A_530 = arith.addi %add3A_504, %convert_element_type3A_529 : vector<16xi32>
    %get3A_531 = arith.constant 1 : i32
    %get3A_532 = arith.constant 0 : i32
    %get3A_533 = arith.index_cast %get3A_531 : i32 to index
    %get3A_534 = arith.index_cast %get3A_532 : i32 to index
    %get3A_535 = arith.constant 96 : index
    %get3A_536 = tpu.vector_load %arg8[%get3A_533, %get3A_534, %get3A_535] {strides = array<i32>} : memref<8x2x128xf32, #tpu.memory_space<vmem>>, vector<16xf32>,
    %get3A_537 = arith.constant 1 : i32
    %get3A_538 = arith.constant 1 : i32
    %get3A_539 = arith.index_cast %get3A_537 : i32 to index
    %get3A_540 = arith.index_cast %get3A_538 : i32 to index
    %get3A_541 = arith.constant 96 : index
    %get3A_542 = tpu.vector_load %arg8[%get3A_539, %get3A_540, %get3A_541] {strides = array<i32>} : memref<8x2x128xf32, #tpu.memory_space<vmem>>, vector<16xf32>,
    %sub3A_543 = arith.subf %get3A_536, %gather3A_367 : vector<16xf32>
    %sub3A_544 = arith.subf %get3A_542, %gather3A_368 : vector<16xf32>
    %mul3A_545 = arith.mulf %sub3A_543, %sub3A_543 : vector<16xf32>
    %mul3A_546 = arith.mulf %sub3A_544, %sub3A_544 : vector<16xf32>
    %add3A_547 = arith.addf %mul3A_545, %mul3A_546 : vector<16xf32>
    %add3A_548 = arith.constant 96 : i32
    %add3A_549 = arith.addi %mul3A_377, %add3A_548 : i32
    %broadcast_in_dim3A_550 = vector.broadcast %add3A_549 : i32 to vector<16xi32>
    %add3A_551 = arith.addi %broadcast_in_dim3A_550, %iota3A : vector<16xi32>
    %eq3A_552 = arith.cmpf oeq, %add3A_547, %add3A_374 : vector<16xf32>
    %lt3A_553 = arith.cmpi slt, %add3A_551, %broadcast_in_dim3A_378 : vector<16xi32>
    %and3A_554 = arith.andi %eq3A_552, %lt3A_553 : vector<16xi1>
    %convert_element_type3A_555 = arith.extui %and3A_554 : vector<16xi1> to vector<16xi32>
    %add3A_556 = arith.addi %add3A_530, %convert_element_type3A_555 : vector<16xi32>
    %get3A_557 = arith.constant 1 : i32
    %get3A_558 = arith.constant 0 : i32
    %get3A_559 = arith.index_cast %get3A_557 : i32 to index
    %get3A_560 = arith.index_cast %get3A_558 : i32 to index
    %get3A_561 = arith.constant 112 : index
    %get3A_562 = tpu.vector_load %arg8[%get3A_559, %get3A_560, %get3A_561] {strides = array<i32>} : memref<8x2x128xf32, #tpu.memory_space<vmem>>, vector<16xf32>,
    %get3A_563 = arith.constant 1 : i32
    %get3A_564 = arith.constant 1 : i32
    %get3A_565 = arith.index_cast %get3A_563 : i32 to index
    %get3A_566 = arith.index_cast %get3A_564 : i32 to index
    %get3A_567 = arith.constant 112 : index
    %get3A_568 = tpu.vector_load %arg8[%get3A_565, %get3A_566, %get3A_567] {strides = array<i32>} : memref<8x2x128xf32, #tpu.memory_space<vmem>>, vector<16xf32>,
    %sub3A_569 = arith.subf %get3A_562, %gather3A_367 : vector<16xf32>
    %sub3A_570 = arith.subf %get3A_568, %gather3A_368 : vector<16xf32>
    %mul3A_571 = arith.mulf %sub3A_569, %sub3A_569 : vector<16xf32>
    %mul3A_572 = arith.mulf %sub3A_570, %sub3A_570 : vector<16xf32>
    %add3A_573 = arith.addf %mul3A_571, %mul3A_572 : vector<16xf32>
    %add3A_574 = arith.constant 112 : i32
    %add3A_575 = arith.addi %mul3A_377, %add3A_574 : i32
    %broadcast_in_dim3A_576 = vector.broadcast %add3A_575 : i32 to vector<16xi32>
    %add3A_577 = arith.addi %broadcast_in_dim3A_576, %iota3A : vector<16xi32>
    %eq3A_578 = arith.cmpf oeq, %add3A_573, %add3A_374 : vector<16xf32>
    %lt3A_579 = arith.cmpi slt, %add3A_577, %broadcast_in_dim3A_378 : vector<16xi32>
    %and3A_580 = arith.andi %eq3A_578, %lt3A_579 : vector<16xi1>
    %convert_element_type3A_581 = arith.extui %and3A_580 : vector<16xi1> to vector<16xi32>
    %add3A_582 = arith.addi %add3A_556, %convert_element_type3A_581 : vector<16xi32>
    %and3A_583 = arith.constant 127 : i32
    %and3A_584 = arith.andi %squeeze3A_83, %and3A_583 : i32
    %broadcast_in_dim3A_585 = vector.broadcast %and3A_584 : i32 to vector<16xi32>
    %and3A_586 = arith.constant 127 : i32
    %and3A_587 = arith.andi %squeeze3A_86, %and3A_586 : i32
    %broadcast_in_dim3A_588 = vector.broadcast %and3A_587 : i32 to vector<16xi32>
    %broadcast_in_dim3A_589 = arith.constant 2 : i32
    %broadcast_in_dim3A_590 = vector.broadcast %broadcast_in_dim3A_589 : i32 to vector<16xi32>
    %broadcast_in_dim3A_591 = arith.constant 3 : i32
    %broadcast_in_dim3A_592 = vector.broadcast %broadcast_in_dim3A_591 : i32 to vector<16xi32>
    %gather3A_593 = tpu.vector_load_idx %arg8[%broadcast_in_dim3A_590, %broadcast_in_dim3A_28, %broadcast_in_dim3A_585] : memref<8x2x128xf32, #tpu.memory_space<vmem>>[vector<16xi32>, vector<16xi32>, vector<16xi32>], vector<16xf32>,
    %gather3A_594 = tpu.vector_load_idx %arg8[%broadcast_in_dim3A_590, %broadcast_in_dim3A_30, %broadcast_in_dim3A_585] : memref<8x2x128xf32, #tpu.memory_space<vmem>>[vector<16xi32>, vector<16xi32>, vector<16xi32>], vector<16xf32>,
    %gather3A_595 = tpu.vector_load_idx %arg8[%broadcast_in_dim3A_592, %broadcast_in_dim3A_28, %broadcast_in_dim3A_588] : memref<8x2x128xf32, #tpu.memory_space<vmem>>[vector<16xi32>, vector<16xi32>, vector<16xi32>], vector<16xf32>,
    %gather3A_596 = tpu.vector_load_idx %arg8[%broadcast_in_dim3A_592, %broadcast_in_dim3A_30, %broadcast_in_dim3A_588] : memref<8x2x128xf32, #tpu.memory_space<vmem>>[vector<16xi32>, vector<16xi32>, vector<16xi32>], vector<16xf32>,
    %sub3A_597 = arith.subf %gather3A_595, %gather3A_593 : vector<16xf32>
    %sub3A_598 = arith.subf %gather3A_596, %gather3A_594 : vector<16xf32>
    %mul3A_599 = arith.mulf %sub3A_597, %sub3A_597 : vector<16xf32>
    %mul3A_600 = arith.mulf %sub3A_598, %sub3A_598 : vector<16xf32>
    %add3A_601 = arith.addf %mul3A_599, %mul3A_600 : vector<16xf32>
    %bitcast3A_602 = vector.bitcast %add3A_601 : vector<16xf32> to vector<16xi32>
    %sub3A_603 = arith.subi %bitcast3A_602, %broadcast_in_dim3A_30 : vector<16xi32>
    %mul3A_604 = arith.constant 128 : i32
    %mul3A_605 = arith.muli %shift_right_logical3A_90, %mul3A_604 : i32
    %broadcast_in_dim3A_606 = vector.broadcast %squeeze3A_86 : i32 to vector<16xi32>
    %get3A_607 = arith.constant 3 : i32
    %get3A_608 = arith.constant 0 : i32
    %get3A_609 = arith.index_cast %get3A_607 : i32 to index
    %get3A_610 = arith.index_cast %get3A_608 : i32 to index
    %get3A_611 = arith.constant 0 : index
    %get3A_612 = tpu.vector_load %arg8[%get3A_609, %get3A_610, %get3A_611] {strides = array<i32>} : memref<8x2x128xf32, #tpu.memory_space<vmem>>, vector<16xf32>,
    %get3A_613 = arith.constant 3 : i32
    %get3A_614 = arith.constant 1 : i32
    %get3A_615 = arith.index_cast %get3A_613 : i32 to index
    %get3A_616 = arith.index_cast %get3A_614 : i32 to index
    %get3A_617 = arith.constant 0 : index
    %get3A_618 = tpu.vector_load %arg8[%get3A_615, %get3A_616, %get3A_617] {strides = array<i32>} : memref<8x2x128xf32, #tpu.memory_space<vmem>>, vector<16xf32>,
    %sub3A_619 = arith.subf %get3A_612, %gather3A_593 : vector<16xf32>
    %sub3A_620 = arith.subf %get3A_618, %gather3A_594 : vector<16xf32>
    %mul3A_621 = arith.mulf %sub3A_619, %sub3A_619 : vector<16xf32>
    %mul3A_622 = arith.mulf %sub3A_620, %sub3A_620 : vector<16xf32>
    %add3A_623 = arith.addf %mul3A_621, %mul3A_622 : vector<16xf32>
    %add3A_624 = arith.constant 0 : i32
    %add3A_625 = arith.addi %mul3A_605, %add3A_624 : i32
    %broadcast_in_dim3A_626 = vector.broadcast %add3A_625 : i32 to vector<16xi32>
    %add3A_627 = arith.addi %broadcast_in_dim3A_626, %iota3A : vector<16xi32>
    %eq3A_628 = arith.cmpf oeq, %add3A_623, %add3A_601 : vector<16xf32>
    %lt3A_629 = arith.cmpi slt, %add3A_627, %broadcast_in_dim3A_606 : vector<16xi32>
    %and3A_630 = arith.andi %eq3A_628, %lt3A_629 : vector<16xi1>
    %convert_element_type3A_631 = arith.extui %and3A_630 : vector<16xi1> to vector<16xi32>
    %add3A_632 = arith.addi %broadcast_in_dim3A_28, %convert_element_type3A_631 : vector<16xi32>
    %get3A_633 = arith.constant 3 : i32
    %get3A_634 = arith.constant 0 : i32
    %get3A_635 = arith.index_cast %get3A_633 : i32 to index
    %get3A_636 = arith.index_cast %get3A_634 : i32 to index
    %get3A_637 = arith.constant 16 : index
    %get3A_638 = tpu.vector_load %arg8[%get3A_635, %get3A_636, %get3A_637] {strides = array<i32>} : memref<8x2x128xf32, #tpu.memory_space<vmem>>, vector<16xf32>,
    %get3A_639 = arith.constant 3 : i32
    %get3A_640 = arith.constant 1 : i32
    %get3A_641 = arith.index_cast %get3A_639 : i32 to index
    %get3A_642 = arith.index_cast %get3A_640 : i32 to index
    %get3A_643 = arith.constant 16 : index
    %get3A_644 = tpu.vector_load %arg8[%get3A_641, %get3A_642, %get3A_643] {strides = array<i32>} : memref<8x2x128xf32, #tpu.memory_space<vmem>>, vector<16xf32>,
    %sub3A_645 = arith.subf %get3A_638, %gather3A_593 : vector<16xf32>
    %sub3A_646 = arith.subf %get3A_644, %gather3A_594 : vector<16xf32>
    %mul3A_647 = arith.mulf %sub3A_645, %sub3A_645 : vector<16xf32>
    %mul3A_648 = arith.mulf %sub3A_646, %sub3A_646 : vector<16xf32>
    %add3A_649 = arith.addf %mul3A_647, %mul3A_648 : vector<16xf32>
    %add3A_650 = arith.constant 16 : i32
    %add3A_651 = arith.addi %mul3A_605, %add3A_650 : i32
    %broadcast_in_dim3A_652 = vector.broadcast %add3A_651 : i32 to vector<16xi32>
    %add3A_653 = arith.addi %broadcast_in_dim3A_652, %iota3A : vector<16xi32>
    %eq3A_654 = arith.cmpf oeq, %add3A_649, %add3A_601 : vector<16xf32>
    %lt3A_655 = arith.cmpi slt, %add3A_653, %broadcast_in_dim3A_606 : vector<16xi32>
    %and3A_656 = arith.andi %eq3A_654, %lt3A_655 : vector<16xi1>
    %convert_element_type3A_657 = arith.extui %and3A_656 : vector<16xi1> to vector<16xi32>
    %add3A_658 = arith.addi %add3A_632, %convert_element_type3A_657 : vector<16xi32>
    %get3A_659 = arith.constant 3 : i32
    %get3A_660 = arith.constant 0 : i32
    %get3A_661 = arith.index_cast %get3A_659 : i32 to index
    %get3A_662 = arith.index_cast %get3A_660 : i32 to index
    %get3A_663 = arith.constant 32 : index
    %get3A_664 = tpu.vector_load %arg8[%get3A_661, %get3A_662, %get3A_663] {strides = array<i32>} : memref<8x2x128xf32, #tpu.memory_space<vmem>>, vector<16xf32>,
    %get3A_665 = arith.constant 3 : i32
    %get3A_666 = arith.constant 1 : i32
    %get3A_667 = arith.index_cast %get3A_665 : i32 to index
    %get3A_668 = arith.index_cast %get3A_666 : i32 to index
    %get3A_669 = arith.constant 32 : index
    %get3A_670 = tpu.vector_load %arg8[%get3A_667, %get3A_668, %get3A_669] {strides = array<i32>} : memref<8x2x128xf32, #tpu.memory_space<vmem>>, vector<16xf32>,
    %sub3A_671 = arith.subf %get3A_664, %gather3A_593 : vector<16xf32>
    %sub3A_672 = arith.subf %get3A_670, %gather3A_594 : vector<16xf32>
    %mul3A_673 = arith.mulf %sub3A_671, %sub3A_671 : vector<16xf32>
    %mul3A_674 = arith.mulf %sub3A_672, %sub3A_672 : vector<16xf32>
    %add3A_675 = arith.addf %mul3A_673, %mul3A_674 : vector<16xf32>
    %add3A_676 = arith.constant 32 : i32
    %add3A_677 = arith.addi %mul3A_605, %add3A_676 : i32
    %broadcast_in_dim3A_678 = vector.broadcast %add3A_677 : i32 to vector<16xi32>
    %add3A_679 = arith.addi %broadcast_in_dim3A_678, %iota3A : vector<16xi32>
    %eq3A_680 = arith.cmpf oeq, %add3A_675, %add3A_601 : vector<16xf32>
    %lt3A_681 = arith.cmpi slt, %add3A_679, %broadcast_in_dim3A_606 : vector<16xi32>
    %and3A_682 = arith.andi %eq3A_680, %lt3A_681 : vector<16xi1>
    %convert_element_type3A_683 = arith.extui %and3A_682 : vector<16xi1> to vector<16xi32>
    %add3A_684 = arith.addi %add3A_658, %convert_element_type3A_683 : vector<16xi32>
    %get3A_685 = arith.constant 3 : i32
    %get3A_686 = arith.constant 0 : i32
    %get3A_687 = arith.index_cast %get3A_685 : i32 to index
    %get3A_688 = arith.index_cast %get3A_686 : i32 to index
    %get3A_689 = arith.constant 48 : index
    %get3A_690 = tpu.vector_load %arg8[%get3A_687, %get3A_688, %get3A_689] {strides = array<i32>} : memref<8x2x128xf32, #tpu.memory_space<vmem>>, vector<16xf32>,
    %get3A_691 = arith.constant 3 : i32
    %get3A_692 = arith.constant 1 : i32
    %get3A_693 = arith.index_cast %get3A_691 : i32 to index
    %get3A_694 = arith.index_cast %get3A_692 : i32 to index
    %get3A_695 = arith.constant 48 : index
    %get3A_696 = tpu.vector_load %arg8[%get3A_693, %get3A_694, %get3A_695] {strides = array<i32>} : memref<8x2x128xf32, #tpu.memory_space<vmem>>, vector<16xf32>,
    %sub3A_697 = arith.subf %get3A_690, %gather3A_593 : vector<16xf32>
    %sub3A_698 = arith.subf %get3A_696, %gather3A_594 : vector<16xf32>
    %mul3A_699 = arith.mulf %sub3A_697, %sub3A_697 : vector<16xf32>
    %mul3A_700 = arith.mulf %sub3A_698, %sub3A_698 : vector<16xf32>
    %add3A_701 = arith.addf %mul3A_699, %mul3A_700 : vector<16xf32>
    %add3A_702 = arith.constant 48 : i32
    %add3A_703 = arith.addi %mul3A_605, %add3A_702 : i32
    %broadcast_in_dim3A_704 = vector.broadcast %add3A_703 : i32 to vector<16xi32>
    %add3A_705 = arith.addi %broadcast_in_dim3A_704, %iota3A : vector<16xi32>
    %eq3A_706 = arith.cmpf oeq, %add3A_701, %add3A_601 : vector<16xf32>
    %lt3A_707 = arith.cmpi slt, %add3A_705, %broadcast_in_dim3A_606 : vector<16xi32>
    %and3A_708 = arith.andi %eq3A_706, %lt3A_707 : vector<16xi1>
    %convert_element_type3A_709 = arith.extui %and3A_708 : vector<16xi1> to vector<16xi32>
    %add3A_710 = arith.addi %add3A_684, %convert_element_type3A_709 : vector<16xi32>
    %get3A_711 = arith.constant 3 : i32
    %get3A_712 = arith.constant 0 : i32
    %get3A_713 = arith.index_cast %get3A_711 : i32 to index
    %get3A_714 = arith.index_cast %get3A_712 : i32 to index
    %get3A_715 = arith.constant 64 : index
    %get3A_716 = tpu.vector_load %arg8[%get3A_713, %get3A_714, %get3A_715] {strides = array<i32>} : memref<8x2x128xf32, #tpu.memory_space<vmem>>, vector<16xf32>,
    %get3A_717 = arith.constant 3 : i32
    %get3A_718 = arith.constant 1 : i32
    %get3A_719 = arith.index_cast %get3A_717 : i32 to index
    %get3A_720 = arith.index_cast %get3A_718 : i32 to index
    %get3A_721 = arith.constant 64 : index
    %get3A_722 = tpu.vector_load %arg8[%get3A_719, %get3A_720, %get3A_721] {strides = array<i32>} : memref<8x2x128xf32, #tpu.memory_space<vmem>>, vector<16xf32>,
    %sub3A_723 = arith.subf %get3A_716, %gather3A_593 : vector<16xf32>
    %sub3A_724 = arith.subf %get3A_722, %gather3A_594 : vector<16xf32>
    %mul3A_725 = arith.mulf %sub3A_723, %sub3A_723 : vector<16xf32>
    %mul3A_726 = arith.mulf %sub3A_724, %sub3A_724 : vector<16xf32>
    %add3A_727 = arith.addf %mul3A_725, %mul3A_726 : vector<16xf32>
    %add3A_728 = arith.constant 64 : i32
    %add3A_729 = arith.addi %mul3A_605, %add3A_728 : i32
    %broadcast_in_dim3A_730 = vector.broadcast %add3A_729 : i32 to vector<16xi32>
    %add3A_731 = arith.addi %broadcast_in_dim3A_730, %iota3A : vector<16xi32>
    %eq3A_732 = arith.cmpf oeq, %add3A_727, %add3A_601 : vector<16xf32>
    %lt3A_733 = arith.cmpi slt, %add3A_731, %broadcast_in_dim3A_606 : vector<16xi32>
    %and3A_734 = arith.andi %eq3A_732, %lt3A_733 : vector<16xi1>
    %convert_element_type3A_735 = arith.extui %and3A_734 : vector<16xi1> to vector<16xi32>
    %add3A_736 = arith.addi %add3A_710, %convert_element_type3A_735 : vector<16xi32>
    %get3A_737 = arith.constant 3 : i32
    %get3A_738 = arith.constant 0 : i32
    %get3A_739 = arith.index_cast %get3A_737 : i32 to index
    %get3A_740 = arith.index_cast %get3A_738 : i32 to index
    %get3A_741 = arith.constant 80 : index
    %get3A_742 = tpu.vector_load %arg8[%get3A_739, %get3A_740, %get3A_741] {strides = array<i32>} : memref<8x2x128xf32, #tpu.memory_space<vmem>>, vector<16xf32>,
    %get3A_743 = arith.constant 3 : i32
    %get3A_744 = arith.constant 1 : i32
    %get3A_745 = arith.index_cast %get3A_743 : i32 to index
    %get3A_746 = arith.index_cast %get3A_744 : i32 to index
    %get3A_747 = arith.constant 80 : index
    %get3A_748 = tpu.vector_load %arg8[%get3A_745, %get3A_746, %get3A_747] {strides = array<i32>} : memref<8x2x128xf32, #tpu.memory_space<vmem>>, vector<16xf32>,
    %sub3A_749 = arith.subf %get3A_742, %gather3A_593 : vector<16xf32>
    %sub3A_750 = arith.subf %get3A_748, %gather3A_594 : vector<16xf32>
    %mul3A_751 = arith.mulf %sub3A_749, %sub3A_749 : vector<16xf32>
    %mul3A_752 = arith.mulf %sub3A_750, %sub3A_750 : vector<16xf32>
    %add3A_753 = arith.addf %mul3A_751, %mul3A_752 : vector<16xf32>
    %add3A_754 = arith.constant 80 : i32
    %add3A_755 = arith.addi %mul3A_605, %add3A_754 : i32
    %broadcast_in_dim3A_756 = vector.broadcast %add3A_755 : i32 to vector<16xi32>
    %add3A_757 = arith.addi %broadcast_in_dim3A_756, %iota3A : vector<16xi32>
    %eq3A_758 = arith.cmpf oeq, %add3A_753, %add3A_601 : vector<16xf32>
    %lt3A_759 = arith.cmpi slt, %add3A_757, %broadcast_in_dim3A_606 : vector<16xi32>
    %and3A_760 = arith.andi %eq3A_758, %lt3A_759 : vector<16xi1>
    %convert_element_type3A_761 = arith.extui %and3A_760 : vector<16xi1> to vector<16xi32>
    %add3A_762 = arith.addi %add3A_736, %convert_element_type3A_761 : vector<16xi32>
    %get3A_763 = arith.constant 3 : i32
    %get3A_764 = arith.constant 0 : i32
    %get3A_765 = arith.index_cast %get3A_763 : i32 to index
    %get3A_766 = arith.index_cast %get3A_764 : i32 to index
    %get3A_767 = arith.constant 96 : index
    %get3A_768 = tpu.vector_load %arg8[%get3A_765, %get3A_766, %get3A_767] {strides = array<i32>} : memref<8x2x128xf32, #tpu.memory_space<vmem>>, vector<16xf32>,
    %get3A_769 = arith.constant 3 : i32
    %get3A_770 = arith.constant 1 : i32
    %get3A_771 = arith.index_cast %get3A_769 : i32 to index
    %get3A_772 = arith.index_cast %get3A_770 : i32 to index
    %get3A_773 = arith.constant 96 : index
    %get3A_774 = tpu.vector_load %arg8[%get3A_771, %get3A_772, %get3A_773] {strides = array<i32>} : memref<8x2x128xf32, #tpu.memory_space<vmem>>, vector<16xf32>,
    %sub3A_775 = arith.subf %get3A_768, %gather3A_593 : vector<16xf32>
    %sub3A_776 = arith.subf %get3A_774, %gather3A_594 : vector<16xf32>
    %mul3A_777 = arith.mulf %sub3A_775, %sub3A_775 : vector<16xf32>
    %mul3A_778 = arith.mulf %sub3A_776, %sub3A_776 : vector<16xf32>
    %add3A_779 = arith.addf %mul3A_777, %mul3A_778 : vector<16xf32>
    %add3A_780 = arith.constant 96 : i32
    %add3A_781 = arith.addi %mul3A_605, %add3A_780 : i32
    %broadcast_in_dim3A_782 = vector.broadcast %add3A_781 : i32 to vector<16xi32>
    %add3A_783 = arith.addi %broadcast_in_dim3A_782, %iota3A : vector<16xi32>
    %eq3A_784 = arith.cmpf oeq, %add3A_779, %add3A_601 : vector<16xf32>
    %lt3A_785 = arith.cmpi slt, %add3A_783, %broadcast_in_dim3A_606 : vector<16xi32>
    %and3A_786 = arith.andi %eq3A_784, %lt3A_785 : vector<16xi1>
    %convert_element_type3A_787 = arith.extui %and3A_786 : vector<16xi1> to vector<16xi32>
    %add3A_788 = arith.addi %add3A_762, %convert_element_type3A_787 : vector<16xi32>
    %get3A_789 = arith.constant 3 : i32
    %get3A_790 = arith.constant 0 : i32
    %get3A_791 = arith.index_cast %get3A_789 : i32 to index
    %get3A_792 = arith.index_cast %get3A_790 : i32 to index
    %get3A_793 = arith.constant 112 : index
    %get3A_794 = tpu.vector_load %arg8[%get3A_791, %get3A_792, %get3A_793] {strides = array<i32>} : memref<8x2x128xf32, #tpu.memory_space<vmem>>, vector<16xf32>,
    %get3A_795 = arith.constant 3 : i32
    %get3A_796 = arith.constant 1 : i32
    %get3A_797 = arith.index_cast %get3A_795 : i32 to index
    %get3A_798 = arith.index_cast %get3A_796 : i32 to index
    %get3A_799 = arith.constant 112 : index
    %get3A_800 = tpu.vector_load %arg8[%get3A_797, %get3A_798, %get3A_799] {strides = array<i32>} : memref<8x2x128xf32, #tpu.memory_space<vmem>>, vector<16xf32>,
    %sub3A_801 = arith.subf %get3A_794, %gather3A_593 : vector<16xf32>
    %sub3A_802 = arith.subf %get3A_800, %gather3A_594 : vector<16xf32>
    %mul3A_803 = arith.mulf %sub3A_801, %sub3A_801 : vector<16xf32>
    %mul3A_804 = arith.mulf %sub3A_802, %sub3A_802 : vector<16xf32>
    %add3A_805 = arith.addf %mul3A_803, %mul3A_804 : vector<16xf32>
    %add3A_806 = arith.constant 112 : i32
    %add3A_807 = arith.addi %mul3A_605, %add3A_806 : i32
    %broadcast_in_dim3A_808 = vector.broadcast %add3A_807 : i32 to vector<16xi32>
    %add3A_809 = arith.addi %broadcast_in_dim3A_808, %iota3A : vector<16xi32>
    %eq3A_810 = arith.cmpf oeq, %add3A_805, %add3A_601 : vector<16xf32>
    %lt3A_811 = arith.cmpi slt, %add3A_809, %broadcast_in_dim3A_606 : vector<16xi32>
    %and3A_812 = arith.andi %eq3A_810, %lt3A_811 : vector<16xi1>
    %convert_element_type3A_813 = arith.extui %and3A_812 : vector<16xi1> to vector<16xi32>
    %add3A_814 = arith.addi %add3A_788, %convert_element_type3A_813 : vector<16xi32>
    %and3A_815 = arith.constant 127 : i32
    %and3A_816 = arith.andi %squeeze3A_132, %and3A_815 : i32
    %broadcast_in_dim3A_817 = vector.broadcast %and3A_816 : i32 to vector<16xi32>
    %and3A_818 = arith.constant 127 : i32
    %and3A_819 = arith.andi %squeeze3A_135, %and3A_818 : i32
    %broadcast_in_dim3A_820 = vector.broadcast %and3A_819 : i32 to vector<16xi32>
    %broadcast_in_dim3A_821 = arith.constant 4 : i32
    %broadcast_in_dim3A_822 = vector.broadcast %broadcast_in_dim3A_821 : i32 to vector<16xi32>
    %broadcast_in_dim3A_823 = arith.constant 5 : i32
    %broadcast_in_dim3A_824 = vector.broadcast %broadcast_in_dim3A_823 : i32 to vector<16xi32>
    %gather3A_825 = tpu.vector_load_idx %arg8[%broadcast_in_dim3A_822, %broadcast_in_dim3A_28, %broadcast_in_dim3A_817] : memref<8x2x128xf32, #tpu.memory_space<vmem>>[vector<16xi32>, vector<16xi32>, vector<16xi32>], vector<16xf32>,
    %gather3A_826 = tpu.vector_load_idx %arg8[%broadcast_in_dim3A_822, %broadcast_in_dim3A_30, %broadcast_in_dim3A_817] : memref<8x2x128xf32, #tpu.memory_space<vmem>>[vector<16xi32>, vector<16xi32>, vector<16xi32>], vector<16xf32>,
    %gather3A_827 = tpu.vector_load_idx %arg8[%broadcast_in_dim3A_824, %broadcast_in_dim3A_28, %broadcast_in_dim3A_820] : memref<8x2x128xf32, #tpu.memory_space<vmem>>[vector<16xi32>, vector<16xi32>, vector<16xi32>], vector<16xf32>,
    %gather3A_828 = tpu.vector_load_idx %arg8[%broadcast_in_dim3A_824, %broadcast_in_dim3A_30, %broadcast_in_dim3A_820] : memref<8x2x128xf32, #tpu.memory_space<vmem>>[vector<16xi32>, vector<16xi32>, vector<16xi32>], vector<16xf32>,
    %sub3A_829 = arith.subf %gather3A_827, %gather3A_825 : vector<16xf32>
    %sub3A_830 = arith.subf %gather3A_828, %gather3A_826 : vector<16xf32>
    %mul3A_831 = arith.mulf %sub3A_829, %sub3A_829 : vector<16xf32>
    %mul3A_832 = arith.mulf %sub3A_830, %sub3A_830 : vector<16xf32>
    %add3A_833 = arith.addf %mul3A_831, %mul3A_832 : vector<16xf32>
    %bitcast3A_834 = vector.bitcast %add3A_833 : vector<16xf32> to vector<16xi32>
    %sub3A_835 = arith.subi %bitcast3A_834, %broadcast_in_dim3A_30 : vector<16xi32>
    %mul3A_836 = arith.constant 128 : i32
    %mul3A_837 = arith.muli %shift_right_logical3A_139, %mul3A_836 : i32
    %broadcast_in_dim3A_838 = vector.broadcast %squeeze3A_135 : i32 to vector<16xi32>
    %get3A_839 = arith.constant 5 : i32
    %get3A_840 = arith.constant 0 : i32
    %get3A_841 = arith.index_cast %get3A_839 : i32 to index
    %get3A_842 = arith.index_cast %get3A_840 : i32 to index
    %get3A_843 = arith.constant 0 : index
    %get3A_844 = tpu.vector_load %arg8[%get3A_841, %get3A_842, %get3A_843] {strides = array<i32>} : memref<8x2x128xf32, #tpu.memory_space<vmem>>, vector<16xf32>,
    %get3A_845 = arith.constant 5 : i32
    %get3A_846 = arith.constant 1 : i32
    %get3A_847 = arith.index_cast %get3A_845 : i32 to index
    %get3A_848 = arith.index_cast %get3A_846 : i32 to index
    %get3A_849 = arith.constant 0 : index
    %get3A_850 = tpu.vector_load %arg8[%get3A_847, %get3A_848, %get3A_849] {strides = array<i32>} : memref<8x2x128xf32, #tpu.memory_space<vmem>>, vector<16xf32>,
    %sub3A_851 = arith.subf %get3A_844, %gather3A_825 : vector<16xf32>
    %sub3A_852 = arith.subf %get3A_850, %gather3A_826 : vector<16xf32>
    %mul3A_853 = arith.mulf %sub3A_851, %sub3A_851 : vector<16xf32>
    %mul3A_854 = arith.mulf %sub3A_852, %sub3A_852 : vector<16xf32>
    %add3A_855 = arith.addf %mul3A_853, %mul3A_854 : vector<16xf32>
    %add3A_856 = arith.constant 0 : i32
    %add3A_857 = arith.addi %mul3A_837, %add3A_856 : i32
    %broadcast_in_dim3A_858 = vector.broadcast %add3A_857 : i32 to vector<16xi32>
    %add3A_859 = arith.addi %broadcast_in_dim3A_858, %iota3A : vector<16xi32>
    %eq3A_860 = arith.cmpf oeq, %add3A_855, %add3A_833 : vector<16xf32>
    %lt3A_861 = arith.cmpi slt, %add3A_859, %broadcast_in_dim3A_838 : vector<16xi32>
    %and3A_862 = arith.andi %eq3A_860, %lt3A_861 : vector<16xi1>
    %convert_element_type3A_863 = arith.extui %and3A_862 : vector<16xi1> to vector<16xi32>
    %add3A_864 = arith.addi %broadcast_in_dim3A_28, %convert_element_type3A_863 : vector<16xi32>
    %get3A_865 = arith.constant 5 : i32
    %get3A_866 = arith.constant 0 : i32
    %get3A_867 = arith.index_cast %get3A_865 : i32 to index
    %get3A_868 = arith.index_cast %get3A_866 : i32 to index
    %get3A_869 = arith.constant 16 : index
    %get3A_870 = tpu.vector_load %arg8[%get3A_867, %get3A_868, %get3A_869] {strides = array<i32>} : memref<8x2x128xf32, #tpu.memory_space<vmem>>, vector<16xf32>,
    %get3A_871 = arith.constant 5 : i32
    %get3A_872 = arith.constant 1 : i32
    %get3A_873 = arith.index_cast %get3A_871 : i32 to index
    %get3A_874 = arith.index_cast %get3A_872 : i32 to index
    %get3A_875 = arith.constant 16 : index
    %get3A_876 = tpu.vector_load %arg8[%get3A_873, %get3A_874, %get3A_875] {strides = array<i32>} : memref<8x2x128xf32, #tpu.memory_space<vmem>>, vector<16xf32>,
    %sub3A_877 = arith.subf %get3A_870, %gather3A_825 : vector<16xf32>
    %sub3A_878 = arith.subf %get3A_876, %gather3A_826 : vector<16xf32>
    %mul3A_879 = arith.mulf %sub3A_877, %sub3A_877 : vector<16xf32>
    %mul3A_880 = arith.mulf %sub3A_878, %sub3A_878 : vector<16xf32>
    %add3A_881 = arith.addf %mul3A_879, %mul3A_880 : vector<16xf32>
    %add3A_882 = arith.constant 16 : i32
    %add3A_883 = arith.addi %mul3A_837, %add3A_882 : i32
    %broadcast_in_dim3A_884 = vector.broadcast %add3A_883 : i32 to vector<16xi32>
    %add3A_885 = arith.addi %broadcast_in_dim3A_884, %iota3A : vector<16xi32>
    %eq3A_886 = arith.cmpf oeq, %add3A_881, %add3A_833 : vector<16xf32>
    %lt3A_887 = arith.cmpi slt, %add3A_885, %broadcast_in_dim3A_838 : vector<16xi32>
    %and3A_888 = arith.andi %eq3A_886, %lt3A_887 : vector<16xi1>
    %convert_element_type3A_889 = arith.extui %and3A_888 : vector<16xi1> to vector<16xi32>
    %add3A_890 = arith.addi %add3A_864, %convert_element_type3A_889 : vector<16xi32>
    %get3A_891 = arith.constant 5 : i32
    %get3A_892 = arith.constant 0 : i32
    %get3A_893 = arith.index_cast %get3A_891 : i32 to index
    %get3A_894 = arith.index_cast %get3A_892 : i32 to index
    %get3A_895 = arith.constant 32 : index
    %get3A_896 = tpu.vector_load %arg8[%get3A_893, %get3A_894, %get3A_895] {strides = array<i32>} : memref<8x2x128xf32, #tpu.memory_space<vmem>>, vector<16xf32>,
    %get3A_897 = arith.constant 5 : i32
    %get3A_898 = arith.constant 1 : i32
    %get3A_899 = arith.index_cast %get3A_897 : i32 to index
    %get3A_900 = arith.index_cast %get3A_898 : i32 to index
    %get3A_901 = arith.constant 32 : index
    %get3A_902 = tpu.vector_load %arg8[%get3A_899, %get3A_900, %get3A_901] {strides = array<i32>} : memref<8x2x128xf32, #tpu.memory_space<vmem>>, vector<16xf32>,
    %sub3A_903 = arith.subf %get3A_896, %gather3A_825 : vector<16xf32>
    %sub3A_904 = arith.subf %get3A_902, %gather3A_826 : vector<16xf32>
    %mul3A_905 = arith.mulf %sub3A_903, %sub3A_903 : vector<16xf32>
    %mul3A_906 = arith.mulf %sub3A_904, %sub3A_904 : vector<16xf32>
    %add3A_907 = arith.addf %mul3A_905, %mul3A_906 : vector<16xf32>
    %add3A_908 = arith.constant 32 : i32
    %add3A_909 = arith.addi %mul3A_837, %add3A_908 : i32
    %broadcast_in_dim3A_910 = vector.broadcast %add3A_909 : i32 to vector<16xi32>
    %add3A_911 = arith.addi %broadcast_in_dim3A_910, %iota3A : vector<16xi32>
    %eq3A_912 = arith.cmpf oeq, %add3A_907, %add3A_833 : vector<16xf32>
    %lt3A_913 = arith.cmpi slt, %add3A_911, %broadcast_in_dim3A_838 : vector<16xi32>
    %and3A_914 = arith.andi %eq3A_912, %lt3A_913 : vector<16xi1>
    %convert_element_type3A_915 = arith.extui %and3A_914 : vector<16xi1> to vector<16xi32>
    %add3A_916 = arith.addi %add3A_890, %convert_element_type3A_915 : vector<16xi32>
    %get3A_917 = arith.constant 5 : i32
    %get3A_918 = arith.constant 0 : i32
    %get3A_919 = arith.index_cast %get3A_917 : i32 to index
    %get3A_920 = arith.index_cast %get3A_918 : i32 to index
    %get3A_921 = arith.constant 48 : index
    %get3A_922 = tpu.vector_load %arg8[%get3A_919, %get3A_920, %get3A_921] {strides = array<i32>} : memref<8x2x128xf32, #tpu.memory_space<vmem>>, vector<16xf32>,
    %get3A_923 = arith.constant 5 : i32
    %get3A_924 = arith.constant 1 : i32
    %get3A_925 = arith.index_cast %get3A_923 : i32 to index
    %get3A_926 = arith.index_cast %get3A_924 : i32 to index
    %get3A_927 = arith.constant 48 : index
    %get3A_928 = tpu.vector_load %arg8[%get3A_925, %get3A_926, %get3A_927] {strides = array<i32>} : memref<8x2x128xf32, #tpu.memory_space<vmem>>, vector<16xf32>,
    %sub3A_929 = arith.subf %get3A_922, %gather3A_825 : vector<16xf32>
    %sub3A_930 = arith.subf %get3A_928, %gather3A_826 : vector<16xf32>
    %mul3A_931 = arith.mulf %sub3A_929, %sub3A_929 : vector<16xf32>
    %mul3A_932 = arith.mulf %sub3A_930, %sub3A_930 : vector<16xf32>
    %add3A_933 = arith.addf %mul3A_931, %mul3A_932 : vector<16xf32>
    %add3A_934 = arith.constant 48 : i32
    %add3A_935 = arith.addi %mul3A_837, %add3A_934 : i32
    %broadcast_in_dim3A_936 = vector.broadcast %add3A_935 : i32 to vector<16xi32>
    %add3A_937 = arith.addi %broadcast_in_dim3A_936, %iota3A : vector<16xi32>
    %eq3A_938 = arith.cmpf oeq, %add3A_933, %add3A_833 : vector<16xf32>
    %lt3A_939 = arith.cmpi slt, %add3A_937, %broadcast_in_dim3A_838 : vector<16xi32>
    %and3A_940 = arith.andi %eq3A_938, %lt3A_939 : vector<16xi1>
    %convert_element_type3A_941 = arith.extui %and3A_940 : vector<16xi1> to vector<16xi32>
    %add3A_942 = arith.addi %add3A_916, %convert_element_type3A_941 : vector<16xi32>
    %get3A_943 = arith.constant 5 : i32
    %get3A_944 = arith.constant 0 : i32
    %get3A_945 = arith.index_cast %get3A_943 : i32 to index
    %get3A_946 = arith.index_cast %get3A_944 : i32 to index
    %get3A_947 = arith.constant 64 : index
    %get3A_948 = tpu.vector_load %arg8[%get3A_945, %get3A_946, %get3A_947] {strides = array<i32>} : memref<8x2x128xf32, #tpu.memory_space<vmem>>, vector<16xf32>,
    %get3A_949 = arith.constant 5 : i32
    %get3A_950 = arith.constant 1 : i32
    %get3A_951 = arith.index_cast %get3A_949 : i32 to index
    %get3A_952 = arith.index_cast %get3A_950 : i32 to index
    %get3A_953 = arith.constant 64 : index
    %get3A_954 = tpu.vector_load %arg8[%get3A_951, %get3A_952, %get3A_953] {strides = array<i32>} : memref<8x2x128xf32, #tpu.memory_space<vmem>>, vector<16xf32>,
    %sub3A_955 = arith.subf %get3A_948, %gather3A_825 : vector<16xf32>
    %sub3A_956 = arith.subf %get3A_954, %gather3A_826 : vector<16xf32>
    %mul3A_957 = arith.mulf %sub3A_955, %sub3A_955 : vector<16xf32>
    %mul3A_958 = arith.mulf %sub3A_956, %sub3A_956 : vector<16xf32>
    %add3A_959 = arith.addf %mul3A_957, %mul3A_958 : vector<16xf32>
    %add3A_960 = arith.constant 64 : i32
    %add3A_961 = arith.addi %mul3A_837, %add3A_960 : i32
    %broadcast_in_dim3A_962 = vector.broadcast %add3A_961 : i32 to vector<16xi32>
    %add3A_963 = arith.addi %broadcast_in_dim3A_962, %iota3A : vector<16xi32>
    %eq3A_964 = arith.cmpf oeq, %add3A_959, %add3A_833 : vector<16xf32>
    %lt3A_965 = arith.cmpi slt, %add3A_963, %broadcast_in_dim3A_838 : vector<16xi32>
    %and3A_966 = arith.andi %eq3A_964, %lt3A_965 : vector<16xi1>
    %convert_element_type3A_967 = arith.extui %and3A_966 : vector<16xi1> to vector<16xi32>
    %add3A_968 = arith.addi %add3A_942, %convert_element_type3A_967 : vector<16xi32>
    %get3A_969 = arith.constant 5 : i32
    %get3A_970 = arith.constant 0 : i32
    %get3A_971 = arith.index_cast %get3A_969 : i32 to index
    %get3A_972 = arith.index_cast %get3A_970 : i32 to index
    %get3A_973 = arith.constant 80 : index
    %get3A_974 = tpu.vector_load %arg8[%get3A_971, %get3A_972, %get3A_973] {strides = array<i32>} : memref<8x2x128xf32, #tpu.memory_space<vmem>>, vector<16xf32>,
    %get3A_975 = arith.constant 5 : i32
    %get3A_976 = arith.constant 1 : i32
    %get3A_977 = arith.index_cast %get3A_975 : i32 to index
    %get3A_978 = arith.index_cast %get3A_976 : i32 to index
    %get3A_979 = arith.constant 80 : index
    %get3A_980 = tpu.vector_load %arg8[%get3A_977, %get3A_978, %get3A_979] {strides = array<i32>} : memref<8x2x128xf32, #tpu.memory_space<vmem>>, vector<16xf32>,
    %sub3A_981 = arith.subf %get3A_974, %gather3A_825 : vector<16xf32>
    %sub3A_982 = arith.subf %get3A_980, %gather3A_826 : vector<16xf32>
    %mul3A_983 = arith.mulf %sub3A_981, %sub3A_981 : vector<16xf32>
    %mul3A_984 = arith.mulf %sub3A_982, %sub3A_982 : vector<16xf32>
    %add3A_985 = arith.addf %mul3A_983, %mul3A_984 : vector<16xf32>
    %add3A_986 = arith.constant 80 : i32
    %add3A_987 = arith.addi %mul3A_837, %add3A_986 : i32
    %broadcast_in_dim3A_988 = vector.broadcast %add3A_987 : i32 to vector<16xi32>
    %add3A_989 = arith.addi %broadcast_in_dim3A_988, %iota3A : vector<16xi32>
    %eq3A_990 = arith.cmpf oeq, %add3A_985, %add3A_833 : vector<16xf32>
    %lt3A_991 = arith.cmpi slt, %add3A_989, %broadcast_in_dim3A_838 : vector<16xi32>
    %and3A_992 = arith.andi %eq3A_990, %lt3A_991 : vector<16xi1>
    %convert_element_type3A_993 = arith.extui %and3A_992 : vector<16xi1> to vector<16xi32>
    %add3A_994 = arith.addi %add3A_968, %convert_element_type3A_993 : vector<16xi32>
    %get3A_995 = arith.constant 5 : i32
    %get3A_996 = arith.constant 0 : i32
    %get3A_997 = arith.index_cast %get3A_995 : i32 to index
    %get3A_998 = arith.index_cast %get3A_996 : i32 to index
    %get3A_999 = arith.constant 96 : index
    %get3A_1000 = tpu.vector_load %arg8[%get3A_997, %get3A_998, %get3A_999] {strides = array<i32>} : memref<8x2x128xf32, #tpu.memory_space<vmem>>, vector<16xf32>,
    %get3A_1001 = arith.constant 5 : i32
    %get3A_1002 = arith.constant 1 : i32
    %get3A_1003 = arith.index_cast %get3A_1001 : i32 to index
    %get3A_1004 = arith.index_cast %get3A_1002 : i32 to index
    %get3A_1005 = arith.constant 96 : index
    %get3A_1006 = tpu.vector_load %arg8[%get3A_1003, %get3A_1004, %get3A_1005] {strides = array<i32>} : memref<8x2x128xf32, #tpu.memory_space<vmem>>, vector<16xf32>,
    %sub3A_1007 = arith.subf %get3A_1000, %gather3A_825 : vector<16xf32>
    %sub3A_1008 = arith.subf %get3A_1006, %gather3A_826 : vector<16xf32>
    %mul3A_1009 = arith.mulf %sub3A_1007, %sub3A_1007 : vector<16xf32>
    %mul3A_1010 = arith.mulf %sub3A_1008, %sub3A_1008 : vector<16xf32>
    %add3A_1011 = arith.addf %mul3A_1009, %mul3A_1010 : vector<16xf32>
    %add3A_1012 = arith.constant 96 : i32
    %add3A_1013 = arith.addi %mul3A_837, %add3A_1012 : i32
    %broadcast_in_dim3A_1014 = vector.broadcast %add3A_1013 : i32 to vector<16xi32>
    %add3A_1015 = arith.addi %broadcast_in_dim3A_1014, %iota3A : vector<16xi32>
    %eq3A_1016 = arith.cmpf oeq, %add3A_1011, %add3A_833 : vector<16xf32>
    %lt3A_1017 = arith.cmpi slt, %add3A_1015, %broadcast_in_dim3A_838 : vector<16xi32>
    %and3A_1018 = arith.andi %eq3A_1016, %lt3A_1017 : vector<16xi1>
    %convert_element_type3A_1019 = arith.extui %and3A_1018 : vector<16xi1> to vector<16xi32>
    %add3A_1020 = arith.addi %add3A_994, %convert_element_type3A_1019 : vector<16xi32>
    %get3A_1021 = arith.constant 5 : i32
    %get3A_1022 = arith.constant 0 : i32
    %get3A_1023 = arith.index_cast %get3A_1021 : i32 to index
    %get3A_1024 = arith.index_cast %get3A_1022 : i32 to index
    %get3A_1025 = arith.constant 112 : index
    %get3A_1026 = tpu.vector_load %arg8[%get3A_1023, %get3A_1024, %get3A_1025] {strides = array<i32>} : memref<8x2x128xf32, #tpu.memory_space<vmem>>, vector<16xf32>,
    %get3A_1027 = arith.constant 5 : i32
    %get3A_1028 = arith.constant 1 : i32
    %get3A_1029 = arith.index_cast %get3A_1027 : i32 to index
    %get3A_1030 = arith.index_cast %get3A_1028 : i32 to index
    %get3A_1031 = arith.constant 112 : index
    %get3A_1032 = tpu.vector_load %arg8[%get3A_1029, %get3A_1030, %get3A_1031] {strides = array<i32>} : memref<8x2x128xf32, #tpu.memory_space<vmem>>, vector<16xf32>,
    %sub3A_1033 = arith.subf %get3A_1026, %gather3A_825 : vector<16xf32>
    %sub3A_1034 = arith.subf %get3A_1032, %gather3A_826 : vector<16xf32>
    %mul3A_1035 = arith.mulf %sub3A_1033, %sub3A_1033 : vector<16xf32>
    %mul3A_1036 = arith.mulf %sub3A_1034, %sub3A_1034 : vector<16xf32>
    %add3A_1037 = arith.addf %mul3A_1035, %mul3A_1036 : vector<16xf32>
    %add3A_1038 = arith.constant 112 : i32
    %add3A_1039 = arith.addi %mul3A_837, %add3A_1038 : i32
    %broadcast_in_dim3A_1040 = vector.broadcast %add3A_1039 : i32 to vector<16xi32>
    %add3A_1041 = arith.addi %broadcast_in_dim3A_1040, %iota3A : vector<16xi32>
    %eq3A_1042 = arith.cmpf oeq, %add3A_1037, %add3A_833 : vector<16xf32>
    %lt3A_1043 = arith.cmpi slt, %add3A_1041, %broadcast_in_dim3A_838 : vector<16xi32>
    %and3A_1044 = arith.andi %eq3A_1042, %lt3A_1043 : vector<16xi1>
    %convert_element_type3A_1045 = arith.extui %and3A_1044 : vector<16xi1> to vector<16xi32>
    %add3A_1046 = arith.addi %add3A_1020, %convert_element_type3A_1045 : vector<16xi32>
    %and3A_1047 = arith.constant 127 : i32
    %and3A_1048 = arith.andi %squeeze3A_181, %and3A_1047 : i32
    %broadcast_in_dim3A_1049 = vector.broadcast %and3A_1048 : i32 to vector<16xi32>
    %and3A_1050 = arith.constant 127 : i32
    %and3A_1051 = arith.andi %squeeze3A_184, %and3A_1050 : i32
    %broadcast_in_dim3A_1052 = vector.broadcast %and3A_1051 : i32 to vector<16xi32>
    %broadcast_in_dim3A_1053 = arith.constant 6 : i32
    %broadcast_in_dim3A_1054 = vector.broadcast %broadcast_in_dim3A_1053 : i32 to vector<16xi32>
    %broadcast_in_dim3A_1055 = arith.constant 7 : i32
    %broadcast_in_dim3A_1056 = vector.broadcast %broadcast_in_dim3A_1055 : i32 to vector<16xi32>
    %gather3A_1057 = tpu.vector_load_idx %arg8[%broadcast_in_dim3A_1054, %broadcast_in_dim3A_28, %broadcast_in_dim3A_1049] : memref<8x2x128xf32, #tpu.memory_space<vmem>>[vector<16xi32>, vector<16xi32>, vector<16xi32>], vector<16xf32>,
    %gather3A_1058 = tpu.vector_load_idx %arg8[%broadcast_in_dim3A_1054, %broadcast_in_dim3A_30, %broadcast_in_dim3A_1049] : memref<8x2x128xf32, #tpu.memory_space<vmem>>[vector<16xi32>, vector<16xi32>, vector<16xi32>], vector<16xf32>,
    %gather3A_1059 = tpu.vector_load_idx %arg8[%broadcast_in_dim3A_1056, %broadcast_in_dim3A_28, %broadcast_in_dim3A_1052] : memref<8x2x128xf32, #tpu.memory_space<vmem>>[vector<16xi32>, vector<16xi32>, vector<16xi32>], vector<16xf32>,
    %gather3A_1060 = tpu.vector_load_idx %arg8[%broadcast_in_dim3A_1056, %broadcast_in_dim3A_30, %broadcast_in_dim3A_1052] : memref<8x2x128xf32, #tpu.memory_space<vmem>>[vector<16xi32>, vector<16xi32>, vector<16xi32>], vector<16xf32>,
    %sub3A_1061 = arith.subf %gather3A_1059, %gather3A_1057 : vector<16xf32>
    %sub3A_1062 = arith.subf %gather3A_1060, %gather3A_1058 : vector<16xf32>
    %mul3A_1063 = arith.mulf %sub3A_1061, %sub3A_1061 : vector<16xf32>
    %mul3A_1064 = arith.mulf %sub3A_1062, %sub3A_1062 : vector<16xf32>
    %add3A_1065 = arith.addf %mul3A_1063, %mul3A_1064 : vector<16xf32>
    %bitcast3A_1066 = vector.bitcast %add3A_1065 : vector<16xf32> to vector<16xi32>
    %sub3A_1067 = arith.subi %bitcast3A_1066, %broadcast_in_dim3A_30 : vector<16xi32>
    %mul3A_1068 = arith.constant 128 : i32
    %mul3A_1069 = arith.muli %shift_right_logical3A_188, %mul3A_1068 : i32
    %broadcast_in_dim3A_1070 = vector.broadcast %squeeze3A_184 : i32 to vector<16xi32>
    %get3A_1071 = arith.constant 7 : i32
    %get3A_1072 = arith.constant 0 : i32
    %get3A_1073 = arith.index_cast %get3A_1071 : i32 to index
    %get3A_1074 = arith.index_cast %get3A_1072 : i32 to index
    %get3A_1075 = arith.constant 0 : index
    %get3A_1076 = tpu.vector_load %arg8[%get3A_1073, %get3A_1074, %get3A_1075] {strides = array<i32>} : memref<8x2x128xf32, #tpu.memory_space<vmem>>, vector<16xf32>,
    %get3A_1077 = arith.constant 7 : i32
    %get3A_1078 = arith.constant 1 : i32
    %get3A_1079 = arith.index_cast %get3A_1077 : i32 to index
    %get3A_1080 = arith.index_cast %get3A_1078 : i32 to index
    %get3A_1081 = arith.constant 0 : index
    %get3A_1082 = tpu.vector_load %arg8[%get3A_1079, %get3A_1080, %get3A_1081] {strides = array<i32>} : memref<8x2x128xf32, #tpu.memory_space<vmem>>, vector<16xf32>,
    %sub3A_1083 = arith.subf %get3A_1076, %gather3A_1057 : vector<16xf32>
    %sub3A_1084 = arith.subf %get3A_1082, %gather3A_1058 : vector<16xf32>
    %mul3A_1085 = arith.mulf %sub3A_1083, %sub3A_1083 : vector<16xf32>
    %mul3A_1086 = arith.mulf %sub3A_1084, %sub3A_1084 : vector<16xf32>
    %add3A_1087 = arith.addf %mul3A_1085, %mul3A_1086 : vector<16xf32>
    %add3A_1088 = arith.constant 0 : i32
    %add3A_1089 = arith.addi %mul3A_1069, %add3A_1088 : i32
    %broadcast_in_dim3A_1090 = vector.broadcast %add3A_1089 : i32 to vector<16xi32>
    %add3A_1091 = arith.addi %broadcast_in_dim3A_1090, %iota3A : vector<16xi32>
    %eq3A_1092 = arith.cmpf oeq, %add3A_1087, %add3A_1065 : vector<16xf32>
    %lt3A_1093 = arith.cmpi slt, %add3A_1091, %broadcast_in_dim3A_1070 : vector<16xi32>
    %and3A_1094 = arith.andi %eq3A_1092, %lt3A_1093 : vector<16xi1>
    %convert_element_type3A_1095 = arith.extui %and3A_1094 : vector<16xi1> to vector<16xi32>
    %add3A_1096 = arith.addi %broadcast_in_dim3A_28, %convert_element_type3A_1095 : vector<16xi32>
    %get3A_1097 = arith.constant 7 : i32
    %get3A_1098 = arith.constant 0 : i32
    %get3A_1099 = arith.index_cast %get3A_1097 : i32 to index
    %get3A_1100 = arith.index_cast %get3A_1098 : i32 to index
    %get3A_1101 = arith.constant 16 : index
    %get3A_1102 = tpu.vector_load %arg8[%get3A_1099, %get3A_1100, %get3A_1101] {strides = array<i32>} : memref<8x2x128xf32, #tpu.memory_space<vmem>>, vector<16xf32>,
    %get3A_1103 = arith.constant 7 : i32
    %get3A_1104 = arith.constant 1 : i32
    %get3A_1105 = arith.index_cast %get3A_1103 : i32 to index
    %get3A_1106 = arith.index_cast %get3A_1104 : i32 to index
    %get3A_1107 = arith.constant 16 : index
    %get3A_1108 = tpu.vector_load %arg8[%get3A_1105, %get3A_1106, %get3A_1107] {strides = array<i32>} : memref<8x2x128xf32, #tpu.memory_space<vmem>>, vector<16xf32>,
    %sub3A_1109 = arith.subf %get3A_1102, %gather3A_1057 : vector<16xf32>
    %sub3A_1110 = arith.subf %get3A_1108, %gather3A_1058 : vector<16xf32>
    %mul3A_1111 = arith.mulf %sub3A_1109, %sub3A_1109 : vector<16xf32>
    %mul3A_1112 = arith.mulf %sub3A_1110, %sub3A_1110 : vector<16xf32>
    %add3A_1113 = arith.addf %mul3A_1111, %mul3A_1112 : vector<16xf32>
    %add3A_1114 = arith.constant 16 : i32
    %add3A_1115 = arith.addi %mul3A_1069, %add3A_1114 : i32
    %broadcast_in_dim3A_1116 = vector.broadcast %add3A_1115 : i32 to vector<16xi32>
    %add3A_1117 = arith.addi %broadcast_in_dim3A_1116, %iota3A : vector<16xi32>
    %eq3A_1118 = arith.cmpf oeq, %add3A_1113, %add3A_1065 : vector<16xf32>
    %lt3A_1119 = arith.cmpi slt, %add3A_1117, %broadcast_in_dim3A_1070 : vector<16xi32>
    %and3A_1120 = arith.andi %eq3A_1118, %lt3A_1119 : vector<16xi1>
    %convert_element_type3A_1121 = arith.extui %and3A_1120 : vector<16xi1> to vector<16xi32>
    %add3A_1122 = arith.addi %add3A_1096, %convert_element_type3A_1121 : vector<16xi32>
    %get3A_1123 = arith.constant 7 : i32
    %get3A_1124 = arith.constant 0 : i32
    %get3A_1125 = arith.index_cast %get3A_1123 : i32 to index
    %get3A_1126 = arith.index_cast %get3A_1124 : i32 to index
    %get3A_1127 = arith.constant 32 : index
    %get3A_1128 = tpu.vector_load %arg8[%get3A_1125, %get3A_1126, %get3A_1127] {strides = array<i32>} : memref<8x2x128xf32, #tpu.memory_space<vmem>>, vector<16xf32>,
    %get3A_1129 = arith.constant 7 : i32
    %get3A_1130 = arith.constant 1 : i32
    %get3A_1131 = arith.index_cast %get3A_1129 : i32 to index
    %get3A_1132 = arith.index_cast %get3A_1130 : i32 to index
    %get3A_1133 = arith.constant 32 : index
    %get3A_1134 = tpu.vector_load %arg8[%get3A_1131, %get3A_1132, %get3A_1133] {strides = array<i32>} : memref<8x2x128xf32, #tpu.memory_space<vmem>>, vector<16xf32>,
    %sub3A_1135 = arith.subf %get3A_1128, %gather3A_1057 : vector<16xf32>
    %sub3A_1136 = arith.subf %get3A_1134, %gather3A_1058 : vector<16xf32>
    %mul3A_1137 = arith.mulf %sub3A_1135, %sub3A_1135 : vector<16xf32>
    %mul3A_1138 = arith.mulf %sub3A_1136, %sub3A_1136 : vector<16xf32>
    %add3A_1139 = arith.addf %mul3A_1137, %mul3A_1138 : vector<16xf32>
    %add3A_1140 = arith.constant 32 : i32
    %add3A_1141 = arith.addi %mul3A_1069, %add3A_1140 : i32
    %broadcast_in_dim3A_1142 = vector.broadcast %add3A_1141 : i32 to vector<16xi32>
    %add3A_1143 = arith.addi %broadcast_in_dim3A_1142, %iota3A : vector<16xi32>
    %eq3A_1144 = arith.cmpf oeq, %add3A_1139, %add3A_1065 : vector<16xf32>
    %lt3A_1145 = arith.cmpi slt, %add3A_1143, %broadcast_in_dim3A_1070 : vector<16xi32>
    %and3A_1146 = arith.andi %eq3A_1144, %lt3A_1145 : vector<16xi1>
    %convert_element_type3A_1147 = arith.extui %and3A_1146 : vector<16xi1> to vector<16xi32>
    %add3A_1148 = arith.addi %add3A_1122, %convert_element_type3A_1147 : vector<16xi32>
    %get3A_1149 = arith.constant 7 : i32
    %get3A_1150 = arith.constant 0 : i32
    %get3A_1151 = arith.index_cast %get3A_1149 : i32 to index
    %get3A_1152 = arith.index_cast %get3A_1150 : i32 to index
    %get3A_1153 = arith.constant 48 : index
    %get3A_1154 = tpu.vector_load %arg8[%get3A_1151, %get3A_1152, %get3A_1153] {strides = array<i32>} : memref<8x2x128xf32, #tpu.memory_space<vmem>>, vector<16xf32>,
    %get3A_1155 = arith.constant 7 : i32
    %get3A_1156 = arith.constant 1 : i32
    %get3A_1157 = arith.index_cast %get3A_1155 : i32 to index
    %get3A_1158 = arith.index_cast %get3A_1156 : i32 to index
    %get3A_1159 = arith.constant 48 : index
    %get3A_1160 = tpu.vector_load %arg8[%get3A_1157, %get3A_1158, %get3A_1159] {strides = array<i32>} : memref<8x2x128xf32, #tpu.memory_space<vmem>>, vector<16xf32>,
    %sub3A_1161 = arith.subf %get3A_1154, %gather3A_1057 : vector<16xf32>
    %sub3A_1162 = arith.subf %get3A_1160, %gather3A_1058 : vector<16xf32>
    %mul3A_1163 = arith.mulf %sub3A_1161, %sub3A_1161 : vector<16xf32>
    %mul3A_1164 = arith.mulf %sub3A_1162, %sub3A_1162 : vector<16xf32>
    %add3A_1165 = arith.addf %mul3A_1163, %mul3A_1164 : vector<16xf32>
    %add3A_1166 = arith.constant 48 : i32
    %add3A_1167 = arith.addi %mul3A_1069, %add3A_1166 : i32
    %broadcast_in_dim3A_1168 = vector.broadcast %add3A_1167 : i32 to vector<16xi32>
    %add3A_1169 = arith.addi %broadcast_in_dim3A_1168, %iota3A : vector<16xi32>
    %eq3A_1170 = arith.cmpf oeq, %add3A_1165, %add3A_1065 : vector<16xf32>
    %lt3A_1171 = arith.cmpi slt, %add3A_1169, %broadcast_in_dim3A_1070 : vector<16xi32>
    %and3A_1172 = arith.andi %eq3A_1170, %lt3A_1171 : vector<16xi1>
    %convert_element_type3A_1173 = arith.extui %and3A_1172 : vector<16xi1> to vector<16xi32>
    %add3A_1174 = arith.addi %add3A_1148, %convert_element_type3A_1173 : vector<16xi32>
    %get3A_1175 = arith.constant 7 : i32
    %get3A_1176 = arith.constant 0 : i32
    %get3A_1177 = arith.index_cast %get3A_1175 : i32 to index
    %get3A_1178 = arith.index_cast %get3A_1176 : i32 to index
    %get3A_1179 = arith.constant 64 : index
    %get3A_1180 = tpu.vector_load %arg8[%get3A_1177, %get3A_1178, %get3A_1179] {strides = array<i32>} : memref<8x2x128xf32, #tpu.memory_space<vmem>>, vector<16xf32>,
    %get3A_1181 = arith.constant 7 : i32
    %get3A_1182 = arith.constant 1 : i32
    %get3A_1183 = arith.index_cast %get3A_1181 : i32 to index
    %get3A_1184 = arith.index_cast %get3A_1182 : i32 to index
    %get3A_1185 = arith.constant 64 : index
    %get3A_1186 = tpu.vector_load %arg8[%get3A_1183, %get3A_1184, %get3A_1185] {strides = array<i32>} : memref<8x2x128xf32, #tpu.memory_space<vmem>>, vector<16xf32>,
    %sub3A_1187 = arith.subf %get3A_1180, %gather3A_1057 : vector<16xf32>
    %sub3A_1188 = arith.subf %get3A_1186, %gather3A_1058 : vector<16xf32>
    %mul3A_1189 = arith.mulf %sub3A_1187, %sub3A_1187 : vector<16xf32>
    %mul3A_1190 = arith.mulf %sub3A_1188, %sub3A_1188 : vector<16xf32>
    %add3A_1191 = arith.addf %mul3A_1189, %mul3A_1190 : vector<16xf32>
    %add3A_1192 = arith.constant 64 : i32
    %add3A_1193 = arith.addi %mul3A_1069, %add3A_1192 : i32
    %broadcast_in_dim3A_1194 = vector.broadcast %add3A_1193 : i32 to vector<16xi32>
    %add3A_1195 = arith.addi %broadcast_in_dim3A_1194, %iota3A : vector<16xi32>
    %eq3A_1196 = arith.cmpf oeq, %add3A_1191, %add3A_1065 : vector<16xf32>
    %lt3A_1197 = arith.cmpi slt, %add3A_1195, %broadcast_in_dim3A_1070 : vector<16xi32>
    %and3A_1198 = arith.andi %eq3A_1196, %lt3A_1197 : vector<16xi1>
    %convert_element_type3A_1199 = arith.extui %and3A_1198 : vector<16xi1> to vector<16xi32>
    %add3A_1200 = arith.addi %add3A_1174, %convert_element_type3A_1199 : vector<16xi32>
    %get3A_1201 = arith.constant 7 : i32
    %get3A_1202 = arith.constant 0 : i32
    %get3A_1203 = arith.index_cast %get3A_1201 : i32 to index
    %get3A_1204 = arith.index_cast %get3A_1202 : i32 to index
    %get3A_1205 = arith.constant 80 : index
    %get3A_1206 = tpu.vector_load %arg8[%get3A_1203, %get3A_1204, %get3A_1205] {strides = array<i32>} : memref<8x2x128xf32, #tpu.memory_space<vmem>>, vector<16xf32>,
    %get3A_1207 = arith.constant 7 : i32
    %get3A_1208 = arith.constant 1 : i32
    %get3A_1209 = arith.index_cast %get3A_1207 : i32 to index
    %get3A_1210 = arith.index_cast %get3A_1208 : i32 to index
    %get3A_1211 = arith.constant 80 : index
    %get3A_1212 = tpu.vector_load %arg8[%get3A_1209, %get3A_1210, %get3A_1211] {strides = array<i32>} : memref<8x2x128xf32, #tpu.memory_space<vmem>>, vector<16xf32>,
    %sub3A_1213 = arith.subf %get3A_1206, %gather3A_1057 : vector<16xf32>
    %sub3A_1214 = arith.subf %get3A_1212, %gather3A_1058 : vector<16xf32>
    %mul3A_1215 = arith.mulf %sub3A_1213, %sub3A_1213 : vector<16xf32>
    %mul3A_1216 = arith.mulf %sub3A_1214, %sub3A_1214 : vector<16xf32>
    %add3A_1217 = arith.addf %mul3A_1215, %mul3A_1216 : vector<16xf32>
    %add3A_1218 = arith.constant 80 : i32
    %add3A_1219 = arith.addi %mul3A_1069, %add3A_1218 : i32
    %broadcast_in_dim3A_1220 = vector.broadcast %add3A_1219 : i32 to vector<16xi32>
    %add3A_1221 = arith.addi %broadcast_in_dim3A_1220, %iota3A : vector<16xi32>
    %eq3A_1222 = arith.cmpf oeq, %add3A_1217, %add3A_1065 : vector<16xf32>
    %lt3A_1223 = arith.cmpi slt, %add3A_1221, %broadcast_in_dim3A_1070 : vector<16xi32>
    %and3A_1224 = arith.andi %eq3A_1222, %lt3A_1223 : vector<16xi1>
    %convert_element_type3A_1225 = arith.extui %and3A_1224 : vector<16xi1> to vector<16xi32>
    %add3A_1226 = arith.addi %add3A_1200, %convert_element_type3A_1225 : vector<16xi32>
    %get3A_1227 = arith.constant 7 : i32
    %get3A_1228 = arith.constant 0 : i32
    %get3A_1229 = arith.index_cast %get3A_1227 : i32 to index
    %get3A_1230 = arith.index_cast %get3A_1228 : i32 to index
    %get3A_1231 = arith.constant 96 : index
    %get3A_1232 = tpu.vector_load %arg8[%get3A_1229, %get3A_1230, %get3A_1231] {strides = array<i32>} : memref<8x2x128xf32, #tpu.memory_space<vmem>>, vector<16xf32>,
    %get3A_1233 = arith.constant 7 : i32
    %get3A_1234 = arith.constant 1 : i32
    %get3A_1235 = arith.index_cast %get3A_1233 : i32 to index
    %get3A_1236 = arith.index_cast %get3A_1234 : i32 to index
    %get3A_1237 = arith.constant 96 : index
    %get3A_1238 = tpu.vector_load %arg8[%get3A_1235, %get3A_1236, %get3A_1237] {strides = array<i32>} : memref<8x2x128xf32, #tpu.memory_space<vmem>>, vector<16xf32>,
    %sub3A_1239 = arith.subf %get3A_1232, %gather3A_1057 : vector<16xf32>
    %sub3A_1240 = arith.subf %get3A_1238, %gather3A_1058 : vector<16xf32>
    %mul3A_1241 = arith.mulf %sub3A_1239, %sub3A_1239 : vector<16xf32>
    %mul3A_1242 = arith.mulf %sub3A_1240, %sub3A_1240 : vector<16xf32>
    %add3A_1243 = arith.addf %mul3A_1241, %mul3A_1242 : vector<16xf32>
    %add3A_1244 = arith.constant 96 : i32
    %add3A_1245 = arith.addi %mul3A_1069, %add3A_1244 : i32
    %broadcast_in_dim3A_1246 = vector.broadcast %add3A_1245 : i32 to vector<16xi32>
    %add3A_1247 = arith.addi %broadcast_in_dim3A_1246, %iota3A : vector<16xi32>
    %eq3A_1248 = arith.cmpf oeq, %add3A_1243, %add3A_1065 : vector<16xf32>
    %lt3A_1249 = arith.cmpi slt, %add3A_1247, %broadcast_in_dim3A_1070 : vector<16xi32>
    %and3A_1250 = arith.andi %eq3A_1248, %lt3A_1249 : vector<16xi1>
    %convert_element_type3A_1251 = arith.extui %and3A_1250 : vector<16xi1> to vector<16xi32>
    %add3A_1252 = arith.addi %add3A_1226, %convert_element_type3A_1251 : vector<16xi32>
    %get3A_1253 = arith.constant 7 : i32
    %get3A_1254 = arith.constant 0 : i32
    %get3A_1255 = arith.index_cast %get3A_1253 : i32 to index
    %get3A_1256 = arith.index_cast %get3A_1254 : i32 to index
    %get3A_1257 = arith.constant 112 : index
    %get3A_1258 = tpu.vector_load %arg8[%get3A_1255, %get3A_1256, %get3A_1257] {strides = array<i32>} : memref<8x2x128xf32, #tpu.memory_space<vmem>>, vector<16xf32>,
    %get3A_1259 = arith.constant 7 : i32
    %get3A_1260 = arith.constant 1 : i32
    %get3A_1261 = arith.index_cast %get3A_1259 : i32 to index
    %get3A_1262 = arith.index_cast %get3A_1260 : i32 to index
    %get3A_1263 = arith.constant 112 : index
    %get3A_1264 = tpu.vector_load %arg8[%get3A_1261, %get3A_1262, %get3A_1263] {strides = array<i32>} : memref<8x2x128xf32, #tpu.memory_space<vmem>>, vector<16xf32>,
    %sub3A_1265 = arith.subf %get3A_1258, %gather3A_1057 : vector<16xf32>
    %sub3A_1266 = arith.subf %get3A_1264, %gather3A_1058 : vector<16xf32>
    %mul3A_1267 = arith.mulf %sub3A_1265, %sub3A_1265 : vector<16xf32>
    %mul3A_1268 = arith.mulf %sub3A_1266, %sub3A_1266 : vector<16xf32>
    %add3A_1269 = arith.addf %mul3A_1267, %mul3A_1268 : vector<16xf32>
    %add3A_1270 = arith.constant 112 : i32
    %add3A_1271 = arith.addi %mul3A_1069, %add3A_1270 : i32
    %broadcast_in_dim3A_1272 = vector.broadcast %add3A_1271 : i32 to vector<16xi32>
    %add3A_1273 = arith.addi %broadcast_in_dim3A_1272, %iota3A : vector<16xi32>
    %eq3A_1274 = arith.cmpf oeq, %add3A_1269, %add3A_1065 : vector<16xf32>
    %lt3A_1275 = arith.cmpi slt, %add3A_1273, %broadcast_in_dim3A_1070 : vector<16xi32>
    %and3A_1276 = arith.andi %eq3A_1274, %lt3A_1275 : vector<16xi1>
    %convert_element_type3A_1277 = arith.extui %and3A_1276 : vector<16xi1> to vector<16xi32>
    %add3A_1278 = arith.addi %add3A_1252, %convert_element_type3A_1277 : vector<16xi32>
    %broadcast_in_dim3A_1279 = arith.constant 0.000000e+00 : f32
    %broadcast_in_dim3A_1280 = vector.broadcast %broadcast_in_dim3A_1279 : f32 to vector<16xf32>
    %and3A_1281 = arith.constant 127 : i32
    %and3A_1282 = arith.andi %squeeze3A, %and3A_1281 : i32
    %broadcast_in_dim3A_1283 = vector.broadcast %and3A_1282 : i32 to vector<16xi32>
    %broadcast_in_dim3A_1284 = arith.constant 0 : i32
    %broadcast_in_dim3A_1285 = vector.broadcast %broadcast_in_dim3A_1284 : i32 to vector<16xi32>
    %gather3A_1286 = tpu.vector_load_idx %arg8[%broadcast_in_dim3A_1285, %broadcast_in_dim3A_28, %broadcast_in_dim3A_1283] : memref<8x2x128xf32, #tpu.memory_space<vmem>>[vector<16xi32>, vector<16xi32>, vector<16xi32>], vector<16xf32>,
    %gather3A_1287 = tpu.vector_load_idx %arg8[%broadcast_in_dim3A_1285, %broadcast_in_dim3A_30, %broadcast_in_dim3A_1283] : memref<8x2x128xf32, #tpu.memory_space<vmem>>[vector<16xi32>, vector<16xi32>, vector<16xi32>], vector<16xf32>,
    %reduce_sum3A = arith.constant true
    %reduce_sum3A_1288 = vector.broadcast %reduce_sum3A : i1 to vector<16xi1>
    %reduce_sum3A_1289 = tpu.scan <sum>, %add3A_582 masked %reduce_sum3A_1288 : vector<16xi32>, vector<16xi1> -> vector<16xi32>
    %reduce_sum3A_1290 = vector.extract %reduce_sum3A_1289[15] : i32 from vector<16xi32>
    %add3A_1291 = vector.broadcast %reduce_sum3A_1290 : i32 to vector<16xi32>
    %add3A_1292 = arith.addi %add3A_1291, %broadcast_in_dim3A_28 : vector<16xi32>
    %dma_wait3A_1293 = arith.constant 0 : i32
    %dma_wait3A_1294 = arith.constant 0 : i32
    %dma_wait3A_1295 = arith.constant 0 : i32
    %dma_wait3A_1296 = tpu.memref_slice %arg2[%add3A_4, %dma_wait3A_1293, %dma_wait3A_1294, %dma_wait3A_1295] : memref<128x256x4x128xf32, #tpu.memory_space<hbm>> -> memref<1x128x2x128xf32, #tpu.memory_space<hbm>>
    %dma_wait3A_1297 = tpu.memref_squeeze %dma_wait3A_1296 : memref<1x128x2x128xf32, #tpu.memory_space<hbm>> -> memref<128x2x128xf32, #tpu.memory_space<hbm>>
    %dma_wait3A_1298 = arith.constant 0 : i32
    %dma_wait3A_1299 = arith.constant 0 : i32
    %dma_wait3A_1300 = arith.constant 0 : i32
    %dma_wait3A_1301 = tpu.memref_slice %arg2[%add3A_4, %dma_wait3A_1298, %dma_wait3A_1299, %dma_wait3A_1300] : memref<128x256x4x128xf32, #tpu.memory_space<hbm>> -> memref<1x128x2x128xf32, #tpu.memory_space<hbm>>
    %dma_wait3A_1302 = tpu.memref_squeeze %dma_wait3A_1301 : memref<1x128x2x128xf32, #tpu.memory_space<hbm>> -> memref<128x2x128xf32, #tpu.memory_space<hbm>>
    tpu.wait_dma2 semaphore(%arg13 : memref<!tpu.dma_semaphore, #tpu.memory_space<semaphore_mem>>) src(%dma_wait3A_1302 : memref<128x2x128xf32, #tpu.memory_space<hbm>>) dst(%arg9 : memref<128x2x128xf32, #tpu.memory_space<vmem>>)
    %mul3A_1303 = arith.constant 4 : i32
    %mul3A_1304 = arith.muli %add3A, %mul3A_1303 : i32
    %add3A_1305 = arith.constant 1 : i32
    %add3A_1306 = arith.addi %mul3A_1304, %add3A_1305 : i32
    %dma_start3A_1307 = arith.constant 0 : i32
    %dma_start3A_1308 = arith.constant 0 : i32
    %dma_start3A_1309 = arith.constant 0 : i32
    %dma_start3A_1310 = tpu.memref_slice %arg2[%add3A_1306, %dma_start3A_1307, %dma_start3A_1308, %dma_start3A_1309] : memref<128x256x4x128xf32, #tpu.memory_space<hbm>> -> memref<1x128x2x128xf32, #tpu.memory_space<hbm>>
    %dma_start3A_1311 = tpu.memref_squeeze %dma_start3A_1310 : memref<1x128x2x128xf32, #tpu.memory_space<hbm>> -> memref<128x2x128xf32, #tpu.memory_space<hbm>>
    %dma_start3A_1312 = arith.constant 0 : i32
    %dma_start3A_1313 = arith.constant 0 : i32
    %dma_start3A_1314 = arith.constant 0 : i32
    %dma_start3A_1315 = tpu.memref_slice %arg2[%add3A_1306, %dma_start3A_1312, %dma_start3A_1313, %dma_start3A_1314] : memref<128x256x4x128xf32, #tpu.memory_space<hbm>> -> memref<1x128x2x128xf32, #tpu.memory_space<hbm>>
    %dma_start3A_1316 = tpu.memref_squeeze %dma_start3A_1315 : memref<1x128x2x128xf32, #tpu.memory_space<hbm>> -> memref<128x2x128xf32, #tpu.memory_space<hbm>>
    tpu.enqueue_dma source(%dma_start3A_1316 : memref<128x2x128xf32, #tpu.memory_space<hbm>>) target(%arg11 : memref<128x2x128xf32, #tpu.memory_space<vmem>>) target_semaphore(%arg15 : memref<!tpu.dma_semaphore, #tpu.memory_space<semaphore_mem>>)
    %sub3A_1317 = arith.constant 0 : i32
    %sub3A_1318 = arith.subi %shift_right_logical3A_41, %sub3A_1317 : i32
    %scan3A = arith.constant 0 : i32
    %scan3A_1319 = arith.constant 128 : i32
    %scan3A_1320 = arith.addi %scan3A, %scan3A_1319 : i32
    %scan3A_1321 = arith.constant 1 : i32
    %scan3A_1322:2 = scf.for %scan3A_1650 = %scan3A to %scan3A_1320 step %scan3A_1321 iter_args(%scan3A_1651 = %add3A_1292, %scan3A_1652 = %broadcast_in_dim3A_28) -> (vector<16xi32>, vector<16xi32>)  : i32 {
      %lt3A_1653 = arith.cmpi slt, %scan3A_1650, %sub3A_1318 : i32
      %select_n3A_1654 = arith.select %lt3A_1653, %sub3A_375, %bitcast3A : vector<16xi32>
      %get3A_1655 = arith.constant 0 : i32
      %get3A_1656 = arith.index_cast %scan3A_1650 : i32 to index
      %get3A_1657 = arith.index_cast %get3A_1655 : i32 to index
      %get3A_1658 = arith.constant 0 : index
      %get3A_1659 = tpu.vector_load %arg9[%get3A_1656, %get3A_1657, %get3A_1658] {strides = array<i32>} : memref<128x2x128xf32, #tpu.memory_space<vmem>>, vector<16xf32>,
      %get3A_1660 = arith.constant 1 : i32
      %get3A_1661 = arith.index_cast %scan3A_1650 : i32 to index
      %get3A_1662 = arith.index_cast %get3A_1660 : i32 to index
      %get3A_1663 = arith.constant 0 : index
      %get3A_1664 = tpu.vector_load %arg9[%get3A_1661, %get3A_1662, %get3A_1663] {strides = array<i32>} : memref<128x2x128xf32, #tpu.memory_space<vmem>>, vector<16xf32>,
      %sub3A_1665 = arith.subf %get3A_1659, %gather3A_1286 : vector<16xf32>
      %sub3A_1666 = arith.subf %get3A_1664, %gather3A_1287 : vector<16xf32>
      %mul3A_1667 = arith.mulf %sub3A_1665, %sub3A_1665 : vector<16xf32>
      %mul3A_1668 = arith.mulf %sub3A_1666, %sub3A_1666 : vector<16xf32>
      %add3A_1669 = arith.addf %mul3A_1667, %mul3A_1668 : vector<16xf32>
      %bitcast3A_1670 = vector.bitcast %add3A_1669 : vector<16xf32> to vector<16xi32>
      %gt3A = arith.cmpi sgt, %bitcast3A_1670, %select_n3A_1654 : vector<16xi32>
      %all_reduce_population_count3A = tpu.all_reduce %gt3A {dim = 0 : i64, kind = #tpu.reduction_kind<sum>} : vector<16xi1> -> vector<16xi32>
      %add3A_1671 = arith.addi %scan3A_1651, %all_reduce_population_count3A : vector<16xi32>
      %get3A_1672 = arith.constant 0 : i32
      %get3A_1673 = arith.index_cast %scan3A_1650 : i32 to index
      %get3A_1674 = arith.index_cast %get3A_1672 : i32 to index
      %get3A_1675 = arith.constant 16 : index
      %get3A_1676 = tpu.vector_load %arg9[%get3A_1673, %get3A_1674, %get3A_1675] {strides = array<i32>} : memref<128x2x128xf32, #tpu.memory_space<vmem>>, vector<16xf32>,
      %get3A_1677 = arith.constant 1 : i32
      %get3A_1678 = arith.index_cast %scan3A_1650 : i32 to index
      %get3A_1679 = arith.index_cast %get3A_1677 : i32 to index
      %get3A_1680 = arith.constant 16 : index
      %get3A_1681 = tpu.vector_load %arg9[%get3A_1678, %get3A_1679, %get3A_1680] {strides = array<i32>} : memref<128x2x128xf32, #tpu.memory_space<vmem>>, vector<16xf32>,
      %sub3A_1682 = arith.subf %get3A_1676, %gather3A_1286 : vector<16xf32>
      %sub3A_1683 = arith.subf %get3A_1681, %gather3A_1287 : vector<16xf32>
      %mul3A_1684 = arith.mulf %sub3A_1682, %sub3A_1682 : vector<16xf32>
      %mul3A_1685 = arith.mulf %sub3A_1683, %sub3A_1683 : vector<16xf32>
      %add3A_1686 = arith.addf %mul3A_1684, %mul3A_1685 : vector<16xf32>
      %bitcast3A_1687 = vector.bitcast %add3A_1686 : vector<16xf32> to vector<16xi32>
      %gt3A_1688 = arith.cmpi sgt, %bitcast3A_1687, %select_n3A_1654 : vector<16xi32>
      %all_reduce_population_count3A_1689 = tpu.all_reduce %gt3A_1688 {dim = 0 : i64, kind = #tpu.reduction_kind<sum>} : vector<16xi1> -> vector<16xi32>
      %add3A_1690 = arith.addi %scan3A_1652, %all_reduce_population_count3A_1689 : vector<16xi32>
      %get3A_1691 = arith.constant 0 : i32
      %get3A_1692 = arith.index_cast %scan3A_1650 : i32 to index
      %get3A_1693 = arith.index_cast %get3A_1691 : i32 to index
      %get3A_1694 = arith.constant 32 : index
      %get3A_1695 = tpu.vector_load %arg9[%get3A_1692, %get3A_1693, %get3A_1694] {strides = array<i32>} : memref<128x2x128xf32, #tpu.memory_space<vmem>>, vector<16xf32>,
      %get3A_1696 = arith.constant 1 : i32
      %get3A_1697 = arith.index_cast %scan3A_1650 : i32 to index
      %get3A_1698 = arith.index_cast %get3A_1696 : i32 to index
      %get3A_1699 = arith.constant 32 : index
      %get3A_1700 = tpu.vector_load %arg9[%get3A_1697, %get3A_1698, %get3A_1699] {strides = array<i32>} : memref<128x2x128xf32, #tpu.memory_space<vmem>>, vector<16xf32>,
      %sub3A_1701 = arith.subf %get3A_1695, %gather3A_1286 : vector<16xf32>
      %sub3A_1702 = arith.subf %get3A_1700, %gather3A_1287 : vector<16xf32>
      %mul3A_1703 = arith.mulf %sub3A_1701, %sub3A_1701 : vector<16xf32>
      %mul3A_1704 = arith.mulf %sub3A_1702, %sub3A_1702 : vector<16xf32>
      %add3A_1705 = arith.addf %mul3A_1703, %mul3A_1704 : vector<16xf32>
      %bitcast3A_1706 = vector.bitcast %add3A_1705 : vector<16xf32> to vector<16xi32>
      %gt3A_1707 = arith.cmpi sgt, %bitcast3A_1706, %select_n3A_1654 : vector<16xi32>
      %all_reduce_population_count3A_1708 = tpu.all_reduce %gt3A_1707 {dim = 0 : i64, kind = #tpu.reduction_kind<sum>} : vector<16xi1> -> vector<16xi32>
      %add3A_1709 = arith.addi %add3A_1671, %all_reduce_population_count3A_1708 : vector<16xi32>
      %get3A_1710 = arith.constant 0 : i32
      %get3A_1711 = arith.index_cast %scan3A_1650 : i32 to index
      %get3A_1712 = arith.index_cast %get3A_1710 : i32 to index
      %get3A_1713 = arith.constant 48 : index
      %get3A_1714 = tpu.vector_load %arg9[%get3A_1711, %get3A_1712, %get3A_1713] {strides = array<i32>} : memref<128x2x128xf32, #tpu.memory_space<vmem>>, vector<16xf32>,
      %get3A_1715 = arith.constant 1 : i32
      %get3A_1716 = arith.index_cast %scan3A_1650 : i32 to index
      %get3A_1717 = arith.index_cast %get3A_1715 : i32 to index
      %get3A_1718 = arith.constant 48 : index
      %get3A_1719 = tpu.vector_load %arg9[%get3A_1716, %get3A_1717, %get3A_1718] {strides = array<i32>} : memref<128x2x128xf32, #tpu.memory_space<vmem>>, vector<16xf32>,
      %sub3A_1720 = arith.subf %get3A_1714, %gather3A_1286 : vector<16xf32>
      %sub3A_1721 = arith.subf %get3A_1719, %gather3A_1287 : vector<16xf32>
      %mul3A_1722 = arith.mulf %sub3A_1720, %sub3A_1720 : vector<16xf32>
      %mul3A_1723 = arith.mulf %sub3A_1721, %sub3A_1721 : vector<16xf32>
      %add3A_1724 = arith.addf %mul3A_1722, %mul3A_1723 : vector<16xf32>
      %bitcast3A_1725 = vector.bitcast %add3A_1724 : vector<16xf32> to vector<16xi32>
      %gt3A_1726 = arith.cmpi sgt, %bitcast3A_1725, %select_n3A_1654 : vector<16xi32>
      %all_reduce_population_count3A_1727 = tpu.all_reduce %gt3A_1726 {dim = 0 : i64, kind = #tpu.reduction_kind<sum>} : vector<16xi1> -> vector<16xi32>
      %add3A_1728 = arith.addi %add3A_1690, %all_reduce_population_count3A_1727 : vector<16xi32>
      %get3A_1729 = arith.constant 0 : i32
      %get3A_1730 = arith.index_cast %scan3A_1650 : i32 to index
      %get3A_1731 = arith.index_cast %get3A_1729 : i32 to index
      %get3A_1732 = arith.constant 64 : index
      %get3A_1733 = tpu.vector_load %arg9[%get3A_1730, %get3A_1731, %get3A_1732] {strides = array<i32>} : memref<128x2x128xf32, #tpu.memory_space<vmem>>, vector<16xf32>,
      %get3A_1734 = arith.constant 1 : i32
      %get3A_1735 = arith.index_cast %scan3A_1650 : i32 to index
      %get3A_1736 = arith.index_cast %get3A_1734 : i32 to index
      %get3A_1737 = arith.constant 64 : index
      %get3A_1738 = tpu.vector_load %arg9[%get3A_1735, %get3A_1736, %get3A_1737] {strides = array<i32>} : memref<128x2x128xf32, #tpu.memory_space<vmem>>, vector<16xf32>,
      %sub3A_1739 = arith.subf %get3A_1733, %gather3A_1286 : vector<16xf32>
      %sub3A_1740 = arith.subf %get3A_1738, %gather3A_1287 : vector<16xf32>
      %mul3A_1741 = arith.mulf %sub3A_1739, %sub3A_1739 : vector<16xf32>
      %mul3A_1742 = arith.mulf %sub3A_1740, %sub3A_1740 : vector<16xf32>
      %add3A_1743 = arith.addf %mul3A_1741, %mul3A_1742 : vector<16xf32>
      %bitcast3A_1744 = vector.bitcast %add3A_1743 : vector<16xf32> to vector<16xi32>
      %gt3A_1745 = arith.cmpi sgt, %bitcast3A_1744, %select_n3A_1654 : vector<16xi32>
      %all_reduce_population_count3A_1746 = tpu.all_reduce %gt3A_1745 {dim = 0 : i64, kind = #tpu.reduction_kind<sum>} : vector<16xi1> -> vector<16xi32>
      %add3A_1747 = arith.addi %add3A_1709, %all_reduce_population_count3A_1746 : vector<16xi32>
      %get3A_1748 = arith.constant 0 : i32
      %get3A_1749 = arith.index_cast %scan3A_1650 : i32 to index
      %get3A_1750 = arith.index_cast %get3A_1748 : i32 to index
      %get3A_1751 = arith.constant 80 : index
      %get3A_1752 = tpu.vector_load %arg9[%get3A_1749, %get3A_1750, %get3A_1751] {strides = array<i32>} : memref<128x2x128xf32, #tpu.memory_space<vmem>>, vector<16xf32>,
      %get3A_1753 = arith.constant 1 : i32
      %get3A_1754 = arith.index_cast %scan3A_1650 : i32 to index
      %get3A_1755 = arith.index_cast %get3A_1753 : i32 to index
      %get3A_1756 = arith.constant 80 : index
      %get3A_1757 = tpu.vector_load %arg9[%get3A_1754, %get3A_1755, %get3A_1756] {strides = array<i32>} : memref<128x2x128xf32, #tpu.memory_space<vmem>>, vector<16xf32>,
      %sub3A_1758 = arith.subf %get3A_1752, %gather3A_1286 : vector<16xf32>
      %sub3A_1759 = arith.subf %get3A_1757, %gather3A_1287 : vector<16xf32>
      %mul3A_1760 = arith.mulf %sub3A_1758, %sub3A_1758 : vector<16xf32>
      %mul3A_1761 = arith.mulf %sub3A_1759, %sub3A_1759 : vector<16xf32>
      %add3A_1762 = arith.addf %mul3A_1760, %mul3A_1761 : vector<16xf32>
      %bitcast3A_1763 = vector.bitcast %add3A_1762 : vector<16xf32> to vector<16xi32>
      %gt3A_1764 = arith.cmpi sgt, %bitcast3A_1763, %select_n3A_1654 : vector<16xi32>
      %all_reduce_population_count3A_1765 = tpu.all_reduce %gt3A_1764 {dim = 0 : i64, kind = #tpu.reduction_kind<sum>} : vector<16xi1> -> vector<16xi32>
      %add3A_1766 = arith.addi %add3A_1728, %all_reduce_population_count3A_1765 : vector<16xi32>
      %get3A_1767 = arith.constant 0 : i32
      %get3A_1768 = arith.index_cast %scan3A_1650 : i32 to index
      %get3A_1769 = arith.index_cast %get3A_1767 : i32 to index
      %get3A_1770 = arith.constant 96 : index
      %get3A_1771 = tpu.vector_load %arg9[%get3A_1768, %get3A_1769, %get3A_1770] {strides = array<i32>} : memref<128x2x128xf32, #tpu.memory_space<vmem>>, vector<16xf32>,
      %get3A_1772 = arith.constant 1 : i32
      %get3A_1773 = arith.index_cast %scan3A_1650 : i32 to index
      %get3A_1774 = arith.index_cast %get3A_1772 : i32 to index
      %get3A_1775 = arith.constant 96 : index
      %get3A_1776 = tpu.vector_load %arg9[%get3A_1773, %get3A_1774, %get3A_1775] {strides = array<i32>} : memref<128x2x128xf32, #tpu.memory_space<vmem>>, vector<16xf32>,
      %sub3A_1777 = arith.subf %get3A_1771, %gather3A_1286 : vector<16xf32>
      %sub3A_1778 = arith.subf %get3A_1776, %gather3A_1287 : vector<16xf32>
      %mul3A_1779 = arith.mulf %sub3A_1777, %sub3A_1777 : vector<16xf32>
      %mul3A_1780 = arith.mulf %sub3A_1778, %sub3A_1778 : vector<16xf32>
      %add3A_1781 = arith.addf %mul3A_1779, %mul3A_1780 : vector<16xf32>
      %bitcast3A_1782 = vector.bitcast %add3A_1781 : vector<16xf32> to vector<16xi32>
      %gt3A_1783 = arith.cmpi sgt, %bitcast3A_1782, %select_n3A_1654 : vector<16xi32>
      %all_reduce_population_count3A_1784 = tpu.all_reduce %gt3A_1783 {dim = 0 : i64, kind = #tpu.reduction_kind<sum>} : vector<16xi1> -> vector<16xi32>
      %add3A_1785 = arith.addi %add3A_1747, %all_reduce_population_count3A_1784 : vector<16xi32>
      %get3A_1786 = arith.constant 0 : i32
      %get3A_1787 = arith.index_cast %scan3A_1650 : i32 to index
      %get3A_1788 = arith.index_cast %get3A_1786 : i32 to index
      %get3A_1789 = arith.constant 112 : index
      %get3A_1790 = tpu.vector_load %arg9[%get3A_1787, %get3A_1788, %get3A_1789] {strides = array<i32>} : memref<128x2x128xf32, #tpu.memory_space<vmem>>, vector<16xf32>,
      %get3A_1791 = arith.constant 1 : i32
      %get3A_1792 = arith.index_cast %scan3A_1650 : i32 to index
      %get3A_1793 = arith.index_cast %get3A_1791 : i32 to index
      %get3A_1794 = arith.constant 112 : index
      %get3A_1795 = tpu.vector_load %arg9[%get3A_1792, %get3A_1793, %get3A_1794] {strides = array<i32>} : memref<128x2x128xf32, #tpu.memory_space<vmem>>, vector<16xf32>,
      %sub3A_1796 = arith.subf %get3A_1790, %gather3A_1286 : vector<16xf32>
      %sub3A_1797 = arith.subf %get3A_1795, %gather3A_1287 : vector<16xf32>
      %mul3A_1798 = arith.mulf %sub3A_1796, %sub3A_1796 : vector<16xf32>
      %mul3A_1799 = arith.mulf %sub3A_1797, %sub3A_1797 : vector<16xf32>
      %add3A_1800 = arith.addf %mul3A_1798, %mul3A_1799 : vector<16xf32>
      %bitcast3A_1801 = vector.bitcast %add3A_1800 : vector<16xf32> to vector<16xi32>
      %gt3A_1802 = arith.cmpi sgt, %bitcast3A_1801, %select_n3A_1654 : vector<16xi32>
      %all_reduce_population_count3A_1803 = tpu.all_reduce %gt3A_1802 {dim = 0 : i64, kind = #tpu.reduction_kind<sum>} : vector<16xi1> -> vector<16xi32>
      %add3A_1804 = arith.addi %add3A_1766, %all_reduce_population_count3A_1803 : vector<16xi32>
      scf.yield %add3A_1785, %add3A_1804 : vector<16xi32>, vector<16xi32>
    }
    %scan3A_1323 = arith.constant 128 : i32
    %dma_wait3A_1324 = arith.constant 128 : i32
    %dma_wait3A_1325 = arith.constant 0 : i32
    %dma_wait3A_1326 = arith.constant 0 : i32
    %dma_wait3A_1327 = tpu.memref_slice %arg2[%add3A_17, %dma_wait3A_1324, %dma_wait3A_1325, %dma_wait3A_1326] : memref<128x256x4x128xf32, #tpu.memory_space<hbm>> -> memref<1x128x2x128xf32, #tpu.memory_space<hbm>>
    %dma_wait3A_1328 = tpu.memref_squeeze %dma_wait3A_1327 : memref<1x128x2x128xf32, #tpu.memory_space<hbm>> -> memref<128x2x128xf32, #tpu.memory_space<hbm>>
    %dma_wait3A_1329 = arith.constant 128 : i32
    %dma_wait3A_1330 = arith.constant 0 : i32
    %dma_wait3A_1331 = arith.constant 0 : i32
    %dma_wait3A_1332 = tpu.memref_slice %arg2[%add3A_17, %dma_wait3A_1329, %dma_wait3A_1330, %dma_wait3A_1331] : memref<128x256x4x128xf32, #tpu.memory_space<hbm>> -> memref<1x128x2x128xf32, #tpu.memory_space<hbm>>
    %dma_wait3A_1333 = tpu.memref_squeeze %dma_wait3A_1332 : memref<1x128x2x128xf32, #tpu.memory_space<hbm>> -> memref<128x2x128xf32, #tpu.memory_space<hbm>>
    tpu.wait_dma2 semaphore(%arg14 : memref<!tpu.dma_semaphore, #tpu.memory_space<semaphore_mem>>) src(%dma_wait3A_1333 : memref<128x2x128xf32, #tpu.memory_space<hbm>>) dst(%arg10 : memref<128x2x128xf32, #tpu.memory_space<vmem>>)
    %mul3A_1334 = arith.constant 4 : i32
    %mul3A_1335 = arith.muli %add3A, %mul3A_1334 : i32
    %add3A_1336 = arith.constant 1 : i32
    %add3A_1337 = arith.addi %mul3A_1335, %add3A_1336 : i32
    %dma_start3A_1338 = arith.constant 128 : i32
    %dma_start3A_1339 = arith.constant 0 : i32
    %dma_start3A_1340 = arith.constant 0 : i32
    %dma_start3A_1341 = tpu.memref_slice %arg2[%add3A_1337, %dma_start3A_1338, %dma_start3A_1339, %dma_start3A_1340] : memref<128x256x4x128xf32, #tpu.memory_space<hbm>> -> memref<1x128x2x128xf32, #tpu.memory_space<hbm>>
    %dma_start3A_1342 = tpu.memref_squeeze %dma_start3A_1341 : memref<1x128x2x128xf32, #tpu.memory_space<hbm>> -> memref<128x2x128xf32, #tpu.memory_space<hbm>>
    %dma_start3A_1343 = arith.constant 128 : i32
    %dma_start3A_1344 = arith.constant 0 : i32
    %dma_start3A_1345 = arith.constant 0 : i32
    %dma_start3A_1346 = tpu.memref_slice %arg2[%add3A_1337, %dma_start3A_1343, %dma_start3A_1344, %dma_start3A_1345] : memref<128x256x4x128xf32, #tpu.memory_space<hbm>> -> memref<1x128x2x128xf32, #tpu.memory_space<hbm>>
    %dma_start3A_1347 = tpu.memref_squeeze %dma_start3A_1346 : memref<1x128x2x128xf32, #tpu.memory_space<hbm>> -> memref<128x2x128xf32, #tpu.memory_space<hbm>>
    tpu.enqueue_dma source(%dma_start3A_1347 : memref<128x2x128xf32, #tpu.memory_space<hbm>>) target(%arg9 : memref<128x2x128xf32, #tpu.memory_space<vmem>>) target_semaphore(%arg13 : memref<!tpu.dma_semaphore, #tpu.memory_space<semaphore_mem>>)
    %sub3A_1348 = arith.constant 128 : i32
    %sub3A_1349 = arith.subi %shift_right_logical3A_41, %sub3A_1348 : i32
    %scan3A_1350 = arith.constant 0 : i32
    %scan3A_1351 = arith.constant 128 : i32
    %scan3A_1352 = arith.addi %scan3A_1350, %scan3A_1351 : i32
    %scan3A_1353 = arith.constant 1 : i32
    %scan3A_1354:2 = scf.for %scan3A_1650 = %scan3A_1350 to %scan3A_1352 step %scan3A_1353 iter_args(%scan3A_1651 = %scan3A_1322#0, %scan3A_1652 = %scan3A_1322#1) -> (vector<16xi32>, vector<16xi32>)  : i32 {
      %lt3A_1653 = arith.cmpi slt, %scan3A_1650, %sub3A_1349 : i32
      %select_n3A_1654 = arith.select %lt3A_1653, %sub3A_375, %bitcast3A : vector<16xi32>
      %get3A_1655 = arith.constant 0 : i32
      %get3A_1656 = arith.index_cast %scan3A_1650 : i32 to index
      %get3A_1657 = arith.index_cast %get3A_1655 : i32 to index
      %get3A_1658 = arith.constant 0 : index
      %get3A_1659 = tpu.vector_load %arg10[%get3A_1656, %get3A_1657, %get3A_1658] {strides = array<i32>} : memref<128x2x128xf32, #tpu.memory_space<vmem>>, vector<16xf32>,
      %get3A_1660 = arith.constant 1 : i32
      %get3A_1661 = arith.index_cast %scan3A_1650 : i32 to index
      %get3A_1662 = arith.index_cast %get3A_1660 : i32 to index
      %get3A_1663 = arith.constant 0 : index
      %get3A_1664 = tpu.vector_load %arg10[%get3A_1661, %get3A_1662, %get3A_1663] {strides = array<i32>} : memref<128x2x128xf32, #tpu.memory_space<vmem>>, vector<16xf32>,
      %sub3A_1665 = arith.subf %get3A_1659, %gather3A_1286 : vector<16xf32>
      %sub3A_1666 = arith.subf %get3A_1664, %gather3A_1287 : vector<16xf32>
      %mul3A_1667 = arith.mulf %sub3A_1665, %sub3A_1665 : vector<16xf32>
      %mul3A_1668 = arith.mulf %sub3A_1666, %sub3A_1666 : vector<16xf32>
      %add3A_1669 = arith.addf %mul3A_1667, %mul3A_1668 : vector<16xf32>
      %bitcast3A_1670 = vector.bitcast %add3A_1669 : vector<16xf32> to vector<16xi32>
      %gt3A = arith.cmpi sgt, %bitcast3A_1670, %select_n3A_1654 : vector<16xi32>
      %all_reduce_population_count3A = tpu.all_reduce %gt3A {dim = 0 : i64, kind = #tpu.reduction_kind<sum>} : vector<16xi1> -> vector<16xi32>
      %add3A_1671 = arith.addi %scan3A_1651, %all_reduce_population_count3A : vector<16xi32>
      %get3A_1672 = arith.constant 0 : i32
      %get3A_1673 = arith.index_cast %scan3A_1650 : i32 to index
      %get3A_1674 = arith.index_cast %get3A_1672 : i32 to index
      %get3A_1675 = arith.constant 16 : index
      %get3A_1676 = tpu.vector_load %arg10[%get3A_1673, %get3A_1674, %get3A_1675] {strides = array<i32>} : memref<128x2x128xf32, #tpu.memory_space<vmem>>, vector<16xf32>,
      %get3A_1677 = arith.constant 1 : i32
      %get3A_1678 = arith.index_cast %scan3A_1650 : i32 to index
      %get3A_1679 = arith.index_cast %get3A_1677 : i32 to index
      %get3A_1680 = arith.constant 16 : index
      %get3A_1681 = tpu.vector_load %arg10[%get3A_1678, %get3A_1679, %get3A_1680] {strides = array<i32>} : memref<128x2x128xf32, #tpu.memory_space<vmem>>, vector<16xf32>,
      %sub3A_1682 = arith.subf %get3A_1676, %gather3A_1286 : vector<16xf32>
      %sub3A_1683 = arith.subf %get3A_1681, %gather3A_1287 : vector<16xf32>
      %mul3A_1684 = arith.mulf %sub3A_1682, %sub3A_1682 : vector<16xf32>
      %mul3A_1685 = arith.mulf %sub3A_1683, %sub3A_1683 : vector<16xf32>
      %add3A_1686 = arith.addf %mul3A_1684, %mul3A_1685 : vector<16xf32>
      %bitcast3A_1687 = vector.bitcast %add3A_1686 : vector<16xf32> to vector<16xi32>
      %gt3A_1688 = arith.cmpi sgt, %bitcast3A_1687, %select_n3A_1654 : vector<16xi32>
      %all_reduce_population_count3A_1689 = tpu.all_reduce %gt3A_1688 {dim = 0 : i64, kind = #tpu.reduction_kind<sum>} : vector<16xi1> -> vector<16xi32>
      %add3A_1690 = arith.addi %scan3A_1652, %all_reduce_population_count3A_1689 : vector<16xi32>
      %get3A_1691 = arith.constant 0 : i32
      %get3A_1692 = arith.index_cast %scan3A_1650 : i32 to index
      %get3A_1693 = arith.index_cast %get3A_1691 : i32 to index
      %get3A_1694 = arith.constant 32 : index
      %get3A_1695 = tpu.vector_load %arg10[%get3A_1692, %get3A_1693, %get3A_1694] {strides = array<i32>} : memref<128x2x128xf32, #tpu.memory_space<vmem>>, vector<16xf32>,
      %get3A_1696 = arith.constant 1 : i32
      %get3A_1697 = arith.index_cast %scan3A_1650 : i32 to index
      %get3A_1698 = arith.index_cast %get3A_1696 : i32 to index
      %get3A_1699 = arith.constant 32 : index
      %get3A_1700 = tpu.vector_load %arg10[%get3A_1697, %get3A_1698, %get3A_1699] {strides = array<i32>} : memref<128x2x128xf32, #tpu.memory_space<vmem>>, vector<16xf32>,
      %sub3A_1701 = arith.subf %get3A_1695, %gather3A_1286 : vector<16xf32>
      %sub3A_1702 = arith.subf %get3A_1700, %gather3A_1287 : vector<16xf32>
      %mul3A_1703 = arith.mulf %sub3A_1701, %sub3A_1701 : vector<16xf32>
      %mul3A_1704 = arith.mulf %sub3A_1702, %sub3A_1702 : vector<16xf32>
      %add3A_1705 = arith.addf %mul3A_1703, %mul3A_1704 : vector<16xf32>
      %bitcast3A_1706 = vector.bitcast %add3A_1705 : vector<16xf32> to vector<16xi32>
      %gt3A_1707 = arith.cmpi sgt, %bitcast3A_1706, %select_n3A_1654 : vector<16xi32>
      %all_reduce_population_count3A_1708 = tpu.all_reduce %gt3A_1707 {dim = 0 : i64, kind = #tpu.reduction_kind<sum>} : vector<16xi1> -> vector<16xi32>
      %add3A_1709 = arith.addi %add3A_1671, %all_reduce_population_count3A_1708 : vector<16xi32>
      %get3A_1710 = arith.constant 0 : i32
      %get3A_1711 = arith.index_cast %scan3A_1650 : i32 to index
      %get3A_1712 = arith.index_cast %get3A_1710 : i32 to index
      %get3A_1713 = arith.constant 48 : index
      %get3A_1714 = tpu.vector_load %arg10[%get3A_1711, %get3A_1712, %get3A_1713] {strides = array<i32>} : memref<128x2x128xf32, #tpu.memory_space<vmem>>, vector<16xf32>,
      %get3A_1715 = arith.constant 1 : i32
      %get3A_1716 = arith.index_cast %scan3A_1650 : i32 to index
      %get3A_1717 = arith.index_cast %get3A_1715 : i32 to index
      %get3A_1718 = arith.constant 48 : index
      %get3A_1719 = tpu.vector_load %arg10[%get3A_1716, %get3A_1717, %get3A_1718] {strides = array<i32>} : memref<128x2x128xf32, #tpu.memory_space<vmem>>, vector<16xf32>,
      %sub3A_1720 = arith.subf %get3A_1714, %gather3A_1286 : vector<16xf32>
      %sub3A_1721 = arith.subf %get3A_1719, %gather3A_1287 : vector<16xf32>
      %mul3A_1722 = arith.mulf %sub3A_1720, %sub3A_1720 : vector<16xf32>
      %mul3A_1723 = arith.mulf %sub3A_1721, %sub3A_1721 : vector<16xf32>
      %add3A_1724 = arith.addf %mul3A_1722, %mul3A_1723 : vector<16xf32>
      %bitcast3A_1725 = vector.bitcast %add3A_1724 : vector<16xf32> to vector<16xi32>
      %gt3A_1726 = arith.cmpi sgt, %bitcast3A_1725, %select_n3A_1654 : vector<16xi32>
      %all_reduce_population_count3A_1727 = tpu.all_reduce %gt3A_1726 {dim = 0 : i64, kind = #tpu.reduction_kind<sum>} : vector<16xi1> -> vector<16xi32>
      %add3A_1728 = arith.addi %add3A_1690, %all_reduce_population_count3A_1727 : vector<16xi32>
      %get3A_1729 = arith.constant 0 : i32
      %get3A_1730 = arith.index_cast %scan3A_1650 : i32 to index
      %get3A_1731 = arith.index_cast %get3A_1729 : i32 to index
      %get3A_1732 = arith.constant 64 : index
      %get3A_1733 = tpu.vector_load %arg10[%get3A_1730, %get3A_1731, %get3A_1732] {strides = array<i32>} : memref<128x2x128xf32, #tpu.memory_space<vmem>>, vector<16xf32>,
      %get3A_1734 = arith.constant 1 : i32
      %get3A_1735 = arith.index_cast %scan3A_1650 : i32 to index
      %get3A_1736 = arith.index_cast %get3A_1734 : i32 to index
      %get3A_1737 = arith.constant 64 : index
      %get3A_1738 = tpu.vector_load %arg10[%get3A_1735, %get3A_1736, %get3A_1737] {strides = array<i32>} : memref<128x2x128xf32, #tpu.memory_space<vmem>>, vector<16xf32>,
      %sub3A_1739 = arith.subf %get3A_1733, %gather3A_1286 : vector<16xf32>
      %sub3A_1740 = arith.subf %get3A_1738, %gather3A_1287 : vector<16xf32>
      %mul3A_1741 = arith.mulf %sub3A_1739, %sub3A_1739 : vector<16xf32>
      %mul3A_1742 = arith.mulf %sub3A_1740, %sub3A_1740 : vector<16xf32>
      %add3A_1743 = arith.addf %mul3A_1741, %mul3A_1742 : vector<16xf32>
      %bitcast3A_1744 = vector.bitcast %add3A_1743 : vector<16xf32> to vector<16xi32>
      %gt3A_1745 = arith.cmpi sgt, %bitcast3A_1744, %select_n3A_1654 : vector<16xi32>
      %all_reduce_population_count3A_1746 = tpu.all_reduce %gt3A_1745 {dim = 0 : i64, kind = #tpu.reduction_kind<sum>} : vector<16xi1> -> vector<16xi32>
      %add3A_1747 = arith.addi %add3A_1709, %all_reduce_population_count3A_1746 : vector<16xi32>
      %get3A_1748 = arith.constant 0 : i32
      %get3A_1749 = arith.index_cast %scan3A_1650 : i32 to index
      %get3A_1750 = arith.index_cast %get3A_1748 : i32 to index
      %get3A_1751 = arith.constant 80 : index
      %get3A_1752 = tpu.vector_load %arg10[%get3A_1749, %get3A_1750, %get3A_1751] {strides = array<i32>} : memref<128x2x128xf32, #tpu.memory_space<vmem>>, vector<16xf32>,
      %get3A_1753 = arith.constant 1 : i32
      %get3A_1754 = arith.index_cast %scan3A_1650 : i32 to index
      %get3A_1755 = arith.index_cast %get3A_1753 : i32 to index
      %get3A_1756 = arith.constant 80 : index
      %get3A_1757 = tpu.vector_load %arg10[%get3A_1754, %get3A_1755, %get3A_1756] {strides = array<i32>} : memref<128x2x128xf32, #tpu.memory_space<vmem>>, vector<16xf32>,
      %sub3A_1758 = arith.subf %get3A_1752, %gather3A_1286 : vector<16xf32>
      %sub3A_1759 = arith.subf %get3A_1757, %gather3A_1287 : vector<16xf32>
      %mul3A_1760 = arith.mulf %sub3A_1758, %sub3A_1758 : vector<16xf32>
      %mul3A_1761 = arith.mulf %sub3A_1759, %sub3A_1759 : vector<16xf32>
      %add3A_1762 = arith.addf %mul3A_1760, %mul3A_1761 : vector<16xf32>
      %bitcast3A_1763 = vector.bitcast %add3A_1762 : vector<16xf32> to vector<16xi32>
      %gt3A_1764 = arith.cmpi sgt, %bitcast3A_1763, %select_n3A_1654 : vector<16xi32>
      %all_reduce_population_count3A_1765 = tpu.all_reduce %gt3A_1764 {dim = 0 : i64, kind = #tpu.reduction_kind<sum>} : vector<16xi1> -> vector<16xi32>
      %add3A_1766 = arith.addi %add3A_1728, %all_reduce_population_count3A_1765 : vector<16xi32>
      %get3A_1767 = arith.constant 0 : i32
      %get3A_1768 = arith.index_cast %scan3A_1650 : i32 to index
      %get3A_1769 = arith.index_cast %get3A_1767 : i32 to index
      %get3A_1770 = arith.constant 96 : index
      %get3A_1771 = tpu.vector_load %arg10[%get3A_1768, %get3A_1769, %get3A_1770] {strides = array<i32>} : memref<128x2x128xf32, #tpu.memory_space<vmem>>, vector<16xf32>,
      %get3A_1772 = arith.constant 1 : i32
      %get3A_1773 = arith.index_cast %scan3A_1650 : i32 to index
      %get3A_1774 = arith.index_cast %get3A_1772 : i32 to index
      %get3A_1775 = arith.constant 96 : index
      %get3A_1776 = tpu.vector_load %arg10[%get3A_1773, %get3A_1774, %get3A_1775] {strides = array<i32>} : memref<128x2x128xf32, #tpu.memory_space<vmem>>, vector<16xf32>,
      %sub3A_1777 = arith.subf %get3A_1771, %gather3A_1286 : vector<16xf32>
      %sub3A_1778 = arith.subf %get3A_1776, %gather3A_1287 : vector<16xf32>
      %mul3A_1779 = arith.mulf %sub3A_1777, %sub3A_1777 : vector<16xf32>
      %mul3A_1780 = arith.mulf %sub3A_1778, %sub3A_1778 : vector<16xf32>
      %add3A_1781 = arith.addf %mul3A_1779, %mul3A_1780 : vector<16xf32>
      %bitcast3A_1782 = vector.bitcast %add3A_1781 : vector<16xf32> to vector<16xi32>
      %gt3A_1783 = arith.cmpi sgt, %bitcast3A_1782, %select_n3A_1654 : vector<16xi32>
      %all_reduce_population_count3A_1784 = tpu.all_reduce %gt3A_1783 {dim = 0 : i64, kind = #tpu.reduction_kind<sum>} : vector<16xi1> -> vector<16xi32>
      %add3A_1785 = arith.addi %add3A_1747, %all_reduce_population_count3A_1784 : vector<16xi32>
      %get3A_1786 = arith.constant 0 : i32
      %get3A_1787 = arith.index_cast %scan3A_1650 : i32 to index
      %get3A_1788 = arith.index_cast %get3A_1786 : i32 to index
      %get3A_1789 = arith.constant 112 : index
      %get3A_1790 = tpu.vector_load %arg10[%get3A_1787, %get3A_1788, %get3A_1789] {strides = array<i32>} : memref<128x2x128xf32, #tpu.memory_space<vmem>>, vector<16xf32>,
      %get3A_1791 = arith.constant 1 : i32
      %get3A_1792 = arith.index_cast %scan3A_1650 : i32 to index
      %get3A_1793 = arith.index_cast %get3A_1791 : i32 to index
      %get3A_1794 = arith.constant 112 : index
      %get3A_1795 = tpu.vector_load %arg10[%get3A_1792, %get3A_1793, %get3A_1794] {strides = array<i32>} : memref<128x2x128xf32, #tpu.memory_space<vmem>>, vector<16xf32>,
      %sub3A_1796 = arith.subf %get3A_1790, %gather3A_1286 : vector<16xf32>
      %sub3A_1797 = arith.subf %get3A_1795, %gather3A_1287 : vector<16xf32>
      %mul3A_1798 = arith.mulf %sub3A_1796, %sub3A_1796 : vector<16xf32>
      %mul3A_1799 = arith.mulf %sub3A_1797, %sub3A_1797 : vector<16xf32>
      %add3A_1800 = arith.addf %mul3A_1798, %mul3A_1799 : vector<16xf32>
      %bitcast3A_1801 = vector.bitcast %add3A_1800 : vector<16xf32> to vector<16xi32>
      %gt3A_1802 = arith.cmpi sgt, %bitcast3A_1801, %select_n3A_1654 : vector<16xi32>
      %all_reduce_population_count3A_1803 = tpu.all_reduce %gt3A_1802 {dim = 0 : i64, kind = #tpu.reduction_kind<sum>} : vector<16xi1> -> vector<16xi32>
      %add3A_1804 = arith.addi %add3A_1766, %all_reduce_population_count3A_1803 : vector<16xi32>
      scf.yield %add3A_1785, %add3A_1804 : vector<16xi32>, vector<16xi32>
    }
    %scan3A_1355 = arith.constant 128 : i32
    %slice3A_1356 = vector.extract_strided_slice %scan3A_1354#0 {offsets = [0], sizes = [1], strides = [1]} : vector<16xi32> to vector<1xi32>
    %squeeze3A_1357 = vector.extract %slice3A_1356[0] : i32 from vector<1xi32>
    %slice3A_1358 = vector.extract_strided_slice %scan3A_1354#1 {offsets = [0], sizes = [1], strides = [1]} : vector<16xi32> to vector<1xi32>
    %squeeze3A_1359 = vector.extract %slice3A_1358[0] : i32 from vector<1xi32>
    %add3A_1360 = arith.addi %squeeze3A_1357, %squeeze3A_1359 : i32
    %lt3A_1361 = arith.constant 1024 : i32
    %lt3A_1362 = arith.cmpi slt, %add3A_1360, %lt3A_1361 : i32
    %jit3A = arith.constant 1.000000e+00 : f32
    %jit3A_1363 = arith.constant 0.000000e+00 : f32
    %select_n3A = arith.select %lt3A_1362, %jit3A, %jit3A_1363 : f32
    %eq3A_1364 = arith.constant 0 : i32
    %eq3A_1365 = vector.broadcast %eq3A_1364 : i32 to vector<16xi32>
    %eq3A_1366 = arith.cmpi eq, %iota3A, %eq3A_1365 : vector<16xi32>
    %broadcast_in_dim3A_1367 = vector.broadcast %select_n3A : f32 to vector<16xf32>
    %select_n3A_1368 = arith.select %eq3A_1366, %broadcast_in_dim3A_1367, %broadcast_in_dim3A_1280 : vector<16xi1>, vector<16xf32>
    %eq3A_1369 = arith.constant 1 : i32
    %eq3A_1370 = vector.broadcast %eq3A_1369 : i32 to vector<16xi32>
    %eq3A_1371 = arith.cmpi eq, %iota3A, %eq3A_1370 : vector<16xi32>
    %sub3A_1372 = arith.constant 1.000000e+00 : f32
    %sub3A_1373 = arith.subf %sub3A_1372, %select_n3A : f32
    %broadcast_in_dim3A_1374 = vector.broadcast %sub3A_1373 : f32 to vector<16xf32>
    %select_n3A_1375 = arith.select %eq3A_1371, %broadcast_in_dim3A_1374, %select_n3A_1368 : vector<16xi1>, vector<16xf32>
    %and3A_1376 = arith.constant 127 : i32
    %and3A_1377 = arith.andi %squeeze3A_83, %and3A_1376 : i32
    %broadcast_in_dim3A_1378 = vector.broadcast %and3A_1377 : i32 to vector<16xi32>
    %broadcast_in_dim3A_1379 = arith.constant 2 : i32
    %broadcast_in_dim3A_1380 = vector.broadcast %broadcast_in_dim3A_1379 : i32 to vector<16xi32>
    %gather3A_1381 = tpu.vector_load_idx %arg8[%broadcast_in_dim3A_1380, %broadcast_in_dim3A_28, %broadcast_in_dim3A_1378] : memref<8x2x128xf32, #tpu.memory_space<vmem>>[vector<16xi32>, vector<16xi32>, vector<16xi32>], vector<16xf32>,
    %gather3A_1382 = tpu.vector_load_idx %arg8[%broadcast_in_dim3A_1380, %broadcast_in_dim3A_30, %broadcast_in_dim3A_1378] : memref<8x2x128xf32, #tpu.memory_space<vmem>>[vector<16xi32>, vector<16xi32>, vector<16xi32>], vector<16xf32>,
    %reduce_sum3A_1383 = arith.constant true
    %reduce_sum3A_1384 = vector.broadcast %reduce_sum3A_1383 : i1 to vector<16xi1>
    %reduce_sum3A_1385 = tpu.scan <sum>, %add3A_814 masked %reduce_sum3A_1384 : vector<16xi32>, vector<16xi1> -> vector<16xi32>
    %reduce_sum3A_1386 = vector.extract %reduce_sum3A_1385[15] : i32 from vector<16xi32>
    %add3A_1387 = vector.broadcast %reduce_sum3A_1386 : i32 to vector<16xi32>
    %add3A_1388 = arith.addi %add3A_1387, %broadcast_in_dim3A_28 : vector<16xi32>
    %dma_wait3A_1389 = arith.constant 0 : i32
    %dma_wait3A_1390 = arith.constant 0 : i32
    %dma_wait3A_1391 = arith.constant 0 : i32
    %dma_wait3A_1392 = tpu.memref_slice %arg2[%add3A_1306, %dma_wait3A_1389, %dma_wait3A_1390, %dma_wait3A_1391] : memref<128x256x4x128xf32, #tpu.memory_space<hbm>> -> memref<1x128x2x128xf32, #tpu.memory_space<hbm>>
    %dma_wait3A_1393 = tpu.memref_squeeze %dma_wait3A_1392 : memref<1x128x2x128xf32, #tpu.memory_space<hbm>> -> memref<128x2x128xf32, #tpu.memory_space<hbm>>
    %dma_wait3A_1394 = arith.constant 0 : i32
    %dma_wait3A_1395 = arith.constant 0 : i32
    %dma_wait3A_1396 = arith.constant 0 : i32
    %dma_wait3A_1397 = tpu.memref_slice %arg2[%add3A_1306, %dma_wait3A_1394, %dma_wait3A_1395, %dma_wait3A_1396] : memref<128x256x4x128xf32, #tpu.memory_space<hbm>> -> memref<1x128x2x128xf32, #tpu.memory_space<hbm>>
    %dma_wait3A_1398 = tpu.memref_squeeze %dma_wait3A_1397 : memref<1x128x2x128xf32, #tpu.memory_space<hbm>> -> memref<128x2x128xf32, #tpu.memory_space<hbm>>
    tpu.wait_dma2 semaphore(%arg15 : memref<!tpu.dma_semaphore, #tpu.memory_space<semaphore_mem>>) src(%dma_wait3A_1398 : memref<128x2x128xf32, #tpu.memory_space<hbm>>) dst(%arg11 : memref<128x2x128xf32, #tpu.memory_space<vmem>>)
    %mul3A_1399 = arith.constant 4 : i32
    %mul3A_1400 = arith.muli %add3A, %mul3A_1399 : i32
    %add3A_1401 = arith.constant 2 : i32
    %add3A_1402 = arith.addi %mul3A_1400, %add3A_1401 : i32
    %dma_start3A_1403 = arith.constant 0 : i32
    %dma_start3A_1404 = arith.constant 0 : i32
    %dma_start3A_1405 = arith.constant 0 : i32
    %dma_start3A_1406 = tpu.memref_slice %arg2[%add3A_1402, %dma_start3A_1403, %dma_start3A_1404, %dma_start3A_1405] : memref<128x256x4x128xf32, #tpu.memory_space<hbm>> -> memref<1x128x2x128xf32, #tpu.memory_space<hbm>>
    %dma_start3A_1407 = tpu.memref_squeeze %dma_start3A_1406 : memref<1x128x2x128xf32, #tpu.memory_space<hbm>> -> memref<128x2x128xf32, #tpu.memory_space<hbm>>
    %dma_start3A_1408 = arith.constant 0 : i32
    %dma_start3A_1409 = arith.constant 0 : i32
    %dma_start3A_1410 = arith.constant 0 : i32
    %dma_start3A_1411 = tpu.memref_slice %arg2[%add3A_1402, %dma_start3A_1408, %dma_start3A_1409, %dma_start3A_1410] : memref<128x256x4x128xf32, #tpu.memory_space<hbm>> -> memref<1x128x2x128xf32, #tpu.memory_space<hbm>>
    %dma_start3A_1412 = tpu.memref_squeeze %dma_start3A_1411 : memref<1x128x2x128xf32, #tpu.memory_space<hbm>> -> memref<128x2x128xf32, #tpu.memory_space<hbm>>
    tpu.enqueue_dma source(%dma_start3A_1412 : memref<128x2x128xf32, #tpu.memory_space<hbm>>) target(%arg10 : memref<128x2x128xf32, #tpu.memory_space<vmem>>) target_semaphore(%arg14 : memref<!tpu.dma_semaphore, #tpu.memory_space<semaphore_mem>>)
    %sub3A_1413 = arith.constant 0 : i32
    %sub3A_1414 = arith.subi %shift_right_logical3A_90, %sub3A_1413 : i32
    %scan3A_1415 = arith.constant 0 : i32
    %scan3A_1416 = arith.constant 128 : i32
    %scan3A_1417 = arith.addi %scan3A_1415, %scan3A_1416 : i32
    %scan3A_1418 = arith.constant 1 : i32
    %scan3A_1419:2 = scf.for %scan3A_1650 = %scan3A_1415 to %scan3A_1417 step %scan3A_1418 iter_args(%scan3A_1651 = %add3A_1388, %scan3A_1652 = %broadcast_in_dim3A_28) -> (vector<16xi32>, vector<16xi32>)  : i32 {
      %lt3A_1653 = arith.cmpi slt, %scan3A_1650, %sub3A_1414 : i32
      %select_n3A_1654 = arith.select %lt3A_1653, %sub3A_603, %bitcast3A_602 : vector<16xi32>
      %get3A_1655 = arith.constant 0 : i32
      %get3A_1656 = arith.index_cast %scan3A_1650 : i32 to index
      %get3A_1657 = arith.index_cast %get3A_1655 : i32 to index
      %get3A_1658 = arith.constant 0 : index
      %get3A_1659 = tpu.vector_load %arg11[%get3A_1656, %get3A_1657, %get3A_1658] {strides = array<i32>} : memref<128x2x128xf32, #tpu.memory_space<vmem>>, vector<16xf32>,
      %get3A_1660 = arith.constant 1 : i32
      %get3A_1661 = arith.index_cast %scan3A_1650 : i32 to index
      %get3A_1662 = arith.index_cast %get3A_1660 : i32 to index
      %get3A_1663 = arith.constant 0 : index
      %get3A_1664 = tpu.vector_load %arg11[%get3A_1661, %get3A_1662, %get3A_1663] {strides = array<i32>} : memref<128x2x128xf32, #tpu.memory_space<vmem>>, vector<16xf32>,
      %sub3A_1665 = arith.subf %get3A_1659, %gather3A_1381 : vector<16xf32>
      %sub3A_1666 = arith.subf %get3A_1664, %gather3A_1382 : vector<16xf32>
      %mul3A_1667 = arith.mulf %sub3A_1665, %sub3A_1665 : vector<16xf32>
      %mul3A_1668 = arith.mulf %sub3A_1666, %sub3A_1666 : vector<16xf32>
      %add3A_1669 = arith.addf %mul3A_1667, %mul3A_1668 : vector<16xf32>
      %bitcast3A_1670 = vector.bitcast %add3A_1669 : vector<16xf32> to vector<16xi32>
      %gt3A = arith.cmpi sgt, %bitcast3A_1670, %select_n3A_1654 : vector<16xi32>
      %all_reduce_population_count3A = tpu.all_reduce %gt3A {dim = 0 : i64, kind = #tpu.reduction_kind<sum>} : vector<16xi1> -> vector<16xi32>
      %add3A_1671 = arith.addi %scan3A_1651, %all_reduce_population_count3A : vector<16xi32>
      %get3A_1672 = arith.constant 0 : i32
      %get3A_1673 = arith.index_cast %scan3A_1650 : i32 to index
      %get3A_1674 = arith.index_cast %get3A_1672 : i32 to index
      %get3A_1675 = arith.constant 16 : index
      %get3A_1676 = tpu.vector_load %arg11[%get3A_1673, %get3A_1674, %get3A_1675] {strides = array<i32>} : memref<128x2x128xf32, #tpu.memory_space<vmem>>, vector<16xf32>,
      %get3A_1677 = arith.constant 1 : i32
      %get3A_1678 = arith.index_cast %scan3A_1650 : i32 to index
      %get3A_1679 = arith.index_cast %get3A_1677 : i32 to index
      %get3A_1680 = arith.constant 16 : index
      %get3A_1681 = tpu.vector_load %arg11[%get3A_1678, %get3A_1679, %get3A_1680] {strides = array<i32>} : memref<128x2x128xf32, #tpu.memory_space<vmem>>, vector<16xf32>,
      %sub3A_1682 = arith.subf %get3A_1676, %gather3A_1381 : vector<16xf32>
      %sub3A_1683 = arith.subf %get3A_1681, %gather3A_1382 : vector<16xf32>
      %mul3A_1684 = arith.mulf %sub3A_1682, %sub3A_1682 : vector<16xf32>
      %mul3A_1685 = arith.mulf %sub3A_1683, %sub3A_1683 : vector<16xf32>
      %add3A_1686 = arith.addf %mul3A_1684, %mul3A_1685 : vector<16xf32>
      %bitcast3A_1687 = vector.bitcast %add3A_1686 : vector<16xf32> to vector<16xi32>
      %gt3A_1688 = arith.cmpi sgt, %bitcast3A_1687, %select_n3A_1654 : vector<16xi32>
      %all_reduce_population_count3A_1689 = tpu.all_reduce %gt3A_1688 {dim = 0 : i64, kind = #tpu.reduction_kind<sum>} : vector<16xi1> -> vector<16xi32>
      %add3A_1690 = arith.addi %scan3A_1652, %all_reduce_population_count3A_1689 : vector<16xi32>
      %get3A_1691 = arith.constant 0 : i32
      %get3A_1692 = arith.index_cast %scan3A_1650 : i32 to index
      %get3A_1693 = arith.index_cast %get3A_1691 : i32 to index
      %get3A_1694 = arith.constant 32 : index
      %get3A_1695 = tpu.vector_load %arg11[%get3A_1692, %get3A_1693, %get3A_1694] {strides = array<i32>} : memref<128x2x128xf32, #tpu.memory_space<vmem>>, vector<16xf32>,
      %get3A_1696 = arith.constant 1 : i32
      %get3A_1697 = arith.index_cast %scan3A_1650 : i32 to index
      %get3A_1698 = arith.index_cast %get3A_1696 : i32 to index
      %get3A_1699 = arith.constant 32 : index
      %get3A_1700 = tpu.vector_load %arg11[%get3A_1697, %get3A_1698, %get3A_1699] {strides = array<i32>} : memref<128x2x128xf32, #tpu.memory_space<vmem>>, vector<16xf32>,
      %sub3A_1701 = arith.subf %get3A_1695, %gather3A_1381 : vector<16xf32>
      %sub3A_1702 = arith.subf %get3A_1700, %gather3A_1382 : vector<16xf32>
      %mul3A_1703 = arith.mulf %sub3A_1701, %sub3A_1701 : vector<16xf32>
      %mul3A_1704 = arith.mulf %sub3A_1702, %sub3A_1702 : vector<16xf32>
      %add3A_1705 = arith.addf %mul3A_1703, %mul3A_1704 : vector<16xf32>
      %bitcast3A_1706 = vector.bitcast %add3A_1705 : vector<16xf32> to vector<16xi32>
      %gt3A_1707 = arith.cmpi sgt, %bitcast3A_1706, %select_n3A_1654 : vector<16xi32>
      %all_reduce_population_count3A_1708 = tpu.all_reduce %gt3A_1707 {dim = 0 : i64, kind = #tpu.reduction_kind<sum>} : vector<16xi1> -> vector<16xi32>
      %add3A_1709 = arith.addi %add3A_1671, %all_reduce_population_count3A_1708 : vector<16xi32>
      %get3A_1710 = arith.constant 0 : i32
      %get3A_1711 = arith.index_cast %scan3A_1650 : i32 to index
      %get3A_1712 = arith.index_cast %get3A_1710 : i32 to index
      %get3A_1713 = arith.constant 48 : index
      %get3A_1714 = tpu.vector_load %arg11[%get3A_1711, %get3A_1712, %get3A_1713] {strides = array<i32>} : memref<128x2x128xf32, #tpu.memory_space<vmem>>, vector<16xf32>,
      %get3A_1715 = arith.constant 1 : i32
      %get3A_1716 = arith.index_cast %scan3A_1650 : i32 to index
      %get3A_1717 = arith.index_cast %get3A_1715 : i32 to index
      %get3A_1718 = arith.constant 48 : index
      %get3A_1719 = tpu.vector_load %arg11[%get3A_1716, %get3A_1717, %get3A_1718] {strides = array<i32>} : memref<128x2x128xf32, #tpu.memory_space<vmem>>, vector<16xf32>,
      %sub3A_1720 = arith.subf %get3A_1714, %gather3A_1381 : vector<16xf32>
      %sub3A_1721 = arith.subf %get3A_1719, %gather3A_1382 : vector<16xf32>
      %mul3A_1722 = arith.mulf %sub3A_1720, %sub3A_1720 : vector<16xf32>
      %mul3A_1723 = arith.mulf %sub3A_1721, %sub3A_1721 : vector<16xf32>
      %add3A_1724 = arith.addf %mul3A_1722, %mul3A_1723 : vector<16xf32>
      %bitcast3A_1725 = vector.bitcast %add3A_1724 : vector<16xf32> to vector<16xi32>
      %gt3A_1726 = arith.cmpi sgt, %bitcast3A_1725, %select_n3A_1654 : vector<16xi32>
      %all_reduce_population_count3A_1727 = tpu.all_reduce %gt3A_1726 {dim = 0 : i64, kind = #tpu.reduction_kind<sum>} : vector<16xi1> -> vector<16xi32>
      %add3A_1728 = arith.addi %add3A_1690, %all_reduce_population_count3A_1727 : vector<16xi32>
      %get3A_1729 = arith.constant 0 : i32
      %get3A_1730 = arith.index_cast %scan3A_1650 : i32 to index
      %get3A_1731 = arith.index_cast %get3A_1729 : i32 to index
      %get3A_1732 = arith.constant 64 : index
      %get3A_1733 = tpu.vector_load %arg11[%get3A_1730, %get3A_1731, %get3A_1732] {strides = array<i32>} : memref<128x2x128xf32, #tpu.memory_space<vmem>>, vector<16xf32>,
      %get3A_1734 = arith.constant 1 : i32
      %get3A_1735 = arith.index_cast %scan3A_1650 : i32 to index
      %get3A_1736 = arith.index_cast %get3A_1734 : i32 to index
      %get3A_1737 = arith.constant 64 : index
      %get3A_1738 = tpu.vector_load %arg11[%get3A_1735, %get3A_1736, %get3A_1737] {strides = array<i32>} : memref<128x2x128xf32, #tpu.memory_space<vmem>>, vector<16xf32>,
      %sub3A_1739 = arith.subf %get3A_1733, %gather3A_1381 : vector<16xf32>
      %sub3A_1740 = arith.subf %get3A_1738, %gather3A_1382 : vector<16xf32>
      %mul3A_1741 = arith.mulf %sub3A_1739, %sub3A_1739 : vector<16xf32>
      %mul3A_1742 = arith.mulf %sub3A_1740, %sub3A_1740 : vector<16xf32>
      %add3A_1743 = arith.addf %mul3A_1741, %mul3A_1742 : vector<16xf32>
      %bitcast3A_1744 = vector.bitcast %add3A_1743 : vector<16xf32> to vector<16xi32>
      %gt3A_1745 = arith.cmpi sgt, %bitcast3A_1744, %select_n3A_1654 : vector<16xi32>
      %all_reduce_population_count3A_1746 = tpu.all_reduce %gt3A_1745 {dim = 0 : i64, kind = #tpu.reduction_kind<sum>} : vector<16xi1> -> vector<16xi32>
      %add3A_1747 = arith.addi %add3A_1709, %all_reduce_population_count3A_1746 : vector<16xi32>
      %get3A_1748 = arith.constant 0 : i32
      %get3A_1749 = arith.index_cast %scan3A_1650 : i32 to index
      %get3A_1750 = arith.index_cast %get3A_1748 : i32 to index
      %get3A_1751 = arith.constant 80 : index
      %get3A_1752 = tpu.vector_load %arg11[%get3A_1749, %get3A_1750, %get3A_1751] {strides = array<i32>} : memref<128x2x128xf32, #tpu.memory_space<vmem>>, vector<16xf32>,
      %get3A_1753 = arith.constant 1 : i32
      %get3A_1754 = arith.index_cast %scan3A_1650 : i32 to index
      %get3A_1755 = arith.index_cast %get3A_1753 : i32 to index
      %get3A_1756 = arith.constant 80 : index
      %get3A_1757 = tpu.vector_load %arg11[%get3A_1754, %get3A_1755, %get3A_1756] {strides = array<i32>} : memref<128x2x128xf32, #tpu.memory_space<vmem>>, vector<16xf32>,
      %sub3A_1758 = arith.subf %get3A_1752, %gather3A_1381 : vector<16xf32>
      %sub3A_1759 = arith.subf %get3A_1757, %gather3A_1382 : vector<16xf32>
      %mul3A_1760 = arith.mulf %sub3A_1758, %sub3A_1758 : vector<16xf32>
      %mul3A_1761 = arith.mulf %sub3A_1759, %sub3A_1759 : vector<16xf32>
      %add3A_1762 = arith.addf %mul3A_1760, %mul3A_1761 : vector<16xf32>
      %bitcast3A_1763 = vector.bitcast %add3A_1762 : vector<16xf32> to vector<16xi32>
      %gt3A_1764 = arith.cmpi sgt, %bitcast3A_1763, %select_n3A_1654 : vector<16xi32>
      %all_reduce_population_count3A_1765 = tpu.all_reduce %gt3A_1764 {dim = 0 : i64, kind = #tpu.reduction_kind<sum>} : vector<16xi1> -> vector<16xi32>
      %add3A_1766 = arith.addi %add3A_1728, %all_reduce_population_count3A_1765 : vector<16xi32>
      %get3A_1767 = arith.constant 0 : i32
      %get3A_1768 = arith.index_cast %scan3A_1650 : i32 to index
      %get3A_1769 = arith.index_cast %get3A_1767 : i32 to index
      %get3A_1770 = arith.constant 96 : index
      %get3A_1771 = tpu.vector_load %arg11[%get3A_1768, %get3A_1769, %get3A_1770] {strides = array<i32>} : memref<128x2x128xf32, #tpu.memory_space<vmem>>, vector<16xf32>,
      %get3A_1772 = arith.constant 1 : i32
      %get3A_1773 = arith.index_cast %scan3A_1650 : i32 to index
      %get3A_1774 = arith.index_cast %get3A_1772 : i32 to index
      %get3A_1775 = arith.constant 96 : index
      %get3A_1776 = tpu.vector_load %arg11[%get3A_1773, %get3A_1774, %get3A_1775] {strides = array<i32>} : memref<128x2x128xf32, #tpu.memory_space<vmem>>, vector<16xf32>,
      %sub3A_1777 = arith.subf %get3A_1771, %gather3A_1381 : vector<16xf32>
      %sub3A_1778 = arith.subf %get3A_1776, %gather3A_1382 : vector<16xf32>
      %mul3A_1779 = arith.mulf %sub3A_1777, %sub3A_1777 : vector<16xf32>
      %mul3A_1780 = arith.mulf %sub3A_1778, %sub3A_1778 : vector<16xf32>
      %add3A_1781 = arith.addf %mul3A_1779, %mul3A_1780 : vector<16xf32>
      %bitcast3A_1782 = vector.bitcast %add3A_1781 : vector<16xf32> to vector<16xi32>
      %gt3A_1783 = arith.cmpi sgt, %bitcast3A_1782, %select_n3A_1654 : vector<16xi32>
      %all_reduce_population_count3A_1784 = tpu.all_reduce %gt3A_1783 {dim = 0 : i64, kind = #tpu.reduction_kind<sum>} : vector<16xi1> -> vector<16xi32>
      %add3A_1785 = arith.addi %add3A_1747, %all_reduce_population_count3A_1784 : vector<16xi32>
      %get3A_1786 = arith.constant 0 : i32
      %get3A_1787 = arith.index_cast %scan3A_1650 : i32 to index
      %get3A_1788 = arith.index_cast %get3A_1786 : i32 to index
      %get3A_1789 = arith.constant 112 : index
      %get3A_1790 = tpu.vector_load %arg11[%get3A_1787, %get3A_1788, %get3A_1789] {strides = array<i32>} : memref<128x2x128xf32, #tpu.memory_space<vmem>>, vector<16xf32>,
      %get3A_1791 = arith.constant 1 : i32
      %get3A_1792 = arith.index_cast %scan3A_1650 : i32 to index
      %get3A_1793 = arith.index_cast %get3A_1791 : i32 to index
      %get3A_1794 = arith.constant 112 : index
      %get3A_1795 = tpu.vector_load %arg11[%get3A_1792, %get3A_1793, %get3A_1794] {strides = array<i32>} : memref<128x2x128xf32, #tpu.memory_space<vmem>>, vector<16xf32>,
      %sub3A_1796 = arith.subf %get3A_1790, %gather3A_1381 : vector<16xf32>
      %sub3A_1797 = arith.subf %get3A_1795, %gather3A_1382 : vector<16xf32>
      %mul3A_1798 = arith.mulf %sub3A_1796, %sub3A_1796 : vector<16xf32>
      %mul3A_1799 = arith.mulf %sub3A_1797, %sub3A_1797 : vector<16xf32>
      %add3A_1800 = arith.addf %mul3A_1798, %mul3A_1799 : vector<16xf32>
      %bitcast3A_1801 = vector.bitcast %add3A_1800 : vector<16xf32> to vector<16xi32>
      %gt3A_1802 = arith.cmpi sgt, %bitcast3A_1801, %select_n3A_1654 : vector<16xi32>
      %all_reduce_population_count3A_1803 = tpu.all_reduce %gt3A_1802 {dim = 0 : i64, kind = #tpu.reduction_kind<sum>} : vector<16xi1> -> vector<16xi32>
      %add3A_1804 = arith.addi %add3A_1766, %all_reduce_population_count3A_1803 : vector<16xi32>
      scf.yield %add3A_1785, %add3A_1804 : vector<16xi32>, vector<16xi32>
    }
    %scan3A_1420 = arith.constant 128 : i32
    %dma_wait3A_1421 = arith.constant 128 : i32
    %dma_wait3A_1422 = arith.constant 0 : i32
    %dma_wait3A_1423 = arith.constant 0 : i32
    %dma_wait3A_1424 = tpu.memref_slice %arg2[%add3A_1337, %dma_wait3A_1421, %dma_wait3A_1422, %dma_wait3A_1423] : memref<128x256x4x128xf32, #tpu.memory_space<hbm>> -> memref<1x128x2x128xf32, #tpu.memory_space<hbm>>
    %dma_wait3A_1425 = tpu.memref_squeeze %dma_wait3A_1424 : memref<1x128x2x128xf32, #tpu.memory_space<hbm>> -> memref<128x2x128xf32, #tpu.memory_space<hbm>>
    %dma_wait3A_1426 = arith.constant 128 : i32
    %dma_wait3A_1427 = arith.constant 0 : i32
    %dma_wait3A_1428 = arith.constant 0 : i32
    %dma_wait3A_1429 = tpu.memref_slice %arg2[%add3A_1337, %dma_wait3A_1426, %dma_wait3A_1427, %dma_wait3A_1428] : memref<128x256x4x128xf32, #tpu.memory_space<hbm>> -> memref<1x128x2x128xf32, #tpu.memory_space<hbm>>
    %dma_wait3A_1430 = tpu.memref_squeeze %dma_wait3A_1429 : memref<1x128x2x128xf32, #tpu.memory_space<hbm>> -> memref<128x2x128xf32, #tpu.memory_space<hbm>>
    tpu.wait_dma2 semaphore(%arg13 : memref<!tpu.dma_semaphore, #tpu.memory_space<semaphore_mem>>) src(%dma_wait3A_1430 : memref<128x2x128xf32, #tpu.memory_space<hbm>>) dst(%arg9 : memref<128x2x128xf32, #tpu.memory_space<vmem>>)
    %mul3A_1431 = arith.constant 4 : i32
    %mul3A_1432 = arith.muli %add3A, %mul3A_1431 : i32
    %add3A_1433 = arith.constant 2 : i32
    %add3A_1434 = arith.addi %mul3A_1432, %add3A_1433 : i32
    %dma_start3A_1435 = arith.constant 128 : i32
    %dma_start3A_1436 = arith.constant 0 : i32
    %dma_start3A_1437 = arith.constant 0 : i32
    %dma_start3A_1438 = tpu.memref_slice %arg2[%add3A_1434, %dma_start3A_1435, %dma_start3A_1436, %dma_start3A_1437] : memref<128x256x4x128xf32, #tpu.memory_space<hbm>> -> memref<1x128x2x128xf32, #tpu.memory_space<hbm>>
    %dma_start3A_1439 = tpu.memref_squeeze %dma_start3A_1438 : memref<1x128x2x128xf32, #tpu.memory_space<hbm>> -> memref<128x2x128xf32, #tpu.memory_space<hbm>>
    %dma_start3A_1440 = arith.constant 128 : i32
    %dma_start3A_1441 = arith.constant 0 : i32
    %dma_start3A_1442 = arith.constant 0 : i32
    %dma_start3A_1443 = tpu.memref_slice %arg2[%add3A_1434, %dma_start3A_1440, %dma_start3A_1441, %dma_start3A_1442] : memref<128x256x4x128xf32, #tpu.memory_space<hbm>> -> memref<1x128x2x128xf32, #tpu.memory_space<hbm>>
    %dma_start3A_1444 = tpu.memref_squeeze %dma_start3A_1443 : memref<1x128x2x128xf32, #tpu.memory_space<hbm>> -> memref<128x2x128xf32, #tpu.memory_space<hbm>>
    tpu.enqueue_dma source(%dma_start3A_1444 : memref<128x2x128xf32, #tpu.memory_space<hbm>>) target(%arg11 : memref<128x2x128xf32, #tpu.memory_space<vmem>>) target_semaphore(%arg15 : memref<!tpu.dma_semaphore, #tpu.memory_space<semaphore_mem>>)
    %sub3A_1445 = arith.constant 128 : i32
    %sub3A_1446 = arith.subi %shift_right_logical3A_90, %sub3A_1445 : i32
    %scan3A_1447 = arith.constant 0 : i32
    %scan3A_1448 = arith.constant 128 : i32
    %scan3A_1449 = arith.addi %scan3A_1447, %scan3A_1448 : i32
    %scan3A_1450 = arith.constant 1 : i32
    %scan3A_1451:2 = scf.for %scan3A_1650 = %scan3A_1447 to %scan3A_1449 step %scan3A_1450 iter_args(%scan3A_1651 = %scan3A_1419#0, %scan3A_1652 = %scan3A_1419#1) -> (vector<16xi32>, vector<16xi32>)  : i32 {
      %lt3A_1653 = arith.cmpi slt, %scan3A_1650, %sub3A_1446 : i32
      %select_n3A_1654 = arith.select %lt3A_1653, %sub3A_603, %bitcast3A_602 : vector<16xi32>
      %get3A_1655 = arith.constant 0 : i32
      %get3A_1656 = arith.index_cast %scan3A_1650 : i32 to index
      %get3A_1657 = arith.index_cast %get3A_1655 : i32 to index
      %get3A_1658 = arith.constant 0 : index
      %get3A_1659 = tpu.vector_load %arg9[%get3A_1656, %get3A_1657, %get3A_1658] {strides = array<i32>} : memref<128x2x128xf32, #tpu.memory_space<vmem>>, vector<16xf32>,
      %get3A_1660 = arith.constant 1 : i32
      %get3A_1661 = arith.index_cast %scan3A_1650 : i32 to index
      %get3A_1662 = arith.index_cast %get3A_1660 : i32 to index
      %get3A_1663 = arith.constant 0 : index
      %get3A_1664 = tpu.vector_load %arg9[%get3A_1661, %get3A_1662, %get3A_1663] {strides = array<i32>} : memref<128x2x128xf32, #tpu.memory_space<vmem>>, vector<16xf32>,
      %sub3A_1665 = arith.subf %get3A_1659, %gather3A_1381 : vector<16xf32>
      %sub3A_1666 = arith.subf %get3A_1664, %gather3A_1382 : vector<16xf32>
      %mul3A_1667 = arith.mulf %sub3A_1665, %sub3A_1665 : vector<16xf32>
      %mul3A_1668 = arith.mulf %sub3A_1666, %sub3A_1666 : vector<16xf32>
      %add3A_1669 = arith.addf %mul3A_1667, %mul3A_1668 : vector<16xf32>
      %bitcast3A_1670 = vector.bitcast %add3A_1669 : vector<16xf32> to vector<16xi32>
      %gt3A = arith.cmpi sgt, %bitcast3A_1670, %select_n3A_1654 : vector<16xi32>
      %all_reduce_population_count3A = tpu.all_reduce %gt3A {dim = 0 : i64, kind = #tpu.reduction_kind<sum>} : vector<16xi1> -> vector<16xi32>
      %add3A_1671 = arith.addi %scan3A_1651, %all_reduce_population_count3A : vector<16xi32>
      %get3A_1672 = arith.constant 0 : i32
      %get3A_1673 = arith.index_cast %scan3A_1650 : i32 to index
      %get3A_1674 = arith.index_cast %get3A_1672 : i32 to index
      %get3A_1675 = arith.constant 16 : index
      %get3A_1676 = tpu.vector_load %arg9[%get3A_1673, %get3A_1674, %get3A_1675] {strides = array<i32>} : memref<128x2x128xf32, #tpu.memory_space<vmem>>, vector<16xf32>,
      %get3A_1677 = arith.constant 1 : i32
      %get3A_1678 = arith.index_cast %scan3A_1650 : i32 to index
      %get3A_1679 = arith.index_cast %get3A_1677 : i32 to index
      %get3A_1680 = arith.constant 16 : index
      %get3A_1681 = tpu.vector_load %arg9[%get3A_1678, %get3A_1679, %get3A_1680] {strides = array<i32>} : memref<128x2x128xf32, #tpu.memory_space<vmem>>, vector<16xf32>,
      %sub3A_1682 = arith.subf %get3A_1676, %gather3A_1381 : vector<16xf32>
      %sub3A_1683 = arith.subf %get3A_1681, %gather3A_1382 : vector<16xf32>
      %mul3A_1684 = arith.mulf %sub3A_1682, %sub3A_1682 : vector<16xf32>
      %mul3A_1685 = arith.mulf %sub3A_1683, %sub3A_1683 : vector<16xf32>
      %add3A_1686 = arith.addf %mul3A_1684, %mul3A_1685 : vector<16xf32>
      %bitcast3A_1687 = vector.bitcast %add3A_1686 : vector<16xf32> to vector<16xi32>
      %gt3A_1688 = arith.cmpi sgt, %bitcast3A_1687, %select_n3A_1654 : vector<16xi32>
      %all_reduce_population_count3A_1689 = tpu.all_reduce %gt3A_1688 {dim = 0 : i64, kind = #tpu.reduction_kind<sum>} : vector<16xi1> -> vector<16xi32>
      %add3A_1690 = arith.addi %scan3A_1652, %all_reduce_population_count3A_1689 : vector<16xi32>
      %get3A_1691 = arith.constant 0 : i32
      %get3A_1692 = arith.index_cast %scan3A_1650 : i32 to index
      %get3A_1693 = arith.index_cast %get3A_1691 : i32 to index
      %get3A_1694 = arith.constant 32 : index
      %get3A_1695 = tpu.vector_load %arg9[%get3A_1692, %get3A_1693, %get3A_1694] {strides = array<i32>} : memref<128x2x128xf32, #tpu.memory_space<vmem>>, vector<16xf32>,
      %get3A_1696 = arith.constant 1 : i32
      %get3A_1697 = arith.index_cast %scan3A_1650 : i32 to index
      %get3A_1698 = arith.index_cast %get3A_1696 : i32 to index
      %get3A_1699 = arith.constant 32 : index
      %get3A_1700 = tpu.vector_load %arg9[%get3A_1697, %get3A_1698, %get3A_1699] {strides = array<i32>} : memref<128x2x128xf32, #tpu.memory_space<vmem>>, vector<16xf32>,
      %sub3A_1701 = arith.subf %get3A_1695, %gather3A_1381 : vector<16xf32>
      %sub3A_1702 = arith.subf %get3A_1700, %gather3A_1382 : vector<16xf32>
      %mul3A_1703 = arith.mulf %sub3A_1701, %sub3A_1701 : vector<16xf32>
      %mul3A_1704 = arith.mulf %sub3A_1702, %sub3A_1702 : vector<16xf32>
      %add3A_1705 = arith.addf %mul3A_1703, %mul3A_1704 : vector<16xf32>
      %bitcast3A_1706 = vector.bitcast %add3A_1705 : vector<16xf32> to vector<16xi32>
      %gt3A_1707 = arith.cmpi sgt, %bitcast3A_1706, %select_n3A_1654 : vector<16xi32>
      %all_reduce_population_count3A_1708 = tpu.all_reduce %gt3A_1707 {dim = 0 : i64, kind = #tpu.reduction_kind<sum>} : vector<16xi1> -> vector<16xi32>
      %add3A_1709 = arith.addi %add3A_1671, %all_reduce_population_count3A_1708 : vector<16xi32>
      %get3A_1710 = arith.constant 0 : i32
      %get3A_1711 = arith.index_cast %scan3A_1650 : i32 to index
      %get3A_1712 = arith.index_cast %get3A_1710 : i32 to index
      %get3A_1713 = arith.constant 48 : index
      %get3A_1714 = tpu.vector_load %arg9[%get3A_1711, %get3A_1712, %get3A_1713] {strides = array<i32>} : memref<128x2x128xf32, #tpu.memory_space<vmem>>, vector<16xf32>,
      %get3A_1715 = arith.constant 1 : i32
      %get3A_1716 = arith.index_cast %scan3A_1650 : i32 to index
      %get3A_1717 = arith.index_cast %get3A_1715 : i32 to index
      %get3A_1718 = arith.constant 48 : index
      %get3A_1719 = tpu.vector_load %arg9[%get3A_1716, %get3A_1717, %get3A_1718] {strides = array<i32>} : memref<128x2x128xf32, #tpu.memory_space<vmem>>, vector<16xf32>,
      %sub3A_1720 = arith.subf %get3A_1714, %gather3A_1381 : vector<16xf32>
      %sub3A_1721 = arith.subf %get3A_1719, %gather3A_1382 : vector<16xf32>
      %mul3A_1722 = arith.mulf %sub3A_1720, %sub3A_1720 : vector<16xf32>
      %mul3A_1723 = arith.mulf %sub3A_1721, %sub3A_1721 : vector<16xf32>
      %add3A_1724 = arith.addf %mul3A_1722, %mul3A_1723 : vector<16xf32>
      %bitcast3A_1725 = vector.bitcast %add3A_1724 : vector<16xf32> to vector<16xi32>
      %gt3A_1726 = arith.cmpi sgt, %bitcast3A_1725, %select_n3A_1654 : vector<16xi32>
      %all_reduce_population_count3A_1727 = tpu.all_reduce %gt3A_1726 {dim = 0 : i64, kind = #tpu.reduction_kind<sum>} : vector<16xi1> -> vector<16xi32>
      %add3A_1728 = arith.addi %add3A_1690, %all_reduce_population_count3A_1727 : vector<16xi32>
      %get3A_1729 = arith.constant 0 : i32
      %get3A_1730 = arith.index_cast %scan3A_1650 : i32 to index
      %get3A_1731 = arith.index_cast %get3A_1729 : i32 to index
      %get3A_1732 = arith.constant 64 : index
      %get3A_1733 = tpu.vector_load %arg9[%get3A_1730, %get3A_1731, %get3A_1732] {strides = array<i32>} : memref<128x2x128xf32, #tpu.memory_space<vmem>>, vector<16xf32>,
      %get3A_1734 = arith.constant 1 : i32
      %get3A_1735 = arith.index_cast %scan3A_1650 : i32 to index
      %get3A_1736 = arith.index_cast %get3A_1734 : i32 to index
      %get3A_1737 = arith.constant 64 : index
      %get3A_1738 = tpu.vector_load %arg9[%get3A_1735, %get3A_1736, %get3A_1737] {strides = array<i32>} : memref<128x2x128xf32, #tpu.memory_space<vmem>>, vector<16xf32>,
      %sub3A_1739 = arith.subf %get3A_1733, %gather3A_1381 : vector<16xf32>
      %sub3A_1740 = arith.subf %get3A_1738, %gather3A_1382 : vector<16xf32>
      %mul3A_1741 = arith.mulf %sub3A_1739, %sub3A_1739 : vector<16xf32>
      %mul3A_1742 = arith.mulf %sub3A_1740, %sub3A_1740 : vector<16xf32>
      %add3A_1743 = arith.addf %mul3A_1741, %mul3A_1742 : vector<16xf32>
      %bitcast3A_1744 = vector.bitcast %add3A_1743 : vector<16xf32> to vector<16xi32>
      %gt3A_1745 = arith.cmpi sgt, %bitcast3A_1744, %select_n3A_1654 : vector<16xi32>
      %all_reduce_population_count3A_1746 = tpu.all_reduce %gt3A_1745 {dim = 0 : i64, kind = #tpu.reduction_kind<sum>} : vector<16xi1> -> vector<16xi32>
      %add3A_1747 = arith.addi %add3A_1709, %all_reduce_population_count3A_1746 : vector<16xi32>
      %get3A_1748 = arith.constant 0 : i32
      %get3A_1749 = arith.index_cast %scan3A_1650 : i32 to index
      %get3A_1750 = arith.index_cast %get3A_1748 : i32 to index
      %get3A_1751 = arith.constant 80 : index
      %get3A_1752 = tpu.vector_load %arg9[%get3A_1749, %get3A_1750, %get3A_1751] {strides = array<i32>} : memref<128x2x128xf32, #tpu.memory_space<vmem>>, vector<16xf32>,
      %get3A_1753 = arith.constant 1 : i32
      %get3A_1754 = arith.index_cast %scan3A_1650 : i32 to index
      %get3A_1755 = arith.index_cast %get3A_1753 : i32 to index
      %get3A_1756 = arith.constant 80 : index
      %get3A_1757 = tpu.vector_load %arg9[%get3A_1754, %get3A_1755, %get3A_1756] {strides = array<i32>} : memref<128x2x128xf32, #tpu.memory_space<vmem>>, vector<16xf32>,
      %sub3A_1758 = arith.subf %get3A_1752, %gather3A_1381 : vector<16xf32>
      %sub3A_1759 = arith.subf %get3A_1757, %gather3A_1382 : vector<16xf32>
      %mul3A_1760 = arith.mulf %sub3A_1758, %sub3A_1758 : vector<16xf32>
      %mul3A_1761 = arith.mulf %sub3A_1759, %sub3A_1759 : vector<16xf32>
      %add3A_1762 = arith.addf %mul3A_1760, %mul3A_1761 : vector<16xf32>
      %bitcast3A_1763 = vector.bitcast %add3A_1762 : vector<16xf32> to vector<16xi32>
      %gt3A_1764 = arith.cmpi sgt, %bitcast3A_1763, %select_n3A_1654 : vector<16xi32>
      %all_reduce_population_count3A_1765 = tpu.all_reduce %gt3A_1764 {dim = 0 : i64, kind = #tpu.reduction_kind<sum>} : vector<16xi1> -> vector<16xi32>
      %add3A_1766 = arith.addi %add3A_1728, %all_reduce_population_count3A_1765 : vector<16xi32>
      %get3A_1767 = arith.constant 0 : i32
      %get3A_1768 = arith.index_cast %scan3A_1650 : i32 to index
      %get3A_1769 = arith.index_cast %get3A_1767 : i32 to index
      %get3A_1770 = arith.constant 96 : index
      %get3A_1771 = tpu.vector_load %arg9[%get3A_1768, %get3A_1769, %get3A_1770] {strides = array<i32>} : memref<128x2x128xf32, #tpu.memory_space<vmem>>, vector<16xf32>,
      %get3A_1772 = arith.constant 1 : i32
      %get3A_1773 = arith.index_cast %scan3A_1650 : i32 to index
      %get3A_1774 = arith.index_cast %get3A_1772 : i32 to index
      %get3A_1775 = arith.constant 96 : index
      %get3A_1776 = tpu.vector_load %arg9[%get3A_1773, %get3A_1774, %get3A_1775] {strides = array<i32>} : memref<128x2x128xf32, #tpu.memory_space<vmem>>, vector<16xf32>,
      %sub3A_1777 = arith.subf %get3A_1771, %gather3A_1381 : vector<16xf32>
      %sub3A_1778 = arith.subf %get3A_1776, %gather3A_1382 : vector<16xf32>
      %mul3A_1779 = arith.mulf %sub3A_1777, %sub3A_1777 : vector<16xf32>
      %mul3A_1780 = arith.mulf %sub3A_1778, %sub3A_1778 : vector<16xf32>
      %add3A_1781 = arith.addf %mul3A_1779, %mul3A_1780 : vector<16xf32>
      %bitcast3A_1782 = vector.bitcast %add3A_1781 : vector<16xf32> to vector<16xi32>
      %gt3A_1783 = arith.cmpi sgt, %bitcast3A_1782, %select_n3A_1654 : vector<16xi32>
      %all_reduce_population_count3A_1784 = tpu.all_reduce %gt3A_1783 {dim = 0 : i64, kind = #tpu.reduction_kind<sum>} : vector<16xi1> -> vector<16xi32>
      %add3A_1785 = arith.addi %add3A_1747, %all_reduce_population_count3A_1784 : vector<16xi32>
      %get3A_1786 = arith.constant 0 : i32
      %get3A_1787 = arith.index_cast %scan3A_1650 : i32 to index
      %get3A_1788 = arith.index_cast %get3A_1786 : i32 to index
      %get3A_1789 = arith.constant 112 : index
      %get3A_1790 = tpu.vector_load %arg9[%get3A_1787, %get3A_1788, %get3A_1789] {strides = array<i32>} : memref<128x2x128xf32, #tpu.memory_space<vmem>>, vector<16xf32>,
      %get3A_1791 = arith.constant 1 : i32
      %get3A_1792 = arith.index_cast %scan3A_1650 : i32 to index
      %get3A_1793 = arith.index_cast %get3A_1791 : i32 to index
      %get3A_1794 = arith.constant 112 : index
      %get3A_1795 = tpu.vector_load %arg9[%get3A_1792, %get3A_1793, %get3A_1794] {strides = array<i32>} : memref<128x2x128xf32, #tpu.memory_space<vmem>>, vector<16xf32>,
      %sub3A_1796 = arith.subf %get3A_1790, %gather3A_1381 : vector<16xf32>
      %sub3A_1797 = arith.subf %get3A_1795, %gather3A_1382 : vector<16xf32>
      %mul3A_1798 = arith.mulf %sub3A_1796, %sub3A_1796 : vector<16xf32>
      %mul3A_1799 = arith.mulf %sub3A_1797, %sub3A_1797 : vector<16xf32>
      %add3A_1800 = arith.addf %mul3A_1798, %mul3A_1799 : vector<16xf32>
      %bitcast3A_1801 = vector.bitcast %add3A_1800 : vector<16xf32> to vector<16xi32>
      %gt3A_1802 = arith.cmpi sgt, %bitcast3A_1801, %select_n3A_1654 : vector<16xi32>
      %all_reduce_population_count3A_1803 = tpu.all_reduce %gt3A_1802 {dim = 0 : i64, kind = #tpu.reduction_kind<sum>} : vector<16xi1> -> vector<16xi32>
      %add3A_1804 = arith.addi %add3A_1766, %all_reduce_population_count3A_1803 : vector<16xi32>
      scf.yield %add3A_1785, %add3A_1804 : vector<16xi32>, vector<16xi32>
    }
    %scan3A_1452 = arith.constant 128 : i32
    %slice3A_1453 = vector.extract_strided_slice %scan3A_1451#0 {offsets = [0], sizes = [1], strides = [1]} : vector<16xi32> to vector<1xi32>
    %squeeze3A_1454 = vector.extract %slice3A_1453[0] : i32 from vector<1xi32>
    %slice3A_1455 = vector.extract_strided_slice %scan3A_1451#1 {offsets = [0], sizes = [1], strides = [1]} : vector<16xi32> to vector<1xi32>
    %squeeze3A_1456 = vector.extract %slice3A_1455[0] : i32 from vector<1xi32>
    %add3A_1457 = arith.addi %squeeze3A_1454, %squeeze3A_1456 : i32
    %lt3A_1458 = arith.constant 1024 : i32
    %lt3A_1459 = arith.cmpi slt, %add3A_1457, %lt3A_1458 : i32
    %jit3A_1460 = arith.constant 1.000000e+00 : f32
    %jit3A_1461 = arith.constant 0.000000e+00 : f32
    %select_n3A_1462 = arith.select %lt3A_1459, %jit3A_1460, %jit3A_1461 : f32
    %eq3A_1463 = arith.constant 2 : i32
    %eq3A_1464 = vector.broadcast %eq3A_1463 : i32 to vector<16xi32>
    %eq3A_1465 = arith.cmpi eq, %iota3A, %eq3A_1464 : vector<16xi32>
    %broadcast_in_dim3A_1466 = vector.broadcast %select_n3A_1462 : f32 to vector<16xf32>
    %select_n3A_1467 = arith.select %eq3A_1465, %broadcast_in_dim3A_1466, %select_n3A_1375 : vector<16xi1>, vector<16xf32>
    %eq3A_1468 = arith.constant 3 : i32
    %eq3A_1469 = vector.broadcast %eq3A_1468 : i32 to vector<16xi32>
    %eq3A_1470 = arith.cmpi eq, %iota3A, %eq3A_1469 : vector<16xi32>
    %sub3A_1471 = arith.constant 1.000000e+00 : f32
    %sub3A_1472 = arith.subf %sub3A_1471, %select_n3A_1462 : f32
    %broadcast_in_dim3A_1473 = vector.broadcast %sub3A_1472 : f32 to vector<16xf32>
    %select_n3A_1474 = arith.select %eq3A_1470, %broadcast_in_dim3A_1473, %select_n3A_1467 : vector<16xi1>, vector<16xf32>
    %and3A_1475 = arith.constant 127 : i32
    %and3A_1476 = arith.andi %squeeze3A_132, %and3A_1475 : i32
    %broadcast_in_dim3A_1477 = vector.broadcast %and3A_1476 : i32 to vector<16xi32>
    %broadcast_in_dim3A_1478 = arith.constant 4 : i32
    %broadcast_in_dim3A_1479 = vector.broadcast %broadcast_in_dim3A_1478 : i32 to vector<16xi32>
    %gather3A_1480 = tpu.vector_load_idx %arg8[%broadcast_in_dim3A_1479, %broadcast_in_dim3A_28, %broadcast_in_dim3A_1477] : memref<8x2x128xf32, #tpu.memory_space<vmem>>[vector<16xi32>, vector<16xi32>, vector<16xi32>], vector<16xf32>,
    %gather3A_1481 = tpu.vector_load_idx %arg8[%broadcast_in_dim3A_1479, %broadcast_in_dim3A_30, %broadcast_in_dim3A_1477] : memref<8x2x128xf32, #tpu.memory_space<vmem>>[vector<16xi32>, vector<16xi32>, vector<16xi32>], vector<16xf32>,
    %reduce_sum3A_1482 = arith.constant true
    %reduce_sum3A_1483 = vector.broadcast %reduce_sum3A_1482 : i1 to vector<16xi1>
    %reduce_sum3A_1484 = tpu.scan <sum>, %add3A_1046 masked %reduce_sum3A_1483 : vector<16xi32>, vector<16xi1> -> vector<16xi32>
    %reduce_sum3A_1485 = vector.extract %reduce_sum3A_1484[15] : i32 from vector<16xi32>
    %add3A_1486 = vector.broadcast %reduce_sum3A_1485 : i32 to vector<16xi32>
    %add3A_1487 = arith.addi %add3A_1486, %broadcast_in_dim3A_28 : vector<16xi32>
    %dma_wait3A_1488 = arith.constant 0 : i32
    %dma_wait3A_1489 = arith.constant 0 : i32
    %dma_wait3A_1490 = arith.constant 0 : i32
    %dma_wait3A_1491 = tpu.memref_slice %arg2[%add3A_1402, %dma_wait3A_1488, %dma_wait3A_1489, %dma_wait3A_1490] : memref<128x256x4x128xf32, #tpu.memory_space<hbm>> -> memref<1x128x2x128xf32, #tpu.memory_space<hbm>>
    %dma_wait3A_1492 = tpu.memref_squeeze %dma_wait3A_1491 : memref<1x128x2x128xf32, #tpu.memory_space<hbm>> -> memref<128x2x128xf32, #tpu.memory_space<hbm>>
    %dma_wait3A_1493 = arith.constant 0 : i32
    %dma_wait3A_1494 = arith.constant 0 : i32
    %dma_wait3A_1495 = arith.constant 0 : i32
    %dma_wait3A_1496 = tpu.memref_slice %arg2[%add3A_1402, %dma_wait3A_1493, %dma_wait3A_1494, %dma_wait3A_1495] : memref<128x256x4x128xf32, #tpu.memory_space<hbm>> -> memref<1x128x2x128xf32, #tpu.memory_space<hbm>>
    %dma_wait3A_1497 = tpu.memref_squeeze %dma_wait3A_1496 : memref<1x128x2x128xf32, #tpu.memory_space<hbm>> -> memref<128x2x128xf32, #tpu.memory_space<hbm>>
    tpu.wait_dma2 semaphore(%arg14 : memref<!tpu.dma_semaphore, #tpu.memory_space<semaphore_mem>>) src(%dma_wait3A_1497 : memref<128x2x128xf32, #tpu.memory_space<hbm>>) dst(%arg10 : memref<128x2x128xf32, #tpu.memory_space<vmem>>)
    %mul3A_1498 = arith.constant 4 : i32
    %mul3A_1499 = arith.muli %add3A, %mul3A_1498 : i32
    %add3A_1500 = arith.constant 3 : i32
    %add3A_1501 = arith.addi %mul3A_1499, %add3A_1500 : i32
    %dma_start3A_1502 = arith.constant 0 : i32
    %dma_start3A_1503 = arith.constant 0 : i32
    %dma_start3A_1504 = arith.constant 0 : i32
    %dma_start3A_1505 = tpu.memref_slice %arg2[%add3A_1501, %dma_start3A_1502, %dma_start3A_1503, %dma_start3A_1504] : memref<128x256x4x128xf32, #tpu.memory_space<hbm>> -> memref<1x128x2x128xf32, #tpu.memory_space<hbm>>
    %dma_start3A_1506 = tpu.memref_squeeze %dma_start3A_1505 : memref<1x128x2x128xf32, #tpu.memory_space<hbm>> -> memref<128x2x128xf32, #tpu.memory_space<hbm>>
    %dma_start3A_1507 = arith.constant 0 : i32
    %dma_start3A_1508 = arith.constant 0 : i32
    %dma_start3A_1509 = arith.constant 0 : i32
    %dma_start3A_1510 = tpu.memref_slice %arg2[%add3A_1501, %dma_start3A_1507, %dma_start3A_1508, %dma_start3A_1509] : memref<128x256x4x128xf32, #tpu.memory_space<hbm>> -> memref<1x128x2x128xf32, #tpu.memory_space<hbm>>
    %dma_start3A_1511 = tpu.memref_squeeze %dma_start3A_1510 : memref<1x128x2x128xf32, #tpu.memory_space<hbm>> -> memref<128x2x128xf32, #tpu.memory_space<hbm>>
    tpu.enqueue_dma source(%dma_start3A_1511 : memref<128x2x128xf32, #tpu.memory_space<hbm>>) target(%arg9 : memref<128x2x128xf32, #tpu.memory_space<vmem>>) target_semaphore(%arg13 : memref<!tpu.dma_semaphore, #tpu.memory_space<semaphore_mem>>)
    %sub3A_1512 = arith.constant 0 : i32
    %sub3A_1513 = arith.subi %shift_right_logical3A_139, %sub3A_1512 : i32
    %scan3A_1514 = arith.constant 0 : i32
    %scan3A_1515 = arith.constant 128 : i32
    %scan3A_1516 = arith.addi %scan3A_1514, %scan3A_1515 : i32
    %scan3A_1517 = arith.constant 1 : i32
    %scan3A_1518:2 = scf.for %scan3A_1650 = %scan3A_1514 to %scan3A_1516 step %scan3A_1517 iter_args(%scan3A_1651 = %add3A_1487, %scan3A_1652 = %broadcast_in_dim3A_28) -> (vector<16xi32>, vector<16xi32>)  : i32 {
      %lt3A_1653 = arith.cmpi slt, %scan3A_1650, %sub3A_1513 : i32
      %select_n3A_1654 = arith.select %lt3A_1653, %sub3A_835, %bitcast3A_834 : vector<16xi32>
      %get3A_1655 = arith.constant 0 : i32
      %get3A_1656 = arith.index_cast %scan3A_1650 : i32 to index
      %get3A_1657 = arith.index_cast %get3A_1655 : i32 to index
      %get3A_1658 = arith.constant 0 : index
      %get3A_1659 = tpu.vector_load %arg10[%get3A_1656, %get3A_1657, %get3A_1658] {strides = array<i32>} : memref<128x2x128xf32, #tpu.memory_space<vmem>>, vector<16xf32>,
      %get3A_1660 = arith.constant 1 : i32
      %get3A_1661 = arith.index_cast %scan3A_1650 : i32 to index
      %get3A_1662 = arith.index_cast %get3A_1660 : i32 to index
      %get3A_1663 = arith.constant 0 : index
      %get3A_1664 = tpu.vector_load %arg10[%get3A_1661, %get3A_1662, %get3A_1663] {strides = array<i32>} : memref<128x2x128xf32, #tpu.memory_space<vmem>>, vector<16xf32>,
      %sub3A_1665 = arith.subf %get3A_1659, %gather3A_1480 : vector<16xf32>
      %sub3A_1666 = arith.subf %get3A_1664, %gather3A_1481 : vector<16xf32>
      %mul3A_1667 = arith.mulf %sub3A_1665, %sub3A_1665 : vector<16xf32>
      %mul3A_1668 = arith.mulf %sub3A_1666, %sub3A_1666 : vector<16xf32>
      %add3A_1669 = arith.addf %mul3A_1667, %mul3A_1668 : vector<16xf32>
      %bitcast3A_1670 = vector.bitcast %add3A_1669 : vector<16xf32> to vector<16xi32>
      %gt3A = arith.cmpi sgt, %bitcast3A_1670, %select_n3A_1654 : vector<16xi32>
      %all_reduce_population_count3A = tpu.all_reduce %gt3A {dim = 0 : i64, kind = #tpu.reduction_kind<sum>} : vector<16xi1> -> vector<16xi32>
      %add3A_1671 = arith.addi %scan3A_1651, %all_reduce_population_count3A : vector<16xi32>
      %get3A_1672 = arith.constant 0 : i32
      %get3A_1673 = arith.index_cast %scan3A_1650 : i32 to index
      %get3A_1674 = arith.index_cast %get3A_1672 : i32 to index
      %get3A_1675 = arith.constant 16 : index
      %get3A_1676 = tpu.vector_load %arg10[%get3A_1673, %get3A_1674, %get3A_1675] {strides = array<i32>} : memref<128x2x128xf32, #tpu.memory_space<vmem>>, vector<16xf32>,
      %get3A_1677 = arith.constant 1 : i32
      %get3A_1678 = arith.index_cast %scan3A_1650 : i32 to index
      %get3A_1679 = arith.index_cast %get3A_1677 : i32 to index
      %get3A_1680 = arith.constant 16 : index
      %get3A_1681 = tpu.vector_load %arg10[%get3A_1678, %get3A_1679, %get3A_1680] {strides = array<i32>} : memref<128x2x128xf32, #tpu.memory_space<vmem>>, vector<16xf32>,
      %sub3A_1682 = arith.subf %get3A_1676, %gather3A_1480 : vector<16xf32>
      %sub3A_1683 = arith.subf %get3A_1681, %gather3A_1481 : vector<16xf32>
      %mul3A_1684 = arith.mulf %sub3A_1682, %sub3A_1682 : vector<16xf32>
      %mul3A_1685 = arith.mulf %sub3A_1683, %sub3A_1683 : vector<16xf32>
      %add3A_1686 = arith.addf %mul3A_1684, %mul3A_1685 : vector<16xf32>
      %bitcast3A_1687 = vector.bitcast %add3A_1686 : vector<16xf32> to vector<16xi32>
      %gt3A_1688 = arith.cmpi sgt, %bitcast3A_1687, %select_n3A_1654 : vector<16xi32>
      %all_reduce_population_count3A_1689 = tpu.all_reduce %gt3A_1688 {dim = 0 : i64, kind = #tpu.reduction_kind<sum>} : vector<16xi1> -> vector<16xi32>
      %add3A_1690 = arith.addi %scan3A_1652, %all_reduce_population_count3A_1689 : vector<16xi32>
      %get3A_1691 = arith.constant 0 : i32
      %get3A_1692 = arith.index_cast %scan3A_1650 : i32 to index
      %get3A_1693 = arith.index_cast %get3A_1691 : i32 to index
      %get3A_1694 = arith.constant 32 : index
      %get3A_1695 = tpu.vector_load %arg10[%get3A_1692, %get3A_1693, %get3A_1694] {strides = array<i32>} : memref<128x2x128xf32, #tpu.memory_space<vmem>>, vector<16xf32>,
      %get3A_1696 = arith.constant 1 : i32
      %get3A_1697 = arith.index_cast %scan3A_1650 : i32 to index
      %get3A_1698 = arith.index_cast %get3A_1696 : i32 to index
      %get3A_1699 = arith.constant 32 : index
      %get3A_1700 = tpu.vector_load %arg10[%get3A_1697, %get3A_1698, %get3A_1699] {strides = array<i32>} : memref<128x2x128xf32, #tpu.memory_space<vmem>>, vector<16xf32>,
      %sub3A_1701 = arith.subf %get3A_1695, %gather3A_1480 : vector<16xf32>
      %sub3A_1702 = arith.subf %get3A_1700, %gather3A_1481 : vector<16xf32>
      %mul3A_1703 = arith.mulf %sub3A_1701, %sub3A_1701 : vector<16xf32>
      %mul3A_1704 = arith.mulf %sub3A_1702, %sub3A_1702 : vector<16xf32>
      %add3A_1705 = arith.addf %mul3A_1703, %mul3A_1704 : vector<16xf32>
      %bitcast3A_1706 = vector.bitcast %add3A_1705 : vector<16xf32> to vector<16xi32>
      %gt3A_1707 = arith.cmpi sgt, %bitcast3A_1706, %select_n3A_1654 : vector<16xi32>
      %all_reduce_population_count3A_1708 = tpu.all_reduce %gt3A_1707 {dim = 0 : i64, kind = #tpu.reduction_kind<sum>} : vector<16xi1> -> vector<16xi32>
      %add3A_1709 = arith.addi %add3A_1671, %all_reduce_population_count3A_1708 : vector<16xi32>
      %get3A_1710 = arith.constant 0 : i32
      %get3A_1711 = arith.index_cast %scan3A_1650 : i32 to index
      %get3A_1712 = arith.index_cast %get3A_1710 : i32 to index
      %get3A_1713 = arith.constant 48 : index
      %get3A_1714 = tpu.vector_load %arg10[%get3A_1711, %get3A_1712, %get3A_1713] {strides = array<i32>} : memref<128x2x128xf32, #tpu.memory_space<vmem>>, vector<16xf32>,
      %get3A_1715 = arith.constant 1 : i32
      %get3A_1716 = arith.index_cast %scan3A_1650 : i32 to index
      %get3A_1717 = arith.index_cast %get3A_1715 : i32 to index
      %get3A_1718 = arith.constant 48 : index
      %get3A_1719 = tpu.vector_load %arg10[%get3A_1716, %get3A_1717, %get3A_1718] {strides = array<i32>} : memref<128x2x128xf32, #tpu.memory_space<vmem>>, vector<16xf32>,
      %sub3A_1720 = arith.subf %get3A_1714, %gather3A_1480 : vector<16xf32>
      %sub3A_1721 = arith.subf %get3A_1719, %gather3A_1481 : vector<16xf32>
      %mul3A_1722 = arith.mulf %sub3A_1720, %sub3A_1720 : vector<16xf32>
      %mul3A_1723 = arith.mulf %sub3A_1721, %sub3A_1721 : vector<16xf32>
      %add3A_1724 = arith.addf %mul3A_1722, %mul3A_1723 : vector<16xf32>
      %bitcast3A_1725 = vector.bitcast %add3A_1724 : vector<16xf32> to vector<16xi32>
      %gt3A_1726 = arith.cmpi sgt, %bitcast3A_1725, %select_n3A_1654 : vector<16xi32>
      %all_reduce_population_count3A_1727 = tpu.all_reduce %gt3A_1726 {dim = 0 : i64, kind = #tpu.reduction_kind<sum>} : vector<16xi1> -> vector<16xi32>
      %add3A_1728 = arith.addi %add3A_1690, %all_reduce_population_count3A_1727 : vector<16xi32>
      %get3A_1729 = arith.constant 0 : i32
      %get3A_1730 = arith.index_cast %scan3A_1650 : i32 to index
      %get3A_1731 = arith.index_cast %get3A_1729 : i32 to index
      %get3A_1732 = arith.constant 64 : index
      %get3A_1733 = tpu.vector_load %arg10[%get3A_1730, %get3A_1731, %get3A_1732] {strides = array<i32>} : memref<128x2x128xf32, #tpu.memory_space<vmem>>, vector<16xf32>,
      %get3A_1734 = arith.constant 1 : i32
      %get3A_1735 = arith.index_cast %scan3A_1650 : i32 to index
      %get3A_1736 = arith.index_cast %get3A_1734 : i32 to index
      %get3A_1737 = arith.constant 64 : index
      %get3A_1738 = tpu.vector_load %arg10[%get3A_1735, %get3A_1736, %get3A_1737] {strides = array<i32>} : memref<128x2x128xf32, #tpu.memory_space<vmem>>, vector<16xf32>,
      %sub3A_1739 = arith.subf %get3A_1733, %gather3A_1480 : vector<16xf32>
      %sub3A_1740 = arith.subf %get3A_1738, %gather3A_1481 : vector<16xf32>
      %mul3A_1741 = arith.mulf %sub3A_1739, %sub3A_1739 : vector<16xf32>
      %mul3A_1742 = arith.mulf %sub3A_1740, %sub3A_1740 : vector<16xf32>
      %add3A_1743 = arith.addf %mul3A_1741, %mul3A_1742 : vector<16xf32>
      %bitcast3A_1744 = vector.bitcast %add3A_1743 : vector<16xf32> to vector<16xi32>
      %gt3A_1745 = arith.cmpi sgt, %bitcast3A_1744, %select_n3A_1654 : vector<16xi32>
      %all_reduce_population_count3A_1746 = tpu.all_reduce %gt3A_1745 {dim = 0 : i64, kind = #tpu.reduction_kind<sum>} : vector<16xi1> -> vector<16xi32>
      %add3A_1747 = arith.addi %add3A_1709, %all_reduce_population_count3A_1746 : vector<16xi32>
      %get3A_1748 = arith.constant 0 : i32
      %get3A_1749 = arith.index_cast %scan3A_1650 : i32 to index
      %get3A_1750 = arith.index_cast %get3A_1748 : i32 to index
      %get3A_1751 = arith.constant 80 : index
      %get3A_1752 = tpu.vector_load %arg10[%get3A_1749, %get3A_1750, %get3A_1751] {strides = array<i32>} : memref<128x2x128xf32, #tpu.memory_space<vmem>>, vector<16xf32>,
      %get3A_1753 = arith.constant 1 : i32
      %get3A_1754 = arith.index_cast %scan3A_1650 : i32 to index
      %get3A_1755 = arith.index_cast %get3A_1753 : i32 to index
      %get3A_1756 = arith.constant 80 : index
      %get3A_1757 = tpu.vector_load %arg10[%get3A_1754, %get3A_1755, %get3A_1756] {strides = array<i32>} : memref<128x2x128xf32, #tpu.memory_space<vmem>>, vector<16xf32>,
      %sub3A_1758 = arith.subf %get3A_1752, %gather3A_1480 : vector<16xf32>
      %sub3A_1759 = arith.subf %get3A_1757, %gather3A_1481 : vector<16xf32>
      %mul3A_1760 = arith.mulf %sub3A_1758, %sub3A_1758 : vector<16xf32>
      %mul3A_1761 = arith.mulf %sub3A_1759, %sub3A_1759 : vector<16xf32>
      %add3A_1762 = arith.addf %mul3A_1760, %mul3A_1761 : vector<16xf32>
      %bitcast3A_1763 = vector.bitcast %add3A_1762 : vector<16xf32> to vector<16xi32>
      %gt3A_1764 = arith.cmpi sgt, %bitcast3A_1763, %select_n3A_1654 : vector<16xi32>
      %all_reduce_population_count3A_1765 = tpu.all_reduce %gt3A_1764 {dim = 0 : i64, kind = #tpu.reduction_kind<sum>} : vector<16xi1> -> vector<16xi32>
      %add3A_1766 = arith.addi %add3A_1728, %all_reduce_population_count3A_1765 : vector<16xi32>
      %get3A_1767 = arith.constant 0 : i32
      %get3A_1768 = arith.index_cast %scan3A_1650 : i32 to index
      %get3A_1769 = arith.index_cast %get3A_1767 : i32 to index
      %get3A_1770 = arith.constant 96 : index
      %get3A_1771 = tpu.vector_load %arg10[%get3A_1768, %get3A_1769, %get3A_1770] {strides = array<i32>} : memref<128x2x128xf32, #tpu.memory_space<vmem>>, vector<16xf32>,
      %get3A_1772 = arith.constant 1 : i32
      %get3A_1773 = arith.index_cast %scan3A_1650 : i32 to index
      %get3A_1774 = arith.index_cast %get3A_1772 : i32 to index
      %get3A_1775 = arith.constant 96 : index
      %get3A_1776 = tpu.vector_load %arg10[%get3A_1773, %get3A_1774, %get3A_1775] {strides = array<i32>} : memref<128x2x128xf32, #tpu.memory_space<vmem>>, vector<16xf32>,
      %sub3A_1777 = arith.subf %get3A_1771, %gather3A_1480 : vector<16xf32>
      %sub3A_1778 = arith.subf %get3A_1776, %gather3A_1481 : vector<16xf32>
      %mul3A_1779 = arith.mulf %sub3A_1777, %sub3A_1777 : vector<16xf32>
      %mul3A_1780 = arith.mulf %sub3A_1778, %sub3A_1778 : vector<16xf32>
      %add3A_1781 = arith.addf %mul3A_1779, %mul3A_1780 : vector<16xf32>
      %bitcast3A_1782 = vector.bitcast %add3A_1781 : vector<16xf32> to vector<16xi32>
      %gt3A_1783 = arith.cmpi sgt, %bitcast3A_1782, %select_n3A_1654 : vector<16xi32>
      %all_reduce_population_count3A_1784 = tpu.all_reduce %gt3A_1783 {dim = 0 : i64, kind = #tpu.reduction_kind<sum>} : vector<16xi1> -> vector<16xi32>
      %add3A_1785 = arith.addi %add3A_1747, %all_reduce_population_count3A_1784 : vector<16xi32>
      %get3A_1786 = arith.constant 0 : i32
      %get3A_1787 = arith.index_cast %scan3A_1650 : i32 to index
      %get3A_1788 = arith.index_cast %get3A_1786 : i32 to index
      %get3A_1789 = arith.constant 112 : index
      %get3A_1790 = tpu.vector_load %arg10[%get3A_1787, %get3A_1788, %get3A_1789] {strides = array<i32>} : memref<128x2x128xf32, #tpu.memory_space<vmem>>, vector<16xf32>,
      %get3A_1791 = arith.constant 1 : i32
      %get3A_1792 = arith.index_cast %scan3A_1650 : i32 to index
      %get3A_1793 = arith.index_cast %get3A_1791 : i32 to index
      %get3A_1794 = arith.constant 112 : index
      %get3A_1795 = tpu.vector_load %arg10[%get3A_1792, %get3A_1793, %get3A_1794] {strides = array<i32>} : memref<128x2x128xf32, #tpu.memory_space<vmem>>, vector<16xf32>,
      %sub3A_1796 = arith.subf %get3A_1790, %gather3A_1480 : vector<16xf32>
      %sub3A_1797 = arith.subf %get3A_1795, %gather3A_1481 : vector<16xf32>
      %mul3A_1798 = arith.mulf %sub3A_1796, %sub3A_1796 : vector<16xf32>
      %mul3A_1799 = arith.mulf %sub3A_1797, %sub3A_1797 : vector<16xf32>
      %add3A_1800 = arith.addf %mul3A_1798, %mul3A_1799 : vector<16xf32>
      %bitcast3A_1801 = vector.bitcast %add3A_1800 : vector<16xf32> to vector<16xi32>
      %gt3A_1802 = arith.cmpi sgt, %bitcast3A_1801, %select_n3A_1654 : vector<16xi32>
      %all_reduce_population_count3A_1803 = tpu.all_reduce %gt3A_1802 {dim = 0 : i64, kind = #tpu.reduction_kind<sum>} : vector<16xi1> -> vector<16xi32>
      %add3A_1804 = arith.addi %add3A_1766, %all_reduce_population_count3A_1803 : vector<16xi32>
      scf.yield %add3A_1785, %add3A_1804 : vector<16xi32>, vector<16xi32>
    }
    %scan3A_1519 = arith.constant 128 : i32
    %dma_wait3A_1520 = arith.constant 128 : i32
    %dma_wait3A_1521 = arith.constant 0 : i32
    %dma_wait3A_1522 = arith.constant 0 : i32
    %dma_wait3A_1523 = tpu.memref_slice %arg2[%add3A_1434, %dma_wait3A_1520, %dma_wait3A_1521, %dma_wait3A_1522] : memref<128x256x4x128xf32, #tpu.memory_space<hbm>> -> memref<1x128x2x128xf32, #tpu.memory_space<hbm>>
    %dma_wait3A_1524 = tpu.memref_squeeze %dma_wait3A_1523 : memref<1x128x2x128xf32, #tpu.memory_space<hbm>> -> memref<128x2x128xf32, #tpu.memory_space<hbm>>
    %dma_wait3A_1525 = arith.constant 128 : i32
    %dma_wait3A_1526 = arith.constant 0 : i32
    %dma_wait3A_1527 = arith.constant 0 : i32
    %dma_wait3A_1528 = tpu.memref_slice %arg2[%add3A_1434, %dma_wait3A_1525, %dma_wait3A_1526, %dma_wait3A_1527] : memref<128x256x4x128xf32, #tpu.memory_space<hbm>> -> memref<1x128x2x128xf32, #tpu.memory_space<hbm>>
    %dma_wait3A_1529 = tpu.memref_squeeze %dma_wait3A_1528 : memref<1x128x2x128xf32, #tpu.memory_space<hbm>> -> memref<128x2x128xf32, #tpu.memory_space<hbm>>
    tpu.wait_dma2 semaphore(%arg15 : memref<!tpu.dma_semaphore, #tpu.memory_space<semaphore_mem>>) src(%dma_wait3A_1529 : memref<128x2x128xf32, #tpu.memory_space<hbm>>) dst(%arg11 : memref<128x2x128xf32, #tpu.memory_space<vmem>>)
    %mul3A_1530 = arith.constant 4 : i32
    %mul3A_1531 = arith.muli %add3A, %mul3A_1530 : i32
    %add3A_1532 = arith.constant 3 : i32
    %add3A_1533 = arith.addi %mul3A_1531, %add3A_1532 : i32
    %dma_start3A_1534 = arith.constant 128 : i32
    %dma_start3A_1535 = arith.constant 0 : i32
    %dma_start3A_1536 = arith.constant 0 : i32
    %dma_start3A_1537 = tpu.memref_slice %arg2[%add3A_1533, %dma_start3A_1534, %dma_start3A_1535, %dma_start3A_1536] : memref<128x256x4x128xf32, #tpu.memory_space<hbm>> -> memref<1x128x2x128xf32, #tpu.memory_space<hbm>>
    %dma_start3A_1538 = tpu.memref_squeeze %dma_start3A_1537 : memref<1x128x2x128xf32, #tpu.memory_space<hbm>> -> memref<128x2x128xf32, #tpu.memory_space<hbm>>
    %dma_start3A_1539 = arith.constant 128 : i32
    %dma_start3A_1540 = arith.constant 0 : i32
    %dma_start3A_1541 = arith.constant 0 : i32
    %dma_start3A_1542 = tpu.memref_slice %arg2[%add3A_1533, %dma_start3A_1539, %dma_start3A_1540, %dma_start3A_1541] : memref<128x256x4x128xf32, #tpu.memory_space<hbm>> -> memref<1x128x2x128xf32, #tpu.memory_space<hbm>>
    %dma_start3A_1543 = tpu.memref_squeeze %dma_start3A_1542 : memref<1x128x2x128xf32, #tpu.memory_space<hbm>> -> memref<128x2x128xf32, #tpu.memory_space<hbm>>
    tpu.enqueue_dma source(%dma_start3A_1543 : memref<128x2x128xf32, #tpu.memory_space<hbm>>) target(%arg10 : memref<128x2x128xf32, #tpu.memory_space<vmem>>) target_semaphore(%arg14 : memref<!tpu.dma_semaphore, #tpu.memory_space<semaphore_mem>>)
    %sub3A_1544 = arith.constant 128 : i32
    %sub3A_1545 = arith.subi %shift_right_logical3A_139, %sub3A_1544 : i32
    %scan3A_1546 = arith.constant 0 : i32
    %scan3A_1547 = arith.constant 128 : i32
    %scan3A_1548 = arith.addi %scan3A_1546, %scan3A_1547 : i32
    %scan3A_1549 = arith.constant 1 : i32
    %scan3A_1550:2 = scf.for %scan3A_1650 = %scan3A_1546 to %scan3A_1548 step %scan3A_1549 iter_args(%scan3A_1651 = %scan3A_1518#0, %scan3A_1652 = %scan3A_1518#1) -> (vector<16xi32>, vector<16xi32>)  : i32 {
      %lt3A_1653 = arith.cmpi slt, %scan3A_1650, %sub3A_1545 : i32
      %select_n3A_1654 = arith.select %lt3A_1653, %sub3A_835, %bitcast3A_834 : vector<16xi32>
      %get3A_1655 = arith.constant 0 : i32
      %get3A_1656 = arith.index_cast %scan3A_1650 : i32 to index
      %get3A_1657 = arith.index_cast %get3A_1655 : i32 to index
      %get3A_1658 = arith.constant 0 : index
      %get3A_1659 = tpu.vector_load %arg11[%get3A_1656, %get3A_1657, %get3A_1658] {strides = array<i32>} : memref<128x2x128xf32, #tpu.memory_space<vmem>>, vector<16xf32>,
      %get3A_1660 = arith.constant 1 : i32
      %get3A_1661 = arith.index_cast %scan3A_1650 : i32 to index
      %get3A_1662 = arith.index_cast %get3A_1660 : i32 to index
      %get3A_1663 = arith.constant 0 : index
      %get3A_1664 = tpu.vector_load %arg11[%get3A_1661, %get3A_1662, %get3A_1663] {strides = array<i32>} : memref<128x2x128xf32, #tpu.memory_space<vmem>>, vector<16xf32>,
      %sub3A_1665 = arith.subf %get3A_1659, %gather3A_1480 : vector<16xf32>
      %sub3A_1666 = arith.subf %get3A_1664, %gather3A_1481 : vector<16xf32>
      %mul3A_1667 = arith.mulf %sub3A_1665, %sub3A_1665 : vector<16xf32>
      %mul3A_1668 = arith.mulf %sub3A_1666, %sub3A_1666 : vector<16xf32>
      %add3A_1669 = arith.addf %mul3A_1667, %mul3A_1668 : vector<16xf32>
      %bitcast3A_1670 = vector.bitcast %add3A_1669 : vector<16xf32> to vector<16xi32>
      %gt3A = arith.cmpi sgt, %bitcast3A_1670, %select_n3A_1654 : vector<16xi32>
      %all_reduce_population_count3A = tpu.all_reduce %gt3A {dim = 0 : i64, kind = #tpu.reduction_kind<sum>} : vector<16xi1> -> vector<16xi32>
      %add3A_1671 = arith.addi %scan3A_1651, %all_reduce_population_count3A : vector<16xi32>
      %get3A_1672 = arith.constant 0 : i32
      %get3A_1673 = arith.index_cast %scan3A_1650 : i32 to index
      %get3A_1674 = arith.index_cast %get3A_1672 : i32 to index
      %get3A_1675 = arith.constant 16 : index
      %get3A_1676 = tpu.vector_load %arg11[%get3A_1673, %get3A_1674, %get3A_1675] {strides = array<i32>} : memref<128x2x128xf32, #tpu.memory_space<vmem>>, vector<16xf32>,
      %get3A_1677 = arith.constant 1 : i32
      %get3A_1678 = arith.index_cast %scan3A_1650 : i32 to index
      %get3A_1679 = arith.index_cast %get3A_1677 : i32 to index
      %get3A_1680 = arith.constant 16 : index
      %get3A_1681 = tpu.vector_load %arg11[%get3A_1678, %get3A_1679, %get3A_1680] {strides = array<i32>} : memref<128x2x128xf32, #tpu.memory_space<vmem>>, vector<16xf32>,
      %sub3A_1682 = arith.subf %get3A_1676, %gather3A_1480 : vector<16xf32>
      %sub3A_1683 = arith.subf %get3A_1681, %gather3A_1481 : vector<16xf32>
      %mul3A_1684 = arith.mulf %sub3A_1682, %sub3A_1682 : vector<16xf32>
      %mul3A_1685 = arith.mulf %sub3A_1683, %sub3A_1683 : vector<16xf32>
      %add3A_1686 = arith.addf %mul3A_1684, %mul3A_1685 : vector<16xf32>
      %bitcast3A_1687 = vector.bitcast %add3A_1686 : vector<16xf32> to vector<16xi32>
      %gt3A_1688 = arith.cmpi sgt, %bitcast3A_1687, %select_n3A_1654 : vector<16xi32>
      %all_reduce_population_count3A_1689 = tpu.all_reduce %gt3A_1688 {dim = 0 : i64, kind = #tpu.reduction_kind<sum>} : vector<16xi1> -> vector<16xi32>
      %add3A_1690 = arith.addi %scan3A_1652, %all_reduce_population_count3A_1689 : vector<16xi32>
      %get3A_1691 = arith.constant 0 : i32
      %get3A_1692 = arith.index_cast %scan3A_1650 : i32 to index
      %get3A_1693 = arith.index_cast %get3A_1691 : i32 to index
      %get3A_1694 = arith.constant 32 : index
      %get3A_1695 = tpu.vector_load %arg11[%get3A_1692, %get3A_1693, %get3A_1694] {strides = array<i32>} : memref<128x2x128xf32, #tpu.memory_space<vmem>>, vector<16xf32>,
      %get3A_1696 = arith.constant 1 : i32
      %get3A_1697 = arith.index_cast %scan3A_1650 : i32 to index
      %get3A_1698 = arith.index_cast %get3A_1696 : i32 to index
      %get3A_1699 = arith.constant 32 : index
      %get3A_1700 = tpu.vector_load %arg11[%get3A_1697, %get3A_1698, %get3A_1699] {strides = array<i32>} : memref<128x2x128xf32, #tpu.memory_space<vmem>>, vector<16xf32>,
      %sub3A_1701 = arith.subf %get3A_1695, %gather3A_1480 : vector<16xf32>
      %sub3A_1702 = arith.subf %get3A_1700, %gather3A_1481 : vector<16xf32>
      %mul3A_1703 = arith.mulf %sub3A_1701, %sub3A_1701 : vector<16xf32>
      %mul3A_1704 = arith.mulf %sub3A_1702, %sub3A_1702 : vector<16xf32>
      %add3A_1705 = arith.addf %mul3A_1703, %mul3A_1704 : vector<16xf32>
      %bitcast3A_1706 = vector.bitcast %add3A_1705 : vector<16xf32> to vector<16xi32>
      %gt3A_1707 = arith.cmpi sgt, %bitcast3A_1706, %select_n3A_1654 : vector<16xi32>
      %all_reduce_population_count3A_1708 = tpu.all_reduce %gt3A_1707 {dim = 0 : i64, kind = #tpu.reduction_kind<sum>} : vector<16xi1> -> vector<16xi32>
      %add3A_1709 = arith.addi %add3A_1671, %all_reduce_population_count3A_1708 : vector<16xi32>
      %get3A_1710 = arith.constant 0 : i32
      %get3A_1711 = arith.index_cast %scan3A_1650 : i32 to index
      %get3A_1712 = arith.index_cast %get3A_1710 : i32 to index
      %get3A_1713 = arith.constant 48 : index
      %get3A_1714 = tpu.vector_load %arg11[%get3A_1711, %get3A_1712, %get3A_1713] {strides = array<i32>} : memref<128x2x128xf32, #tpu.memory_space<vmem>>, vector<16xf32>,
      %get3A_1715 = arith.constant 1 : i32
      %get3A_1716 = arith.index_cast %scan3A_1650 : i32 to index
      %get3A_1717 = arith.index_cast %get3A_1715 : i32 to index
      %get3A_1718 = arith.constant 48 : index
      %get3A_1719 = tpu.vector_load %arg11[%get3A_1716, %get3A_1717, %get3A_1718] {strides = array<i32>} : memref<128x2x128xf32, #tpu.memory_space<vmem>>, vector<16xf32>,
      %sub3A_1720 = arith.subf %get3A_1714, %gather3A_1480 : vector<16xf32>
      %sub3A_1721 = arith.subf %get3A_1719, %gather3A_1481 : vector<16xf32>
      %mul3A_1722 = arith.mulf %sub3A_1720, %sub3A_1720 : vector<16xf32>
      %mul3A_1723 = arith.mulf %sub3A_1721, %sub3A_1721 : vector<16xf32>
      %add3A_1724 = arith.addf %mul3A_1722, %mul3A_1723 : vector<16xf32>
      %bitcast3A_1725 = vector.bitcast %add3A_1724 : vector<16xf32> to vector<16xi32>
      %gt3A_1726 = arith.cmpi sgt, %bitcast3A_1725, %select_n3A_1654 : vector<16xi32>
      %all_reduce_population_count3A_1727 = tpu.all_reduce %gt3A_1726 {dim = 0 : i64, kind = #tpu.reduction_kind<sum>} : vector<16xi1> -> vector<16xi32>
      %add3A_1728 = arith.addi %add3A_1690, %all_reduce_population_count3A_1727 : vector<16xi32>
      %get3A_1729 = arith.constant 0 : i32
      %get3A_1730 = arith.index_cast %scan3A_1650 : i32 to index
      %get3A_1731 = arith.index_cast %get3A_1729 : i32 to index
      %get3A_1732 = arith.constant 64 : index
      %get3A_1733 = tpu.vector_load %arg11[%get3A_1730, %get3A_1731, %get3A_1732] {strides = array<i32>} : memref<128x2x128xf32, #tpu.memory_space<vmem>>, vector<16xf32>,
      %get3A_1734 = arith.constant 1 : i32
      %get3A_1735 = arith.index_cast %scan3A_1650 : i32 to index
      %get3A_1736 = arith.index_cast %get3A_1734 : i32 to index
      %get3A_1737 = arith.constant 64 : index
      %get3A_1738 = tpu.vector_load %arg11[%get3A_1735, %get3A_1736, %get3A_1737] {strides = array<i32>} : memref<128x2x128xf32, #tpu.memory_space<vmem>>, vector<16xf32>,
      %sub3A_1739 = arith.subf %get3A_1733, %gather3A_1480 : vector<16xf32>
      %sub3A_1740 = arith.subf %get3A_1738, %gather3A_1481 : vector<16xf32>
      %mul3A_1741 = arith.mulf %sub3A_1739, %sub3A_1739 : vector<16xf32>
      %mul3A_1742 = arith.mulf %sub3A_1740, %sub3A_1740 : vector<16xf32>
      %add3A_1743 = arith.addf %mul3A_1741, %mul3A_1742 : vector<16xf32>
      %bitcast3A_1744 = vector.bitcast %add3A_1743 : vector<16xf32> to vector<16xi32>
      %gt3A_1745 = arith.cmpi sgt, %bitcast3A_1744, %select_n3A_1654 : vector<16xi32>
      %all_reduce_population_count3A_1746 = tpu.all_reduce %gt3A_1745 {dim = 0 : i64, kind = #tpu.reduction_kind<sum>} : vector<16xi1> -> vector<16xi32>
      %add3A_1747 = arith.addi %add3A_1709, %all_reduce_population_count3A_1746 : vector<16xi32>
      %get3A_1748 = arith.constant 0 : i32
      %get3A_1749 = arith.index_cast %scan3A_1650 : i32 to index
      %get3A_1750 = arith.index_cast %get3A_1748 : i32 to index
      %get3A_1751 = arith.constant 80 : index
      %get3A_1752 = tpu.vector_load %arg11[%get3A_1749, %get3A_1750, %get3A_1751] {strides = array<i32>} : memref<128x2x128xf32, #tpu.memory_space<vmem>>, vector<16xf32>,
      %get3A_1753 = arith.constant 1 : i32
      %get3A_1754 = arith.index_cast %scan3A_1650 : i32 to index
      %get3A_1755 = arith.index_cast %get3A_1753 : i32 to index
      %get3A_1756 = arith.constant 80 : index
      %get3A_1757 = tpu.vector_load %arg11[%get3A_1754, %get3A_1755, %get3A_1756] {strides = array<i32>} : memref<128x2x128xf32, #tpu.memory_space<vmem>>, vector<16xf32>,
      %sub3A_1758 = arith.subf %get3A_1752, %gather3A_1480 : vector<16xf32>
      %sub3A_1759 = arith.subf %get3A_1757, %gather3A_1481 : vector<16xf32>
      %mul3A_1760 = arith.mulf %sub3A_1758, %sub3A_1758 : vector<16xf32>
      %mul3A_1761 = arith.mulf %sub3A_1759, %sub3A_1759 : vector<16xf32>
      %add3A_1762 = arith.addf %mul3A_1760, %mul3A_1761 : vector<16xf32>
      %bitcast3A_1763 = vector.bitcast %add3A_1762 : vector<16xf32> to vector<16xi32>
      %gt3A_1764 = arith.cmpi sgt, %bitcast3A_1763, %select_n3A_1654 : vector<16xi32>
      %all_reduce_population_count3A_1765 = tpu.all_reduce %gt3A_1764 {dim = 0 : i64, kind = #tpu.reduction_kind<sum>} : vector<16xi1> -> vector<16xi32>
      %add3A_1766 = arith.addi %add3A_1728, %all_reduce_population_count3A_1765 : vector<16xi32>
      %get3A_1767 = arith.constant 0 : i32
      %get3A_1768 = arith.index_cast %scan3A_1650 : i32 to index
      %get3A_1769 = arith.index_cast %get3A_1767 : i32 to index
      %get3A_1770 = arith.constant 96 : index
      %get3A_1771 = tpu.vector_load %arg11[%get3A_1768, %get3A_1769, %get3A_1770] {strides = array<i32>} : memref<128x2x128xf32, #tpu.memory_space<vmem>>, vector<16xf32>,
      %get3A_1772 = arith.constant 1 : i32
      %get3A_1773 = arith.index_cast %scan3A_1650 : i32 to index
      %get3A_1774 = arith.index_cast %get3A_1772 : i32 to index
      %get3A_1775 = arith.constant 96 : index
      %get3A_1776 = tpu.vector_load %arg11[%get3A_1773, %get3A_1774, %get3A_1775] {strides = array<i32>} : memref<128x2x128xf32, #tpu.memory_space<vmem>>, vector<16xf32>,
      %sub3A_1777 = arith.subf %get3A_1771, %gather3A_1480 : vector<16xf32>
      %sub3A_1778 = arith.subf %get3A_1776, %gather3A_1481 : vector<16xf32>
      %mul3A_1779 = arith.mulf %sub3A_1777, %sub3A_1777 : vector<16xf32>
      %mul3A_1780 = arith.mulf %sub3A_1778, %sub3A_1778 : vector<16xf32>
      %add3A_1781 = arith.addf %mul3A_1779, %mul3A_1780 : vector<16xf32>
      %bitcast3A_1782 = vector.bitcast %add3A_1781 : vector<16xf32> to vector<16xi32>
      %gt3A_1783 = arith.cmpi sgt, %bitcast3A_1782, %select_n3A_1654 : vector<16xi32>
      %all_reduce_population_count3A_1784 = tpu.all_reduce %gt3A_1783 {dim = 0 : i64, kind = #tpu.reduction_kind<sum>} : vector<16xi1> -> vector<16xi32>
      %add3A_1785 = arith.addi %add3A_1747, %all_reduce_population_count3A_1784 : vector<16xi32>
      %get3A_1786 = arith.constant 0 : i32
      %get3A_1787 = arith.index_cast %scan3A_1650 : i32 to index
      %get3A_1788 = arith.index_cast %get3A_1786 : i32 to index
      %get3A_1789 = arith.constant 112 : index
      %get3A_1790 = tpu.vector_load %arg11[%get3A_1787, %get3A_1788, %get3A_1789] {strides = array<i32>} : memref<128x2x128xf32, #tpu.memory_space<vmem>>, vector<16xf32>,
      %get3A_1791 = arith.constant 1 : i32
      %get3A_1792 = arith.index_cast %scan3A_1650 : i32 to index
      %get3A_1793 = arith.index_cast %get3A_1791 : i32 to index
      %get3A_1794 = arith.constant 112 : index
      %get3A_1795 = tpu.vector_load %arg11[%get3A_1792, %get3A_1793, %get3A_1794] {strides = array<i32>} : memref<128x2x128xf32, #tpu.memory_space<vmem>>, vector<16xf32>,
      %sub3A_1796 = arith.subf %get3A_1790, %gather3A_1480 : vector<16xf32>
      %sub3A_1797 = arith.subf %get3A_1795, %gather3A_1481 : vector<16xf32>
      %mul3A_1798 = arith.mulf %sub3A_1796, %sub3A_1796 : vector<16xf32>
      %mul3A_1799 = arith.mulf %sub3A_1797, %sub3A_1797 : vector<16xf32>
      %add3A_1800 = arith.addf %mul3A_1798, %mul3A_1799 : vector<16xf32>
      %bitcast3A_1801 = vector.bitcast %add3A_1800 : vector<16xf32> to vector<16xi32>
      %gt3A_1802 = arith.cmpi sgt, %bitcast3A_1801, %select_n3A_1654 : vector<16xi32>
      %all_reduce_population_count3A_1803 = tpu.all_reduce %gt3A_1802 {dim = 0 : i64, kind = #tpu.reduction_kind<sum>} : vector<16xi1> -> vector<16xi32>
      %add3A_1804 = arith.addi %add3A_1766, %all_reduce_population_count3A_1803 : vector<16xi32>
      scf.yield %add3A_1785, %add3A_1804 : vector<16xi32>, vector<16xi32>
    }
    %scan3A_1551 = arith.constant 128 : i32
    %slice3A_1552 = vector.extract_strided_slice %scan3A_1550#0 {offsets = [0], sizes = [1], strides = [1]} : vector<16xi32> to vector<1xi32>
    %squeeze3A_1553 = vector.extract %slice3A_1552[0] : i32 from vector<1xi32>
    %slice3A_1554 = vector.extract_strided_slice %scan3A_1550#1 {offsets = [0], sizes = [1], strides = [1]} : vector<16xi32> to vector<1xi32>
    %squeeze3A_1555 = vector.extract %slice3A_1554[0] : i32 from vector<1xi32>
    %add3A_1556 = arith.addi %squeeze3A_1553, %squeeze3A_1555 : i32
    %lt3A_1557 = arith.constant 1024 : i32
    %lt3A_1558 = arith.cmpi slt, %add3A_1556, %lt3A_1557 : i32
    %jit3A_1559 = arith.constant 1.000000e+00 : f32
    %jit3A_1560 = arith.constant 0.000000e+00 : f32
    %select_n3A_1561 = arith.select %lt3A_1558, %jit3A_1559, %jit3A_1560 : f32
    %eq3A_1562 = arith.constant 4 : i32
    %eq3A_1563 = vector.broadcast %eq3A_1562 : i32 to vector<16xi32>
    %eq3A_1564 = arith.cmpi eq, %iota3A, %eq3A_1563 : vector<16xi32>
    %broadcast_in_dim3A_1565 = vector.broadcast %select_n3A_1561 : f32 to vector<16xf32>
    %select_n3A_1566 = arith.select %eq3A_1564, %broadcast_in_dim3A_1565, %select_n3A_1474 : vector<16xi1>, vector<16xf32>
    %eq3A_1567 = arith.constant 5 : i32
    %eq3A_1568 = vector.broadcast %eq3A_1567 : i32 to vector<16xi32>
    %eq3A_1569 = arith.cmpi eq, %iota3A, %eq3A_1568 : vector<16xi32>
    %sub3A_1570 = arith.constant 1.000000e+00 : f32
    %sub3A_1571 = arith.subf %sub3A_1570, %select_n3A_1561 : f32
    %broadcast_in_dim3A_1572 = vector.broadcast %sub3A_1571 : f32 to vector<16xf32>
    %select_n3A_1573 = arith.select %eq3A_1569, %broadcast_in_dim3A_1572, %select_n3A_1566 : vector<16xi1>, vector<16xf32>
    %and3A_1574 = arith.constant 127 : i32
    %and3A_1575 = arith.andi %squeeze3A_181, %and3A_1574 : i32
    %broadcast_in_dim3A_1576 = vector.broadcast %and3A_1575 : i32 to vector<16xi32>
    %broadcast_in_dim3A_1577 = arith.constant 6 : i32
    %broadcast_in_dim3A_1578 = vector.broadcast %broadcast_in_dim3A_1577 : i32 to vector<16xi32>
    %gather3A_1579 = tpu.vector_load_idx %arg8[%broadcast_in_dim3A_1578, %broadcast_in_dim3A_28, %broadcast_in_dim3A_1576] : memref<8x2x128xf32, #tpu.memory_space<vmem>>[vector<16xi32>, vector<16xi32>, vector<16xi32>], vector<16xf32>,
    %gather3A_1580 = tpu.vector_load_idx %arg8[%broadcast_in_dim3A_1578, %broadcast_in_dim3A_30, %broadcast_in_dim3A_1576] : memref<8x2x128xf32, #tpu.memory_space<vmem>>[vector<16xi32>, vector<16xi32>, vector<16xi32>], vector<16xf32>,
    %reduce_sum3A_1581 = arith.constant true
    %reduce_sum3A_1582 = vector.broadcast %reduce_sum3A_1581 : i1 to vector<16xi1>
    %reduce_sum3A_1583 = tpu.scan <sum>, %add3A_1278 masked %reduce_sum3A_1582 : vector<16xi32>, vector<16xi1> -> vector<16xi32>
    %reduce_sum3A_1584 = vector.extract %reduce_sum3A_1583[15] : i32 from vector<16xi32>
    %add3A_1585 = vector.broadcast %reduce_sum3A_1584 : i32 to vector<16xi32>
    %add3A_1586 = arith.addi %add3A_1585, %broadcast_in_dim3A_28 : vector<16xi32>
    %dma_wait3A_1587 = arith.constant 0 : i32
    %dma_wait3A_1588 = arith.constant 0 : i32
    %dma_wait3A_1589 = arith.constant 0 : i32
    %dma_wait3A_1590 = tpu.memref_slice %arg2[%add3A_1501, %dma_wait3A_1587, %dma_wait3A_1588, %dma_wait3A_1589] : memref<128x256x4x128xf32, #tpu.memory_space<hbm>> -> memref<1x128x2x128xf32, #tpu.memory_space<hbm>>
    %dma_wait3A_1591 = tpu.memref_squeeze %dma_wait3A_1590 : memref<1x128x2x128xf32, #tpu.memory_space<hbm>> -> memref<128x2x128xf32, #tpu.memory_space<hbm>>
    %dma_wait3A_1592 = arith.constant 0 : i32
    %dma_wait3A_1593 = arith.constant 0 : i32
    %dma_wait3A_1594 = arith.constant 0 : i32
    %dma_wait3A_1595 = tpu.memref_slice %arg2[%add3A_1501, %dma_wait3A_1592, %dma_wait3A_1593, %dma_wait3A_1594] : memref<128x256x4x128xf32, #tpu.memory_space<hbm>> -> memref<1x128x2x128xf32, #tpu.memory_space<hbm>>
    %dma_wait3A_1596 = tpu.memref_squeeze %dma_wait3A_1595 : memref<1x128x2x128xf32, #tpu.memory_space<hbm>> -> memref<128x2x128xf32, #tpu.memory_space<hbm>>
    tpu.wait_dma2 semaphore(%arg13 : memref<!tpu.dma_semaphore, #tpu.memory_space<semaphore_mem>>) src(%dma_wait3A_1596 : memref<128x2x128xf32, #tpu.memory_space<hbm>>) dst(%arg9 : memref<128x2x128xf32, #tpu.memory_space<vmem>>)
    %sub3A_1597 = arith.constant 0 : i32
    %sub3A_1598 = arith.subi %shift_right_logical3A_188, %sub3A_1597 : i32
    %scan3A_1599 = arith.constant 0 : i32
    %scan3A_1600 = arith.constant 128 : i32
    %scan3A_1601 = arith.addi %scan3A_1599, %scan3A_1600 : i32
    %scan3A_1602 = arith.constant 1 : i32
    %scan3A_1603:2 = scf.for %scan3A_1650 = %scan3A_1599 to %scan3A_1601 step %scan3A_1602 iter_args(%scan3A_1651 = %add3A_1586, %scan3A_1652 = %broadcast_in_dim3A_28) -> (vector<16xi32>, vector<16xi32>)  : i32 {
      %lt3A_1653 = arith.cmpi slt, %scan3A_1650, %sub3A_1598 : i32
      %select_n3A_1654 = arith.select %lt3A_1653, %sub3A_1067, %bitcast3A_1066 : vector<16xi32>
      %get3A_1655 = arith.constant 0 : i32
      %get3A_1656 = arith.index_cast %scan3A_1650 : i32 to index
      %get3A_1657 = arith.index_cast %get3A_1655 : i32 to index
      %get3A_1658 = arith.constant 0 : index
      %get3A_1659 = tpu.vector_load %arg9[%get3A_1656, %get3A_1657, %get3A_1658] {strides = array<i32>} : memref<128x2x128xf32, #tpu.memory_space<vmem>>, vector<16xf32>,
      %get3A_1660 = arith.constant 1 : i32
      %get3A_1661 = arith.index_cast %scan3A_1650 : i32 to index
      %get3A_1662 = arith.index_cast %get3A_1660 : i32 to index
      %get3A_1663 = arith.constant 0 : index
      %get3A_1664 = tpu.vector_load %arg9[%get3A_1661, %get3A_1662, %get3A_1663] {strides = array<i32>} : memref<128x2x128xf32, #tpu.memory_space<vmem>>, vector<16xf32>,
      %sub3A_1665 = arith.subf %get3A_1659, %gather3A_1579 : vector<16xf32>
      %sub3A_1666 = arith.subf %get3A_1664, %gather3A_1580 : vector<16xf32>
      %mul3A_1667 = arith.mulf %sub3A_1665, %sub3A_1665 : vector<16xf32>
      %mul3A_1668 = arith.mulf %sub3A_1666, %sub3A_1666 : vector<16xf32>
      %add3A_1669 = arith.addf %mul3A_1667, %mul3A_1668 : vector<16xf32>
      %bitcast3A_1670 = vector.bitcast %add3A_1669 : vector<16xf32> to vector<16xi32>
      %gt3A = arith.cmpi sgt, %bitcast3A_1670, %select_n3A_1654 : vector<16xi32>
      %all_reduce_population_count3A = tpu.all_reduce %gt3A {dim = 0 : i64, kind = #tpu.reduction_kind<sum>} : vector<16xi1> -> vector<16xi32>
      %add3A_1671 = arith.addi %scan3A_1651, %all_reduce_population_count3A : vector<16xi32>
      %get3A_1672 = arith.constant 0 : i32
      %get3A_1673 = arith.index_cast %scan3A_1650 : i32 to index
      %get3A_1674 = arith.index_cast %get3A_1672 : i32 to index
      %get3A_1675 = arith.constant 16 : index
      %get3A_1676 = tpu.vector_load %arg9[%get3A_1673, %get3A_1674, %get3A_1675] {strides = array<i32>} : memref<128x2x128xf32, #tpu.memory_space<vmem>>, vector<16xf32>,
      %get3A_1677 = arith.constant 1 : i32
      %get3A_1678 = arith.index_cast %scan3A_1650 : i32 to index
      %get3A_1679 = arith.index_cast %get3A_1677 : i32 to index
      %get3A_1680 = arith.constant 16 : index
      %get3A_1681 = tpu.vector_load %arg9[%get3A_1678, %get3A_1679, %get3A_1680] {strides = array<i32>} : memref<128x2x128xf32, #tpu.memory_space<vmem>>, vector<16xf32>,
      %sub3A_1682 = arith.subf %get3A_1676, %gather3A_1579 : vector<16xf32>
      %sub3A_1683 = arith.subf %get3A_1681, %gather3A_1580 : vector<16xf32>
      %mul3A_1684 = arith.mulf %sub3A_1682, %sub3A_1682 : vector<16xf32>
      %mul3A_1685 = arith.mulf %sub3A_1683, %sub3A_1683 : vector<16xf32>
      %add3A_1686 = arith.addf %mul3A_1684, %mul3A_1685 : vector<16xf32>
      %bitcast3A_1687 = vector.bitcast %add3A_1686 : vector<16xf32> to vector<16xi32>
      %gt3A_1688 = arith.cmpi sgt, %bitcast3A_1687, %select_n3A_1654 : vector<16xi32>
      %all_reduce_population_count3A_1689 = tpu.all_reduce %gt3A_1688 {dim = 0 : i64, kind = #tpu.reduction_kind<sum>} : vector<16xi1> -> vector<16xi32>
      %add3A_1690 = arith.addi %scan3A_1652, %all_reduce_population_count3A_1689 : vector<16xi32>
      %get3A_1691 = arith.constant 0 : i32
      %get3A_1692 = arith.index_cast %scan3A_1650 : i32 to index
      %get3A_1693 = arith.index_cast %get3A_1691 : i32 to index
      %get3A_1694 = arith.constant 32 : index
      %get3A_1695 = tpu.vector_load %arg9[%get3A_1692, %get3A_1693, %get3A_1694] {strides = array<i32>} : memref<128x2x128xf32, #tpu.memory_space<vmem>>, vector<16xf32>,
      %get3A_1696 = arith.constant 1 : i32
      %get3A_1697 = arith.index_cast %scan3A_1650 : i32 to index
      %get3A_1698 = arith.index_cast %get3A_1696 : i32 to index
      %get3A_1699 = arith.constant 32 : index
      %get3A_1700 = tpu.vector_load %arg9[%get3A_1697, %get3A_1698, %get3A_1699] {strides = array<i32>} : memref<128x2x128xf32, #tpu.memory_space<vmem>>, vector<16xf32>,
      %sub3A_1701 = arith.subf %get3A_1695, %gather3A_1579 : vector<16xf32>
      %sub3A_1702 = arith.subf %get3A_1700, %gather3A_1580 : vector<16xf32>
      %mul3A_1703 = arith.mulf %sub3A_1701, %sub3A_1701 : vector<16xf32>
      %mul3A_1704 = arith.mulf %sub3A_1702, %sub3A_1702 : vector<16xf32>
      %add3A_1705 = arith.addf %mul3A_1703, %mul3A_1704 : vector<16xf32>
      %bitcast3A_1706 = vector.bitcast %add3A_1705 : vector<16xf32> to vector<16xi32>
      %gt3A_1707 = arith.cmpi sgt, %bitcast3A_1706, %select_n3A_1654 : vector<16xi32>
      %all_reduce_population_count3A_1708 = tpu.all_reduce %gt3A_1707 {dim = 0 : i64, kind = #tpu.reduction_kind<sum>} : vector<16xi1> -> vector<16xi32>
      %add3A_1709 = arith.addi %add3A_1671, %all_reduce_population_count3A_1708 : vector<16xi32>
      %get3A_1710 = arith.constant 0 : i32
      %get3A_1711 = arith.index_cast %scan3A_1650 : i32 to index
      %get3A_1712 = arith.index_cast %get3A_1710 : i32 to index
      %get3A_1713 = arith.constant 48 : index
      %get3A_1714 = tpu.vector_load %arg9[%get3A_1711, %get3A_1712, %get3A_1713] {strides = array<i32>} : memref<128x2x128xf32, #tpu.memory_space<vmem>>, vector<16xf32>,
      %get3A_1715 = arith.constant 1 : i32
      %get3A_1716 = arith.index_cast %scan3A_1650 : i32 to index
      %get3A_1717 = arith.index_cast %get3A_1715 : i32 to index
      %get3A_1718 = arith.constant 48 : index
      %get3A_1719 = tpu.vector_load %arg9[%get3A_1716, %get3A_1717, %get3A_1718] {strides = array<i32>} : memref<128x2x128xf32, #tpu.memory_space<vmem>>, vector<16xf32>,
      %sub3A_1720 = arith.subf %get3A_1714, %gather3A_1579 : vector<16xf32>
      %sub3A_1721 = arith.subf %get3A_1719, %gather3A_1580 : vector<16xf32>
      %mul3A_1722 = arith.mulf %sub3A_1720, %sub3A_1720 : vector<16xf32>
      %mul3A_1723 = arith.mulf %sub3A_1721, %sub3A_1721 : vector<16xf32>
      %add3A_1724 = arith.addf %mul3A_1722, %mul3A_1723 : vector<16xf32>
      %bitcast3A_1725 = vector.bitcast %add3A_1724 : vector<16xf32> to vector<16xi32>
      %gt3A_1726 = arith.cmpi sgt, %bitcast3A_1725, %select_n3A_1654 : vector<16xi32>
      %all_reduce_population_count3A_1727 = tpu.all_reduce %gt3A_1726 {dim = 0 : i64, kind = #tpu.reduction_kind<sum>} : vector<16xi1> -> vector<16xi32>
      %add3A_1728 = arith.addi %add3A_1690, %all_reduce_population_count3A_1727 : vector<16xi32>
      %get3A_1729 = arith.constant 0 : i32
      %get3A_1730 = arith.index_cast %scan3A_1650 : i32 to index
      %get3A_1731 = arith.index_cast %get3A_1729 : i32 to index
      %get3A_1732 = arith.constant 64 : index
      %get3A_1733 = tpu.vector_load %arg9[%get3A_1730, %get3A_1731, %get3A_1732] {strides = array<i32>} : memref<128x2x128xf32, #tpu.memory_space<vmem>>, vector<16xf32>,
      %get3A_1734 = arith.constant 1 : i32
      %get3A_1735 = arith.index_cast %scan3A_1650 : i32 to index
      %get3A_1736 = arith.index_cast %get3A_1734 : i32 to index
      %get3A_1737 = arith.constant 64 : index
      %get3A_1738 = tpu.vector_load %arg9[%get3A_1735, %get3A_1736, %get3A_1737] {strides = array<i32>} : memref<128x2x128xf32, #tpu.memory_space<vmem>>, vector<16xf32>,
      %sub3A_1739 = arith.subf %get3A_1733, %gather3A_1579 : vector<16xf32>
      %sub3A_1740 = arith.subf %get3A_1738, %gather3A_1580 : vector<16xf32>
      %mul3A_1741 = arith.mulf %sub3A_1739, %sub3A_1739 : vector<16xf32>
      %mul3A_1742 = arith.mulf %sub3A_1740, %sub3A_1740 : vector<16xf32>
      %add3A_1743 = arith.addf %mul3A_1741, %mul3A_1742 : vector<16xf32>
      %bitcast3A_1744 = vector.bitcast %add3A_1743 : vector<16xf32> to vector<16xi32>
      %gt3A_1745 = arith.cmpi sgt, %bitcast3A_1744, %select_n3A_1654 : vector<16xi32>
      %all_reduce_population_count3A_1746 = tpu.all_reduce %gt3A_1745 {dim = 0 : i64, kind = #tpu.reduction_kind<sum>} : vector<16xi1> -> vector<16xi32>
      %add3A_1747 = arith.addi %add3A_1709, %all_reduce_population_count3A_1746 : vector<16xi32>
      %get3A_1748 = arith.constant 0 : i32
      %get3A_1749 = arith.index_cast %scan3A_1650 : i32 to index
      %get3A_1750 = arith.index_cast %get3A_1748 : i32 to index
      %get3A_1751 = arith.constant 80 : index
      %get3A_1752 = tpu.vector_load %arg9[%get3A_1749, %get3A_1750, %get3A_1751] {strides = array<i32>} : memref<128x2x128xf32, #tpu.memory_space<vmem>>, vector<16xf32>,
      %get3A_1753 = arith.constant 1 : i32
      %get3A_1754 = arith.index_cast %scan3A_1650 : i32 to index
      %get3A_1755 = arith.index_cast %get3A_1753 : i32 to index
      %get3A_1756 = arith.constant 80 : index
      %get3A_1757 = tpu.vector_load %arg9[%get3A_1754, %get3A_1755, %get3A_1756] {strides = array<i32>} : memref<128x2x128xf32, #tpu.memory_space<vmem>>, vector<16xf32>,
      %sub3A_1758 = arith.subf %get3A_1752, %gather3A_1579 : vector<16xf32>
      %sub3A_1759 = arith.subf %get3A_1757, %gather3A_1580 : vector<16xf32>
      %mul3A_1760 = arith.mulf %sub3A_1758, %sub3A_1758 : vector<16xf32>
      %mul3A_1761 = arith.mulf %sub3A_1759, %sub3A_1759 : vector<16xf32>
      %add3A_1762 = arith.addf %mul3A_1760, %mul3A_1761 : vector<16xf32>
      %bitcast3A_1763 = vector.bitcast %add3A_1762 : vector<16xf32> to vector<16xi32>
      %gt3A_1764 = arith.cmpi sgt, %bitcast3A_1763, %select_n3A_1654 : vector<16xi32>
      %all_reduce_population_count3A_1765 = tpu.all_reduce %gt3A_1764 {dim = 0 : i64, kind = #tpu.reduction_kind<sum>} : vector<16xi1> -> vector<16xi32>
      %add3A_1766 = arith.addi %add3A_1728, %all_reduce_population_count3A_1765 : vector<16xi32>
      %get3A_1767 = arith.constant 0 : i32
      %get3A_1768 = arith.index_cast %scan3A_1650 : i32 to index
      %get3A_1769 = arith.index_cast %get3A_1767 : i32 to index
      %get3A_1770 = arith.constant 96 : index
      %get3A_1771 = tpu.vector_load %arg9[%get3A_1768, %get3A_1769, %get3A_1770] {strides = array<i32>} : memref<128x2x128xf32, #tpu.memory_space<vmem>>, vector<16xf32>,
      %get3A_1772 = arith.constant 1 : i32
      %get3A_1773 = arith.index_cast %scan3A_1650 : i32 to index
      %get3A_1774 = arith.index_cast %get3A_1772 : i32 to index
      %get3A_1775 = arith.constant 96 : index
      %get3A_1776 = tpu.vector_load %arg9[%get3A_1773, %get3A_1774, %get3A_1775] {strides = array<i32>} : memref<128x2x128xf32, #tpu.memory_space<vmem>>, vector<16xf32>,
      %sub3A_1777 = arith.subf %get3A_1771, %gather3A_1579 : vector<16xf32>
      %sub3A_1778 = arith.subf %get3A_1776, %gather3A_1580 : vector<16xf32>
      %mul3A_1779 = arith.mulf %sub3A_1777, %sub3A_1777 : vector<16xf32>
      %mul3A_1780 = arith.mulf %sub3A_1778, %sub3A_1778 : vector<16xf32>
      %add3A_1781 = arith.addf %mul3A_1779, %mul3A_1780 : vector<16xf32>
      %bitcast3A_1782 = vector.bitcast %add3A_1781 : vector<16xf32> to vector<16xi32>
      %gt3A_1783 = arith.cmpi sgt, %bitcast3A_1782, %select_n3A_1654 : vector<16xi32>
      %all_reduce_population_count3A_1784 = tpu.all_reduce %gt3A_1783 {dim = 0 : i64, kind = #tpu.reduction_kind<sum>} : vector<16xi1> -> vector<16xi32>
      %add3A_1785 = arith.addi %add3A_1747, %all_reduce_population_count3A_1784 : vector<16xi32>
      %get3A_1786 = arith.constant 0 : i32
      %get3A_1787 = arith.index_cast %scan3A_1650 : i32 to index
      %get3A_1788 = arith.index_cast %get3A_1786 : i32 to index
      %get3A_1789 = arith.constant 112 : index
      %get3A_1790 = tpu.vector_load %arg9[%get3A_1787, %get3A_1788, %get3A_1789] {strides = array<i32>} : memref<128x2x128xf32, #tpu.memory_space<vmem>>, vector<16xf32>,
      %get3A_1791 = arith.constant 1 : i32
      %get3A_1792 = arith.index_cast %scan3A_1650 : i32 to index
      %get3A_1793 = arith.index_cast %get3A_1791 : i32 to index
      %get3A_1794 = arith.constant 112 : index
      %get3A_1795 = tpu.vector_load %arg9[%get3A_1792, %get3A_1793, %get3A_1794] {strides = array<i32>} : memref<128x2x128xf32, #tpu.memory_space<vmem>>, vector<16xf32>,
      %sub3A_1796 = arith.subf %get3A_1790, %gather3A_1579 : vector<16xf32>
      %sub3A_1797 = arith.subf %get3A_1795, %gather3A_1580 : vector<16xf32>
      %mul3A_1798 = arith.mulf %sub3A_1796, %sub3A_1796 : vector<16xf32>
      %mul3A_1799 = arith.mulf %sub3A_1797, %sub3A_1797 : vector<16xf32>
      %add3A_1800 = arith.addf %mul3A_1798, %mul3A_1799 : vector<16xf32>
      %bitcast3A_1801 = vector.bitcast %add3A_1800 : vector<16xf32> to vector<16xi32>
      %gt3A_1802 = arith.cmpi sgt, %bitcast3A_1801, %select_n3A_1654 : vector<16xi32>
      %all_reduce_population_count3A_1803 = tpu.all_reduce %gt3A_1802 {dim = 0 : i64, kind = #tpu.reduction_kind<sum>} : vector<16xi1> -> vector<16xi32>
      %add3A_1804 = arith.addi %add3A_1766, %all_reduce_population_count3A_1803 : vector<16xi32>
      scf.yield %add3A_1785, %add3A_1804 : vector<16xi32>, vector<16xi32>
    }
    %scan3A_1604 = arith.constant 128 : i32
    %dma_wait3A_1605 = arith.constant 128 : i32
    %dma_wait3A_1606 = arith.constant 0 : i32
    %dma_wait3A_1607 = arith.constant 0 : i32
    %dma_wait3A_1608 = tpu.memref_slice %arg2[%add3A_1533, %dma_wait3A_1605, %dma_wait3A_1606, %dma_wait3A_1607] : memref<128x256x4x128xf32, #tpu.memory_space<hbm>> -> memref<1x128x2x128xf32, #tpu.memory_space<hbm>>
    %dma_wait3A_1609 = tpu.memref_squeeze %dma_wait3A_1608 : memref<1x128x2x128xf32, #tpu.memory_space<hbm>> -> memref<128x2x128xf32, #tpu.memory_space<hbm>>
    %dma_wait3A_1610 = arith.constant 128 : i32
    %dma_wait3A_1611 = arith.constant 0 : i32
    %dma_wait3A_1612 = arith.constant 0 : i32
    %dma_wait3A_1613 = tpu.memref_slice %arg2[%add3A_1533, %dma_wait3A_1610, %dma_wait3A_1611, %dma_wait3A_1612] : memref<128x256x4x128xf32, #tpu.memory_space<hbm>> -> memref<1x128x2x128xf32, #tpu.memory_space<hbm>>
    %dma_wait3A_1614 = tpu.memref_squeeze %dma_wait3A_1613 : memref<1x128x2x128xf32, #tpu.memory_space<hbm>> -> memref<128x2x128xf32, #tpu.memory_space<hbm>>
    tpu.wait_dma2 semaphore(%arg14 : memref<!tpu.dma_semaphore, #tpu.memory_space<semaphore_mem>>) src(%dma_wait3A_1614 : memref<128x2x128xf32, #tpu.memory_space<hbm>>) dst(%arg10 : memref<128x2x128xf32, #tpu.memory_space<vmem>>)
    %sub3A_1615 = arith.constant 128 : i32
    %sub3A_1616 = arith.subi %shift_right_logical3A_188, %sub3A_1615 : i32
    %scan3A_1617 = arith.constant 0 : i32
    %scan3A_1618 = arith.constant 128 : i32
    %scan3A_1619 = arith.addi %scan3A_1617, %scan3A_1618 : i32
    %scan3A_1620 = arith.constant 1 : i32
    %scan3A_1621:2 = scf.for %scan3A_1650 = %scan3A_1617 to %scan3A_1619 step %scan3A_1620 iter_args(%scan3A_1651 = %scan3A_1603#0, %scan3A_1652 = %scan3A_1603#1) -> (vector<16xi32>, vector<16xi32>)  : i32 {
      %lt3A_1653 = arith.cmpi slt, %scan3A_1650, %sub3A_1616 : i32
      %select_n3A_1654 = arith.select %lt3A_1653, %sub3A_1067, %bitcast3A_1066 : vector<16xi32>
      %get3A_1655 = arith.constant 0 : i32
      %get3A_1656 = arith.index_cast %scan3A_1650 : i32 to index
      %get3A_1657 = arith.index_cast %get3A_1655 : i32 to index
      %get3A_1658 = arith.constant 0 : index
      %get3A_1659 = tpu.vector_load %arg10[%get3A_1656, %get3A_1657, %get3A_1658] {strides = array<i32>} : memref<128x2x128xf32, #tpu.memory_space<vmem>>, vector<16xf32>,
      %get3A_1660 = arith.constant 1 : i32
      %get3A_1661 = arith.index_cast %scan3A_1650 : i32 to index
      %get3A_1662 = arith.index_cast %get3A_1660 : i32 to index
      %get3A_1663 = arith.constant 0 : index
      %get3A_1664 = tpu.vector_load %arg10[%get3A_1661, %get3A_1662, %get3A_1663] {strides = array<i32>} : memref<128x2x128xf32, #tpu.memory_space<vmem>>, vector<16xf32>,
      %sub3A_1665 = arith.subf %get3A_1659, %gather3A_1579 : vector<16xf32>
      %sub3A_1666 = arith.subf %get3A_1664, %gather3A_1580 : vector<16xf32>
      %mul3A_1667 = arith.mulf %sub3A_1665, %sub3A_1665 : vector<16xf32>
      %mul3A_1668 = arith.mulf %sub3A_1666, %sub3A_1666 : vector<16xf32>
      %add3A_1669 = arith.addf %mul3A_1667, %mul3A_1668 : vector<16xf32>
      %bitcast3A_1670 = vector.bitcast %add3A_1669 : vector<16xf32> to vector<16xi32>
      %gt3A = arith.cmpi sgt, %bitcast3A_1670, %select_n3A_1654 : vector<16xi32>
      %all_reduce_population_count3A = tpu.all_reduce %gt3A {dim = 0 : i64, kind = #tpu.reduction_kind<sum>} : vector<16xi1> -> vector<16xi32>
      %add3A_1671 = arith.addi %scan3A_1651, %all_reduce_population_count3A : vector<16xi32>
      %get3A_1672 = arith.constant 0 : i32
      %get3A_1673 = arith.index_cast %scan3A_1650 : i32 to index
      %get3A_1674 = arith.index_cast %get3A_1672 : i32 to index
      %get3A_1675 = arith.constant 16 : index
      %get3A_1676 = tpu.vector_load %arg10[%get3A_1673, %get3A_1674, %get3A_1675] {strides = array<i32>} : memref<128x2x128xf32, #tpu.memory_space<vmem>>, vector<16xf32>,
      %get3A_1677 = arith.constant 1 : i32
      %get3A_1678 = arith.index_cast %scan3A_1650 : i32 to index
      %get3A_1679 = arith.index_cast %get3A_1677 : i32 to index
      %get3A_1680 = arith.constant 16 : index
      %get3A_1681 = tpu.vector_load %arg10[%get3A_1678, %get3A_1679, %get3A_1680] {strides = array<i32>} : memref<128x2x128xf32, #tpu.memory_space<vmem>>, vector<16xf32>,
      %sub3A_1682 = arith.subf %get3A_1676, %gather3A_1579 : vector<16xf32>
      %sub3A_1683 = arith.subf %get3A_1681, %gather3A_1580 : vector<16xf32>
      %mul3A_1684 = arith.mulf %sub3A_1682, %sub3A_1682 : vector<16xf32>
      %mul3A_1685 = arith.mulf %sub3A_1683, %sub3A_1683 : vector<16xf32>
      %add3A_1686 = arith.addf %mul3A_1684, %mul3A_1685 : vector<16xf32>
      %bitcast3A_1687 = vector.bitcast %add3A_1686 : vector<16xf32> to vector<16xi32>
      %gt3A_1688 = arith.cmpi sgt, %bitcast3A_1687, %select_n3A_1654 : vector<16xi32>
      %all_reduce_population_count3A_1689 = tpu.all_reduce %gt3A_1688 {dim = 0 : i64, kind = #tpu.reduction_kind<sum>} : vector<16xi1> -> vector<16xi32>
      %add3A_1690 = arith.addi %scan3A_1652, %all_reduce_population_count3A_1689 : vector<16xi32>
      %get3A_1691 = arith.constant 0 : i32
      %get3A_1692 = arith.index_cast %scan3A_1650 : i32 to index
      %get3A_1693 = arith.index_cast %get3A_1691 : i32 to index
      %get3A_1694 = arith.constant 32 : index
      %get3A_1695 = tpu.vector_load %arg10[%get3A_1692, %get3A_1693, %get3A_1694] {strides = array<i32>} : memref<128x2x128xf32, #tpu.memory_space<vmem>>, vector<16xf32>,
      %get3A_1696 = arith.constant 1 : i32
      %get3A_1697 = arith.index_cast %scan3A_1650 : i32 to index
      %get3A_1698 = arith.index_cast %get3A_1696 : i32 to index
      %get3A_1699 = arith.constant 32 : index
      %get3A_1700 = tpu.vector_load %arg10[%get3A_1697, %get3A_1698, %get3A_1699] {strides = array<i32>} : memref<128x2x128xf32, #tpu.memory_space<vmem>>, vector<16xf32>,
      %sub3A_1701 = arith.subf %get3A_1695, %gather3A_1579 : vector<16xf32>
      %sub3A_1702 = arith.subf %get3A_1700, %gather3A_1580 : vector<16xf32>
      %mul3A_1703 = arith.mulf %sub3A_1701, %sub3A_1701 : vector<16xf32>
      %mul3A_1704 = arith.mulf %sub3A_1702, %sub3A_1702 : vector<16xf32>
      %add3A_1705 = arith.addf %mul3A_1703, %mul3A_1704 : vector<16xf32>
      %bitcast3A_1706 = vector.bitcast %add3A_1705 : vector<16xf32> to vector<16xi32>
      %gt3A_1707 = arith.cmpi sgt, %bitcast3A_1706, %select_n3A_1654 : vector<16xi32>
      %all_reduce_population_count3A_1708 = tpu.all_reduce %gt3A_1707 {dim = 0 : i64, kind = #tpu.reduction_kind<sum>} : vector<16xi1> -> vector<16xi32>
      %add3A_1709 = arith.addi %add3A_1671, %all_reduce_population_count3A_1708 : vector<16xi32>
      %get3A_1710 = arith.constant 0 : i32
      %get3A_1711 = arith.index_cast %scan3A_1650 : i32 to index
      %get3A_1712 = arith.index_cast %get3A_1710 : i32 to index
      %get3A_1713 = arith.constant 48 : index
      %get3A_1714 = tpu.vector_load %arg10[%get3A_1711, %get3A_1712, %get3A_1713] {strides = array<i32>} : memref<128x2x128xf32, #tpu.memory_space<vmem>>, vector<16xf32>,
      %get3A_1715 = arith.constant 1 : i32
      %get3A_1716 = arith.index_cast %scan3A_1650 : i32 to index
      %get3A_1717 = arith.index_cast %get3A_1715 : i32 to index
      %get3A_1718 = arith.constant 48 : index
      %get3A_1719 = tpu.vector_load %arg10[%get3A_1716, %get3A_1717, %get3A_1718] {strides = array<i32>} : memref<128x2x128xf32, #tpu.memory_space<vmem>>, vector<16xf32>,
      %sub3A_1720 = arith.subf %get3A_1714, %gather3A_1579 : vector<16xf32>
      %sub3A_1721 = arith.subf %get3A_1719, %gather3A_1580 : vector<16xf32>
      %mul3A_1722 = arith.mulf %sub3A_1720, %sub3A_1720 : vector<16xf32>
      %mul3A_1723 = arith.mulf %sub3A_1721, %sub3A_1721 : vector<16xf32>
      %add3A_1724 = arith.addf %mul3A_1722, %mul3A_1723 : vector<16xf32>
      %bitcast3A_1725 = vector.bitcast %add3A_1724 : vector<16xf32> to vector<16xi32>
      %gt3A_1726 = arith.cmpi sgt, %bitcast3A_1725, %select_n3A_1654 : vector<16xi32>
      %all_reduce_population_count3A_1727 = tpu.all_reduce %gt3A_1726 {dim = 0 : i64, kind = #tpu.reduction_kind<sum>} : vector<16xi1> -> vector<16xi32>
      %add3A_1728 = arith.addi %add3A_1690, %all_reduce_population_count3A_1727 : vector<16xi32>
      %get3A_1729 = arith.constant 0 : i32
      %get3A_1730 = arith.index_cast %scan3A_1650 : i32 to index
      %get3A_1731 = arith.index_cast %get3A_1729 : i32 to index
      %get3A_1732 = arith.constant 64 : index
      %get3A_1733 = tpu.vector_load %arg10[%get3A_1730, %get3A_1731, %get3A_1732] {strides = array<i32>} : memref<128x2x128xf32, #tpu.memory_space<vmem>>, vector<16xf32>,
      %get3A_1734 = arith.constant 1 : i32
      %get3A_1735 = arith.index_cast %scan3A_1650 : i32 to index
      %get3A_1736 = arith.index_cast %get3A_1734 : i32 to index
      %get3A_1737 = arith.constant 64 : index
      %get3A_1738 = tpu.vector_load %arg10[%get3A_1735, %get3A_1736, %get3A_1737] {strides = array<i32>} : memref<128x2x128xf32, #tpu.memory_space<vmem>>, vector<16xf32>,
      %sub3A_1739 = arith.subf %get3A_1733, %gather3A_1579 : vector<16xf32>
      %sub3A_1740 = arith.subf %get3A_1738, %gather3A_1580 : vector<16xf32>
      %mul3A_1741 = arith.mulf %sub3A_1739, %sub3A_1739 : vector<16xf32>
      %mul3A_1742 = arith.mulf %sub3A_1740, %sub3A_1740 : vector<16xf32>
      %add3A_1743 = arith.addf %mul3A_1741, %mul3A_1742 : vector<16xf32>
      %bitcast3A_1744 = vector.bitcast %add3A_1743 : vector<16xf32> to vector<16xi32>
      %gt3A_1745 = arith.cmpi sgt, %bitcast3A_1744, %select_n3A_1654 : vector<16xi32>
      %all_reduce_population_count3A_1746 = tpu.all_reduce %gt3A_1745 {dim = 0 : i64, kind = #tpu.reduction_kind<sum>} : vector<16xi1> -> vector<16xi32>
      %add3A_1747 = arith.addi %add3A_1709, %all_reduce_population_count3A_1746 : vector<16xi32>
      %get3A_1748 = arith.constant 0 : i32
      %get3A_1749 = arith.index_cast %scan3A_1650 : i32 to index
      %get3A_1750 = arith.index_cast %get3A_1748 : i32 to index
      %get3A_1751 = arith.constant 80 : index
      %get3A_1752 = tpu.vector_load %arg10[%get3A_1749, %get3A_1750, %get3A_1751] {strides = array<i32>} : memref<128x2x128xf32, #tpu.memory_space<vmem>>, vector<16xf32>,
      %get3A_1753 = arith.constant 1 : i32
      %get3A_1754 = arith.index_cast %scan3A_1650 : i32 to index
      %get3A_1755 = arith.index_cast %get3A_1753 : i32 to index
      %get3A_1756 = arith.constant 80 : index
      %get3A_1757 = tpu.vector_load %arg10[%get3A_1754, %get3A_1755, %get3A_1756] {strides = array<i32>} : memref<128x2x128xf32, #tpu.memory_space<vmem>>, vector<16xf32>,
      %sub3A_1758 = arith.subf %get3A_1752, %gather3A_1579 : vector<16xf32>
      %sub3A_1759 = arith.subf %get3A_1757, %gather3A_1580 : vector<16xf32>
      %mul3A_1760 = arith.mulf %sub3A_1758, %sub3A_1758 : vector<16xf32>
      %mul3A_1761 = arith.mulf %sub3A_1759, %sub3A_1759 : vector<16xf32>
      %add3A_1762 = arith.addf %mul3A_1760, %mul3A_1761 : vector<16xf32>
      %bitcast3A_1763 = vector.bitcast %add3A_1762 : vector<16xf32> to vector<16xi32>
      %gt3A_1764 = arith.cmpi sgt, %bitcast3A_1763, %select_n3A_1654 : vector<16xi32>
      %all_reduce_population_count3A_1765 = tpu.all_reduce %gt3A_1764 {dim = 0 : i64, kind = #tpu.reduction_kind<sum>} : vector<16xi1> -> vector<16xi32>
      %add3A_1766 = arith.addi %add3A_1728, %all_reduce_population_count3A_1765 : vector<16xi32>
      %get3A_1767 = arith.constant 0 : i32
      %get3A_1768 = arith.index_cast %scan3A_1650 : i32 to index
      %get3A_1769 = arith.index_cast %get3A_1767 : i32 to index
      %get3A_1770 = arith.constant 96 : index
      %get3A_1771 = tpu.vector_load %arg10[%get3A_1768, %get3A_1769, %get3A_1770] {strides = array<i32>} : memref<128x2x128xf32, #tpu.memory_space<vmem>>, vector<16xf32>,
      %get3A_1772 = arith.constant 1 : i32
      %get3A_1773 = arith.index_cast %scan3A_1650 : i32 to index
      %get3A_1774 = arith.index_cast %get3A_1772 : i32 to index
      %get3A_1775 = arith.constant 96 : index
      %get3A_1776 = tpu.vector_load %arg10[%get3A_1773, %get3A_1774, %get3A_1775] {strides = array<i32>} : memref<128x2x128xf32, #tpu.memory_space<vmem>>, vector<16xf32>,
      %sub3A_1777 = arith.subf %get3A_1771, %gather3A_1579 : vector<16xf32>
      %sub3A_1778 = arith.subf %get3A_1776, %gather3A_1580 : vector<16xf32>
      %mul3A_1779 = arith.mulf %sub3A_1777, %sub3A_1777 : vector<16xf32>
      %mul3A_1780 = arith.mulf %sub3A_1778, %sub3A_1778 : vector<16xf32>
      %add3A_1781 = arith.addf %mul3A_1779, %mul3A_1780 : vector<16xf32>
      %bitcast3A_1782 = vector.bitcast %add3A_1781 : vector<16xf32> to vector<16xi32>
      %gt3A_1783 = arith.cmpi sgt, %bitcast3A_1782, %select_n3A_1654 : vector<16xi32>
      %all_reduce_population_count3A_1784 = tpu.all_reduce %gt3A_1783 {dim = 0 : i64, kind = #tpu.reduction_kind<sum>} : vector<16xi1> -> vector<16xi32>
      %add3A_1785 = arith.addi %add3A_1747, %all_reduce_population_count3A_1784 : vector<16xi32>
      %get3A_1786 = arith.constant 0 : i32
      %get3A_1787 = arith.index_cast %scan3A_1650 : i32 to index
      %get3A_1788 = arith.index_cast %get3A_1786 : i32 to index
      %get3A_1789 = arith.constant 112 : index
      %get3A_1790 = tpu.vector_load %arg10[%get3A_1787, %get3A_1788, %get3A_1789] {strides = array<i32>} : memref<128x2x128xf32, #tpu.memory_space<vmem>>, vector<16xf32>,
      %get3A_1791 = arith.constant 1 : i32
      %get3A_1792 = arith.index_cast %scan3A_1650 : i32 to index
      %get3A_1793 = arith.index_cast %get3A_1791 : i32 to index
      %get3A_1794 = arith.constant 112 : index
      %get3A_1795 = tpu.vector_load %arg10[%get3A_1792, %get3A_1793, %get3A_1794] {strides = array<i32>} : memref<128x2x128xf32, #tpu.memory_space<vmem>>, vector<16xf32>,
      %sub3A_1796 = arith.subf %get3A_1790, %gather3A_1579 : vector<16xf32>
      %sub3A_1797 = arith.subf %get3A_1795, %gather3A_1580 : vector<16xf32>
      %mul3A_1798 = arith.mulf %sub3A_1796, %sub3A_1796 : vector<16xf32>
      %mul3A_1799 = arith.mulf %sub3A_1797, %sub3A_1797 : vector<16xf32>
      %add3A_1800 = arith.addf %mul3A_1798, %mul3A_1799 : vector<16xf32>
      %bitcast3A_1801 = vector.bitcast %add3A_1800 : vector<16xf32> to vector<16xi32>
      %gt3A_1802 = arith.cmpi sgt, %bitcast3A_1801, %select_n3A_1654 : vector<16xi32>
      %all_reduce_population_count3A_1803 = tpu.all_reduce %gt3A_1802 {dim = 0 : i64, kind = #tpu.reduction_kind<sum>} : vector<16xi1> -> vector<16xi32>
      %add3A_1804 = arith.addi %add3A_1766, %all_reduce_population_count3A_1803 : vector<16xi32>
      scf.yield %add3A_1785, %add3A_1804 : vector<16xi32>, vector<16xi32>
    }
    %scan3A_1622 = arith.constant 128 : i32
    %slice3A_1623 = vector.extract_strided_slice %scan3A_1621#0 {offsets = [0], sizes = [1], strides = [1]} : vector<16xi32> to vector<1xi32>
    %squeeze3A_1624 = vector.extract %slice3A_1623[0] : i32 from vector<1xi32>
    %slice3A_1625 = vector.extract_strided_slice %scan3A_1621#1 {offsets = [0], sizes = [1], strides = [1]} : vector<16xi32> to vector<1xi32>
    %squeeze3A_1626 = vector.extract %slice3A_1625[0] : i32 from vector<1xi32>
    %add3A_1627 = arith.addi %squeeze3A_1624, %squeeze3A_1626 : i32
    %lt3A_1628 = arith.constant 1024 : i32
    %lt3A_1629 = arith.cmpi slt, %add3A_1627, %lt3A_1628 : i32
    %jit3A_1630 = arith.constant 1.000000e+00 : f32
    %jit3A_1631 = arith.constant 0.000000e+00 : f32
    %select_n3A_1632 = arith.select %lt3A_1629, %jit3A_1630, %jit3A_1631 : f32
    %eq3A_1633 = arith.constant 6 : i32
    %eq3A_1634 = vector.broadcast %eq3A_1633 : i32 to vector<16xi32>
    %eq3A_1635 = arith.cmpi eq, %iota3A, %eq3A_1634 : vector<16xi32>
    %broadcast_in_dim3A_1636 = vector.broadcast %select_n3A_1632 : f32 to vector<16xf32>
    %select_n3A_1637 = arith.select %eq3A_1635, %broadcast_in_dim3A_1636, %select_n3A_1573 : vector<16xi1>, vector<16xf32>
    %eq3A_1638 = arith.constant 7 : i32
    %eq3A_1639 = vector.broadcast %eq3A_1638 : i32 to vector<16xi32>
    %eq3A_1640 = arith.cmpi eq, %iota3A, %eq3A_1639 : vector<16xi32>
    %sub3A_1641 = arith.constant 1.000000e+00 : f32
    %sub3A_1642 = arith.subf %sub3A_1641, %select_n3A_1632 : f32
    %broadcast_in_dim3A_1643 = vector.broadcast %sub3A_1642 : f32 to vector<16xf32>
    %select_n3A_1644 = arith.select %eq3A_1640, %broadcast_in_dim3A_1643, %select_n3A_1637 : vector<16xi1>, vector<16xf32>
    %swap3A = arith.constant 0 : index
    %swap3A_1645 = tpu.vector_load %arg12[%swap3A] {strides = array<i32>} : memref<16xf32, #tpu.memory_space<vmem>>, vector<16xf32>,
    tpu.vector_store %arg12[%swap3A], %select_n3A_1644 {strides = array<i32>} : memref<16xf32, #tpu.memory_space<vmem>>, vector<16xf32>,
    %mul3A_1646 = arith.constant 2 : i32
    %mul3A_1647 = arith.muli %add3A, %mul3A_1646 : i32
    %mul3A_1648 = arith.constant 4 : i32
    %mul3A_1649 = arith.muli %mul3A_1647, %mul3A_1648 : i32
    %multiple_of3A = tpu.assume_multiple %mul3A_1649, 8 : i32
    "tpu.region"() ({
      %run_scoped3A = tpu.sem_alloc : memref<!tpu.dma_semaphore, #tpu.memory_space<semaphore_mem>>
      %dma_start3A_1650 = arith.constant 0 : i32
      %dma_start3A_1651 = tpu.memref_slice %arg12[%dma_start3A_1650] : memref<16xf32, #tpu.memory_space<vmem>> -> memref<8xf32, #tpu.memory_space<vmem>>
      %dma_start3A_1652 = tpu.memref_slice %arg5[%multiple_of3A] : memref<256xf32, #tpu.memory_space<hbm>> -> memref<8xf32, #tpu.memory_space<hbm>>
      %dma_start3A_1653 = tpu.memref_slice %arg5[%multiple_of3A] : memref<256xf32, #tpu.memory_space<hbm>> -> memref<8xf32, #tpu.memory_space<hbm>>
      %dma_start3A_1654 = arith.constant 0 : i32
      %dma_start3A_1655 = tpu.memref_slice %arg12[%dma_start3A_1654] : memref<16xf32, #tpu.memory_space<vmem>> -> memref<8xf32, #tpu.memory_space<vmem>>
      tpu.enqueue_dma source(%dma_start3A_1655 : memref<8xf32, #tpu.memory_space<vmem>>) target(%dma_start3A_1653 : memref<8xf32, #tpu.memory_space<hbm>>) target_semaphore(%run_scoped3A : memref<!tpu.dma_semaphore, #tpu.memory_space<semaphore_mem>>)
      %dma_wait3A_1656 = arith.constant 0 : i32
      %dma_wait3A_1657 = tpu.memref_slice %arg12[%dma_wait3A_1656] : memref<16xf32, #tpu.memory_space<vmem>> -> memref<8xf32, #tpu.memory_space<vmem>>
      %dma_wait3A_1658 = tpu.memref_slice %arg5[%multiple_of3A] : memref<256xf32, #tpu.memory_space<hbm>> -> memref<8xf32, #tpu.memory_space<hbm>>
      %dma_wait3A_1659 = tpu.memref_slice %arg5[%multiple_of3A] : memref<256xf32, #tpu.memory_space<hbm>> -> memref<8xf32, #tpu.memory_space<hbm>>
      %dma_wait3A_1660 = arith.constant 0 : i32
      %dma_wait3A_1661 = tpu.memref_slice %arg12[%dma_wait3A_1660] : memref<16xf32, #tpu.memory_space<vmem>> -> memref<8xf32, #tpu.memory_space<vmem>>
      tpu.wait_dma2 semaphore(%run_scoped3A : memref<!tpu.dma_semaphore, #tpu.memory_space<semaphore_mem>>) src(%dma_wait3A_1661 : memref<8xf32, #tpu.memory_space<vmem>>) dst(%dma_wait3A_1659 : memref<8xf32, #tpu.memory_space<hbm>>)
      tpu.yield
    }) : () -> ()
    return
  }
}

</mosaic_0001>

<sc_bundles>
// kernel: _run.3.cloned.1.call-start
scs
__scs_entry_jumppad:
0x0: {  	(pc) =	sbr.rel $0x88, $3  }
0x1: {  	(tag) =	ssettag $0x0;
	lr =	simm.s32 $0x1  }
0x2: {  	[smem:$0x3F9E] =	sst lr;
	_ =	strace $0xD0000000  }
0x3: {  	_ = 	snop  }
0x4: {  	_ = 	snop  }
0x5: {  	_ = 	snop  }
0x6: {  	_ = 	snop  }
0x7: {  	_ = 	snop  }
__scs_overlays_trampoline_lowered:
0x8: {  	[smem:$0x3FAD] =	sst s0  }
0x9: {  	[smem:$0x3FAE] =	sst s1  }
0xa: {  	[smem:$0x3FAF] =	sst s2  }
0xb: {  	[smem:$0x3FB0] =	sst s3  }
0xc: {  	[smem:$0x3FB1] =	sst s4  }
0xd: {  	[smem:$0x3FB2] =	sst s5  }
0xe: {  	[smem:$0x3FB3] =	sst s6  }
0xf: {  	[smem:$0x3FB4] =	sst s7  }
0x10: {  	[smem:$0x3FB5] =	sst s8  }
0x11: {  	[smem:$0x3FB6] =	sst s9;
	s0 =	simm.s32 @!p0 $0x0  }
0x12: {  	s1 =	sld [smem:$0x3F9C];
	s0 =	simm.s32 @p0 $0x1  }
0x13: {  	[smem:$0x3FB7] =	sst s0;
	s0 =	simm.s32 @!p1 $0x0  }
0x14: {  	s2 =	sld [smem:$0x3F9B];
	s0 =	simm.s32 @p1 $0x1  }
0x15: {  	[smem:$0x3FB8] =	sst s0;
	s0 =	simm.s32 @!p2 $0x0  }
0x16: {  	s3 =	sld [smem:$0x3FDB];
	s0 =	simm.s32 @p2 $0x1  }
0x17: {  	s4 =	simm.s32 $0x1BF5;
	[smem:$0x3FBA] =	sst s0  }
0x18: {  	s0 =	sld [smem:$0x3F9D];
	_ =	swait.ge [sflag:s4], $0x0  }
0x19: {  	s7 =	sld [smem:$0x3F9E]  }
0x1a: {  	s8 =	sadd.s32 $0xFFFFE003, lr  }
0x1b: {  	s9 =	sadd.s32 $0xFFFFFEF7, lr;
	s5 =	simm.s32 $0xFFFFFFFF;
	p2 =	slt.u32 s8, $0xFFFFF086  }
0x1c: {  	p1 =	slt.u32 s9, $0xF7A;
	s5 =	simm.s32 @!p2 $0x0  }
0x1d: {  	s5 =	simm.s32 @p1 $0x1;
	p0 =	seq.s32 s7, s2  }
0x1e: {  	s7 =	smul.u32 @!p0 $0xF7A, s2;
	p2 =	seq.s32 @!p0 s5, $0x0  }
0x1f: {  	s9 =	smul.u32 $0xF7A, s1;
	s8 =	simm.s32 @!p0 $0x1BF5;
	p2 =	por !p2, p0  }
0x20: {  	[sflag:s8] =	ssyncset.s32 @!p0 $0xFFFFF086;
	s6 =	sadd.s32 @!p0 s3, s7;
	s7 =	simm.s32 @!p0 $0x108  }
0x21: {  	s3 =	sadd.s32 s3, s9;
	s6 =	sadd.s32 @!p0 $0x88, s6;
	s7 =	simm.s32 @p2 $0x1082  }
0x22: {  	[simem:s7], [sflag:s8] =	dma.local @!p0 [hbm:s6], $0xF7A  }
0x23: {  	s9 =	sor.u32 $0xD0000000, s2;
	s6 =	simm.s32 $0x108;
	_ =	swait.ge @!p0 [sflag:s8], $0x0  }
0x24: {  	s3 =	sadd.s32 $0x88, s3;
	s6 =	simm.s32 @!p1 $0x1082;
	[sflag:s4] =	ssyncset.s32 $0xFFFFF086  }
0x25: {  	[simem:s6], [sflag:s4] =	dma.local [hbm:s3], $0xF7A  }
0x26: {  	[smem:$0x3F9E] =	sst s1;
	(tag) =	ssettag s2;
	_ =	strace s9  }
0x27: {  	s1 =	sld [smem:$0x3FAE]  }
0x28: {  	s2 =	sld [smem:$0x3FAF]  }
0x29: {  	s4 =	sld [smem:$0x3FB1]  }
0x2a: {  	p0 =	seq.s32 s5, $0x0;
	s5 =	sld [smem:$0x3FB2]  }
0x2b: {  	s6 =	sld [smem:$0x3FB3]  }
0x2c: {  	s7 =	sld [smem:$0x3FB4]  }
0x2d: {  	s3 =	simm.s32 $0x108;
	s8 =	sld [smem:$0x3FB5]  }
0x2e: {  	s3 =	simm.s32 @!p0 $0x1082;
	s9 =	sld [smem:$0x3FB6]  }
0x2f: {  	lr =	sadd.s32 s0, s3;
	s0 =	sld [smem:$0x3FAD]  }
0x30: {  	s3 =	sld [smem:$0x3FB0]  }
0x31: {  	[smem:$0x3FB9] =	sst s10  }
0x32: {  	s10 =	sld [smem:$0x3FB7];
	_ =	sdelay $0x3  }
0x33: {  	p0 =	seq.s32 s10, $0x1;
	s10 =	sld [smem:$0x3FB9];
	_ =	sdelay $0x3  }
0x34: {  	[smem:$0x3FB9] =	sst s10  }
0x35: {  	s10 =	sld [smem:$0x3FB8];
	_ =	sdelay $0x3  }
0x36: {  	p1 =	seq.s32 s10, $0x1;
	s10 =	sld [smem:$0x3FB9];
	_ =	sdelay $0x3  }
0x37: {  	[smem:$0x3FB9] =	sst s10  }
0x38: {  	s10 =	sld [smem:$0x3FBA]  }
0x39: {  	_ = 	snop;
	(pc) =	sbr.ind lr, $3  }
0x3a: {  	_ = 	snop  }
0x3b: {  	_ = 	snop  }
0x3c: {  	p2 =	seq.s32 s10, $0x1;
	s10 =	sld [smem:$0x3FB9]  }
0x3d: {  	_ =	shalt  }
0x3e: {  	_ =	shalt  }
0x3f: {  	_ =	shalt  }
0x40: {  	_ =	shalt  }
0x41: {  	_ =	shalt  }
0x42: {  	_ =	shalt  }
0x43: {  	_ =	shalt  }
0x44: {  	_ =	shalt  }
0x45: {  	_ =	shalt  }
0x46: {  	_ =	shalt  }
0x47: {  	_ =	shalt  }
0x48: {  	_ =	shalt  }
0x49: {  	_ =	shalt  }
0x4a: {  	_ =	shalt  }
0x4b: {  	_ =	shalt  }
0x4c: {  	_ =	shalt  }
0x4d: {  	_ =	shalt  }
0x4e: {  	_ =	shalt  }
0x4f: {  	_ =	shalt  }
0x50: {  	_ =	shalt  }
0x51: {  	_ =	shalt  }
0x52: {  	_ =	shalt  }
0x53: {  	_ =	shalt  }
0x54: {  	_ =	shalt  }
0x55: {  	_ =	shalt  }
0x56: {  	_ =	shalt  }
0x57: {  	_ =	shalt  }
0x58: {  	_ =	shalt  }
0x59: {  	_ =	shalt  }
0x5a: {  	_ =	shalt  }
0x5b: {  	_ =	shalt  }
0x5c: {  	_ =	shalt  }
0x5d: {  	_ =	shalt  }
0x5e: {  	_ =	shalt  }
0x5f: {  	_ =	shalt  }
0x60: {  	_ =	shalt  }
0x61: {  	_ =	shalt  }
0x62: {  	_ =	shalt  }
0x63: {  	_ =	shalt  }
0x64: {  	_ =	shalt  }
0x65: {  	_ =	shalt  }
0x66: {  	_ =	shalt  }
0x67: {  	_ =	shalt  }
0x68: {  	_ =	shalt  }
0x69: {  	_ =	shalt  }
0x6a: {  	_ =	shalt  }
0x6b: {  	_ =	shalt  }
0x6c: {  	_ =	shalt  }
0x6d: {  	_ =	shalt  }
0x6e: {  	_ =	shalt  }
0x6f: {  	_ =	shalt  }
0x70: {  	_ =	shalt  }
0x71: {  	_ =	shalt  }
0x72: {  	_ =	shalt  }
0x73: {  	_ =	shalt  }
0x74: {  	_ =	shalt  }
0x75: {  	_ =	shalt  }
0x76: {  	_ =	shalt  }
0x77: {  	_ =	shalt  }
0x78: {  	_ =	shalt  }
0x79: {  	_ =	shalt  }
0x7a: {  	_ =	shalt  }
0x7b: {  	_ =	shalt  }
0x7c: {  	_ =	shalt  }
0x7d: {  	_ =	shalt  }
0x7e: {  	_ =	shalt  }
0x7f: {  	_ =	shalt  }
0x80: {  	_ =	shalt  }
0x81: {  	_ =	shalt  }
0x82: {  	_ =	shalt  }
0x83: {  	_ =	shalt  }
0x84: {  	_ =	shalt  }
0x85: {  	_ =	shalt  }
0x86: {  	_ =	shalt  }
0x87: {  	_ =	shalt  }
.Lfunc_end0:
.L_simem_size_0:
called_computation_lowered:
.L_overlay_start_0:
0x88: {  	s2 =	sld [smem:$0x3FD9]  }
0x89: {  	s3 =	sld [smem:$0x3FFE];
	_ =	sdelay $0x1  }
0x8a: {  	s1 =	srdreg.scid  }
0x8b: {  	s0 =	sand.u32 $0x1, s1  }
0x8c: {  	s18 =	sshll.u32 s0, $0xA;
	s2 =	sadd.s32 s3, s2  }
0x8d: {  	s2 =	sadd.s32 s2, s18  }
0x8e: {  	[smem:$0x3FC5] =	sst s2  }
0x8f: {  	_ = 	snop  }
0x90: {  	s2 =	sld [smem:$0x3FC9]  }
0x91: {  	s19 =	sld [smem:$0x3FC8]  }
0x92: {  	s4 =	sld [smem:$0x3FC7]  }
0x93: {  	s5 =	sld [smem:$0x3FD0];
	(tm) =	ssettm $0x1  }
0x94: {  	s6 =	sld [smem:$0x3FFB];
	_ =	sdelay $0x3  }
0x95: {  	_ =	strace s6  }
0x96: {  	s6 =	sld [smem:$0x3FFC];
	_ =	sdelay $0x3  }
0x97: {  	_ =	strace s6  }
0x98: {  	s6 =	sld [smem:$0x3FFD];
	_ =	sdelay $0x3  }
0x99: {  	_ =	strace s6  }
0x9a: {  	_ =	strace $0x8FFFFFFF  }
0x9b: {  	s20 =	sld [smem:$0x3FDB];
	_ =	sdelay $0x1  }
0x9c: {  	s7 =	simm.s32 $_scs_section_size  }
0x9d: {  	s8 =	simm.s32 $_size__tile_overlayer_lowered;
	s9 =	simm.s32 $_tile_overlayer_lowered  }
0x9e: {  	s23 =	simm.s32 $0x1BFF;
	s22 =	sshll.u32 s9, $0x1;
	s6 =	sadd.s32 s7, s20  }
0x9f: {  	s10 =	simm.s32 $0x0;
	s21 =	sshll.u32 s8, $0x1;
	s8 =	sadd.s32 s22, s6  }
0xa0: {  	[timem:s10], [sflag:s23] =	dma.local [hbm:s8], s21  }
0xa1: {  	_ =	swait.ge [sflag:s23], s21  }
0xa2: {  	s7 =	ssub.s32 $0x0, s21;
	[sflag:s23] =	ssyncset.done $0x0  }
0xa3: {  	[sflag:s23] =	ssyncadd.s32 s7;
	_ =	sdelay $0x1  }
0xa4: {  	s24 =	simm.s32 $0x1B8B  }
0xa5: {  	_ =	swait.ge [sflag:s24], $0x1  }
0xa6: {  	[sflag:s24] =	ssyncset.done $0x0  }
0xa7: {  	s25 =	simm.s32 $0x1B8E;
	[sflag:s24] =	ssyncadd.s32 $0xFFFFFFFF  }
0xa8: {  	s26 =	simm.s32 $execute0_lowered;
	[smem:$0x3FD2] =	sst s25  }
0xa9: {  	s7 =	sshll.u32 s26, $0x1;
	_ =	strace $0x80000046;
	[dreg:$0x1] =	wrdreg $0xFFFFFFFF  }
0xaa: {  	s28 =	simm.s32 $_size_execute0_lowered;
	s6 =	sadd.s32 s6, s7;
	[dreg:$0x0] =	wrdreg $0x0  }
0xab: {  	s7 =	sshll.u32 s28, $0x1;
	[dreg:$0x2] =	wrdreg s6  }
0xac: {  	[dreg:$0x3] =	wrdreg s7  }
0xad: {  	[dreg:$0x4] =	wrdreg $0xC0  }
0xae: {  	_ =	task [dreg:s10], $0x5FFFF  }
0xaf: {  	[dreg:$0x1] =	wrdreg $0xFFFFFFFF  }
0xb0: {  	[dreg:$0x0] =	wrdreg $0x60  }
0xb1: {  	[dreg:$0x2] =	wrdreg s2  }
0xb2: {  	[dreg:$0x3] =	wrdreg s19  }
0xb3: {  	[dreg:$0x4] =	wrdreg s4  }
0xb4: {  	[dreg:$0x5] =	wrdreg s5  }
0xb5: {  	[dreg:$0x6] =	wrdreg $0x9  }
0xb6: {  	_ =	task.clear_ibuf [dreg:s10], $0x7FFFF;
	_ =	strace $0x90000046  }
0xb7: {  	s29 =	simm.s32 $0x9;
	_ =	strace $0x80000048  }
0xb8: {  	_ =	swait.ge [sflag:s29], $0x1  }
0xb9: {  	[sflag:s29] =	ssyncadd.s32 $0xFFFFFFFF  }
0xba: {  	_ =	strace $0x90000048  }
0xbb: {  	_ =	sfence  }
0xbc: {  	s30 =	sld [smem:$0x0];
	_ =	sdelay $0x2  }
0xbd: {  	s31 =	sshll.u32 s1, $0xD;
	s1 =	sshrl.u32 s1, $0x2  }
0xbe: {  	s3 =	sand.u32 $0x4000, s31;
	s1 =	sadd.s32 s1, s30  }
0xbf: {  	s0 =	sor.u32 s3, s0;
	s1 =	sshll.u32 s1, $0x11  }
0xc0: {  	s0 =	sor.u32 s1, s0  }
0xc1: {  	s0 =	sadd.s32 $0x8F2B, s0  }
0xc2: {  	[sflag:s0] =	ssyncadd.remote.s32 $0x1  }
0xc3: {  	_ =	sfence.sel $0xFFFF  }
0xc4: {  	[dreg:$0x0] =	wrdreg $0xFFFFFFFF;
	(pc) =	sbr.abs _section_cstart, $3  }
0xc5: {  	[dreg:$0x1] =	wrdreg $0xFFFFFFFF  }
0xc6: {  	_ =	task.clear_ibuf [dreg:s10], $0x2FFFF;
	_ =	strace $0x9FFFFFFF  }
0xc7: {  	(tm) =	ssettm $0x7FFFFFFF  }
tec
execute0_lowered:
.L_overlay_start_1:
0x0: {  	(tag) =	ssettag $0x1  }
0x1: {  	s1 =	rddreg [dreg:$0x0]  }
0x2: {  	s0 =	rddreg [dreg:$0x3];
	s2 =	srdreg.scid  }
0x3: {  	s5 =	simm.s32 $0x0;
	s6 =	stileid.u32;
	s20 =	simm.s32 $0x100  }
0x4: {  	s21 =	simm.s32 $0x200;
	s22 =	simm.s32 $0x900;
	s23 =	simm.s32 $0x8900  }
0x5: {  	s28 =	simm.s32 $0x3;
	s30 =	simm.s32 $0x0;
	s2 =	sand.u32 $0x1, s2  }
0x6: {  	[smem:$0x7FF] =	sst s5;
	s6 =	sshll.u32 s6, $0x1;
	s18 =	sadd.s32 $0x2000, s1  }
0x7: {  	s3 =	ssub.s32 $0x2, s2;
	_ =	strace $0x80000047;
	s2 =	sor.u32 s2, s6  }
0x8: {  	s4 =	sshrl.u32 s3, $0x1;
	s6 =	sshll.u32 s2, $0x13;
	s17 =	sshll.u32 s2, $0x10  }
0x9: {  	s7 =	sshll.u32 s2, $0x2;
	s13 =	sshllo.u32 s2, $0x2;
	s0 =	sadd.s32 s0, s2  }
0xa: {  	s2 =	simm.s32 $0x1;
	s3 =	ssub.s32 s3, s4;
	s8 =	sadd.s32 s1, s17  }
0xb: {  	s12 =	sor.u32 $0x1, s7;
	s4 =	sadd.s32 s17, s18;
	[dreg:$0xd] =	wrdreg s0  }
0xc: {  	s19 =	sor.u32 $0x2, s7;
	s26 =	sshll.u32 s13, $0xE;
	[dreg:$0x5] =	wrdreg s8  }
0xd: {  	s11 =	sshll.u32 s13, $0x11;
	[dreg:$0x6] =	wrdreg s4;
	s29 =	sadd.s32 s1, s26  }
0xe: {  	s9 =	sshll.u32 s12, $0x11;
	s8 =	sadd.s32 s26, s18;
	[dreg:$0xb] =	wrdreg s29  }
0xf: {  	v4 =	vlaneseq.u32;
	v0 =	vmov s7;
	s14 =	sshll.u32 s12, $0xE;
	s31 =	smax.u32 s3, $0x1;
	[dreg:$0xc] =	wrdreg s8  }
0x10: {  	v2 =	vmov s13;
	s10 =	sshll.u32 s19, $0x11;
	v1 =	vmov s12;
	v0 =	vbroadcast v0, $0x0;
	s15 =	sadd.s32 s1, s14;
	[dreg:$0xe] =	wrdreg s31  }
0x11: {  	v5 =	vimm.s32 $0x0;
	s24 =	sshll.u32 s19, $0xE;
	v63 =	vmov s19;
	[tilespmem:$0x1FFD0] =	vst v2;
	s14 =	sadd.s32 s14, s18;
	v1 =	vbroadcast v1, $0x0;
	[dreg:$0x7] =	wrdreg s15  }
0x12: {  	vm0 =	vcmask $0x300;
	vm1 =	vcmask $0x704;
	s4 =	simm.s32 $0x4;
	s25 =	sadd.s32 s1, s24;
	[dreg:$0x8] =	wrdreg s14;
	[tilespmem:$0x1FFC0] =	vst v0;
	v0 =	vbroadcast v63, $0x0  }
0x13: {  	vm2 =	vcmask $0xB08;
	vm3 =	vcmask $0xF0C;
	vm4 =	vcmask $0x1310;
	s26 =	simm.s32 $0x2;
	[dreg:$0x9] =	wrdreg s25;
	s15 =	sadd.s32 s24, s18;
	[tilespmem:$0x1FFE0] =	vst v1  }
0x14: {  	vm5 =	vcmask $0x1714;
	vm6 =	vcmask $0x1B18;
	vm7 =	vcmask $0x1F1C;
	s24 =	simm.s32 $0x5;
	s25 =	simm.s32 $0x80;
	[dreg:$0xa] =	wrdreg s15;
	[tilespmem:$0x1FFF0] =	vst v0  }
.LBB2_1:
0x15: {  	s0 =	rddreg [dreg:$0x5]  }
0x16: {  	[tilespmem:s22], [sflag:$0x1] =	stream.strided.gather [hbm4b:s0+s20], $0x8000, s21, s20, $0x38;
	[tilespmem:$0x18980] =	vst v63  }
0x17: {  	s7 =	rddreg [dreg:$0x6]  }
0x18: {  	[tilespmem:s23], [sflag:$0x2] =	stream.strided.gather [hbm4b:s7+s20], $0x8000, s21, s20, $0x38;
	[tilespmem:$0x18980] =	vst v63  }
0x19: {  	s8 =	rddreg [dreg:$0x1]  }
0x1a: {  	[tilespmem:s5], [sflag:$0x5] =	stream.linear.gather [hbm4b:s8+s5], $0x80, $0x38;
	[tilespmem:$0x18980] =	vst v63  }
0x1b: {  	_ =	swait.ge [sflag:s24], $0x80  }
0x1c: {  	[sflag:s24] =	ssyncset.done $0x0  }
0x1d: {  	[sflag:s24] =	ssyncadd.s32 $0xFFFFFF80  }
0x1e: {  	s12 =	rddreg [dreg:$0x2]  }
0x1f: {  	[tilespmem:s25], [sflag:$0x5] =	stream.linear.gather [hbm4b:s12+s5], $0x80, $0x38;
	[tilespmem:$0x18980] =	vst v63  }
0x20: {  	_ =	swait.ge [sflag:s24], $0x80  }
0x21: {  	v1 =	vld [tilespmem:$0x1FFC0];
	_ =	sdelay $0x5  }
0x22: {  	[sflag:s24] =	ssyncset.done $0x0  }
0x23: {  	[sflag:s24] =	ssyncadd.s32 $0xFFFFFF80  }
0x24: {  	v0 =	vld.idx.msk [tilespmem:v1+s5+$0x0], $0xffff;
	_ =	sdelay $0x2  }
0x25: {  	v21 =	vld.idx.msk [tilespmem:v1+s25+$0x0], $0xffff;
	_ =	sdelay $0x1  }
0x26: {  	(v2sf) =	vpush v0, $0x0;
	_ =	sdelay $0x2  }
0x27: {  	(v2sf) =	vpush v21, $0x0;
	_ =	sdelay $0xb  }
0x28: {  	s17 =	spop (v2sf)  }
0x29: {  	s13 =	sshll.u32 s17, $0x2  }
0x2a: {  	s0 =	sand.u32 $0xFFFFFE00, s13  }
0x2b: {  	v1 =	vld [tilespmem:$0x1FFE0];
	s13 =	spop (v2sf);
	s0 =	sadd.s32 s6, s0  }
0x2c: {  	s12 =	sshrl.u32 s13, $0x7;
	s0 =	sshrl.u32 s0, $0x3  }
0x2d: {  	s14 =	sshll.u32 s12, $0x9;
	s0 =	sadd.s32 s1, s0  }
0x2e: {  	[tilespmem:s20], [sflag:$0x4] =	stream.linear.gather [hbm4b:s0+s5], $0x100, $0x38;
	[tilespmem:$0x18980] =	vst v63  }
0x2f: {  	s0 =	sadd.s32 s6, s14  }
0x30: {  	s0 =	sshrl.u32 s0, $0x3  }
0x31: {  	s0 =	sadd.s32 s1, s0  }
0x32: {  	[tilespmem:s21], [sflag:$0x4] =	stream.linear.gather [hbm4b:s0+s5], $0x100, $0x38;
	[tilespmem:$0x18980] =	vst v63  }
0x33: {  	v0 =	vld.idx.msk [tilespmem:v1+s5+$0x0], $0xffff;
	_ =	sdelay $0x2  }
0x34: {  	v29 =	vld.idx.msk [tilespmem:v1+s25+$0x0], $0xffff;
	_ =	sdelay $0x1  }
0x35: {  	(v2sf) =	vpush v0, $0x0;
	_ =	sdelay $0x2  }
0x36: {  	(v2sf) =	vpush v29, $0x0;
	_ =	sdelay $0xb  }
0x37: {  	s16 =	spop (v2sf)  }
0x38: {  	s15 =	sshll.u32 s16, $0x2  }
0x39: {  	s0 =	sand.u32 $0xFFFFFE00, s15  }
0x3a: {  	v1 =	vld [tilespmem:$0x1FFF0];
	s8 =	spop (v2sf);
	s0 =	sadd.s32 s9, s0  }
0x3b: {  	s3 =	sshrl.u32 s8, $0x7;
	s0 =	sshrl.u32 s0, $0x3  }
0x3c: {  	s7 =	simm.s32 $0x300;
	s18 =	sshll.u32 s3, $0x9;
	s0 =	sadd.s32 s1, s0  }
0x3d: {  	[tilespmem:s7], [sflag:$0x4] =	stream.linear.gather [hbm4b:s0+s5], $0x100, $0x38;
	[tilespmem:$0x18980] =	vst v63  }
0x3e: {  	s0 =	sadd.s32 s9, s18  }
0x3f: {  	s0 =	sshrl.u32 s0, $0x3  }
0x40: {  	s19 =	simm.s32 $0x400;
	s0 =	sadd.s32 s1, s0  }
0x41: {  	[tilespmem:s19], [sflag:$0x4] =	stream.linear.gather [hbm4b:s0+s5], $0x100, $0x38;
	[tilespmem:$0x18980] =	vst v63  }
0x42: {  	v0 =	vld.idx.msk [tilespmem:v1+s5+$0x0], $0xffff;
	_ =	sdelay $0x2  }
0x43: {  	v31 =	vld.idx.msk [tilespmem:v1+s25+$0x0], $0xffff;
	_ =	sdelay $0x1  }
0x44: {  	(v2sf) =	vpush v0, $0x0;
	_ =	sdelay $0x2  }
0x45: {  	(v2sf) =	vpush v31, $0x0;
	_ =	sdelay $0xb  }
0x46: {  	s15 =	spop (v2sf)  }
0x47: {  	s14 =	sshll.u32 s15, $0x2  }
0x48: {  	s0 =	sand.u32 $0xFFFFFE00, s14  }
0x49: {  	v1 =	vld [tilespmem:$0x1FFD0];
	s7 =	spop (v2sf);
	s0 =	sadd.s32 s10, s0  }
0x4a: {  	s29 =	sshrl.u32 s7, $0x7;
	s0 =	sshrl.u32 s0, $0x3  }
0x4b: {  	s14 =	simm.s32 $0x500;
	s18 =	sshll.u32 s29, $0x9;
	s0 =	sadd.s32 s1, s0  }
0x4c: {  	[tilespmem:s14], [sflag:$0x4] =	stream.linear.gather [hbm4b:s0+s5], $0x100, $0x38;
	[tilespmem:$0x18980] =	vst v63  }
0x4d: {  	s0 =	sadd.s32 s10, s18  }
0x4e: {  	s0 =	sshrl.u32 s0, $0x3  }
0x4f: {  	s19 =	simm.s32 $0x600;
	s0 =	sadd.s32 s1, s0  }
0x50: {  	[tilespmem:s19], [sflag:$0x4] =	stream.linear.gather [hbm4b:s0+s5], $0x100, $0x38;
	[tilespmem:$0x18980] =	vst v63  }
0x51: {  	v0 =	vld.idx.msk [tilespmem:v1+s5+$0x0], $0xffff;
	_ =	sdelay $0x3  }
0x52: {  	v1 =	vld.idx.msk [tilespmem:v1+s25+$0x0], $0xffff  }
0x53: {  	(v2sf) =	vpush v0, $0x0;
	_ =	sdelay $0x3  }
0x54: {  	(v2sf) =	vpush v1, $0x0;
	_ =	sdelay $0xa  }
0x55: {  	s14 =	spop (v2sf)  }
0x56: {  	s18 =	sshll.u32 s14, $0x2  }
0x57: {  	s0 =	sand.u32 $0xFFFFFE00, s18  }
0x58: {  	s31 =	sadd.s32 s11, s0  }
0x59: {  	s0 =	spop (v2sf);
	s18 =	sshrl.u32 s31, $0x3  }
0x5a: {  	s19 =	simm.s32 $0x700;
	s31 =	sshrl.u32 s0, $0x7;
	s18 =	sadd.s32 s1, s18  }
0x5b: {  	[tilespmem:s19], [sflag:$0x4] =	stream.linear.gather [hbm4b:s18+s5], $0x100, $0x38;
	[tilespmem:$0x18980] =	vst v63  }
0x5c: {  	s19 =	sshll.u32 s31, $0x9  }
0x5d: {  	s18 =	sadd.s32 s11, s19  }
0x5e: {  	s18 =	sshrl.u32 s18, $0x3  }
0x5f: {  	[tilespmem:$0x1FD50] =	vst v1;
	s19 =	simm.s32 $0x800;
	s18 =	sadd.s32 s1, s18  }
0x60: {  	[tilespmem:s19], [sflag:$0x4] =	stream.linear.gather [hbm4b:s18+s5], $0x100, $0x38;
	[tilespmem:$0x18980] =	vst v63  }
0x61: {  	_ =	swait.ge [sflag:s4], $0x100  }
0x62: {  	[sflag:s4] =	ssyncset.done $0x0  }
0x63: {  	[sflag:s4] =	ssyncadd.s32 $0xFFFFFF00  }
0x64: {  	_ =	swait.ge [sflag:s4], $0x100  }
0x65: {  	[sflag:s4] =	ssyncset.done $0x0  }
0x66: {  	[sflag:s4] =	ssyncadd.s32 $0xFFFFFF00  }
0x67: {  	_ =	swait.ge [sflag:s4], $0x100  }
0x68: {  	[sflag:s4] =	ssyncset.done $0x0  }
0x69: {  	[sflag:s4] =	ssyncadd.s32 $0xFFFFFF00  }
0x6a: {  	_ =	swait.ge [sflag:s4], $0x100  }
0x6b: {  	[sflag:s4] =	ssyncset.done $0x0  }
0x6c: {  	[sflag:s4] =	ssyncadd.s32 $0xFFFFFF00  }
0x6d: {  	_ =	swait.ge [sflag:s4], $0x100  }
0x6e: {  	[sflag:s4] =	ssyncset.done $0x0  }
0x6f: {  	[sflag:s4] =	ssyncadd.s32 $0xFFFFFF00  }
0x70: {  	_ =	swait.ge [sflag:s4], $0x100  }
0x71: {  	s19 =	sand.u32 $0x7F, s13;
	[sflag:s4] =	ssyncset.done $0x0  }
0x72: {  	s15 =	sand.u32 $0x7F, s15;
	v1 =	vmov s19;
	s19 =	sand.u32 $0x7F, s7;
	[sflag:s4] =	ssyncadd.s32 $0xFFFFFF00  }
0x73: {  	v9 =	vmov s15;
	v34 =	vmov s19;
	_ =	swait.ge [sflag:s4], $0x100  }
0x74: {  	v33 =	vor.u32 $0x400, v9;
	v32 =	vor.u32 $0x480, v9;
	v9 =	vor.u32 $0x500, v34;
	[sflag:s4] =	ssyncset.done $0x0  }
0x75: {  	[sflag:s4] =	ssyncadd.s32 $0xFFFFFF00  }
0x76: {  	_ =	swait.ge [sflag:s4], $0x100  }
0x77: {  	[sflag:s4] =	ssyncset.done $0x0  }
0x78: {  	[sflag:s4] =	ssyncadd.s32 $0xFFFFFF00  }
0x79: {  	v42 =	vor.u32 $0x580, v34;
	v9 =	vld.idx.msk [tilespmem:v9+s20+$0x0], $0xffff  }
0x7a: {  	s17 =	sand.u32 $0x7F, s17  }
0x7b: {  	v0 =	vmov s17  }
0x7c: {  	v2 =	vor.u32 $0x80, v0  }
0x7d: {  	v3 =	vor.u32 $0x100, v1  }
0x7e: {  	[tilespmem:$0x1FD60] =	vst v9;
	v9 =	vld.idx.msk [tilespmem:v42+s20+$0x0], $0xffff  }
0x7f: {  	v1 =	vor.u32 $0x180, v1  }
0x80: {  	v13 =	vld.idx.msk [tilespmem:v0+s20+$0x0], $0xffff  }
0x81: {  	v12 =	vld.idx.msk [tilespmem:v2+s20+$0x0], $0xffff  }
0x82: {  	v6 =	vld.idx.msk [tilespmem:v3+s20+$0x0], $0xffff  }
0x83: {  	[tilespmem:$0x1FD70] =	vst v9;
	v9 =	vld [tilespmem:$0x600]  }
0x84: {  	v7 =	vld.idx.msk [tilespmem:v1+s20+$0x0], $0xffff  }
0x85: {  	v8 =	vld [tilespmem:$0x200]  }
0x86: {  	v10 =	vld [tilespmem:$0x280]  }
0x87: {  	v20 =	vld [tilespmem:$0x210]  }
0x88: {  	[tilespmem:$0x1FD80] =	vst v9;
	v9 =	vld [tilespmem:$0x680]  }
0x89: {  	v36 =	vld [tilespmem:$0x290]  }
0x8a: {  	v37 =	vld [tilespmem:$0x220]  }
0x8b: {  	v38 =	vld [tilespmem:$0x2A0]  }
0x8c: {  	v39 =	vld [tilespmem:$0x230]  }
0x8d: {  	[tilespmem:$0x1FD90] =	vst v9;
	v9 =	vld [tilespmem:$0x610]  }
0x8e: {  	v40 =	vld [tilespmem:$0x2B0]  }
0x8f: {  	v41 =	vld [tilespmem:$0x240]  }
0x90: {  	v28 =	vld [tilespmem:$0x2C0]  }
0x91: {  	v26 =	vld [tilespmem:$0x250]  }
0x92: {  	[tilespmem:$0x1FDA0] =	vst v9;
	v9 =	vld [tilespmem:$0x690]  }
0x93: {  	v27 =	vld [tilespmem:$0x2D0]  }
0x94: {  	v24 =	vld [tilespmem:$0x260]  }
0x95: {  	v25 =	vld [tilespmem:$0x2E0]  }
0x96: {  	v22 =	vld [tilespmem:$0x270]  }
0x97: {  	[tilespmem:$0x1FDB0] =	vst v9;
	v9 =	vld [tilespmem:$0x620]  }
0x98: {  	v23 =	vld [tilespmem:$0x2F0]  }
0x99: {  	v18 =	vld [tilespmem:$0x400]  }
0x9a: {  	v16 =	vld [tilespmem:$0x480]  }
0x9b: {  	s17 =	sand.u32 $0x7F, s0;
	v14 =	vld [tilespmem:$0x410]  }
0x9c: {  	v15 =	vld [tilespmem:$0x490];
	[tilespmem:$0x1FDC0] =	vst v9;
	v9 =	vmov s17  }
0x9d: {  	v11 =	vld [tilespmem:$0x420];
	v52 =	vor.u32 $0x700, v9  }
0x9e: {  	v3 =	vld [tilespmem:$0x4A0]  }
0x9f: {  	v53 =	vld [tilespmem:$0x6B0]  }
0xa0: {  	v2 =	vld [tilespmem:$0x4B0]  }
0xa1: {  	v63 =	vld [tilespmem:$0x440]  }
0xa2: {  	v20 =	vsub.f32 v20, v13;
	v42 =	vld.idx.msk [tilespmem:v52+s20+$0x0], $0xffff  }
0xa3: {  	v61 =	vld [tilespmem:$0x450]  }
0xa4: {  	[tilespmem:$0x1FDF0] =	vst v53;
	v6 =	vsub.f32 v6, v13;
	v7 =	vsub.f32 v7, v12;
	v53 =	vmul.f32 v20, v20;
	v20 =	vld [tilespmem:$0x810]  }
0xa5: {  	v62 =	vld [tilespmem:$0x4D0];
	v8 =	vsub.f32 v8, v13;
	v50 =	vsub.f32 v10, v12;
	v9 =	vor.u32 $0x780, v9  }
0xa6: {  	v57 =	vld [tilespmem:$0x460];
	v6 =	vmul.f32 v6, v6;
	v7 =	vmul.f32 v7, v7  }
0xa7: {  	v58 =	vld [tilespmem:$0x4E0];
	v8 =	vmul.f32 v8, v8;
	[tilespmem:$0x1FE20] =	vst v42;
	v42 =	vmul.f32 v50, v50  }
0xa8: {  	v59 =	vld [tilespmem:$0x470]  }
0xa9: {  	v34 =	vld.idx.msk [tilespmem:v33+s20+$0x0], $0xffff;
	[tilespmem:$0x1FEE0] =	vst v20;
	v20 =	vadd.f32 v7, v6;
	v6 =	vadd.f32 v42, v8  }
0xaa: {  	v9 =	vld.idx.msk [tilespmem:v9+s20+$0x0], $0xffff  }
0xab: {  	vm8 =	veq.f32 v6, v20;
	v6 =	vld [tilespmem:$0x8A0]  }
0xac: {  	v35 =	vld.idx.msk [tilespmem:v32+s20+$0x0], $0xffff  }
0xad: {  	v51 =	vld [tilespmem:$0x6A0]  }
0xae: {  	v7 =	vld [tilespmem:$0x890]  }
0xaf: {  	s13 =	sand.u32 $0xFFFFFF80, s13;
	[tilespmem:$0x1FE30] =	vst v9;
	v9 =	vld [tilespmem:$0x650];
	v8 =	vbroadcast v21, $0x0  }
0xb0: {  	v43 =	vld [tilespmem:$0x630];
	v36 =	vsub.f32 v36, v12;
	[tilespmem:$0x1FF10] =	vst v6;
	v6 =	vor.u32 s13, v4  }
0xb1: {  	vm9 =	vlt.s32 v6, v8;
	v6 =	vld [tilespmem:$0x830]  }
0xb2: {  	v36 =	vmul.f32 v36, v36;
	v21 =	vld [tilespmem:$0x820]  }
0xb3: {  	s14 =	sand.u32 $0x7F, s14;
	v45 =	vld [tilespmem:$0x640];
	[tilespmem:$0x1FEF0] =	vst v7  }
0xb4: {  	s18 =	sand.u32 $0x7F, s8;
	v46 =	vld [tilespmem:$0x6C0];
	v7 =	vadd.f32 v36, v53;
	[tilespmem:$0x1FE40] =	vst v9;
	v9 =	vmov s14  }
0xb5: {  	v1 =	vmov s18;
	s18 =	sor.u32 $0x10, s13;
	[tilespmem:$0x1FDD0] =	vst v51;
	v48 =	vor.u32 $0x600, v9;
	v49 =	vor.u32 $0x680, v9;
	v9 =	vld [tilespmem:$0x660]  }
0xb6: {  	v47 =	vld [tilespmem:$0x6D0];
	vm10 =	veq.f32 v7, v20;
	[tilespmem:$0x1FF20] =	vst v6;
	v6 =	vor.u32 s18, v4  }
0xb7: {  	v7 =	vsub.f32 v38, v12;
	[tilespmem:$0x1FF00] =	vst v21;
	v21 =	vld [tilespmem:$0x8B0];
	vm11 =	vlt.s32 v6, v8;
	v6 =	vsub.f32 v37, v13  }
0xb8: {  	v44 =	vld [tilespmem:$0x8C0];
	[tilespmem:$0x1FDE0] =	vst v43  }
0xb9: {  	s16 =	sand.u32 $0x7F, s16;
	[tilespmem:$0x1FE00] =	vst v45;
	v51 =	vld [tilespmem:$0x800];
	v7 =	vmul.f32 v7, v7;
	v6 =	vmul.f32 v6, v6  }
0xba: {  	v0 =	vmov s16;
	[tilespmem:$0x1FE60] =	vst v9;
	v9 =	vld [tilespmem:$0x6E0]  }
0xbb: {  	v54 =	vor.u32 $0x200, v0;
	[tilespmem:$0x1FE10] =	vst v46;
	v46 =	vld [tilespmem:$0x850];
	v6 =	vadd.f32 v7, v6  }
0xbc: {  	v30 =	vor.u32 $0x280, v0;
	vm8 =	vmand vm9, vm8;
	[tilespmem:$0x1FF30] =	vst v21;
	v21 =	vld [tilespmem:$0x840]  }
0xbd: {  	[tilespmem:$0x1FE50] =	vst v47;
	v47 =	vsel vm8, $0x1, v5;
	vm8 =	veq.f32 v6, v20;
	v6 =	vsub.f32 v28, v12;
	v28 =	vld [tilespmem:$0x8E0]  }
0xbe: {  	[tilespmem:$0x1FF50] =	vst v44;
	v52 =	vld [tilespmem:$0x880]  }
0xbf: {  	[tilespmem:$0x1FE70] =	vst v9;
	v9 =	vld [tilespmem:$0x670]  }
0xc0: {  	v0 =	vor.u32 $0x300, v1;
	v55 =	vld.idx.msk [tilespmem:v54+s20+$0x0], $0xffff;
	[tilespmem:$0x1FEC0] =	vst v51  }
0xc1: {  	v56 =	vld.idx.msk [tilespmem:v30+s20+$0x0], $0xffff;
	[tilespmem:$0x1FF40] =	vst v21;
	v21 =	vsub.f32 v39, v13  }
0xc2: {  	[tilespmem:$0x1FF90] =	vst v28;
	v28 =	vld [tilespmem:$0x870]  }
0xc3: {  	[tilespmem:$0x1FED0] =	vst v52;
	v7 =	vmul.f32 v21, v21;
	v21 =	vld [tilespmem:$0x8D0]  }
0xc4: {  	[tilespmem:$0x1FE80] =	vst v9;
	v9 =	vld [tilespmem:$0x6F0]  }
0xc5: {  	v19 =	vld.idx.msk [tilespmem:v0+s20+$0x0], $0xffff;
	[tilespmem:$0x1FEA0] =	vst v48  }
0xc6: {  	s19 =	sor.u32 $0x20, s13;
	v1 =	vor.u32 $0x380, v1;
	v45 =	vsub.f32 v40, v12;
	v50 =	vld [tilespmem:$0x860];
	[tilespmem:$0x1FEB0] =	vst v49  }
0xc7: {  	v51 =	vor.u32 s19, v4;
	[tilespmem:$0x1FFA0] =	vst v28;
	v28 =	vld [tilespmem:$0x8F0]  }
0xc8: {  	s15 =	sor.u32 $0x30, s13;
	v10 =	vld.idx.msk [tilespmem:v49+s20+$0x0], $0xffff;
	v49 =	vsub.f32 v41, v13;
	vm9 =	vmand vm11, vm10;
	[tilespmem:$0x1FF70] =	vst v21;
	v21 =	vmul.f32 v45, v45  }
0xc9: {  	v52 =	vor.u32 s15, v4;
	v6 =	vmul.f32 v6, v6;
	[tilespmem:$0x1FE90] =	vst v9;
	v9 =	vld.idx.msk [tilespmem:v48+s20+$0x0], $0xffff;
	v48 =	vsel vm9, $0x1, v5  }
0xca: {  	v60 =	vld [tilespmem:$0x4F0];
	[tilespmem:$0x1FF60] =	vst v46;
	vm9 =	vlt.s32 v51, v8;
	v7 =	vadd.f32 v21, v7;
	v21 =	vmul.f32 v49, v49  }
0xcb: {  	v17 =	vld.idx.msk [tilespmem:v1+s20+$0x0], $0xffff;
	s17 =	sor.u32 $0x40, s13;
	[tilespmem:$0x1FF80] =	vst v50;
	v37 =	vadd.s32 v47, v48;
	vm8 =	vmand vm9, vm8;
	vm9 =	vlt.s32 v52, v8  }
0xcc: {  	v1 =	vld [tilespmem:$0x430];
	v6 =	vadd.f32 v6, v21;
	v21 =	vsub.f32 v27, v12;
	v27 =	vor.u32 s17, v4;
	[tilespmem:$0x1FFB0] =	vst v28  }
0xcd: {  	v0 =	vld [tilespmem:$0x4C0];
	v28 =	vsel vm8, $0x1, v5;
	vm8 =	veq.f32 v7, v20;
	v7 =	vsub.f32 v26, v13;
	_ =	swait.ge [sflag:s2], $0x8000  }
0xce: {  	s16 =	simm.s32 $0x10900;
	v28 =	vadd.s32 v28, v37;
	vm8 =	vmand vm9, vm8;
	vm9 =	vlt.s32 v27, v8;
	[sflag:s2] =	ssyncset.done $0x0  }
0xcf: {  	s19 =	simm.s32 $0x980;
	v26 =	vsel vm8, $0x1, v5;
	vm8 =	veq.f32 v6, v20;
	s18 =	rddreg [dreg:$0x7];
	v6 =	vmul.f32 v7, v7;
	[sflag:s2] =	ssyncadd.s32 $0xFFFF8000  }
0xd0: {  	v7 =	vmul.f32 v21, v21;
	v21 =	vsub.f32 v24, v13;
	vm8 =	vmand vm9, vm8;
	[tilespmem:s16], [sflag:$0x3] =	stream.strided.gather [hbm4b:s18+s20], $0x8000, s21, s20, $0x38;
	[tilespmem:$0x18980] =	vst v63  }
0xd1: {  	v24 =	vsub.f32 v25, v12;
	v26 =	vadd.s32 v26, v28;
	v25 =	vsel vm8, $0x1, v5;
	v27 =	vld [tilespmem:s19+$0x0]  }
0xd2: {  	v25 =	vadd.s32 v25, v26;
	v26 =	vld [tilespmem:s19+$0xFFFFFFF0]  }
0xd3: {  	v6 =	vadd.f32 v7, v6;
	v7 =	vmul.f32 v21, v21;
	v21 =	vmul.f32 v24, v24;
	v24 =	vld [tilespmem:s19+$0xFFFFFFE0]  }
0xd4: {  	s17 =	sor.u32 $0x50, s13;
	v53 =	vld [tilespmem:s19+$0x50]  }
0xd5: {  	v28 =	vor.u32 s17, v4;
	v44 =	vld [tilespmem:s19+$0xFFFFFF80]  }
0xd6: {  	v22 =	vsub.f32 v22, v13;
	v23 =	vsub.f32 v23, v12;
	vm9 =	vlt.s32 v28, v8;
	s18 =	sor.u32 $0x60, s13;
	s13 =	sor.u32 $0x70, s13;
	v48 =	vld [tilespmem:s19+$0xFFFFFFC0]  }
0xd7: {  	v43 =	vor.u32 s13, v4;
	v49 =	vld [tilespmem:s19+$0xFFFFFFA0];
	vm8 =	veq.f32 v6, v20;
	v6 =	vadd.f32 v21, v7  }
0xd8: {  	v50 =	vld [tilespmem:s19+$0x20];
	v21 =	vmul.f32 v22, v22;
	v22 =	vmul.f32 v23, v23;
	vm8 =	vmand vm9, vm8  }
0xd9: {  	v42 =	vor.u32 s18, v4;
	v7 =	vld [tilespmem:s19+$0xFFFFFFD0];
	vm9 =	vlt.s32 v43, v8;
	v28 =	vsel vm8, $0x1, v5  }
0xda: {  	v23 =	vld [tilespmem:s19+$0x70];
	vm8 =	vlt.s32 v42, v8;
	vm10 =	veq.f32 v6, v20;
	v6 =	vadd.f32 v22, v21  }
0xdb: {  	v8 =	vadd.s32 v28, v25;
	v21 =	vsub.f32 v53, v12;
	v27 =	vsub.f32 v27, v12  }
0xdc: {  	vm8 =	vmand vm8, vm10;
	v26 =	vsub.f32 v26, v13;
	v46 =	vsub.f32 v44, v13  }
0xdd: {  	v47 =	vsel vm8, $0x1, v5;
	v24 =	vsub.f32 v24, v13;
	v51 =	vsub.f32 v48, v13  }
0xde: {  	v22 =	vld [tilespmem:s19+$0xFFFFFFB0];
	vm8 =	veq.f32 v6, v20;
	v38 =	vsub.f32 v49, v13;
	v7 =	vsub.f32 v7, v13  }
0xdf: {  	v25 =	vld [tilespmem:s19+$0x40];
	v37 =	vsub.f32 v50, v12;
	v23 =	vsub.f32 v23, v12;
	v21 =	vmul.f32 v21, v21  }
0xe0: {  	v45 =	vld [tilespmem:s19+$0xFFFFFF90];
	v8 =	vadd.s32 v47, v8;
	v26 =	vmul.f32 v26, v26;
	v7 =	vmul.f32 v7, v7  }
0xe1: {  	v28 =	vld [tilespmem:s19+$0x10];
	vm8 =	vmand vm9, vm8;
	v6 =	vmul.f32 v27, v27;
	v27 =	vmul.f32 v46, v46  }
0xe2: {  	v24 =	vmul.f32 v24, v24;
	v23 =	vmul.f32 v23, v23;
	v7 =	vadd.f32 v21, v7;
	v21 =	vld [tilespmem:s19+$0x30]  }
0xe3: {  	v44 =	vmul.f32 v38, v38;
	v22 =	vsub.f32 v22, v13;
	v6 =	vadd.f32 v6, v27;
	v27 =	vld [tilespmem:s19+$0x60]  }
0xe4: {  	v25 =	vsub.f32 v25, v12;
	v23 =	vadd.f32 v23, v26;
	v26 =	vsel vm8, $0x1, v5  }
0xe5: {  	v36 =	vmul.f32 v51, v51;
	v22 =	vmul.f32 v22, v22;
	v8 =	vadd.s32 v26, v8  }
0xe6: {  	s19 =	simm.s32 $0xA80;
	v26 =	vsub.f32 v28, v12;
	v28 =	vsub.f32 v45, v13;
	v25 =	vmul.f32 v25, v25  }
0xe7: {  	p0 =	sgt.u32 s12, $0x0;
	v53 =	vld [tilespmem:s19+$0x0];
	(xrf0) =	vadd.scan.msk.s32 $0xffff, v8;
	v8 =	vmul.f32 v37, v37;
	v52 =	vsub.f32 v21, v12;
	v21 =	vadd.s32 $0xFFFFFFFF, v20  }
0xe8: {  	v47 =	vld [tilespmem:s19+$0x50];
	v26 =	vmul.f32 v26, v26;
	v27 =	vsub.f32 v27, v12;
	v45 =	vpsel p0, v21, v20  }
0xe9: {  	v48 =	vld [tilespmem:s19+$0xFFFFFFD0];
	v28 =	vmul.f32 v28, v28;
	v8 =	vadd.f32 v8, v44;
	vm8 =	vlt.s32 v45, v7  }
0xea: {  	v46 =	vld [tilespmem:s19+$0xFFFFFFF0];
	v7 =	vmul.f32 v27, v27;
	v27 =	vmul.f32 v52, v52;
	vm13 =	vlt.s32 v45, v6  }
0xeb: {  	vm9 =	vlt.s32 v45, v23;
	v23 =	vld [tilespmem:s19+$0x70];
	v6 =	vadd.f32 v25, v36;
	v49 =	vmpcnt.ones.xlane vm13  }
0xec: {  	v25 =	vld [tilespmem:s19+$0xFFFFFF80];
	vm13 =	vlt.s32 v45, v8;
	v7 =	vadd.f32 v7, v24;
	v22 =	vadd.f32 v27, v22  }
0xed: {  	v24 =	vadd.f32 v26, v28;
	vm11 =	vlt.s32 v45, v6;
	v6 =	vsub.f32 v47, v12  }
0xee: {  	v44 =	vld [tilespmem:s19+$0x30];
	v27 =	vsub.f32 v48, v13;
	v51 =	vmpcnt.ones.xlane vm13;
	vm10 =	vlt.s32 v45, v7  }
0xef: {  	vm12 =	vlt.s32 v45, v22;
	vm14 =	vlt.s32 v45, v24;
	v24 =	vsub.f32 v46, v13  }
0xf0: {  	v50 =	vld [tilespmem:s19+$0xFFFFFFB0];
	v7 =	vsub.f32 v53, v12;
	v6 =	vmul.f32 v6, v6;
	v23 =	vsub.f32 v23, v12;
	v22, _, _ =	vpop (xrf0)  }
0xf1: {  	v26 =	vld [tilespmem:s19+$0xFFFFFFE0];
	v25 =	vsub.f32 v25, v13;
	v24 =	vmul.f32 v24, v24;
	v22 =	vbroadcast v22, $0xF  }
0xf2: {  	v28 =	vld [tilespmem:s19+$0x40];
	v8 =	vmul.f32 v23, v23;
	v23 =	vmul.f32 v27, v27  }
0xf3: {  	v52 =	vld [tilespmem:s19+$0xFFFFFF90];
	v42 =	vsub.f32 v44, v12;
	v7 =	vmul.f32 v7, v7;
	v25 =	vmul.f32 v25, v25  }
0xf4: {  	v27 =	vld [tilespmem:s19+$0x10];
	v22 =	vadd.s32 v22, v49;
	v38 =	vadd.f32 v8, v24;
	v6 =	vadd.f32 v6, v23  }
0xf5: {  	p6 =	sgt.u32 s12, $0x1;
	v53 =	vld [tilespmem:s19+$0x20];
	v8 =	vmpcnt.ones.xlane vm14;
	v41 =	vadd.f32 v7, v25;
	v24 =	vmpcnt.ones.xlane vm12  }
0xf6: {  	v23 =	vld [tilespmem:s19+$0xFFFFFFC0];
	v25 =	vsub.f32 v26, v13;
	v39 =	vadd.s32 v51, v22;
	v22 =	vpsel p6, v21, v20  }
0xf7: {  	v7 =	vld [tilespmem:s19+$0xFFFFFFA0];
	v8 =	vadd.s32 v5, v8;
	vm12 =	vlt.s32 v22, v6;
	v6 =	vsub.f32 v28, v12  }
0xf8: {  	v44 =	vld [tilespmem:s19+$0x60];
	v40 =	vmpcnt.ones.xlane vm11;
	v28 =	vsub.f32 v50, v13;
	v8 =	vadd.s32 v24, v8  }
0xf9: {  	v24 =	vmul.f32 v25, v25;
	v25 =	vsub.f32 v27, v12;
	v26 =	vmul.f32 v6, v6  }
0xfa: {  	v27 =	vsub.f32 v52, v13;
	v28 =	vmul.f32 v28, v28;
	v6 =	vmpcnt.ones.xlane vm10  }
0xfb: {  	v37 =	vsub.f32 v23, v13;
	v36 =	vmul.f32 v25, v25;
	v25 =	vmpcnt.ones.xlane vm8  }
0xfc: {  	s14 =	simm.s32 $0xB80;
	s13 =	simm.s32 $0x2;
	v43 =	vsub.f32 v7, v13;
	v7 =	vsub.f32 v53, v12;
	v23 =	vmpcnt.ones.xlane vm9  }
.LBB2_2:
0xfd: {  	v45 =	vld [tilespmem:s14+$0x0];
	p0 =	sne.s32 s13, $0x7F;
	v44 =	vsub.f32 v44, v12;
	v8 =	vadd.s32 v25, v8;
	v25 =	vmpcnt.ones.xlane vm12;
	s15 =	smov.u32 s13;
	s13 =	sadd.s32 $0x1, s13  }
0xfe: {  	v7 =	vmul.f32 v7, v7;
	vm8 =	vlt.s32 v22, v38;
	v38 =	vadd.s32 v40, v39;
	v46 =	vld [tilespmem:s14+$0xFFFFFFF0]  }
0xff: {  	vm9 =	vlt.s32 v22, v41;
	v40 =	vmul.f32 v43, v43;
	v39 =	vld [tilespmem:s14+$0xFFFFFFE0];
	v41 =	vmul.f32 v44, v44  }
0x100: {  	v47 =	vmpcnt.ones.xlane vm8;
	v38 =	vadd.s32 v6, v38;
	v44 =	vmpcnt.ones.xlane vm9;
	v43 =	vld [tilespmem:s14+$0x50]  }
0x101: {  	v6 =	vmul.f32 v37, v37;
	v7 =	vadd.f32 v7, v40;
	v48 =	vld [tilespmem:s14+$0x40];
	v24 =	vadd.f32 v41, v24  }
0x102: {  	v8 =	vadd.s32 v23, v8;
	v40 =	vmul.f32 v42, v42;
	v23 =	vmovc v47;
	v37 =	vsub.f32 v45, v12;
	v41 =	vld [tilespmem:s14+$0xFFFFFFD0]  }
0x103: {  	v26 =	vadd.f32 v26, v6;
	v42 =	vld [tilespmem:s14+$0x70];
	v45 =	vsub.f32 v46, v13;
	vm8 =	vlt.s32 v22, v24  }
0x104: {  	v27 =	vmul.f32 v27, v27;
	v46 =	vmul.f32 v37, v37;
	v37 =	vld [tilespmem:s14+$0xFFFFFFB0];
	v24 =	vsub.f32 v39, v13  }
0x105: {  	v28 =	vadd.f32 v40, v28;
	v6 =	vmpcnt.ones.xlane vm8;
	v39 =	vld [tilespmem:s14+$0xFFFFFF80];
	v43 =	vsub.f32 v43, v12  }
0x106: {  	v27 =	vadd.f32 v36, v27;
	v49 =	vadd.s32 v38, v44;
	v47 =	vld [tilespmem:s14+$0x10];
	v24 =	vmul.f32 v24, v24  }
0x107: {  	vm9 =	vlt.s32 v22, v26;
	vm8 =	vlt.s32 v22, v28;
	v36 =	vld [tilespmem:s14+$0xFFFFFF90];
	v50 =	vmul.f32 v43, v43  }
0x108: {  	vm10 =	vlt.s32 v22, v27;
	vm11 =	vlt.s32 v22, v7;
	v38 =	vmul.f32 v45, v45;
	v28 =	vld [tilespmem:s14+$0xFFFFFFC0]  }
0x109: {  	p1 =	slt.u32 s15, s12;
	v45 =	vmpcnt.ones.xlane vm8;
	v26 =	vsub.f32 v48, v12;
	v27 =	vsub.f32 v42, v12;
	v7 =	vld [tilespmem:s14+$0xFFFFFFA0]  }
0x10a: {  	v40 =	vmpcnt.ones.xlane vm9;
	v22 =	vpsel p1, v21, v20;
	v39 =	vsub.f32 v39, v13  }
0x10b: {  	v41 =	vsub.f32 v41, v13;
	v43 =	vmul.f32 v27, v27;
	v42 =	vsub.f32 v47, v12;
	v47 =	vld [tilespmem:s14+$0x20]  }
0x10c: {  	v51 =	vmpcnt.ones.xlane vm11;
	v48 =	vmpcnt.ones.xlane vm10  }
0x10d: {  	v26 =	vmul.f32 v26, v26;
	v27 =	vsub.f32 v36, v13;
	v36 =	vsub.f32 v37, v13;
	v52 =	vld [tilespmem:s14+$0x30]  }
.Ltmp0:
0x10e: {  	v41 =	vmul.f32 v41, v41;
	v38 =	vadd.f32 v43, v38;
	v37 =	vsub.f32 v28, v13;
	v44 =	vld [tilespmem:s14+$0x60];
	(pc) =	sbr.rel @p0 .LBB2_2-.Ltmp0, $4  }
0x10f: {  	v53 =	vmul.f32 v39, v39;
	v43 =	vsub.f32 v7, v13;
	v28 =	vmul.f32 v36, v36  }
0x110: {  	v39 =	vadd.s32 v51, v49;
	v7 =	vsub.f32 v47, v12;
	v47 =	vadd.f32 v50, v41  }
0x111: {  	v8 =	vadd.s32 v8, v48;
	v36 =	vmul.f32 v42, v42;
	v41 =	vadd.f32 v46, v53  }
0x112: {  	v8 =	vadd.s32 v45, v8;
	s14 =	sadd.s32 $0x100, s14;
	v42 =	vsub.f32 v52, v12;
	vm12 =	vlt.s32 v22, v47  }
0x113: {  	_ =	swait.ge [sflag:s26], $0x8000  }
0x114: {  	v44 =	vsub.f32 v44, v12;
	[sflag:s26] =	ssyncset.done $0x0  }
0x115: {  	v45 =	vmpcnt.ones.xlane vm12;
	v8 =	vadd.s32 v25, v8;
	v7 =	vmul.f32 v7, v7;
	s19 =	simm.s32 $0x8980;
	s13 =	rddreg [dreg:$0x8];
	[sflag:s26] =	ssyncadd.s32 $0xFFFF8000  }
0x116: {  	vm8 =	vlt.s32 v22, v41;
	v25 =	vmul.f32 v43, v43;
	vm9 =	vlt.s32 v22, v38;
	[tilespmem:s22], [sflag:$0x1] =	stream.strided.gather [hbm4b:s13+s20], $0x8000, s21, s20, $0x38;
	[tilespmem:$0x18980] =	vst v63  }
0x117: {  	v27 =	vmul.f32 v27, v27;
	v39 =	vadd.s32 v40, v39;
	v50 =	vmpcnt.ones.xlane vm8;
	v52 =	vld [tilespmem:s19+$0x0]  }
0x118: {  	v42 =	vmul.f32 v42, v42;
	v7 =	vadd.f32 v7, v25;
	v25 =	vmul.f32 v37, v37;
	v53 =	vld [tilespmem:s19+$0xFFFFFFF0]  }
0x119: {  	s12 =	sadd.s32 $0xFFFFFF80, s12;
	v51 =	vmpcnt.ones.xlane vm9;
	v49 =	vmul.f32 v44, v44;
	v27 =	vadd.f32 v36, v27;
	v44 =	vld [tilespmem:s19+$0xFFFFFFE0]  }
0x11a: {  	v8 =	vadd.s32 v23, v8;
	p0 =	sgt.s32 s12, $0x0;
	v28 =	vadd.f32 v42, v28;
	v23 =	vadd.f32 v26, v25;
	v25 =	vld [tilespmem:s19+$0x50]  }
0x11b: {  	v6 =	vadd.s32 v6, v39;
	v41 =	vpsel p0, v21, v20;
	v24 =	vadd.f32 v49, v24;
	v26 =	vld [tilespmem:s19+$0x40]  }
0x11c: {  	v6 =	vadd.s32 v6, v50;
	vm8 =	vlt.s32 v22, v27;
	v46 =	vld [tilespmem:s19+$0xFFFFFF80];
	vm10 =	vlt.s32 v22, v28  }
0x11d: {  	v47 =	vld [tilespmem:s19+$0x10];
	vm9 =	vlt.s32 v22, v24;
	v24 =	vmpcnt.ones.xlane vm8;
	vm8 =	vlt.s32 v22, v7  }
0x11e: {  	v28 =	vld [tilespmem:s19+$0xFFFFFFD0];
	v27 =	vmpcnt.ones.xlane vm9;
	vm9 =	vlt.s32 v22, v23;
	v22 =	vmpcnt.ones.xlane vm8  }
0x11f: {  	v48 =	vld [tilespmem:s19+$0xFFFFFF90];
	v7 =	vmpcnt.ones.xlane vm10;
	v8 =	vadd.s32 v8, v24;
	v24 =	vmpcnt.ones.xlane vm9  }
0x120: {  	v23 =	vld [tilespmem:s19+$0x70];
	v6 =	vadd.s32 v22, v6;
	v22 =	vsub.f32 v52, v12;
	v25 =	vsub.f32 v25, v12  }
0x121: {  	v49 =	vld [tilespmem:s19+$0xFFFFFFA0];
	v7 =	vadd.s32 v7, v8;
	v26 =	vsub.f32 v26, v12;
	v38 =	vsub.f32 v46, v13  }
0x122: {  	v8 =	vld [tilespmem:s19+$0xFFFFFFB0];
	v37 =	vsub.f32 v47, v12;
	v7 =	vadd.s32 v45, v7;
	v6 =	vadd.s32 v24, v6  }
0x123: {  	v50 =	vld [tilespmem:s19+$0x20];
	v24 =	vsub.f32 v44, v13;
	v28 =	vsub.f32 v28, v13;
	v6 =	vadd.s32 v27, v6  }
0x124: {  	v52 =	vld [tilespmem:s19+$0x30];
	v27 =	vsub.f32 v53, v13;
	v22 =	vmul.f32 v22, v22;
	v39 =	vadd.s32 v51, v7  }
0x125: {  	v7 =	vmul.f32 v24, v24;
	v24 =	vmul.f32 v25, v25;
	v25 =	vld [tilespmem:s19+$0xFFFFFFC0];
	v23 =	vsub.f32 v23, v12  }
0x126: {  	v36 =	vsub.f32 v48, v13;
	v26 =	vmul.f32 v26, v26;
	v28 =	vmul.f32 v28, v28  }
0x127: {  	v51 =	vld [tilespmem:s19+$0x60];
	v27 =	vmul.f32 v27, v27;
	v23 =	vmul.f32 v23, v23;
	v8 =	vsub.f32 v8, v13  }
0x128: {  	v37 =	vmul.f32 v37, v37;
	v24 =	vadd.f32 v24, v28;
	v28 =	vsub.f32 v50, v12  }
0x129: {  	s14 =	simm.s32 $0x8A80;
	v36 =	vmul.f32 v36, v36;
	v50 =	vsub.f32 v52, v12;
	v23 =	vadd.f32 v23, v27  }
0x12a: {  	v47 =	vld [tilespmem:s14+$0x70];
	v27 =	vsub.f32 v49, v13;
	v53 =	vsub.f32 v25, v13;
	v25 =	vmul.f32 v38, v38  }
0x12b: {  	v8 =	vmul.f32 v8, v8;
	vm8 =	vlt.s32 v41, v24;
	v49 =	vld [tilespmem:s14+$0xFFFFFFF0];
	v42 =	vmul.f32 v50, v50  }
0x12c: {  	v24 =	vld [tilespmem:s14+$0x0];
	v48 =	vsub.f32 v51, v12;
	v28 =	vmul.f32 v28, v28;
	v22 =	vadd.f32 v22, v25  }
0x12d: {  	v51 =	vld [tilespmem:s14+$0xFFFFFFE0];
	v27 =	vmul.f32 v27, v27;
	v8 =	vadd.f32 v42, v8;
	v25 =	vmpcnt.ones.xlane vm8  }
0x12e: {  	vm8 =	vlt.s32 v41, v23;
	vm9 =	vlt.s32 v41, v22;
	v22 =	vmul.f32 v48, v48  }
0x12f: {  	v52 =	vld [tilespmem:s14+$0x50];
	v28 =	vadd.f32 v28, v27;
	v27 =	vmul.f32 v53, v53;
	v23 =	vmpcnt.ones.xlane vm8  }
0x130: {  	v53 =	vld [tilespmem:s14+$0x40];
	v40 =	vsub.f32 v49, v13;
	v44 =	vmpcnt.ones.xlane vm9;
	v7 =	vadd.f32 v22, v7  }
0x131: {  	v46 =	vadd.f32 v26, v27;
	vm11 =	vlt.s32 v41, v28;
	v22 =	vsub.f32 v24, v12;
	v24 =	vld [tilespmem:s14+$0xFFFFFFD0]  }
0x132: {  	v28 =	vsub.f32 v47, v12;
	vm8 =	vlt.s32 v41, v7;
	v7 =	vsub.f32 v51, v13;
	v51 =	vld [tilespmem:s14+$0xFFFFFF80]  }
0x133: {  	v48 =	vmul.f32 v22, v22;
	v27 =	vmpcnt.ones.xlane vm8;
	vm8 =	vlt.s32 v41, v8;
	v8 =	vld [tilespmem:s14+$0xFFFFFF90]  }
0x134: {  	v22 =	vsub.f32 v52, v12;
	v26 =	vmul.f32 v7, v7;
	v7 =	vadd.f32 v37, v36;
	v36 =	vld [tilespmem:s14+$0xFFFFFFB0]  }
0x135: {  	v40 =	vmul.f32 v40, v40;
	v6 =	vadd.s32 v6, v44;
	vm9 =	vlt.s32 v41, v46;
	v52 =	vld [tilespmem:s14+$0x10]  }
0x136: {  	p6 =	sgt.s32 s12, $0x1;
	v49 =	vmul.f32 v28, v28;
	v42 =	vmul.f32 v22, v22;
	vm10 =	vlt.s32 v41, v7;
	v7 =	vld [tilespmem:s14+$0xFFFFFFC0]  }
0x137: {  	v44 =	vld [tilespmem:s14+$0xFFFFFFA0];
	v45 =	vmpcnt.ones.xlane vm8;
	v22 =	vpsel p6, v21, v20;
	v24 =	vsub.f32 v24, v13  }
0x138: {  	v47 =	vld [tilespmem:s14+$0x20];
	v37 =	vmpcnt.ones.xlane vm9;
	v41 =	vsub.f32 v53, v12;
	v43 =	vsub.f32 v51, v13  }
0x139: {  	v50 =	vmpcnt.ones.xlane vm10;
	v28 =	vsub.f32 v8, v13;
	v8 =	vsub.f32 v36, v13  }
0x13a: {  	v46 =	vsub.f32 v52, v12;
	v51 =	vmpcnt.ones.xlane vm11;
	v52 =	vld [tilespmem:s14+$0x30];
	v36 =	vmul.f32 v41, v41  }
0x13b: {  	v38 =	vsub.f32 v7, v13;
	v7 =	vmul.f32 v24, v24;
	v24 =	vmul.f32 v8, v8;
	v8 =	vld [tilespmem:s14+$0x60]  }
0x13c: {  	v41 =	vadd.f32 v49, v40;
	v53 =	vmul.f32 v43, v43;
	v40 =	vsub.f32 v44, v13  }
0x13d: {  	v43 =	vsub.f32 v47, v12;
	v44 =	vadd.f32 v42, v7;
	v42 =	vadd.s32 v51, v6  }
0x13e: {  	v7 =	vadd.f32 v48, v53;
	v6 =	vmul.f32 v46, v46;
	v53 =	vadd.s32 v39, v50  }
0x13f: {  	s13 =	simm.s32 $0x2;
	s14 =	simm.s32 $0x8B80;
	v39 =	vsub.f32 v52, v12;
	vm8 =	vlt.s32 v22, v44;
	v44 =	vadd.s32 v45, v53  }
.LBB2_4:
0x140: {  	v45 =	vld [tilespmem:s14+$0x0];
	p0 =	sne.s32 s13, $0x7F;
	v8 =	vsub.f32 v8, v12;
	v44 =	vadd.s32 v25, v44;
	v25 =	vmpcnt.ones.xlane vm8;
	s15 =	smov.u32 s13;
	s13 =	sadd.s32 $0x1, s13  }
0x141: {  	v43 =	vmul.f32 v43, v43;
	vm8 =	vlt.s32 v22, v41;
	v37 =	vadd.s32 v37, v42;
	v46 =	vld [tilespmem:s14+$0xFFFFFFF0]  }
0x142: {  	vm9 =	vlt.s32 v22, v7;
	v7 =	vmul.f32 v40, v40;
	v41 =	vld [tilespmem:s14+$0xFFFFFFE0];
	v8 =	vmul.f32 v8, v8  }
0x143: {  	v42 =	vmpcnt.ones.xlane vm9;
	v47 =	vmpcnt.ones.xlane vm8;
	v37 =	vadd.s32 v27, v37;
	v40 =	vld [tilespmem:s14+$0x50]  }
0x144: {  	v27 =	vmul.f32 v38, v38;
	v7 =	vadd.f32 v43, v7;
	v48 =	vld [tilespmem:s14+$0x40];
	v8 =	vadd.f32 v8, v26  }
0x145: {  	v39 =	vmul.f32 v39, v39;
	v44 =	vadd.s32 v23, v44;
	v23 =	vmovc v47;
	v26 =	vsub.f32 v45, v12;
	v38 =	vld [tilespmem:s14+$0xFFFFFFD0]  }
0x146: {  	v36 =	vadd.f32 v36, v27;
	v43 =	vld [tilespmem:s14+$0x70];
	v45 =	vsub.f32 v46, v13;
	vm8 =	vlt.s32 v22, v8  }
0x147: {  	v28 =	vmul.f32 v28, v28;
	v46 =	vmul.f32 v26, v26;
	v8 =	vld [tilespmem:s14+$0xFFFFFFB0];
	v26 =	vsub.f32 v41, v13  }
0x148: {  	v24 =	vadd.f32 v39, v24;
	v27 =	vmpcnt.ones.xlane vm8;
	v41 =	vld [tilespmem:s14+$0xFFFFFF80];
	v40 =	vsub.f32 v40, v12  }
0x149: {  	v6 =	vadd.f32 v6, v28;
	v42 =	vadd.s32 v37, v42;
	v39 =	vld [tilespmem:s14+$0x10];
	v26 =	vmul.f32 v26, v26  }
0x14a: {  	vm9 =	vlt.s32 v22, v36;
	vm8 =	vlt.s32 v22, v24;
	v28 =	vld [tilespmem:s14+$0xFFFFFF90];
	v47 =	vmul.f32 v40, v40  }
0x14b: {  	vm10 =	vlt.s32 v22, v6;
	vm11 =	vlt.s32 v22, v7;
	v40 =	vmul.f32 v45, v45;
	v24 =	vld [tilespmem:s14+$0xFFFFFFC0]  }
0x14c: {  	p1 =	slt.s32 s15, s12;
	v7 =	vsub.f32 v48, v12;
	v45 =	vmpcnt.ones.xlane vm8;
	v36 =	vsub.f32 v43, v12;
	v6 =	vld [tilespmem:s14+$0xFFFFFFA0]  }
0x14d: {  	v37 =	vmpcnt.ones.xlane vm9;
	v22 =	vpsel p1, v21, v20;
	v43 =	vsub.f32 v41, v13  }
0x14e: {  	v41 =	vsub.f32 v38, v13;
	v49 =	vmul.f32 v36, v36;
	v39 =	vsub.f32 v39, v12;
	v48 =	vld [tilespmem:s14+$0x20]  }
0x14f: {  	v50 =	vmpcnt.ones.xlane vm10;
	v51 =	vmpcnt.ones.xlane vm11  }
0x150: {  	v53 =	vsub.f32 v8, v13;
	v36 =	vmul.f32 v7, v7;
	v28 =	vsub.f32 v28, v13;
	v52 =	vld [tilespmem:s14+$0x30]  }
.Ltmp1:
0x151: {  	v7 =	vmul.f32 v41, v41;
	v41 =	vadd.f32 v49, v40;
	v38 =	vsub.f32 v24, v13;
	v8 =	vld [tilespmem:s14+$0x60];
	(pc) =	sbr.rel @p0 .LBB2_4-.Ltmp1, $4  }
0x152: {  	v49 =	vmul.f32 v43, v43;
	v24 =	vmul.f32 v53, v53;
	v40 =	vsub.f32 v6, v13  }
0x153: {  	v42 =	vadd.s32 v51, v42;
	v47 =	vadd.f32 v47, v7;
	v43 =	vsub.f32 v48, v12  }
0x154: {  	v44 =	vadd.s32 v44, v50;
	v7 =	vadd.f32 v46, v49;
	v6 =	vmul.f32 v39, v39  }
0x155: {  	v44 =	vadd.s32 v45, v44;
	s14 =	sadd.s32 $0x100, s14;
	vm8 =	vlt.s32 v22, v47;
	v39 =	vsub.f32 v52, v12  }
0x156: {  	v13 =	vmpcnt.ones.xlane vm8;
	v8 =	vsub.f32 v8, v12;
	v12 =	vadd.s32 v25, v44  }
0x157: {  	v43 =	vmul.f32 v43, v43;
	vm8 =	vlt.s32 v22, v41;
	v19 =	vsub.f32 v19, v55  }
0x158: {  	vm9 =	vlt.s32 v22, v7;
	v17 =	vsub.f32 v17, v56;
	v18 =	vsub.f32 v18, v55  }
0x159: {  	v7 =	vmul.f32 v40, v40;
	v16 =	vsub.f32 v16, v56;
	v14 =	vsub.f32 v14, v55  }
0x15a: {  	v25 =	vadd.s32 v37, v42;
	v15 =	vsub.f32 v15, v56;
	v11 =	vsub.f32 v11, v55  }
0x15b: {  	v3 =	vsub.f32 v3, v56;
	v21 =	vmpcnt.ones.xlane vm9;
	v20 =	vmpcnt.ones.xlane vm8  }
0x15c: {  	v25 =	vadd.s32 v27, v25;
	v27 =	vmul.f32 v38, v38;
	v53 =	vmul.f32 v39, v39  }
0x15d: {  	v1 =	vsub.f32 v1, v55;
	v8 =	vmul.f32 v8, v8;
	v19 =	vmul.f32 v19, v19  }
0x15e: {  	v2 =	vsub.f32 v2, v56;
	v17 =	vmul.f32 v17, v17;
	v18 =	vmul.f32 v18, v18  }
0x15f: {  	v0 =	vsub.f32 v0, v56;
	v16 =	vmul.f32 v16, v16;
	v14 =	vmul.f32 v14, v14  }
0x160: {  	v23 =	vadd.s32 v23, v12;
	v15 =	vmul.f32 v15, v15;
	v11 =	vmul.f32 v11, v11  }
0x161: {  	v7 =	vadd.f32 v43, v7;
	v3 =	vmul.f32 v3, v3;
	v1 =	vmul.f32 v1, v1  }
0x162: {  	v2 =	vmul.f32 v2, v2;
	v8 =	vadd.f32 v8, v26;
	v26 =	vadd.f32 v36, v27  }
0x163: {  	s8 =	sand.u32 $0xFFFFFF80, s8;
	v0 =	vmul.f32 v0, v0;
	v12 =	vadd.f32 v17, v19;
	v16 =	vadd.f32 v16, v18  }
0x164: {  	s12 =	sor.u32 $0x10, s8;
	v17 =	vmul.f32 v28, v28;
	v18 =	vbroadcast v29, $0x0;
	v19 =	vor.u32 s8, v4  }
0x165: {  	v14 =	vadd.f32 v15, v14;
	v15 =	vor.u32 s12, v4;
	v3 =	vadd.f32 v3, v11  }
0x166: {  	v1 =	vadd.f32 v2, v1;
	v2 =	vsub.f32 v63, v55;
	vm8 =	veq.f32 v16, v12  }
0x167: {  	s18 =	sor.u32 $0x20, s8;
	vm9 =	vlt.s32 v19, v18;
	vm10 =	veq.f32 v14, v12;
	vm11 =	vlt.s32 v15, v18  }
0x168: {  	v6 =	vadd.f32 v6, v17;
	v15 =	vor.u32 s18, v4;
	v16 =	vsub.f32 v59, v55  }
0x169: {  	v17 =	vsub.f32 v60, v56;
	vm8 =	vmand vm9, vm8;
	vm9 =	vmand vm11, vm10  }
0x16a: {  	s14 =	sor.u32 $0x50, s8;
	vm11 =	vlt.s32 v22, v7;
	v11 =	vsel vm8, $0x1, v5;
	v14 =	vsel vm9, $0x1, v5  }
0x16b: {  	s19 =	sor.u32 $0x30, s8;
	vm8 =	veq.f32 v3, v12;
	vm9 =	vlt.s32 v15, v18;
	v15 =	vor.u32 s14, v4  }
0x16c: {  	vm8 =	vmand vm9, vm8;
	v3 =	vadd.s32 v11, v14;
	v14 =	vor.u32 s19, v4  }
0x16d: {  	v11 =	vsel vm8, $0x1, v5;
	vm8 =	veq.f32 v1, v12;
	v1 =	vmul.f32 v2, v2  }
0x16e: {  	vm9 =	vlt.s32 v14, v18;
	v2 =	vsub.f32 v61, v55;
	v14 =	vsub.f32 v62, v56  }
0x16f: {  	v3 =	vadd.s32 v11, v3;
	vm8 =	vmand vm9, vm8;
	v0 =	vadd.f32 v0, v1  }
0x170: {  	s13 =	sor.u32 $0x40, s8;
	v2 =	vmul.f32 v2, v2;
	v11 =	vmul.f32 v14, v14;
	v14 =	vsel vm8, $0x1, v5  }
0x171: {  	v1 =	vor.u32 s13, v4;
	v3 =	vadd.s32 v14, v3;
	v14 =	vsub.f32 v58, v56  }
0x172: {  	vm9 =	vlt.s32 v1, v18;
	vm8 =	veq.f32 v0, v12;
	v1 =	vadd.f32 v11, v2  }
0x173: {  	v11 =	vsub.f32 v57, v55;
	vm8 =	vmand vm9, vm8;
	v14 =	vmul.f32 v14, v14  }
0x174: {  	vm9 =	vlt.s32 v15, v18;
	v15 =	vmul.f32 v16, v16;
	v16 =	vmul.f32 v17, v17  }
0x175: {  	v0 =	vld.idx.msk [tilespmem:v54+s20+$0x0], $0xffff;
	v2 =	vsel vm8, $0x1, v5;
	vm8 =	veq.f32 v1, v12;
	v11 =	vmul.f32 v11, v11  }
0x176: {  	s15 =	sor.u32 $0x60, s8;
	v1 =	vld.idx.msk [tilespmem:v30+s20+$0x0], $0xffff;
	_ =	swait.ge [sflag:s28], $0x8000;
	v2 =	vadd.s32 v2, v3;
	vm8 =	vmand vm9, vm8;
	v15 =	vadd.f32 v16, v15  }
0x177: {  	s8 =	sor.u32 $0x70, s8;
	[sflag:s28] =	ssyncset.done $0x0;
	v3 =	vadd.f32 v14, v11;
	v11 =	vsel vm8, $0x1, v5;
	v14 =	vor.u32 s15, v4  }
0x178: {  	s18 =	simm.s32 $0x10980;
	s17 =	rddreg [dreg:$0x9];
	v16 =	vadd.s32 v25, v21;
	[sflag:s28] =	ssyncadd.s32 $0xFFFF8000;
	vm9 =	vlt.s32 v14, v18;
	v2 =	vadd.s32 v11, v2  }
0x179: {  	[tilespmem:s23], [sflag:$0x2] =	stream.strided.gather [hbm4b:s17+s20], $0x8000, s21, s20, $0x38;
	v14 =	vadd.f32 v53, v24;
	vm8 =	veq.f32 v3, v12;
	v3 =	vor.u32 s8, v4;
	[tilespmem:$0x18980] =	vst v63  }
0x17a: {  	v11 =	vld [tilespmem:s18+$0x0];
	vm8 =	vmand vm9, vm8;
	vm9 =	veq.f32 v15, v12;
	vm10 =	vlt.s32 v3, v18  }
0x17b: {  	v7 =	vld [tilespmem:s18+$0x50];
	v3 =	vsel vm8, $0x1, v5;
	vm8 =	vmand vm10, vm9;
	vm9 =	vlt.s32 v22, v6  }
0x17c: {  	v15 =	vld [tilespmem:s18+$0xFFFFFFF0];
	v2 =	vadd.s32 v3, v2;
	v3 =	vsel vm8, $0x1, v5;
	vm8 =	vlt.s32 v22, v8  }
0x17d: {  	v18 =	vld [tilespmem:s18+$0xFFFFFFD0];
	v6 =	vmpcnt.ones.xlane vm9;
	vm9 =	vlt.s32 v22, v26;
	v8 =	vmpcnt.ones.xlane vm11  }
0x17e: {  	vm10 =	vlt.s32 v22, v14;
	v14 =	vld [tilespmem:s18+$0x40];
	v2 =	vadd.s32 v3, v2;
	v17 =	vmpcnt.ones.xlane vm9  }
0x17f: {  	v3 =	vld [tilespmem:s18+$0xFFFFFFE0];
	(xrf0) =	vadd.scan.msk.s32 $0xffff, v2;
	v2 =	vmpcnt.ones.xlane vm10;
	v8 =	vadd.s32 v8, v16  }
0x180: {  	v19 =	vmpcnt.ones.xlane vm8;
	v6 =	vadd.s32 v23, v6;
	v8 =	vadd.s32 v17, v8;
	v17 =	vld [tilespmem:s18+$0x10]  }
0x181: {  	v15 =	vsub.f32 v15, v0;
	v2 =	vadd.s32 v2, v6;
	v6 =	vld [tilespmem:s18+$0x70]  }
0x182: {  	v18 =	vsub.f32 v18, v0;
	v30 =	vadd.s32 v19, v8;
	v8 =	vsub.f32 v11, v1;
	v11 =	vld [tilespmem:s18+$0xFFFFFF80]  }
0x183: {  	v22 =	vimm.s32 $0x0;
	v7 =	vsub.f32 v7, v1;
	v19 =	vld [tilespmem:s18+$0xFFFFFF90];
	v14 =	vsub.f32 v14, v1  }
0x184: {  	v2 =	vadd.s32 v13, v2;
	v13 =	vld [tilespmem:s18+$0xFFFFFFB0];
	v15 =	vmul.f32 v15, v15;
	v18 =	vmul.f32 v18, v18  }
0x185: {  	p0 =	sgt.u32 s3, $0x0;
	v24 =	vld [tilespmem:s18+$0x20];
	v29 =	vadd.s32 v20, v2;
	v2 =	vadd.s32 $0xFFFFFFFF, v12;
	v3 =	vsub.f32 v3, v0  }
0x186: {  	v25 =	vld [tilespmem:s18+$0x60];
	v8 =	vmul.f32 v8, v8;
	v14 =	vmul.f32 v14, v14;
	v23 =	vpsel p0, v2, v12  }
0x187: {  	v26 =	vld [tilespmem:s18+$0x30];
	v16, _, _ =	vpop (xrf0);
	v20 =	vmul.f32 v3, v3;
	v3 =	vmul.f32 v7, v7;
	v17 =	vsub.f32 v17, v1  }
0x188: {  	v21 =	vld [tilespmem:s18+$0xFFFFFFA0];
	v16 =	vbroadcast v16, $0xF;
	v6 =	vsub.f32 v6, v1;
	v11 =	vsub.f32 v11, v0  }
0x189: {  	v7 =	vld [tilespmem:s18+$0xFFFFFFC0];
	v19 =	vsub.f32 v19, v0;
	v13 =	vsub.f32 v13, v0;
	v17 =	vmul.f32 v17, v17  }
0x18a: {  	s19 =	simm.s32 $0x10A80;
	v3 =	vadd.f32 v3, v18;
	v6 =	vmul.f32 v6, v6;
	v11 =	vmul.f32 v11, v11  }
0x18b: {  	v18 =	vsub.f32 v24, v1;
	v24 =	vld [tilespmem:s19+$0xFFFFFFF0];
	v19 =	vmul.f32 v19, v19;
	v13 =	vmul.f32 v13, v13  }
0x18c: {  	vm8 =	vlt.s32 v23, v3;
	v3 =	vsub.f32 v25, v1;
	v25 =	vsub.f32 v26, v1  }
0x18d: {  	v18 =	vmul.f32 v18, v18;
	v6 =	vadd.f32 v6, v15;
	v15 =	vsub.f32 v21, v0;
	v21 =	vld [tilespmem:s19+$0x0]  }
0x18e: {  	v26 =	vld [tilespmem:s19+$0xFFFFFFE0];
	v7 =	vsub.f32 v7, v0;
	v8 =	vadd.f32 v8, v11;
	v11 =	vmpcnt.ones.xlane vm8  }
0x18f: {  	v15 =	vmul.f32 v15, v15;
	vm8 =	vlt.s32 v23, v6;
	v6 =	vmul.f32 v3, v3  }
0x190: {  	v28 =	vld [tilespmem:s19+$0x40];
	vm9 =	vlt.s32 v23, v8;
	v7 =	vmul.f32 v7, v7;
	v24 =	vsub.f32 v24, v0  }
0x191: {  	v8 =	vld [tilespmem:s19+$0x50];
	v27 =	vmpcnt.ones.xlane vm9;
	v18 =	vadd.f32 v18, v15;
	v6 =	vadd.f32 v6, v20  }
0x192: {  	v7 =	vadd.f32 v14, v7;
	v15 =	vsub.f32 v21, v1;
	v21 =	vmul.f32 v25, v25;
	v25 =	vld [tilespmem:s19+$0x70]  }
0x193: {  	v58 =	vld [tilespmem:s19+$0xFFFFFF80];
	v3 =	vmpcnt.ones.xlane vm8;
	vm8 =	vlt.s32 v23, v6;
	v6 =	vsub.f32 v26, v0  }
0x194: {  	vm9 =	vlt.s32 v23, v7;
	v7 =	vmul.f32 v24, v24;
	v13 =	vadd.f32 v21, v13;
	v21 =	vld [tilespmem:s19+$0x10]  }
0x195: {  	v63 =	vld [tilespmem:s19+$0x30];
	vm11 =	vlt.s32 v23, v18;
	v14 =	vmul.f32 v6, v6;
	v6 =	vadd.f32 v17, v19  }
0x196: {  	v20 =	vld [tilespmem:s19+$0xFFFFFFD0];
	v26 =	vmul.f32 v15, v15;
	v8 =	vsub.f32 v8, v1;
	v15 =	vmpcnt.ones.xlane vm8  }
0x197: {  	v24 =	vld [tilespmem:s19+$0xFFFFFFC0];
	vm8 =	vlt.s32 v23, v13;
	vm10 =	vlt.s32 v23, v6;
	v23 =	vsub.f32 v25, v1  }
0x198: {  	v18 =	vmpcnt.ones.xlane vm9;
	v19 =	vadd.s32 v16, v27;
	v16 =	vld [tilespmem:s19+$0xFFFFFF90];
	v6 =	vsub.f32 v28, v1  }
0x199: {  	p6 =	sgt.u32 s3, $0x1;
	v17 =	vld [tilespmem:s19+$0xFFFFFFB0];
	v28 =	vsub.f32 v58, v0;
	v59 =	vsub.f32 v21, v1;
	v21 =	vmul.f32 v23, v23  }
0x19a: {  	v62 =	vmpcnt.ones.xlane vm11;
	v8 =	vmul.f32 v8, v8;
	v13 =	vpsel p6, v2, v12;
	v25 =	vld [tilespmem:s19+$0xFFFFFFA0]  }
0x19b: {  	v60 =	vld [tilespmem:s19+$0x20];
	v23 =	vsub.f32 v20, v0;
	v21 =	vadd.f32 v21, v7;
	v7 =	vmul.f32 v28, v28  }
0x19c: {  	v27 =	vmpcnt.ones.xlane vm8;
	v61 =	vmpcnt.ones.xlane vm10;
	v20 =	vsub.f32 v24, v0  }
0x19d: {  	v16 =	vsub.f32 v16, v0;
	v24 =	vmul.f32 v23, v23;
	v26 =	vadd.f32 v26, v7;
	v7 =	vld [tilespmem:s19+$0x60]  }
0x19e: {  	v17 =	vsub.f32 v17, v0;
	v28 =	vadd.s32 v22, v61;
	v22 =	vsub.f32 v63, v1  }
0x19f: {  	v6 =	vmul.f32 v6, v6;
	v23 =	vsub.f32 v25, v0;
	v8 =	vadd.f32 v8, v24  }
0x1a0: {  	v17 =	vmul.f32 v17, v17;
	v25 =	vsub.f32 v60, v1;
	v24 =	vadd.s32 v62, v19  }
0x1a1: {  	s12 =	simm.s32 $0x10B80;
	s8 =	simm.s32 $0x2;
	v19 =	vmul.f32 v59, v59;
	vm8 =	vlt.s32 v13, v8;
	v8 =	vadd.s32 v27, v28  }
.LBB2_6:
0x1a2: {  	v27 =	vld [tilespmem:s12+$0x0];
	p0 =	sne.s32 s8, $0x7F;
	v7 =	vsub.f32 v7, v1;
	v8 =	vadd.s32 v11, v8;
	v11 =	vmpcnt.ones.xlane vm8;
	s13 =	smov.u32 s8;
	s8 =	sadd.s32 $0x1, s8  }
0x1a3: {  	v25 =	vmul.f32 v25, v25;
	vm8 =	vlt.s32 v13, v21;
	v18 =	vadd.s32 v18, v24;
	v28 =	vld [tilespmem:s12+$0xFFFFFFF0]  }
0x1a4: {  	vm9 =	vlt.s32 v13, v26;
	v23 =	vmul.f32 v23, v23;
	v21 =	vld [tilespmem:s12+$0xFFFFFFE0];
	v7 =	vmul.f32 v7, v7  }
0x1a5: {  	v26 =	vmpcnt.ones.xlane vm9;
	v36 =	vmpcnt.ones.xlane vm8;
	v18 =	vadd.s32 v15, v18;
	v24 =	vld [tilespmem:s12+$0x50]  }
0x1a6: {  	v15 =	vmul.f32 v20, v20;
	v23 =	vadd.f32 v25, v23;
	v37 =	vld [tilespmem:s12+$0x40];
	v7 =	vadd.f32 v7, v14  }
0x1a7: {  	v22 =	vmul.f32 v22, v22;
	v8 =	vadd.s32 v3, v8;
	v3 =	vmovc v36;
	v14 =	vsub.f32 v27, v1;
	v20 =	vld [tilespmem:s12+$0xFFFFFFD0]  }
0x1a8: {  	v6 =	vadd.f32 v6, v15;
	v25 =	vld [tilespmem:s12+$0x70];
	v27 =	vsub.f32 v28, v0;
	vm8 =	vlt.s32 v13, v7  }
0x1a9: {  	v16 =	vmul.f32 v16, v16;
	v28 =	vmul.f32 v14, v14;
	v7 =	vld [tilespmem:s12+$0xFFFFFFB0];
	v14 =	vsub.f32 v21, v0  }
0x1aa: {  	v17 =	vadd.f32 v22, v17;
	v15 =	vmpcnt.ones.xlane vm8;
	v21 =	vld [tilespmem:s12+$0xFFFFFF80];
	v24 =	vsub.f32 v24, v1  }
0x1ab: {  	v16 =	vadd.f32 v19, v16;
	v26 =	vadd.s32 v18, v26;
	v22 =	vld [tilespmem:s12+$0x10];
	v14 =	vmul.f32 v14, v14  }
0x1ac: {  	vm9 =	vlt.s32 v13, v6;
	vm8 =	vlt.s32 v13, v17;
	v19 =	vld [tilespmem:s12+$0xFFFFFF90];
	v24 =	vmul.f32 v24, v24  }
0x1ad: {  	vm10 =	vlt.s32 v13, v16;
	vm11 =	vlt.s32 v13, v23;
	v27 =	vmul.f32 v27, v27;
	v17 =	vld [tilespmem:s12+$0xFFFFFFC0]  }
0x1ae: {  	p1 =	slt.u32 s13, s3;
	v36 =	vmpcnt.ones.xlane vm8;
	v6 =	vsub.f32 v37, v1;
	v16 =	vsub.f32 v25, v1;
	v23 =	vld [tilespmem:s12+$0xFFFFFFA0]  }
0x1af: {  	v18 =	vmpcnt.ones.xlane vm9;
	v13 =	vpsel p1, v2, v12;
	v25 =	vsub.f32 v21, v0  }
0x1b0: {  	v21 =	vsub.f32 v20, v0;
	v38 =	vmul.f32 v16, v16;
	v22 =	vsub.f32 v22, v1;
	v37 =	vld [tilespmem:s12+$0x20]  }
0x1b1: {  	v39 =	vmpcnt.ones.xlane vm10;
	v40 =	vmpcnt.ones.xlane vm11  }
0x1b2: {  	v6 =	vmul.f32 v6, v6;
	v16 =	vsub.f32 v19, v0;
	v19 =	vsub.f32 v7, v0;
	v41 =	vld [tilespmem:s12+$0x30]  }
.Ltmp2:
0x1b3: {  	v42 =	vmul.f32 v21, v21;
	v21 =	vadd.f32 v38, v27;
	v20 =	vsub.f32 v17, v0;
	v7 =	vld [tilespmem:s12+$0x60];
	(pc) =	sbr.rel @p0 .LBB2_6-.Ltmp2, $4  }
0x1b4: {  	v27 =	vmul.f32 v25, v25;
	v23 =	vsub.f32 v23, v0;
	v17 =	vmul.f32 v19, v19  }
0x1b5: {  	v25 =	vsub.f32 v37, v1;
	v37 =	vadd.f32 v24, v42;
	v24 =	vadd.s32 v40, v26  }
0x1b6: {  	v8 =	vadd.s32 v8, v39;
	v19 =	vmul.f32 v22, v22;
	v26 =	vadd.f32 v28, v27  }
0x1b7: {  	v8 =	vadd.s32 v36, v8;
	s12 =	sadd.s32 $0x100, s12;
	v22 =	vsub.f32 v41, v1;
	vm8 =	vlt.s32 v13, v37  }
0x1b8: {  	_ =	swait.ge [sflag:s2], $0x8000;
	v7 =	vsub.f32 v7, v1  }
0x1b9: {  	v27 =	vmpcnt.ones.xlane vm8;
	v8 =	vadd.s32 v11, v8;
	v11 =	vmul.f32 v25, v25;
	[sflag:s2] =	ssyncset.done $0x0  }
0x1ba: {  	vm8 =	vlt.s32 v13, v26;
	v23 =	vmul.f32 v23, v23;
	v16 =	vmul.f32 v16, v16;
	s19 =	simm.s32 $0x980;
	s8 =	rddreg [dreg:$0xa];
	[sflag:s2] =	ssyncadd.s32 $0xFFFF8000  }
0x1bb: {  	vm9 =	vlt.s32 v13, v21;
	v20 =	vmul.f32 v20, v20;
	v21 =	vmpcnt.ones.xlane vm8;
	[tilespmem:s16], [sflag:$0x3] =	stream.strided.gather [hbm4b:s8+s20], $0x8000, s21, s20, $0x38;
	[tilespmem:$0x18980] =	vst v63  }
0x1bc: {  	v18 =	vadd.s32 v18, v24;
	v22 =	vmul.f32 v22, v22;
	v7 =	vmul.f32 v7, v7;
	v25 =	vld [tilespmem:s19+$0x0]  }
0x1bd: {  	v24 =	vmpcnt.ones.xlane vm9;
	v15 =	vadd.s32 v15, v18;
	v16 =	vadd.f32 v19, v16;
	v19 =	vld [tilespmem:s19+$0xFFFFFFF0]  }
0x1be: {  	v3 =	vadd.s32 v3, v8;
	v7 =	vadd.f32 v7, v14;
	v14 =	vadd.f32 v22, v17;
	v8 =	vld [tilespmem:s19+$0x50]  }
0x1bf: {  	v11 =	vadd.f32 v11, v23;
	v6 =	vadd.f32 v6, v20;
	vm8 =	vlt.s32 v13, v16;
	v18 =	vld [tilespmem:s19+$0xFFFFFFD0]  }
0x1c0: {  	v20 =	vld [tilespmem:s19+$0xFFFFFF80];
	vm9 =	vlt.s32 v13, v7;
	vm10 =	vlt.s32 v13, v14;
	v7 =	vmpcnt.ones.xlane vm8  }
0x1c1: {  	v17 =	vld [tilespmem:s19+$0xFFFFFFE0];
	vm8 =	vlt.s32 v13, v11;
	v16 =	vmpcnt.ones.xlane vm9;
	v11 =	vmpcnt.ones.xlane vm10  }
0x1c2: {  	v14 =	vld [tilespmem:s19+$0x40];
	vm9 =	vlt.s32 v13, v6;
	v6 =	vmpcnt.ones.xlane vm8;
	v3 =	vadd.s32 v3, v7  }
0x1c3: {  	s3 =	sadd.s32 $0xFFFFFF80, s3;
	v13 =	vadd.s32 v15, v21;
	v7 =	vld [tilespmem:s19+$0x70];
	v15 =	vmpcnt.ones.xlane vm9;
	v3 =	vadd.s32 v11, v3  }
0x1c4: {  	p0 =	sgt.s32 s3, $0x0;
	v11 =	vld [tilespmem:s19+$0xFFFFFFB0];
	v6 =	vadd.s32 v6, v13;
	v13 =	vsub.f32 v25, v1;
	v8 =	vsub.f32 v8, v1  }
0x1c5: {  	v23 =	vpsel p0, v2, v12;
	v18 =	vsub.f32 v18, v0;
	v20 =	vsub.f32 v20, v0;
	v25 =	vld [tilespmem:s19+$0x60]  }
0x1c6: {  	v3 =	vadd.s32 v27, v3;
	v6 =	vadd.s32 v15, v6;
	v15 =	vsub.f32 v17, v0;
	v17 =	vld [tilespmem:s19+$0x10]  }
0x1c7: {  	v6 =	vadd.s32 v16, v6;
	v16 =	vsub.f32 v19, v0;
	v19 =	vld [tilespmem:s19+$0xFFFFFF90];
	v21 =	vadd.s32 v24, v3  }
0x1c8: {  	v8 =	vmul.f32 v8, v8;
	v14 =	vsub.f32 v14, v1;
	v24 =	vld [tilespmem:s19+$0x20];
	v18 =	vmul.f32 v18, v18  }
0x1c9: {  	v13 =	vmul.f32 v13, v13;
	v3 =	vmul.f32 v15, v15;
	v15 =	vld [tilespmem:s19+$0xFFFFFFC0];
	v7 =	vsub.f32 v7, v1  }
0x1ca: {  	v22 =	vld [tilespmem:s19+$0xFFFFFFA0];
	v27 =	vmul.f32 v14, v14;
	v14 =	vmul.f32 v20, v20;
	v8 =	vadd.f32 v8, v18  }
0x1cb: {  	v16 =	vmul.f32 v16, v16;
	v11 =	vsub.f32 v11, v0;
	v20 =	vsub.f32 v25, v1  }
0x1cc: {  	v17 =	vsub.f32 v17, v1;
	v7 =	vmul.f32 v7, v7;
	v13 =	vadd.f32 v13, v14  }
0x1cd: {  	s12 =	simm.s32 $0xA80;
	v26 =	vld [tilespmem:s19+$0x30];
	vm8 =	vlt.s32 v23, v8;
	v19 =	vsub.f32 v19, v0;
	v18 =	vmul.f32 v11, v11  }
0x1ce: {  	v8 =	vld [tilespmem:s12+$0x0];
	v11 =	vsub.f32 v24, v1;
	v14 =	vmpcnt.ones.xlane vm8;
	v15 =	vsub.f32 v15, v0  }
0x1cf: {  	v7 =	vadd.f32 v7, v16;
	v16 =	vsub.f32 v22, v0;
	v17 =	vmul.f32 v17, v17;
	v22 =	vld [tilespmem:s12+$0xFFFFFFF0]  }
0x1d0: {  	vm9 =	vlt.s32 v23, v13;
	v13 =	vld [tilespmem:s12+$0x50];
	v11 =	vmul.f32 v11, v11;
	v19 =	vmul.f32 v19, v19  }
0x1d1: {  	v25 =	vld [tilespmem:s12+$0xFFFFFFE0];
	v16 =	vmul.f32 v16, v16;
	vm8 =	vlt.s32 v23, v7;
	v7 =	vmul.f32 v20, v20  }
0x1d2: {  	v28 =	vld [tilespmem:s12+$0x40];
	v24 =	vsub.f32 v26, v1;
	v20 =	vmpcnt.ones.xlane vm9;
	v15 =	vmul.f32 v15, v15  }
0x1d3: {  	v36 =	vld [tilespmem:s12+$0x10];
	v26 =	vadd.f32 v11, v16;
	v11 =	vmpcnt.ones.xlane vm8;
	v3 =	vadd.f32 v7, v3  }
0x1d4: {  	v7 =	vsub.f32 v8, v1;
	v8 =	vld [tilespmem:s12+$0xFFFFFFD0];
	v16 =	vmul.f32 v24, v24;
	v24 =	vadd.f32 v27, v15  }
0x1d5: {  	v27 =	vld [tilespmem:s12+$0x70];
	v6 =	vadd.s32 v6, v20;
	v22 =	vsub.f32 v22, v0;
	v13 =	vsub.f32 v13, v1  }
0x1d6: {  	v20 =	vld [tilespmem:s12+$0xFFFFFFC0];
	vm8 =	vlt.s32 v23, v3;
	v3 =	vsub.f32 v25, v0;
	v25 =	vmul.f32 v7, v7  }
0x1d7: {  	v7 =	vld [tilespmem:s12+$0xFFFFFF80];
	v18 =	vadd.f32 v16, v18;
	vm11 =	vlt.s32 v23, v26;
	v16 =	vmpcnt.ones.xlane vm8  }
0x1d8: {  	v37 =	vmul.f32 v13, v13;
	v13 =	vld [tilespmem:s12+$0xFFFFFF90];
	v15 =	vmul.f32 v3, v3;
	v3 =	vadd.f32 v17, v19  }
0x1d9: {  	vm9 =	vlt.s32 v23, v24;
	v22 =	vmul.f32 v22, v22;
	v39 =	vmpcnt.ones.xlane vm11;
	v19 =	vld [tilespmem:s12+$0xFFFFFFB0]  }
0x1da: {  	vm8 =	vlt.s32 v23, v18;
	vm10 =	vlt.s32 v23, v3;
	v23 =	vsub.f32 v28, v1;
	v28 =	vld [tilespmem:s12+$0x20]  }
0x1db: {  	v24 =	vld [tilespmem:s12+$0xFFFFFFA0];
	v17 =	vmpcnt.ones.xlane vm9;
	v18 =	vsub.f32 v27, v1;
	v8 =	vsub.f32 v8, v0  }
0x1dc: {  	v26 =	vmpcnt.ones.xlane vm8;
	v27 =	vsub.f32 v36, v1;
	v20 =	vsub.f32 v20, v0  }
0x1dd: {  	v40 =	vld [tilespmem:s12+$0x30];
	v7 =	vsub.f32 v7, v0;
	v62 =	vmul.f32 v18, v18;
	v8 =	vmul.f32 v8, v8  }
0x1de: {  	v38 =	vmpcnt.ones.xlane vm10;
	v18 =	vsub.f32 v13, v0;
	v13 =	vsub.f32 v19, v0  }
0x1df: {  	v63 =	vmul.f32 v7, v7;
	v7 =	vsub.f32 v28, v1;
	v28 =	vadd.f32 v37, v8;
	v8 =	vld [tilespmem:s12+$0x60]  }
0x1e0: {  	v19 =	vmul.f32 v23, v23;
	v23 =	vadd.f32 v62, v22;
	v22 =	vsub.f32 v24, v0  }
0x1e1: {  	p6 =	sgt.s32 s3, $0x1;
	v24 =	vadd.s32 v39, v6;
	v6 =	vmul.f32 v27, v27;
	v27 =	vadd.s32 v21, v38  }
0x1e2: {  	v3 =	vpsel p6, v2, v12;
	v21 =	vsub.f32 v40, v1;
	v26 =	vadd.s32 v26, v27  }
0x1e3: {  	s8 =	simm.s32 $0x2;
	v13 =	vmul.f32 v13, v13;
	v25 =	vadd.f32 v25, v63;
	s12 =	simm.s32 $0xB80;
	vm8 =	vlt.s32 v3, v28  }
.LBB2_8:
0x1e4: {  	v27 =	vld [tilespmem:s12+$0x0];
	p0 =	sne.s32 s8, $0x7F;
	v8 =	vsub.f32 v8, v1;
	v26 =	vadd.s32 v14, v26;
	v14 =	vmpcnt.ones.xlane vm8;
	s13 =	smov.u32 s8;
	s8 =	sadd.s32 $0x1, s8  }
0x1e5: {  	v7 =	vmul.f32 v7, v7;
	vm8 =	vlt.s32 v3, v23;
	v17 =	vadd.s32 v17, v24;
	v28 =	vld [tilespmem:s12+$0xFFFFFFF0]  }
0x1e6: {  	vm9 =	vlt.s32 v3, v25;
	v22 =	vmul.f32 v22, v22;
	v23 =	vld [tilespmem:s12+$0xFFFFFFE0];
	v8 =	vmul.f32 v8, v8  }
0x1e7: {  	v25 =	vmpcnt.ones.xlane vm9;
	v36 =	vmpcnt.ones.xlane vm8;
	v17 =	vadd.s32 v16, v17;
	v24 =	vld [tilespmem:s12+$0x50]  }
0x1e8: {  	v16 =	vmul.f32 v20, v20;
	v7 =	vadd.f32 v7, v22;
	v37 =	vld [tilespmem:s12+$0x40];
	v8 =	vadd.f32 v8, v15  }
0x1e9: {  	v21 =	vmul.f32 v21, v21;
	v26 =	vadd.s32 v11, v26;
	v11 =	vmovc v36;
	v15 =	vsub.f32 v27, v1;
	v20 =	vld [tilespmem:s12+$0xFFFFFFD0]  }
0x1ea: {  	v19 =	vadd.f32 v19, v16;
	v22 =	vld [tilespmem:s12+$0x70];
	v27 =	vsub.f32 v28, v0;
	vm8 =	vlt.s32 v3, v8  }
0x1eb: {  	v18 =	vmul.f32 v18, v18;
	v28 =	vmul.f32 v15, v15;
	v8 =	vld [tilespmem:s12+$0xFFFFFFB0];
	v15 =	vsub.f32 v23, v0  }
0x1ec: {  	v13 =	vadd.f32 v21, v13;
	v16 =	vmpcnt.ones.xlane vm8;
	v23 =	vld [tilespmem:s12+$0xFFFFFF80];
	v24 =	vsub.f32 v24, v1  }
0x1ed: {  	v6 =	vadd.f32 v6, v18;
	v25 =	vadd.s32 v17, v25;
	v21 =	vld [tilespmem:s12+$0x10];
	v15 =	vmul.f32 v15, v15  }
0x1ee: {  	vm9 =	vlt.s32 v3, v19;
	vm8 =	vlt.s32 v3, v13;
	v18 =	vld [tilespmem:s12+$0xFFFFFF90];
	v24 =	vmul.f32 v24, v24  }
0x1ef: {  	vm10 =	vlt.s32 v3, v6;
	vm11 =	vlt.s32 v3, v7;
	v27 =	vmul.f32 v27, v27;
	v13 =	vld [tilespmem:s12+$0xFFFFFFC0]  }
0x1f0: {  	p1 =	slt.s32 s13, s3;
	v36 =	vmpcnt.ones.xlane vm8;
	v7 =	vsub.f32 v37, v1;
	v19 =	vsub.f32 v22, v1;
	v6 =	vld [tilespmem:s12+$0xFFFFFFA0]  }
0x1f1: {  	v17 =	vmpcnt.ones.xlane vm9;
	v3 =	vpsel p1, v2, v12;
	v22 =	vsub.f32 v23, v0  }
0x1f2: {  	v23 =	vsub.f32 v20, v0;
	v38 =	vmul.f32 v19, v19;
	v21 =	vsub.f32 v21, v1;
	v37 =	vld [tilespmem:s12+$0x20]  }
0x1f3: {  	v39 =	vmpcnt.ones.xlane vm10;
	v40 =	vmpcnt.ones.xlane vm11  }
0x1f4: {  	v42 =	vsub.f32 v8, v0;
	v19 =	vmul.f32 v7, v7;
	v18 =	vsub.f32 v18, v0;
	v41 =	vld [tilespmem:s12+$0x30]  }
.Ltmp3:
0x1f5: {  	v43 =	vmul.f32 v23, v23;
	v23 =	vadd.f32 v38, v27;
	v20 =	vsub.f32 v13, v0;
	v8 =	vld [tilespmem:s12+$0x60];
	(pc) =	sbr.rel @p0 .LBB2_8-.Ltmp3, $4  }
0x1f6: {  	v27 =	vmul.f32 v22, v22;
	v13 =	vmul.f32 v42, v42;
	v22 =	vsub.f32 v6, v0  }
0x1f7: {  	v7 =	vsub.f32 v37, v1;
	v37 =	vadd.f32 v24, v43;
	v24 =	vadd.s32 v40, v25  }
0x1f8: {  	v26 =	vadd.s32 v26, v39;
	v6 =	vmul.f32 v21, v21;
	v25 =	vadd.f32 v28, v27  }
0x1f9: {  	v26 =	vadd.s32 v36, v26;
	s12 =	sadd.s32 $0x100, s12;
	v21 =	vsub.f32 v41, v1;
	vm8 =	vlt.s32 v3, v37  }
0x1fa: {  	v0 =	vsub.f32 v8, v1  }
0x1fb: {  	v2 =	vmul.f32 v7, v7;
	v7 =	vmul.f32 v22, v22;
	v8 =	vadd.s32 v17, v24;
	v22 =	vld [tilespmem:$0x1FD80]  }
0x1fc: {  	v16 =	vadd.s32 v16, v8;
	v8 =	vmul.f32 v20, v20;
	v20 =	vld [tilespmem:$0x1FD70]  }
0x1fd: {  	v12 =	vmpcnt.ones.xlane vm8;
	vm8 =	vlt.s32 v3, v23;
	v23 =	vld [tilespmem:$0x1FD90];
	_ =	sdelay $0x3  }
0x1fe: {  	v0 =	vmul.f32 v0, v0;
	v7 =	vadd.f32 v2, v7;
	v2 =	vld [tilespmem:$0x1FD60];
	v20 =	vsub.f32 v20, v35  }
0x1ff: {  	v22 =	vsub.f32 v22, v34;
	v23 =	vsub.f32 v23, v35  }
0x200: {  	v24 =	vld [tilespmem:$0x1FDB0];
	v15 =	vadd.f32 v0, v15;
	v0 =	vmul.f32 v20, v20  }
0x201: {  	v20 =	vmul.f32 v22, v22;
	v22 =	vmul.f32 v23, v23;
	v23 =	vld [tilespmem:$0x1FDA0];
	_ =	sdelay $0x1  }
0x202: {  	v2 =	vsub.f32 v2, v34  }
0x203: {  	v1 =	vadd.s32 v14, v26  }
0x204: {  	vm9 =	vlt.s32 v3, v25;
	v8 =	vadd.f32 v19, v8;
	v2 =	vmul.f32 v2, v2  }
0x205: {  	v11 =	vadd.s32 v11, v1;
	v24 =	vsub.f32 v24, v35;
	v23 =	vsub.f32 v23, v34  }
0x206: {  	s3 =	sand.u32 $0xFFFFFF80, s7;
	v1 =	vadd.f32 v0, v2;
	v0 =	vadd.f32 v22, v20;
	v20 =	vbroadcast v31, $0x0  }
0x207: {  	v19 =	vmul.f32 v24, v24;
	v22 =	vor.u32 s3, v4;
	v2 =	vmul.f32 v23, v23  }
0x208: {  	v17 =	vmpcnt.ones.xlane vm9;
	vm9 =	vlt.s32 v22, v20;
	v22 =	vld [tilespmem:$0x1FDD0]  }
0x209: {  	v14 =	vmpcnt.ones.xlane vm8;
	vm8 =	veq.f32 v0, v1;
	v0 =	vadd.f32 v19, v2;
	v2 =	vld [tilespmem:$0x1FDC0];
	_ =	sdelay $0x3  }
0x20a: {  	s7 =	sor.u32 $0x10, s3  }
0x20b: {  	v19 =	vor.u32 s7, v4;
	v22 =	vsub.f32 v22, v35;
	v2 =	vsub.f32 v2, v34  }
0x20c: {  	vm11 =	vlt.s32 v19, v20;
	v19 =	vld [tilespmem:$0x1FDE0]  }
0x20d: {  	vm10 =	veq.f32 v0, v1;
	v0 =	vmul.f32 v2, v2;
	v2 =	vmul.f32 v22, v22;
	v22 =	vld [tilespmem:$0x1FDF0];
	_ =	sdelay $0x3  }
0x20e: {  	v18 =	vmul.f32 v18, v18  }
0x20f: {  	v19 =	vsub.f32 v19, v34;
	v22 =	vsub.f32 v22, v35  }
0x210: {  	v6 =	vadd.f32 v6, v18  }
0x211: {  	v0 =	vadd.f32 v2, v0;
	v2 =	vmul.f32 v19, v19;
	v18 =	vmul.f32 v22, v22  }
0x212: {  	vm8 =	vmand vm9, vm8  }
0x213: {  	v19 =	vsel vm8, $0x1, v5;
	vm8 =	veq.f32 v0, v1;
	v0 =	vadd.f32 v18, v2;
	v2 =	vld [tilespmem:$0x1FE00]  }
0x214: {  	v18 =	vld [tilespmem:$0x1FE10];
	_ =	sdelay $0x1  }
0x215: {  	s12 =	sor.u32 $0x20, s3  }
0x216: {  	s13 =	sor.u32 $0x30, s3;
	v23 =	vor.u32 s12, v4;
	vm9 =	vmand vm11, vm10  }
0x217: {  	v22 =	vsel vm9, $0x1, v5;
	vm9 =	vlt.s32 v23, v20;
	v23 =	vor.u32 s13, v4  }
0x218: {  	vm8 =	vmand vm9, vm8;
	v2 =	vsub.f32 v2, v34;
	v18 =	vsub.f32 v18, v35  }
0x219: {  	v19 =	vadd.s32 v19, v22;
	vm9 =	vlt.s32 v23, v20;
	v23 =	vld [tilespmem:$0x1FE50];
	v22 =	vsel vm8, $0x1, v5  }
0x21a: {  	vm8 =	veq.f32 v0, v1;
	v0 =	vmul.f32 v2, v2;
	v2 =	vmul.f32 v18, v18;
	v18 =	vld [tilespmem:$0x1FE40];
	_ =	sdelay $0x1  }
0x21b: {  	s14 =	sor.u32 $0x40, s3  }
0x21c: {  	v0 =	vadd.f32 v2, v0;
	v2 =	vor.u32 s14, v4  }
0x21d: {  	vm8 =	vmand vm9, vm8;
	vm9 =	vlt.s32 v2, v20;
	v2 =	vld [tilespmem:$0x1FE60]  }
0x21e: {  	v23 =	vsub.f32 v23, v35;
	v18 =	vsub.f32 v18, v34;
	_ =	sdelay $0x1  }
0x21f: {  	v19 =	vadd.s32 v22, v19;
	v22 =	vmul.f32 v23, v23;
	v18 =	vmul.f32 v18, v18  }
0x220: {  	v23 =	vsel vm8, $0x1, v5  }
0x221: {  	vm8 =	veq.f32 v0, v1;
	v0 =	vadd.f32 v22, v18;
	v22 =	vsub.f32 v2, v34;
	v2 =	vld [tilespmem:$0x1FE70];
	_ =	sdelay $0x4  }
0x222: {  	v19 =	vadd.s32 v23, v19;
	v23 =	vsub.f32 v2, v35;
	v2 =	vld [tilespmem:$0x1FE80];
	_ =	sdelay $0x4  }
0x223: {  	v25 =	vsub.f32 v2, v34;
	v2 =	vld [tilespmem:$0x1FE90]  }
0x224: {  	s15 =	sor.u32 $0x50, s3  }
0x225: {  	v24 =	vor.u32 s15, v4;
	vm8 =	vmand vm9, vm8  }
0x226: {  	vm9 =	vlt.s32 v24, v20;
	v18 =	vsel vm8, $0x1, v5  }
0x227: {  	vm8 =	veq.f32 v0, v1;
	v22 =	vmul.f32 v22, v22;
	v0 =	vld.idx.msk [tilespmem:v32+s20+$0x0], $0xffff;
	v23 =	vmul.f32 v23, v23  }
0x228: {  	v21 =	vmul.f32 v21, v21;
	vm8 =	vmand vm9, vm8;
	v26 =	vsub.f32 v2, v35;
	v2 =	vld.idx.msk [tilespmem:v33+s20+$0x0], $0xffff;
	_ =	swait.ge [sflag:s26], $0x8000  }
0x229: {  	s18 =	simm.s32 $0x8980;
	s16 =	sor.u32 $0x60, s3;
	v18 =	vadd.s32 v18, v19;
	v19 =	vadd.f32 v23, v22;
	v22 =	vsel vm8, $0x1, v5;
	[sflag:s26] =	ssyncset.done $0x0  }
0x22a: {  	s3 =	sor.u32 $0x70, s3;
	v23 =	vor.u32 s16, v4;
	v24 =	vmul.f32 v25, v25;
	s17 =	rddreg [dreg:$0xb];
	v25 =	vmul.f32 v26, v26;
	[sflag:s26] =	ssyncadd.s32 $0xFFFF8000  }
0x22b: {  	vm9 =	vlt.s32 v23, v20;
	vm8 =	veq.f32 v19, v1;
	v19 =	vor.u32 s3, v4;
	[tilespmem:s22], [sflag:$0x1] =	stream.strided.gather [hbm4b:s17+s20], $0x8000, s21, s20, $0x38;
	[tilespmem:$0x18980] =	vst v63  }
0x22c: {  	vm8 =	vmand vm9, vm8;
	vm10 =	vlt.s32 v19, v20;
	v24 =	vadd.f32 v25, v24;
	v20 =	vld [tilespmem:s18+$0x0]  }
0x22d: {  	s19 =	simm.s32 $0x8A80;
	v13 =	vadd.f32 v21, v13;
	v18 =	vadd.s32 v22, v18;
	v19 =	vsel vm8, $0x1, v5;
	v21 =	vld [tilespmem:s18+$0xFFFFFFF0]  }
0x22e: {  	vm11 =	vlt.s32 v3, v7;
	v18 =	vadd.s32 v19, v18;
	v61 =	vld [tilespmem:s19+$0x10];
	vm9 =	veq.f32 v24, v1  }
0x22f: {  	vm8 =	vmand vm10, vm9;
	vm9 =	vlt.s32 v3, v6;
	vm10 =	vlt.s32 v3, v13;
	v13 =	vld [tilespmem:s18+$0x40]  }
0x230: {  	v19 =	vsel vm8, $0x1, v5;
	vm8 =	vlt.s32 v3, v15;
	v15 =	vld [tilespmem:s18+$0xFFFFFFE0];
	v7 =	vmpcnt.ones.xlane vm9  }
0x231: {  	vm9 =	vlt.s32 v3, v8;
	v8 =	vmpcnt.ones.xlane vm11;
	v6 =	vadd.s32 v19, v18;
	v19 =	vld [tilespmem:s18+$0xFFFFFF90]  }
0x232: {  	v16 =	vadd.s32 v16, v17;
	v3 =	vmpcnt.ones.xlane vm10;
	v17 =	vmpcnt.ones.xlane vm9;
	(xrf0) =	vadd.scan.msk.s32 $0xffff, v6;
	v6 =	vld [tilespmem:s18+$0x50]  }
0x233: {  	v18 =	vmpcnt.ones.xlane vm8;
	v7 =	vadd.s32 v11, v7;
	v11 =	vld [tilespmem:s18+$0xFFFFFFD0];
	v8 =	vadd.s32 v8, v16  }
0x234: {  	v22 =	vimm.s32 $0x0;
	v3 =	vadd.s32 v3, v7;
	v7 =	vld [tilespmem:s18+$0x70];
	v8 =	vadd.s32 v17, v8  }
0x235: {  	v33 =	vsub.f32 v61, v0;
	v17 =	vld [tilespmem:s18+$0x10];
	v3 =	vadd.s32 v12, v3;
	v32 =	vadd.s32 v18, v8  }
0x236: {  	v8 =	vsub.f32 v20, v0;
	v18 =	vsub.f32 v21, v2;
	v31 =	vadd.s32 v14, v3;
	v14 =	vld [tilespmem:s18+$0xFFFFFF80]  }
0x237: {  	v12 =	vld [tilespmem:s18+$0xFFFFFFB0];
	v13 =	vsub.f32 v13, v0;
	v3 =	vadd.s32 $0xFFFFFFFF, v1;
	v15 =	vsub.f32 v15, v2  }
0x238: {  	p0 =	sgt.u32 s29, $0x0;
	v21 =	vld [tilespmem:s18+$0xFFFFFFA0];
	v8 =	vmul.f32 v8, v8;
	v18 =	vmul.f32 v18, v18;
	v19 =	vsub.f32 v19, v2  }
0x239: {  	v24 =	vld [tilespmem:s18+$0x20];
	v23 =	vpsel p0, v3, v1;
	v6 =	vsub.f32 v6, v0;
	v11 =	vsub.f32 v11, v2  }
0x23a: {  	v25 =	vld [tilespmem:s18+$0x60];
	v13 =	vmul.f32 v13, v13;
	v15 =	vmul.f32 v15, v15;
	v7 =	vsub.f32 v7, v0  }
0x23b: {  	v26 =	vld [tilespmem:s18+$0x30];
	v6 =	vmul.f32 v6, v6;
	v11 =	vmul.f32 v11, v11;
	v14 =	vsub.f32 v14, v2  }
0x23c: {  	v17 =	vsub.f32 v17, v0;
	v12 =	vsub.f32 v12, v2;
	v7 =	vmul.f32 v7, v7  }
0x23d: {  	v28 =	vld [tilespmem:s19+$0xFFFFFFD0];
	v6 =	vadd.f32 v6, v11;
	v11 =	vsub.f32 v21, v2;
	v14 =	vmul.f32 v14, v14  }
0x23e: {  	v20 =	vld [tilespmem:s18+$0xFFFFFFC0];
	v16, _, _ =	vpop (xrf0);
	v19 =	vmul.f32 v19, v19;
	v21 =	vsub.f32 v24, v0;
	v7 =	vadd.f32 v7, v18  }
0x23f: {  	v16 =	vbroadcast v16, $0xF;
	v24 =	vld [tilespmem:s19+$0xFFFFFFF0];
	v8 =	vadd.f32 v8, v14;
	v14 =	vsub.f32 v25, v0  }
0x240: {  	v18 =	vmul.f32 v12, v12;
	vm8 =	vlt.s32 v23, v6;
	v25 =	vsub.f32 v26, v0;
	v26 =	vld [tilespmem:s19+$0xFFFFFFE0]  }
0x241: {  	v6 =	vld [tilespmem:s19+$0x0];
	v12 =	vmpcnt.ones.xlane vm8;
	vm8 =	vlt.s32 v23, v7;
	v7 =	vmul.f32 v14, v14  }
0x242: {  	v28 =	vsub.f32 v28, v2;
	v21 =	vmul.f32 v21, v21;
	v11 =	vmul.f32 v11, v11  }
0x243: {  	v20 =	vsub.f32 v20, v2;
	v17 =	vmul.f32 v17, v17;
	v7 =	vadd.f32 v7, v15  }
0x244: {  	v21 =	vadd.f32 v21, v11;
	v11 =	vmpcnt.ones.xlane vm8;
	vm9 =	vlt.s32 v23, v8  }
0x245: {  	v8 =	vld [tilespmem:s19+$0x50];
	v14 =	vmul.f32 v20, v20;
	vm8 =	vlt.s32 v23, v7;
	v7 =	vsub.f32 v26, v2  }
0x246: {  	v20 =	vld [tilespmem:s19+$0x40];
	v24 =	vsub.f32 v24, v2;
	v6 =	vsub.f32 v6, v0;
	v15 =	vmul.f32 v25, v25  }
0x247: {  	v13 =	vadd.f32 v13, v14;
	v25 =	vld [tilespmem:s19+$0x70];
	v14 =	vmul.f32 v7, v7;
	v7 =	vadd.f32 v17, v19  }
0x248: {  	v27 =	vmpcnt.ones.xlane vm9;
	vm11 =	vlt.s32 v23, v21;
	v26 =	vmul.f32 v6, v6;
	v6 =	vld [tilespmem:s19+$0xFFFFFF80]  }
0x249: {  	v24 =	vmul.f32 v24, v24;
	v36 =	vmpcnt.ones.xlane vm11;
	vm10 =	vlt.s32 v23, v7;
	v7 =	vld [tilespmem:s19+$0xFFFFFFC0]  }
0x24a: {  	p6 =	sgt.u32 s29, $0x1;
	v18 =	vadd.f32 v15, v18;
	vm9 =	vlt.s32 v23, v13;
	v19 =	vadd.s32 v16, v27;
	v16 =	vld [tilespmem:s19+$0xFFFFFF90]  }
0x24b: {  	v13 =	vpsel p6, v3, v1;
	v8 =	vsub.f32 v8, v0;
	v15 =	vmpcnt.ones.xlane vm8;
	v17 =	vld [tilespmem:s19+$0xFFFFFFB0]  }
0x24c: {  	v20 =	vsub.f32 v20, v0;
	vm8 =	vlt.s32 v23, v18;
	v18 =	vmpcnt.ones.xlane vm9  }
0x24d: {  	v8 =	vmul.f32 v8, v8;
	v21 =	vsub.f32 v25, v0;
	v23 =	vld [tilespmem:s19+$0xFFFFFFA0];
	v25 =	vsub.f32 v6, v2  }
0x24e: {  	v62 =	vld [tilespmem:s19+$0x20];
	v6 =	vmul.f32 v20, v20;
	v20 =	vsub.f32 v7, v2;
	v7 =	vmul.f32 v28, v28  }
0x24f: {  	v37 =	vld [tilespmem:s19+$0x30];
	v27 =	vmpcnt.ones.xlane vm8;
	v21 =	vmul.f32 v21, v21;
	v16 =	vsub.f32 v16, v2  }
0x250: {  	v63 =	vmpcnt.ones.xlane vm10;
	v17 =	vsub.f32 v17, v2;
	v8 =	vadd.f32 v8, v7;
	v7 =	vld [tilespmem:s19+$0x60]  }
0x251: {  	v21 =	vadd.f32 v21, v24;
	v24 =	vadd.s32 v36, v19;
	v28 =	vmul.f32 v25, v25  }
0x252: {  	v19 =	vmul.f32 v33, v33;
	v23 =	vsub.f32 v23, v2;
	v17 =	vmul.f32 v17, v17  }
0x253: {  	v25 =	vsub.f32 v62, v0;
	v26 =	vadd.f32 v26, v28;
	v28 =	vadd.s32 v22, v63  }
0x254: {  	s7 =	simm.s32 $0x8B80;
	s3 =	simm.s32 $0x2;
	v22 =	vsub.f32 v37, v0;
	vm8 =	vlt.s32 v13, v8;
	v8 =	vadd.s32 v27, v28  }
.LBB2_10:
0x255: {  	v27 =	vld [tilespmem:s7+$0x0];
	p0 =	sne.s32 s3, $0x7F;
	v7 =	vsub.f32 v7, v0;
	v8 =	vadd.s32 v12, v8;
	v12 =	vmpcnt.ones.xlane vm8;
	s8 =	smov.u32 s3;
	s3 =	sadd.s32 $0x1, s3  }
0x256: {  	v25 =	vmul.f32 v25, v25;
	vm8 =	vlt.s32 v13, v21;
	v18 =	vadd.s32 v18, v24;
	v28 =	vld [tilespmem:s7+$0xFFFFFFF0]  }
0x257: {  	vm9 =	vlt.s32 v13, v26;
	v23 =	vmul.f32 v23, v23;
	v21 =	vld [tilespmem:s7+$0xFFFFFFE0];
	v7 =	vmul.f32 v7, v7  }
0x258: {  	v26 =	vmpcnt.ones.xlane vm9;
	v33 =	vmpcnt.ones.xlane vm8;
	v18 =	vadd.s32 v15, v18;
	v24 =	vld [tilespmem:s7+$0x50]  }
0x259: {  	v15 =	vmul.f32 v20, v20;
	v23 =	vadd.f32 v25, v23;
	v34 =	vld [tilespmem:s7+$0x40];
	v7 =	vadd.f32 v7, v14  }
0x25a: {  	v22 =	vmul.f32 v22, v22;
	v8 =	vadd.s32 v11, v8;
	v11 =	vmovc v33;
	v14 =	vsub.f32 v27, v0;
	v20 =	vld [tilespmem:s7+$0xFFFFFFD0]  }
0x25b: {  	v6 =	vadd.f32 v6, v15;
	v25 =	vld [tilespmem:s7+$0x70];
	v27 =	vsub.f32 v28, v2;
	vm8 =	vlt.s32 v13, v7  }
0x25c: {  	v16 =	vmul.f32 v16, v16;
	v28 =	vmul.f32 v14, v14;
	v7 =	vld [tilespmem:s7+$0xFFFFFFB0];
	v14 =	vsub.f32 v21, v2  }
0x25d: {  	v17 =	vadd.f32 v22, v17;
	v15 =	vmpcnt.ones.xlane vm8;
	v21 =	vld [tilespmem:s7+$0xFFFFFF80];
	v24 =	vsub.f32 v24, v0  }
0x25e: {  	v16 =	vadd.f32 v19, v16;
	v26 =	vadd.s32 v18, v26;
	v22 =	vld [tilespmem:s7+$0x10];
	v14 =	vmul.f32 v14, v14  }
0x25f: {  	vm9 =	vlt.s32 v13, v6;
	vm8 =	vlt.s32 v13, v17;
	v19 =	vld [tilespmem:s7+$0xFFFFFF90];
	v24 =	vmul.f32 v24, v24  }
0x260: {  	vm10 =	vlt.s32 v13, v16;
	vm11 =	vlt.s32 v13, v23;
	v27 =	vmul.f32 v27, v27;
	v17 =	vld [tilespmem:s7+$0xFFFFFFC0]  }
0x261: {  	p1 =	slt.u32 s8, s29;
	v33 =	vmpcnt.ones.xlane vm8;
	v6 =	vsub.f32 v34, v0;
	v16 =	vsub.f32 v25, v0;
	v23 =	vld [tilespmem:s7+$0xFFFFFFA0]  }
0x262: {  	v18 =	vmpcnt.ones.xlane vm9;
	v13 =	vpsel p1, v3, v1;
	v25 =	vsub.f32 v21, v2  }
0x263: {  	v21 =	vsub.f32 v20, v2;
	v35 =	vmul.f32 v16, v16;
	v22 =	vsub.f32 v22, v0;
	v34 =	vld [tilespmem:s7+$0x20]  }
0x264: {  	v36 =	vmpcnt.ones.xlane vm10;
	v37 =	vmpcnt.ones.xlane vm11  }
0x265: {  	v6 =	vmul.f32 v6, v6;
	v16 =	vsub.f32 v19, v2;
	v19 =	vsub.f32 v7, v2;
	v38 =	vld [tilespmem:s7+$0x30]  }
.Ltmp4:
0x266: {  	v39 =	vmul.f32 v21, v21;
	v21 =	vadd.f32 v35, v27;
	v20 =	vsub.f32 v17, v2;
	v7 =	vld [tilespmem:s7+$0x60];
	(pc) =	sbr.rel @p0 .LBB2_10-.Ltmp4, $4  }
0x267: {  	v27 =	vmul.f32 v25, v25;
	v23 =	vsub.f32 v23, v2;
	v17 =	vmul.f32 v19, v19  }
0x268: {  	v25 =	vsub.f32 v34, v0;
	v34 =	vadd.f32 v24, v39;
	v24 =	vadd.s32 v37, v26  }
0x269: {  	v8 =	vadd.s32 v8, v36;
	v19 =	vmul.f32 v22, v22;
	v26 =	vadd.f32 v28, v27  }
0x26a: {  	v8 =	vadd.s32 v33, v8;
	s7 =	sadd.s32 $0x100, s7;
	v22 =	vsub.f32 v38, v0;
	vm8 =	vlt.s32 v13, v34  }
0x26b: {  	_ =	swait.ge [sflag:s28], $0x8000;
	v7 =	vsub.f32 v7, v0  }
0x26c: {  	v27 =	vmpcnt.ones.xlane vm8;
	v8 =	vadd.s32 v12, v8;
	v12 =	vmul.f32 v25, v25;
	[sflag:s28] =	ssyncset.done $0x0  }
0x26d: {  	vm8 =	vlt.s32 v13, v26;
	v23 =	vmul.f32 v23, v23;
	v16 =	vmul.f32 v16, v16;
	s7 =	simm.s32 $0x10980;
	s3 =	rddreg [dreg:$0xc];
	[sflag:s28] =	ssyncadd.s32 $0xFFFF8000  }
0x26e: {  	vm9 =	vlt.s32 v13, v21;
	v20 =	vmul.f32 v20, v20;
	v21 =	vmpcnt.ones.xlane vm8;
	[tilespmem:s23], [sflag:$0x2] =	stream.strided.gather [hbm4b:s3+s20], $0x8000, s21, s20, $0x38;
	[tilespmem:$0x18980] =	vst v63  }
0x26f: {  	v18 =	vadd.s32 v18, v24;
	v22 =	vmul.f32 v22, v22;
	v7 =	vmul.f32 v7, v7;
	v25 =	vld [tilespmem:s7+$0x0]  }
0x270: {  	v24 =	vmpcnt.ones.xlane vm9;
	v15 =	vadd.s32 v15, v18;
	v16 =	vadd.f32 v19, v16;
	v19 =	vld [tilespmem:s7+$0xFFFFFFF0]  }
0x271: {  	v8 =	vadd.s32 v11, v8;
	s3 =	sadd.s32 $0xFFFFFF80, s29;
	v7 =	vadd.f32 v7, v14;
	v14 =	vadd.f32 v22, v17;
	v11 =	vld [tilespmem:s7+$0x50]  }
0x272: {  	v12 =	vadd.f32 v12, v23;
	v6 =	vadd.f32 v6, v20;
	vm8 =	vlt.s32 v13, v16;
	v18 =	vld [tilespmem:s7+$0xFFFFFFD0];
	p0 =	sgt.s32 s3, $0x0  }
0x273: {  	s8 =	simm.s32 $0x10A80;
	v20 =	vld [tilespmem:s7+$0xFFFFFF80];
	v23 =	vpsel p0, v3, v1;
	vm9 =	vlt.s32 v13, v7;
	vm10 =	vlt.s32 v13, v14  }
0x274: {  	v34 =	vld [tilespmem:s8+$0x10];
	v7 =	vmpcnt.ones.xlane vm8;
	vm8 =	vlt.s32 v13, v12;
	v16 =	vmpcnt.ones.xlane vm9  }
0x275: {  	v17 =	vld [tilespmem:s7+$0xFFFFFFE0];
	v12 =	vmpcnt.ones.xlane vm10;
	vm9 =	vlt.s32 v13, v6;
	v6 =	vmpcnt.ones.xlane vm8  }
0x276: {  	v26 =	vld [tilespmem:s7+$0x30];
	v13 =	vadd.s32 v15, v21;
	v7 =	vadd.s32 v8, v7;
	v15 =	vmpcnt.ones.xlane vm9  }
0x277: {  	v14 =	vld [tilespmem:s7+$0x40];
	v6 =	vadd.s32 v6, v13;
	v13 =	vsub.f32 v25, v0;
	v11 =	vsub.f32 v11, v0  }
0x278: {  	v21 =	vld [tilespmem:s7+$0xFFFFFFC0];
	v7 =	vadd.s32 v12, v7;
	v18 =	vsub.f32 v18, v2;
	v20 =	vsub.f32 v20, v2  }
0x279: {  	v8 =	vld [tilespmem:s7+$0x70];
	v62 =	vsub.f32 v34, v0;
	v7 =	vadd.s32 v27, v7;
	v6 =	vadd.s32 v15, v6  }
0x27a: {  	v12 =	vld [tilespmem:s7+$0xFFFFFFB0];
	v15 =	vsub.f32 v17, v2;
	v6 =	vadd.s32 v16, v6;
	v16 =	vsub.f32 v19, v2  }
0x27b: {  	v17 =	vld [tilespmem:s7+$0x10];
	v13 =	vmul.f32 v13, v13;
	v7 =	vadd.s32 v24, v7;
	v11 =	vmul.f32 v11, v11  }
0x27c: {  	v25 =	vld [tilespmem:s7+$0x60];
	v14 =	vsub.f32 v14, v0;
	v18 =	vmul.f32 v18, v18;
	v20 =	vmul.f32 v20, v20  }
0x27d: {  	v19 =	vld [tilespmem:s7+$0xFFFFFF90];
	v15 =	vmul.f32 v15, v15;
	v21 =	vsub.f32 v21, v2;
	v16 =	vmul.f32 v16, v16  }
0x27e: {  	v22 =	vld [tilespmem:s7+$0xFFFFFFA0];
	v8 =	vsub.f32 v8, v0;
	v14 =	vmul.f32 v14, v14;
	v11 =	vadd.f32 v11, v18  }
0x27f: {  	v24 =	vld [tilespmem:s7+$0x20];
	v13 =	vadd.f32 v13, v20;
	v12 =	vsub.f32 v12, v2;
	v21 =	vmul.f32 v21, v21  }
0x280: {  	v17 =	vsub.f32 v17, v0;
	v8 =	vmul.f32 v8, v8;
	vm8 =	vlt.s32 v23, v11  }
0x281: {  	v28 =	vld [tilespmem:s8+$0xFFFFFFD0];
	v11 =	vsub.f32 v25, v0;
	v25 =	vsub.f32 v26, v0;
	vm9 =	vlt.s32 v23, v13  }
0x282: {  	v13 =	vld [tilespmem:s8+$0x50];
	v19 =	vsub.f32 v19, v2;
	v18 =	vmul.f32 v12, v12;
	v12 =	vmpcnt.ones.xlane vm8  }
0x283: {  	v20 =	vld [tilespmem:s8+$0x0];
	v27 =	vmpcnt.ones.xlane vm9;
	v21 =	vadd.f32 v14, v21;
	v8 =	vadd.f32 v8, v16  }
0x284: {  	v26 =	vld [tilespmem:s8+$0xFFFFFFE0];
	v16 =	vsub.f32 v22, v2;
	v22 =	vsub.f32 v24, v0;
	v17 =	vmul.f32 v17, v17  }
0x285: {  	v24 =	vld [tilespmem:s8+$0xFFFFFFF0];
	v19 =	vmul.f32 v19, v19;
	vm8 =	vlt.s32 v23, v8;
	v8 =	vmul.f32 v11, v11  }
0x286: {  	v6 =	vadd.s32 v6, v27;
	v22 =	vmul.f32 v22, v22;
	v16 =	vmul.f32 v16, v16  }
0x287: {  	vm9 =	vlt.s32 v23, v21;
	v13 =	vsub.f32 v13, v0;
	v8 =	vadd.f32 v8, v15  }
0x288: {  	v11 =	vmpcnt.ones.xlane vm8;
	v16 =	vadd.f32 v22, v16;
	v22 =	vld [tilespmem:s8+$0x40];
	v15 =	vsub.f32 v20, v0  }
0x289: {  	v20 =	vmul.f32 v25, v25;
	v25 =	vld [tilespmem:s8+$0x70];
	vm8 =	vlt.s32 v23, v8;
	v8 =	vsub.f32 v26, v2  }
0x28a: {  	v33 =	vld [tilespmem:s8+$0xFFFFFF80];
	v27 =	vsub.f32 v28, v2;
	v24 =	vsub.f32 v24, v2;
	v35 =	vmul.f32 v13, v13  }
0x28b: {  	v26 =	vmul.f32 v15, v15;
	v14 =	vmul.f32 v8, v8;
	v8 =	vadd.f32 v17, v19;
	v19 =	vld [tilespmem:s8+$0xFFFFFFB0]  }
0x28c: {  	v18 =	vadd.f32 v20, v18;
	vm11 =	vlt.s32 v23, v16;
	v20 =	vmpcnt.ones.xlane vm9;
	v17 =	vld [tilespmem:s8+$0xFFFFFF90]  }
0x28d: {  	v15 =	vmpcnt.ones.xlane vm8;
	v63 =	vmpcnt.ones.xlane vm11;
	vm10 =	vlt.s32 v23, v8;
	v8 =	vld [tilespmem:s8+$0xFFFFFFC0]  }
0x28e: {  	vm8 =	vlt.s32 v23, v18;
	v16 =	vsub.f32 v22, v0;
	v21 =	vsub.f32 v25, v0;
	v22 =	vld [tilespmem:s8+$0xFFFFFFA0]  }
0x28f: {  	p6 =	sgt.s32 s3, $0x1;
	v37 =	vld [tilespmem:s8+$0x30];
	v18 =	vmul.f32 v24, v24;
	v36 =	vmpcnt.ones.xlane vm8;
	v23 =	vsub.f32 v33, v2  }
0x290: {  	v13 =	vpsel p6, v3, v1;
	v25 =	vld [tilespmem:s8+$0x20];
	v24 =	vmul.f32 v21, v21;
	v28 =	vmpcnt.ones.xlane vm10  }
0x291: {  	v38 =	vmul.f32 v23, v23;
	v17 =	vsub.f32 v17, v2;
	v19 =	vsub.f32 v19, v2  }
0x292: {  	v33 =	vld [tilespmem:s8+$0x60];
	v24 =	vadd.f32 v24, v18;
	v21 =	vsub.f32 v8, v2;
	v8 =	vmul.f32 v27, v27  }
0x293: {  	v16 =	vmul.f32 v16, v16;
	v23 =	vsub.f32 v22, v2;
	v26 =	vadd.f32 v26, v38  }
0x294: {  	v22 =	vsub.f32 v37, v0;
	v18 =	vmul.f32 v19, v19;
	v8 =	vadd.f32 v35, v8  }
0x295: {  	v27 =	vsub.f32 v25, v0;
	v25 =	vadd.s32 v63, v6;
	v6 =	vadd.s32 v7, v28  }
0x296: {  	s7 =	simm.s32 $0x2;
	s8 =	simm.s32 $0x10B80;
	v19 =	vmul.f32 v62, v62;
	v6 =	vadd.s32 v36, v6;
	vm8 =	vlt.s32 v13, v8  }
.LBB2_12:
0x297: {  	v7 =	vld [tilespmem:s8+$0x0];
	p0 =	sne.s32 s7, $0x7F;
	v8 =	vsub.f32 v33, v0;
	v6 =	vadd.s32 v12, v6;
	v12 =	vmpcnt.ones.xlane vm8;
	s12 =	smov.u32 s7;
	s7 =	sadd.s32 $0x1, s7  }
0x298: {  	v27 =	vmul.f32 v27, v27;
	vm8 =	vlt.s32 v13, v24;
	v20 =	vadd.s32 v20, v25;
	v28 =	vld [tilespmem:s8+$0xFFFFFFF0]  }
0x299: {  	vm9 =	vlt.s32 v13, v26;
	v23 =	vmul.f32 v23, v23;
	v24 =	vld [tilespmem:s8+$0xFFFFFFE0];
	v8 =	vmul.f32 v8, v8  }
0x29a: {  	v26 =	vmpcnt.ones.xlane vm9;
	v33 =	vmpcnt.ones.xlane vm8;
	v20 =	vadd.s32 v15, v20;
	v25 =	vld [tilespmem:s8+$0x50]  }
0x29b: {  	v15 =	vmul.f32 v21, v21;
	v23 =	vadd.f32 v27, v23;
	v34 =	vld [tilespmem:s8+$0x40];
	v8 =	vadd.f32 v8, v14  }
0x29c: {  	v6 =	vadd.s32 v11, v6;
	v11 =	vmovc v33;
	v14 =	vmul.f32 v22, v22;
	v7 =	vsub.f32 v7, v0;
	v21 =	vld [tilespmem:s8+$0xFFFFFFD0]  }
0x29d: {  	v16 =	vadd.f32 v16, v15;
	v22 =	vld [tilespmem:s8+$0x70];
	v27 =	vsub.f32 v28, v2;
	vm8 =	vlt.s32 v13, v8  }
0x29e: {  	v17 =	vmul.f32 v17, v17;
	v7 =	vmul.f32 v7, v7;
	v8 =	vld [tilespmem:s8+$0xFFFFFFB0];
	v24 =	vsub.f32 v24, v2  }
0x29f: {  	v18 =	vadd.f32 v14, v18;
	v15 =	vmpcnt.ones.xlane vm8;
	v28 =	vld [tilespmem:s8+$0xFFFFFF80];
	v25 =	vsub.f32 v25, v0  }
0x2a0: {  	v17 =	vadd.f32 v19, v17;
	v26 =	vadd.s32 v20, v26;
	v33 =	vld [tilespmem:s8+$0x10];
	v14 =	vmul.f32 v24, v24  }
0x2a1: {  	vm9 =	vlt.s32 v13, v16;
	vm8 =	vlt.s32 v13, v18;
	v19 =	vld [tilespmem:s8+$0xFFFFFF90];
	v25 =	vmul.f32 v25, v25  }
0x2a2: {  	vm10 =	vlt.s32 v13, v17;
	vm11 =	vlt.s32 v13, v23;
	v24 =	vmul.f32 v27, v27;
	v18 =	vld [tilespmem:s8+$0xFFFFFFC0]  }
0x2a3: {  	p1 =	slt.s32 s12, s3;
	v16 =	vsub.f32 v34, v0;
	v34 =	vmpcnt.ones.xlane vm8;
	v17 =	vsub.f32 v22, v0;
	v23 =	vld [tilespmem:s8+$0xFFFFFFA0]  }
0x2a4: {  	v20 =	vmpcnt.ones.xlane vm9;
	v13 =	vpsel p1, v3, v1;
	v22 =	vsub.f32 v28, v2  }
0x2a5: {  	v35 =	vmul.f32 v17, v17;
	v28 =	vsub.f32 v33, v0;
	v27 =	vld [tilespmem:s8+$0x20];
	v33 =	vsub.f32 v21, v2  }
0x2a6: {  	v36 =	vmpcnt.ones.xlane vm10;
	v37 =	vmpcnt.ones.xlane vm11  }
0x2a7: {  	v16 =	vmul.f32 v16, v16;
	v8 =	vsub.f32 v8, v2;
	v17 =	vsub.f32 v19, v2;
	v38 =	vld [tilespmem:s8+$0x30]  }
.Ltmp5:
0x2a8: {  	v24 =	vadd.f32 v35, v24;
	v21 =	vsub.f32 v18, v2;
	v19 =	vmul.f32 v33, v33;
	v33 =	vld [tilespmem:s8+$0x60];
	(pc) =	sbr.rel @p0 .LBB2_12-.Ltmp5, $4  }
0x2a9: {  	v22 =	vmul.f32 v22, v22;
	v18 =	vmul.f32 v8, v8;
	v23 =	vsub.f32 v23, v2  }
0x2aa: {  	v8 =	vadd.f32 v25, v19;
	v25 =	vadd.s32 v37, v26;
	v27 =	vsub.f32 v27, v0  }
0x2ab: {  	v6 =	vadd.s32 v6, v36;
	v26 =	vadd.f32 v7, v22;
	v19 =	vmul.f32 v28, v28  }
0x2ac: {  	v6 =	vadd.s32 v34, v6;
	s8 =	sadd.s32 $0x100, s8;
	vm8 =	vlt.s32 v13, v8;
	v22 =	vsub.f32 v38, v0  }
0x2ad: {  	v1 =	vld [tilespmem:$0x1FE20]  }
0x2ae: {  	v2 =	vld [tilespmem:$0x1FE30]  }
0x2af: {  	v3 =	vld [tilespmem:$0x1FEC0]  }
0x2b0: {  	v7 =	vld [tilespmem:$0x1FED0];
	_ =	sdelay $0x1  }
0x2b1: {  	v8 =	vld [tilespmem:$0x1FEE0];
	_ =	sdelay $0x1  }
0x2b2: {  	v1 =	vsub.f32 v1, v9;
	v2 =	vsub.f32 v2, v10  }
0x2b3: {  	v3 =	vsub.f32 v3, v9;
	v7 =	vsub.f32 v7, v10  }
0x2b4: {  	v28 =	vld [tilespmem:$0x1FEF0];
	v1 =	vmul.f32 v1, v1;
	v2 =	vmul.f32 v2, v2  }
0x2b5: {  	v8 =	vsub.f32 v8, v9;
	v3 =	vmul.f32 v3, v3;
	v7 =	vmul.f32 v7, v7;
	_ =	sdelay $0x1  }
0x2b6: {  	v1 =	vadd.f32 v2, v1;
	v2 =	vadd.f32 v7, v3;
	v3 =	vmul.f32 v8, v8;
	v8 =	vld [tilespmem:$0x1FD50];
	_ =	sdelay $0x1  }
0x2b7: {  	v28 =	vsub.f32 v28, v10;
	_ =	sdelay $0x1  }
0x2b8: {  	v7 =	vmul.f32 v28, v28  }
0x2b9: {  	s0 =	sand.u32 $0xFFFFFF80, s0;
	v8 =	vbroadcast v8, $0x0  }
0x2ba: {  	v28 =	vor.u32 s0, v4;
	vm9 =	veq.f32 v2, v1;
	v2 =	vadd.f32 v7, v3;
	v3 =	vld [tilespmem:$0x1FF00]  }
0x2bb: {  	vm10 =	vlt.s32 v28, v8;
	v28 =	vld [tilespmem:$0x1FF10];
	_ =	sdelay $0x3  }
0x2bc: {  	s3 =	sor.u32 $0x10, s0  }
0x2bd: {  	v7 =	vor.u32 s3, v4;
	v3 =	vsub.f32 v3, v9;
	v28 =	vsub.f32 v28, v10  }
0x2be: {  	vm12 =	vlt.s32 v7, v8;
	v7 =	vld [tilespmem:$0x1FF20]  }
0x2bf: {  	vm11 =	veq.f32 v2, v1;
	v2 =	vmul.f32 v3, v3;
	v3 =	vmul.f32 v28, v28;
	v28 =	vld [tilespmem:$0x1FF30];
	_ =	sdelay $0x4  }
0x2c0: {  	v7 =	vsub.f32 v7, v9;
	v28 =	vsub.f32 v28, v10;
	_ =	sdelay $0x1  }
0x2c1: {  	v2 =	vadd.f32 v3, v2;
	v3 =	vmul.f32 v7, v7;
	v7 =	vmul.f32 v28, v28  }
0x2c2: {  	vm9 =	vmand vm10, vm9  }
0x2c3: {  	v28 =	vsel vm9, $0x1, v5;
	vm9 =	veq.f32 v2, v1;
	v2 =	vadd.f32 v7, v3;
	v3 =	vld [tilespmem:$0x1FF40]  }
0x2c4: {  	v7 =	vld [tilespmem:$0x1FF50];
	_ =	sdelay $0x1  }
0x2c5: {  	s14 =	sor.u32 $0x20, s0  }
0x2c6: {  	v35 =	vor.u32 s14, v4;
	vm10 =	vmand vm12, vm11  }
0x2c7: {  	v34 =	vsel vm10, $0x1, v5;
	vm10 =	vlt.s32 v35, v8  }
0x2c8: {  	s15 =	sor.u32 $0x30, s0;
	vm9 =	vmand vm10, vm9;
	v3 =	vsub.f32 v3, v9;
	v7 =	vsub.f32 v7, v10  }
0x2c9: {  	v53 =	vld [tilespmem:$0x1FF70];
	v52 =	vor.u32 s15, v4;
	v51 =	vsel vm9, $0x1, v5  }
0x2ca: {  	vm9 =	veq.f32 v2, v1;
	v2 =	vmul.f32 v3, v3;
	v3 =	vmul.f32 v7, v7;
	v7 =	vld [tilespmem:$0x1FF60]  }
0x2cb: {  	vm10 =	vlt.s32 v52, v8  }
0x2cc: {  	v56 =	vld [tilespmem:$0x1FF90];
	v28 =	vadd.s32 v28, v34;
	vm9 =	vmand vm10, vm9;
	v2 =	vadd.f32 v3, v2  }
0x2cd: {  	v36 =	vld [tilespmem:$0x1FFA0];
	v28 =	vadd.s32 v51, v28;
	v55 =	vsel vm9, $0x1, v5  }
0x2ce: {  	vm9 =	veq.f32 v2, v1;
	v2 =	vadd.s32 v55, v28;
	v28 =	vld [tilespmem:$0x1FF80]  }
0x2cf: {  	v58 =	vld [tilespmem:$0x1FFB0];
	v35 =	vsub.f32 v53, v10;
	v7 =	vsub.f32 v7, v9  }
0x2d0: {  	s16 =	sor.u32 $0x40, s0  }
0x2d1: {  	s17 =	sor.u32 $0x50, s0;
	v54 =	vmul.f32 v35, v35;
	v3 =	vor.u32 s16, v4;
	v7 =	vmul.f32 v7, v7  }
0x2d2: {  	v57 =	vor.u32 s17, v4;
	v34 =	vsub.f32 v56, v10;
	vm10 =	vlt.s32 v3, v8  }
0x2d3: {  	vm9 =	vmand vm10, vm9;
	v3 =	vadd.f32 v54, v7;
	v28 =	vsub.f32 v28, v9  }
0x2d4: {  	v10 =	vsub.f32 v58, v10;
	v7 =	vsel vm9, $0x1, v5;
	v9 =	vsub.f32 v36, v9  }
0x2d5: {  	vm9 =	veq.f32 v3, v1;
	v3 =	vmul.f32 v28, v28;
	v28 =	vmul.f32 v34, v34  }
0x2d6: {  	v10 =	vmul.f32 v10, v10;
	vm10 =	vlt.s32 v57, v8;
	v9 =	vmul.f32 v9, v9  }
0x2d7: {  	s18 =	sor.u32 $0x60, s0;
	v2 =	vadd.s32 v7, v2;
	vm9 =	vmand vm10, vm9;
	v3 =	vadd.f32 v28, v3  }
0x2d8: {  	s0 =	sor.u32 $0x70, s0;
	v7 =	vsel vm9, $0x1, v5;
	v28 =	vor.u32 s18, v4;
	v9 =	vadd.f32 v10, v9  }
0x2d9: {  	vm10 =	vlt.s32 v28, v8;
	vm9 =	veq.f32 v3, v1;
	v3 =	vor.u32 s0, v4  }
0x2da: {  	vm9 =	vmand vm10, vm9;
	vm10 =	veq.f32 v9, v1;
	vm11 =	vlt.s32 v3, v8  }
0x2db: {  	v2 =	vadd.s32 v7, v2;
	v3 =	vsel vm9, $0x1, v5;
	vm9 =	vmand vm11, vm10  }
0x2dc: {  	v2 =	vadd.s32 v3, v2;
	v3 =	vsel vm9, $0x1, v5  }
0x2dd: {  	v7 =	vsub.f32 v33, v0;
	v0 =	vld [tilespmem:$0x1FEA0];
	v2 =	vadd.s32 v3, v2  }
0x2de: {  	(xrf0) =	vadd.scan.msk.s32 $0xffff, v2;
	v2 =	vld [tilespmem:$0x1FEB0];
	_ =	sdelay $0x5  }
0x2df: {  	v17 =	vmul.f32 v17, v17  }
0x2e0: {  	v6 =	vadd.s32 v12, v6;
	v21 =	vmul.f32 v21, v21;
	v7 =	vmul.f32 v7, v7;
	v0 =	vld.idx.msk [tilespmem:v0+s20+$0x0], $0xffff;
	v9, _, _ =	vpop (xrf0)  }
0x2e1: {  	v12 =	vadd.s32 v20, v25;
	v10 =	vmul.f32 v23, v23;
	v8 =	vmul.f32 v27, v27;
	v2 =	vld.idx.msk [tilespmem:v2+s20+$0x0], $0xffff;
	_ =	swait.ge [sflag:s2], $0x8000  }
0x2e2: {  	v12 =	vadd.s32 v15, v12;
	v15 =	vmul.f32 v22, v22;
	v7 =	vadd.f32 v7, v14;
	[sflag:s2] =	ssyncset.done $0x0  }
0x2e3: {  	s19 =	simm.s32 $0x980;
	v6 =	vadd.s32 v11, v6;
	v14 =	vadd.f32 v19, v17;
	v8 =	vadd.f32 v8, v10;
	[sflag:s2] =	ssyncadd.s32 $0xFFFF8000  }
0x2e4: {  	vm9 =	vlt.s32 v13, v26;
	v10 =	vadd.f32 v15, v18;
	v15 =	vadd.f32 v16, v21;
	v17 =	vld [tilespmem:s19+$0x0]  }
0x2e5: {  	v3 =	vmpcnt.ones.xlane vm8;
	vm8 =	vlt.s32 v13, v24;
	v20 =	vmpcnt.ones.xlane vm9;
	v11 =	vld [tilespmem:s19+$0xFFFFFFF0]  }
0x2e6: {  	v23 =	vmpcnt.ones.xlane vm8;
	vm8 =	vlt.s32 v13, v7;
	vm9 =	vlt.s32 v13, v14;
	v14 =	vld [tilespmem:s19+$0xFFFFFFE0]  }
0x2e7: {  	vm10 =	vlt.s32 v13, v10;
	vm11 =	vlt.s32 v13, v8;
	v7 =	vmpcnt.ones.xlane vm9;
	v8 =	vld [tilespmem:s19+$0x50]  }
0x2e8: {  	vm9 =	vlt.s32 v13, v15;
	v10 =	vmpcnt.ones.xlane vm10;
	v13 =	vmpcnt.ones.xlane vm11;
	v15 =	vld [tilespmem:s19+$0x40]  }
0x2e9: {  	v12 =	vadd.s32 v12, v20;
	v16 =	vmpcnt.ones.xlane vm9;
	v6 =	vadd.s32 v6, v7;
	v18 =	vld [tilespmem:s19+$0xFFFFFFD0]  }
0x2ea: {  	v7 =	vmpcnt.ones.xlane vm8;
	v12 =	vadd.s32 v13, v12;
	v6 =	vadd.s32 v10, v6;
	v10 =	vld [tilespmem:s19+$0x70]  }
0x2eb: {  	v3 =	vadd.s32 v3, v6;
	v6 =	vadd.s32 v16, v12;
	v16 =	vld [tilespmem:s19+$0xFFFFFF80]  }
0x2ec: {  	v25 =	vimm.s32 $0x0;
	v6 =	vadd.s32 v7, v6;
	v3 =	vadd.s32 v23, v3;
	v12 =	vld [tilespmem:s19+$0xFFFFFFB0]  }
0x2ed: {  	s29 =	simm.s32 $0xA80;
	v7 =	vadd.s32 $0xFFFFFFFF, v1;
	v20 =	vld [tilespmem:s19+$0xFFFFFFC0];
	v13 =	vsub.f32 v17, v2;
	v14 =	vsub.f32 v14, v0  }
0x2ee: {  	p0 =	sgt.u32 s31, $0x0;
	v19 =	vbroadcast v9, $0xF;
	v28 =	vld [tilespmem:s29+$0xFFFFFFD0];
	v8 =	vsub.f32 v8, v2;
	v9 =	vsub.f32 v11, v0  }
0x2ef: {  	v22 =	vpsel p0, v7, v1;
	v21 =	vld [tilespmem:s19+$0xFFFFFFA0];
	v10 =	vsub.f32 v10, v2;
	v18 =	vsub.f32 v18, v0  }
0x2f0: {  	v23 =	vld [tilespmem:s19+$0x20];
	v15 =	vsub.f32 v15, v2;
	v16 =	vsub.f32 v16, v0;
	v11 =	vmul.f32 v13, v13  }
0x2f1: {  	v24 =	vld [tilespmem:s19+$0x60];
	v12 =	vsub.f32 v12, v0;
	v14 =	vmul.f32 v14, v14;
	v8 =	vmul.f32 v8, v8  }
0x2f2: {  	v17 =	vld [tilespmem:s19+$0x10];
	v20 =	vsub.f32 v20, v0;
	v9 =	vmul.f32 v9, v9;
	v18 =	vmul.f32 v18, v18  }
0x2f3: {  	v26 =	vld [tilespmem:s19+$0x30];
	v28 =	vsub.f32 v28, v0;
	v10 =	vmul.f32 v10, v10;
	v15 =	vmul.f32 v15, v15  }
0x2f4: {  	v13 =	vld [tilespmem:s19+$0xFFFFFF90];
	v16 =	vmul.f32 v16, v16;
	v12 =	vmul.f32 v12, v12;
	v8 =	vadd.f32 v8, v18  }
0x2f5: {  	v20 =	vmul.f32 v20, v20;
	v10 =	vadd.f32 v10, v9;
	v18 =	vsub.f32 v21, v0  }
0x2f6: {  	v28 =	vmul.f32 v28, v28;
	v21 =	vsub.f32 v23, v2;
	v11 =	vadd.f32 v11, v16;
	v16 =	vld [tilespmem:s29+$0x0]  }
0x2f7: {  	v23 =	vld [tilespmem:s29+$0xFFFFFFF0];
	v15 =	vadd.f32 v15, v20;
	v17 =	vsub.f32 v17, v2;
	vm8 =	vlt.s32 v22, v8  }
0x2f8: {  	v20 =	vld [tilespmem:s29+$0x70];
	v8 =	vsub.f32 v24, v2;
	v24 =	vsub.f32 v26, v2;
	v21 =	vmul.f32 v21, v21  }
0x2f9: {  	v26 =	vld [tilespmem:s29+$0xFFFFFFE0];
	v18 =	vmul.f32 v18, v18;
	vm9 =	vlt.s32 v22, v11;
	v13 =	vsub.f32 v13, v0  }
0x2fa: {  	v11 =	vld [tilespmem:s29+$0x50];
	v9 =	vmpcnt.ones.xlane vm8;
	vm8 =	vlt.s32 v22, v10;
	v10 =	vmul.f32 v8, v8  }
0x2fb: {  	v17 =	vmul.f32 v17, v17;
	v27 =	vmpcnt.ones.xlane vm9;
	vm9 =	vlt.s32 v22, v15  }
0x2fc: {  	v18 =	vadd.f32 v21, v18;
	v8 =	vmpcnt.ones.xlane vm8;
	v10 =	vadd.f32 v10, v14  }
0x2fd: {  	v21 =	vld [tilespmem:s29+$0x40];
	v23 =	vsub.f32 v23, v0;
	v13 =	vmul.f32 v13, v13;
	v20 =	vsub.f32 v20, v2  }
0x2fe: {  	v59 =	vld [tilespmem:s29+$0x10];
	v14 =	vsub.f32 v16, v2;
	vm8 =	vlt.s32 v22, v10;
	v10 =	vsub.f32 v26, v0  }
0x2ff: {  	v60 =	vld [tilespmem:s29+$0x20];
	v16 =	vmul.f32 v24, v24;
	v15 =	vmul.f32 v23, v23;
	v26 =	vsub.f32 v11, v2  }
0x300: {  	vm11 =	vlt.s32 v22, v18;
	v24 =	vmul.f32 v14, v14;
	v14 =	vld [tilespmem:s29+$0xFFFFFF80];
	v11 =	vmul.f32 v10, v10  }
0x301: {  	v10 =	vadd.f32 v17, v13;
	v17 =	vadd.s32 v19, v27;
	v19 =	vmul.f32 v26, v26;
	v26 =	vld [tilespmem:s29+$0xFFFFFF90]  }
0x302: {  	v20 =	vmul.f32 v20, v20;
	v16 =	vadd.f32 v16, v12;
	v18 =	vsub.f32 v21, v2;
	v21 =	vld [tilespmem:s29+$0xFFFFFFA0]  }
0x303: {  	v33 =	vsub.f32 v59, v2;
	v62 =	vmpcnt.ones.xlane vm11;
	v12 =	vmpcnt.ones.xlane vm8;
	v13 =	vld [tilespmem:s29+$0xFFFFFFB0]  }
0x304: {  	v23 =	vld [tilespmem:s29+$0xFFFFFFC0];
	v20 =	vadd.f32 v20, v15;
	vm8 =	vlt.s32 v22, v16;
	vm10 =	vlt.s32 v22, v10  }
0x305: {  	v16 =	vmpcnt.ones.xlane vm9;
	v28 =	vadd.f32 v19, v28;
	v61 =	vmpcnt.ones.xlane vm10  }
0x306: {  	p6 =	sgt.u32 s31, $0x1;
	v27 =	vmpcnt.ones.xlane vm8;
	v22 =	vsub.f32 v14, v0;
	v14 =	vsub.f32 v26, v0;
	v26 =	vld [tilespmem:s29+$0x30]  }
0x307: {  	v10 =	vpsel p6, v7, v1;
	v21 =	vsub.f32 v21, v0;
	v63 =	vadd.s32 v25, v61;
	v25 =	vld [tilespmem:s29+$0x60]  }
0x308: {  	vm8 =	vlt.s32 v10, v28;
	v37 =	vsub.f32 v13, v0;
	v13 =	vmul.f32 v18, v18  }
0x309: {  	v18 =	vsub.f32 v23, v0;
	v38 =	vmul.f32 v22, v22;
	v23 =	vsub.f32 v60, v2  }
0x30a: {  	v22 =	vadd.s32 v62, v17;
	v17 =	vmul.f32 v33, v33;
	v15 =	vmul.f32 v37, v37  }
0x30b: {  	s3 =	simm.s32 $0xB80;
	s0 =	simm.s32 $0x2;
	v24 =	vadd.f32 v24, v38;
	v19 =	vsub.f32 v26, v2;
	v26 =	vadd.s32 v27, v63  }
.LBB2_14:
0x30c: {  	v27 =	vld [tilespmem:s3+$0x0];
	p0 =	sne.s32 s0, $0x7F;
	v25 =	vsub.f32 v25, v2;
	v26 =	vadd.s32 v9, v26;
	v9 =	vmpcnt.ones.xlane vm8;
	s7 =	smov.u32 s0;
	s0 =	sadd.s32 $0x1, s0  }
0x30d: {  	v23 =	vmul.f32 v23, v23;
	vm8 =	vlt.s32 v10, v20;
	v16 =	vadd.s32 v16, v22;
	v28 =	vld [tilespmem:s3+$0xFFFFFFF0]  }
0x30e: {  	vm9 =	vlt.s32 v10, v24;
	v21 =	vmul.f32 v21, v21;
	v20 =	vld [tilespmem:s3+$0xFFFFFFE0];
	v22 =	vmul.f32 v25, v25  }
0x30f: {  	v33 =	vmpcnt.ones.xlane vm8;
	v16 =	vadd.s32 v12, v16;
	v25 =	vmpcnt.ones.xlane vm9;
	v24 =	vld [tilespmem:s3+$0x50]  }
0x310: {  	v12 =	vmul.f32 v18, v18;
	v21 =	vadd.f32 v23, v21;
	v34 =	vld [tilespmem:s3+$0x40];
	v11 =	vadd.f32 v22, v11  }
0x311: {  	v19 =	vmul.f32 v19, v19;
	v26 =	vadd.s32 v8, v26;
	v8 =	vmovc v33;
	v18 =	vsub.f32 v27, v2;
	v22 =	vld [tilespmem:s3+$0xFFFFFFD0]  }
0x312: {  	v13 =	vadd.f32 v13, v12;
	v23 =	vld [tilespmem:s3+$0x70];
	v27 =	vsub.f32 v28, v0;
	vm8 =	vlt.s32 v10, v11  }
0x313: {  	v14 =	vmul.f32 v14, v14;
	v28 =	vmul.f32 v18, v18;
	v18 =	vld [tilespmem:s3+$0xFFFFFFB0];
	v11 =	vsub.f32 v20, v0  }
0x314: {  	v15 =	vadd.f32 v19, v15;
	v12 =	vmpcnt.ones.xlane vm8;
	v20 =	vld [tilespmem:s3+$0xFFFFFF80];
	v24 =	vsub.f32 v24, v2  }
0x315: {  	v14 =	vadd.f32 v17, v14;
	v33 =	vadd.s32 v16, v25;
	v19 =	vld [tilespmem:s3+$0x10];
	v11 =	vmul.f32 v11, v11  }
0x316: {  	vm9 =	vlt.s32 v10, v13;
	vm8 =	vlt.s32 v10, v15;
	v17 =	vld [tilespmem:s3+$0xFFFFFF90];
	v24 =	vmul.f32 v24, v24  }
0x317: {  	vm10 =	vlt.s32 v10, v14;
	vm11 =	vlt.s32 v10, v21;
	v27 =	vmul.f32 v27, v27;
	v15 =	vld [tilespmem:s3+$0xFFFFFFC0]  }
0x318: {  	p1 =	slt.u32 s7, s31;
	v13 =	vsub.f32 v34, v2;
	v34 =	vmpcnt.ones.xlane vm8;
	v14 =	vsub.f32 v23, v2;
	v21 =	vld [tilespmem:s3+$0xFFFFFFA0]  }
0x319: {  	v16 =	vmpcnt.ones.xlane vm9;
	v10 =	vpsel p1, v7, v1;
	v23 =	vsub.f32 v20, v0  }
0x31a: {  	v20 =	vsub.f32 v22, v0;
	v22 =	vmul.f32 v14, v14;
	v19 =	vsub.f32 v19, v2;
	v35 =	vld [tilespmem:s3+$0x20]  }
0x31b: {  	v36 =	vmpcnt.ones.xlane vm10;
	v37 =	vmpcnt.ones.xlane vm11  }
0x31c: {  	v13 =	vmul.f32 v13, v13;
	v14 =	vsub.f32 v17, v0;
	v17 =	vsub.f32 v18, v0;
	v38 =	vld [tilespmem:s3+$0x30]  }
.Ltmp6:
0x31d: {  	v39 =	vmul.f32 v20, v20;
	v20 =	vadd.f32 v22, v27;
	v18 =	vsub.f32 v15, v0;
	v25 =	vld [tilespmem:s3+$0x60];
	(pc) =	sbr.rel @p0 .LBB2_14-.Ltmp6, $4  }
0x31e: {  	v27 =	vmul.f32 v23, v23;
	v21 =	vsub.f32 v21, v0;
	v15 =	vmul.f32 v17, v17  }
0x31f: {  	v22 =	vadd.s32 v37, v33;
	v23 =	vsub.f32 v35, v2;
	v35 =	vadd.f32 v24, v39  }
0x320: {  	v26 =	vadd.s32 v26, v36;
	v17 =	vmul.f32 v19, v19;
	v24 =	vadd.f32 v28, v27  }
0x321: {  	v26 =	vadd.s32 v34, v26;
	s3 =	sadd.s32 $0x100, s3;
	v19 =	vsub.f32 v38, v2;
	vm8 =	vlt.s32 v10, v35  }
0x322: {  	_ =	swait.ge [sflag:s26], $0x8000  }
0x323: {  	v25 =	vsub.f32 v25, v2;
	[sflag:s26] =	ssyncset.done $0x0  }
0x324: {  	v27 =	vmpcnt.ones.xlane vm8;
	v9 =	vadd.s32 v9, v26;
	v14 =	vmul.f32 v14, v14;
	s3 =	simm.s32 $0x8980;
	[sflag:s26] =	ssyncadd.s32 $0xFFFF8000  }
0x325: {  	v23 =	vmul.f32 v23, v23;
	vm8 =	vlt.s32 v10, v24;
	v24 =	vmul.f32 v25, v25;
	v25 =	vld [tilespmem:s3+$0x0]  }
0x326: {  	v16 =	vadd.s32 v16, v22;
	v18 =	vmul.f32 v18, v18;
	v14 =	vadd.f32 v17, v14;
	v17 =	vld [tilespmem:s3+$0xFFFFFFF0]  }
0x327: {  	v21 =	vmul.f32 v21, v21;
	v19 =	vmul.f32 v19, v19;
	v12 =	vadd.s32 v12, v16;
	v16 =	vld [tilespmem:s3+$0xFFFFFFE0]  }
0x328: {  	vm9 =	vlt.s32 v10, v20;
	s0 =	sadd.s32 $0xFFFFFF80, s31;
	v8 =	vadd.s32 v8, v9;
	v9 =	vadd.f32 v13, v18;
	v13 =	vld [tilespmem:s3+$0x50]  }
0x329: {  	v20 =	vmpcnt.ones.xlane vm8;
	p0 =	sgt.s32 s0, $0x0;
	v15 =	vadd.f32 v19, v15;
	v19 =	vld [tilespmem:s3+$0xFFFFFFD0];
	v11 =	vadd.f32 v24, v11  }
0x32a: {  	v22 =	vmpcnt.ones.xlane vm9;
	v21 =	vadd.f32 v23, v21;
	v23 =	vpsel p0, v7, v1;
	v26 =	vld [tilespmem:s3+$0x30]  }
0x32b: {  	vm8 =	vlt.s32 v10, v14;
	v14 =	vld [tilespmem:s3+$0x40];
	vm10 =	vlt.s32 v10, v15;
	vm9 =	vlt.s32 v10, v11  }
0x32c: {  	v24 =	vld [tilespmem:s3+$0x20];
	v11 =	vmpcnt.ones.xlane vm8;
	vm8 =	vlt.s32 v10, v21;
	v18 =	vmpcnt.ones.xlane vm10  }
0x32d: {  	v15 =	vmpcnt.ones.xlane vm9;
	vm9 =	vlt.s32 v10, v9;
	v9 =	vmpcnt.ones.xlane vm8;
	v10 =	vld [tilespmem:s3+$0x70]  }
0x32e: {  	v8 =	vadd.s32 v8, v11;
	v11 =	vadd.s32 v12, v20;
	v12 =	vmpcnt.ones.xlane vm9;
	v20 =	vld [tilespmem:s3+$0xFFFFFF80]  }
0x32f: {  	v13 =	vsub.f32 v13, v2;
	v19 =	vsub.f32 v19, v0;
	v8 =	vadd.s32 v18, v8;
	v18 =	vld [tilespmem:s3+$0xFFFFFFB0]  }
0x330: {  	v9 =	vadd.s32 v9, v11;
	v11 =	vsub.f32 v25, v2;
	v14 =	vsub.f32 v14, v2;
	v25 =	vld [tilespmem:s3+$0x60]  }
0x331: {  	v8 =	vadd.s32 v27, v8;
	v9 =	vadd.s32 v12, v9;
	v12 =	vsub.f32 v16, v0;
	v16 =	vld [tilespmem:s3+$0x10]  }
0x332: {  	v19 =	vmul.f32 v19, v19;
	v15 =	vadd.s32 v15, v9;
	v9 =	vsub.f32 v17, v0;
	v17 =	vld [tilespmem:s3+$0xFFFFFF90]  }
0x333: {  	v11 =	vmul.f32 v11, v11;
	v21 =	vadd.s32 v22, v8;
	v8 =	vmul.f32 v13, v13;
	v13 =	vld [tilespmem:s3+$0xFFFFFFC0]  }
0x334: {  	v22 =	vld [tilespmem:s3+$0xFFFFFFA0];
	v14 =	vmul.f32 v14, v14;
	v12 =	vmul.f32 v12, v12;
	v10 =	vsub.f32 v10, v2  }
0x335: {  	v9 =	vmul.f32 v9, v9;
	v20 =	vsub.f32 v20, v0;
	v8 =	vadd.f32 v8, v19  }
0x336: {  	v10 =	vmul.f32 v10, v10;
	v18 =	vsub.f32 v18, v0;
	v16 =	vsub.f32 v16, v2  }
0x337: {  	vm8 =	vlt.s32 v23, v8;
	v8 =	vsub.f32 v25, v2;
	v25 =	vsub.f32 v26, v2  }
0x338: {  	s7 =	simm.s32 $0x8A80;
	v20 =	vmul.f32 v20, v20;
	v17 =	vsub.f32 v17, v0;
	v13 =	vsub.f32 v13, v0  }
0x339: {  	v28 =	vld [tilespmem:s7+$0xFFFFFF80];
	v19 =	vsub.f32 v22, v0;
	v18 =	vmul.f32 v18, v18;
	v22 =	vsub.f32 v24, v2  }
0x33a: {  	v10 =	vadd.f32 v10, v9;
	v9 =	vmpcnt.ones.xlane vm8;
	v24 =	vld [tilespmem:s7+$0xFFFFFFF0];
	v16 =	vmul.f32 v16, v16  }
0x33b: {  	v11 =	vadd.f32 v11, v20;
	v20 =	vld [tilespmem:s7+$0x0];
	v25 =	vmul.f32 v25, v25;
	v22 =	vmul.f32 v22, v22  }
0x33c: {  	v26 =	vld [tilespmem:s7+$0xFFFFFFE0];
	v19 =	vmul.f32 v19, v19;
	vm8 =	vlt.s32 v23, v10;
	v10 =	vmul.f32 v8, v8  }
0x33d: {  	v13 =	vmul.f32 v13, v13;
	v17 =	vmul.f32 v17, v17;
	vm9 =	vlt.s32 v23, v11;
	v11 =	vld [tilespmem:s7+$0x50]  }
0x33e: {  	v8 =	vmpcnt.ones.xlane vm8;
	v18 =	vadd.f32 v25, v18;
	v25 =	vld [tilespmem:s7+$0x10];
	v10 =	vadd.f32 v10, v12  }
0x33f: {  	v27 =	vmpcnt.ones.xlane vm9;
	v19 =	vadd.f32 v22, v19;
	v22 =	vld [tilespmem:s7+$0x40];
	v13 =	vadd.f32 v14, v13  }
0x340: {  	v14 =	vld [tilespmem:s7+$0x70];
	v24 =	vsub.f32 v24, v0;
	v12 =	vsub.f32 v20, v2;
	vm8 =	vlt.s32 v23, v10  }
0x341: {  	v20 =	vld [tilespmem:s7+$0xFFFFFFD0];
	v10 =	vsub.f32 v26, v0;
	v27 =	vadd.s32 v15, v27;
	vm11 =	vlt.s32 v23, v19  }
0x342: {  	v15 =	vld [tilespmem:s7+$0xFFFFFF90];
	vm9 =	vlt.s32 v23, v13;
	v24 =	vmul.f32 v24, v24;
	v37 =	vmpcnt.ones.xlane vm11  }
0x343: {  	v26 =	vmul.f32 v12, v12;
	v12 =	vmul.f32 v10, v10;
	v10 =	vadd.f32 v16, v17;
	v16 =	vld [tilespmem:s7+$0xFFFFFFB0]  }
0x344: {  	v33 =	vsub.f32 v11, v2;
	v11 =	vmpcnt.ones.xlane vm8;
	vm8 =	vlt.s32 v23, v18  }
0x345: {  	v13 =	vsub.f32 v14, v2;
	vm10 =	vlt.s32 v23, v10;
	v23 =	vsub.f32 v28, v0;
	v28 =	vld [tilespmem:s7+$0x20]  }
0x346: {  	v18 =	vld [tilespmem:s7+$0xFFFFFFC0];
	v17 =	vmpcnt.ones.xlane vm9;
	v25 =	vsub.f32 v25, v2;
	v20 =	vsub.f32 v20, v0  }
0x347: {  	v19 =	vsub.f32 v22, v2;
	v22 =	vld [tilespmem:s7+$0xFFFFFFA0];
	v33 =	vmul.f32 v33, v33;
	v35 =	vmul.f32 v13, v13  }
0x348: {  	v13 =	vsub.f32 v15, v0;
	v15 =	vsub.f32 v16, v0;
	v16 =	vmul.f32 v20, v20  }
0x349: {  	v38 =	vld [tilespmem:s7+$0x30];
	v14 =	vmul.f32 v19, v19;
	v19 =	vadd.f32 v35, v24;
	v24 =	vmul.f32 v23, v23  }
0x34a: {  	p6 =	sgt.s32 s0, $0x1;
	v23 =	vsub.f32 v28, v2;
	v28 =	vadd.f32 v33, v16;
	v16 =	vmul.f32 v25, v25;
	v25 =	vld [tilespmem:s7+$0x60]  }
0x34b: {  	v34 =	vmpcnt.ones.xlane vm8;
	v10 =	vpsel p6, v7, v1;
	v36 =	vmpcnt.ones.xlane vm10  }
0x34c: {  	v18 =	vsub.f32 v18, v0;
	v20 =	vsub.f32 v22, v0;
	v22 =	vadd.s32 v37, v27  }
0x34d: {  	v15 =	vmul.f32 v15, v15;
	v24 =	vadd.f32 v26, v24;
	v26 =	vadd.s32 v21, v36  }
0x34e: {  	s3 =	simm.s32 $0x2;
	v21 =	vsub.f32 v38, v2;
	s7 =	simm.s32 $0x8B80;
	v26 =	vadd.s32 v34, v26;
	vm8 =	vlt.s32 v10, v28  }
.LBB2_16:
0x34f: {  	v27 =	vld [tilespmem:s7+$0x0];
	p0 =	sne.s32 s3, $0x7F;
	v25 =	vsub.f32 v25, v2;
	v26 =	vadd.s32 v9, v26;
	v9 =	vmpcnt.ones.xlane vm8;
	s8 =	smov.u32 s3;
	s3 =	sadd.s32 $0x1, s3  }
0x350: {  	v23 =	vmul.f32 v23, v23;
	vm8 =	vlt.s32 v10, v19;
	v17 =	vadd.s32 v17, v22;
	v28 =	vld [tilespmem:s7+$0xFFFFFFF0]  }
0x351: {  	vm9 =	vlt.s32 v10, v24;
	v20 =	vmul.f32 v20, v20;
	v19 =	vld [tilespmem:s7+$0xFFFFFFE0];
	v22 =	vmul.f32 v25, v25  }
0x352: {  	v33 =	vmpcnt.ones.xlane vm8;
	v17 =	vadd.s32 v11, v17;
	v25 =	vmpcnt.ones.xlane vm9;
	v24 =	vld [tilespmem:s7+$0x50]  }
0x353: {  	v11 =	vmul.f32 v18, v18;
	v20 =	vadd.f32 v23, v20;
	v34 =	vld [tilespmem:s7+$0x40];
	v12 =	vadd.f32 v22, v12  }
0x354: {  	v21 =	vmul.f32 v21, v21;
	v26 =	vadd.s32 v8, v26;
	v8 =	vmovc v33;
	v18 =	vsub.f32 v27, v2;
	v22 =	vld [tilespmem:s7+$0xFFFFFFD0]  }
0x355: {  	v14 =	vadd.f32 v14, v11;
	v23 =	vld [tilespmem:s7+$0x70];
	v27 =	vsub.f32 v28, v0;
	vm8 =	vlt.s32 v10, v12  }
0x356: {  	v13 =	vmul.f32 v13, v13;
	v28 =	vmul.f32 v18, v18;
	v18 =	vld [tilespmem:s7+$0xFFFFFFB0];
	v12 =	vsub.f32 v19, v0  }
0x357: {  	v15 =	vadd.f32 v21, v15;
	v11 =	vmpcnt.ones.xlane vm8;
	v19 =	vld [tilespmem:s7+$0xFFFFFF80];
	v24 =	vsub.f32 v24, v2  }
0x358: {  	v13 =	vadd.f32 v16, v13;
	v33 =	vadd.s32 v17, v25;
	v21 =	vld [tilespmem:s7+$0x10];
	v12 =	vmul.f32 v12, v12  }
0x359: {  	vm9 =	vlt.s32 v10, v14;
	vm8 =	vlt.s32 v10, v15;
	v16 =	vld [tilespmem:s7+$0xFFFFFF90];
	v24 =	vmul.f32 v24, v24  }
0x35a: {  	vm10 =	vlt.s32 v10, v13;
	vm11 =	vlt.s32 v10, v20;
	v27 =	vmul.f32 v27, v27;
	v15 =	vld [tilespmem:s7+$0xFFFFFFC0]  }
0x35b: {  	p1 =	slt.s32 s8, s0;
	v14 =	vsub.f32 v34, v2;
	v34 =	vmpcnt.ones.xlane vm8;
	v13 =	vsub.f32 v23, v2;
	v20 =	vld [tilespmem:s7+$0xFFFFFFA0]  }
0x35c: {  	v17 =	vmpcnt.ones.xlane vm9;
	v10 =	vpsel p1, v7, v1;
	v23 =	vsub.f32 v19, v0  }
0x35d: {  	v19 =	vsub.f32 v22, v0;
	v22 =	vmul.f32 v13, v13;
	v21 =	vsub.f32 v21, v2;
	v35 =	vld [tilespmem:s7+$0x20]  }
0x35e: {  	v36 =	vmpcnt.ones.xlane vm10;
	v37 =	vmpcnt.ones.xlane vm11  }
0x35f: {  	v14 =	vmul.f32 v14, v14;
	v13 =	vsub.f32 v16, v0;
	v16 =	vsub.f32 v18, v0;
	v38 =	vld [tilespmem:s7+$0x30]  }
.Ltmp7:
0x360: {  	v39 =	vmul.f32 v19, v19;
	v19 =	vadd.f32 v22, v27;
	v18 =	vsub.f32 v15, v0;
	v25 =	vld [tilespmem:s7+$0x60];
	(pc) =	sbr.rel @p0 .LBB2_16-.Ltmp7, $4  }
0x361: {  	v27 =	vmul.f32 v23, v23;
	v20 =	vsub.f32 v20, v0;
	v15 =	vmul.f32 v16, v16  }
0x362: {  	v22 =	vadd.s32 v37, v33;
	v23 =	vsub.f32 v35, v2;
	v35 =	vadd.f32 v24, v39  }
0x363: {  	v26 =	vadd.s32 v26, v36;
	v16 =	vmul.f32 v21, v21;
	v24 =	vadd.f32 v28, v27  }
0x364: {  	v26 =	vadd.s32 v34, v26;
	s7 =	sadd.s32 $0x100, s7;
	v21 =	vsub.f32 v38, v2;
	vm8 =	vlt.s32 v10, v35  }
0x365: {  	v0 =	vmpcnt.ones.xlane vm8;
	v1 =	vsub.f32 v25, v2;
	v53 =	vadd.s32 v9, v26  }
0x366: {  	v7 =	vmul.f32 v23, v23;
	vm9 =	vlt.s32 v10, v24;
	v54 =	vmul.f32 v20, v20  }
0x367: {  	vm8 =	vlt.s32 v10, v19;
	v17 =	vadd.s32 v17, v22;
	v18 =	vmul.f32 v18, v18  }
0x368: {  	v57 =	vmul.f32 v13, v13;
	(v2sf) =	vpush v30, $0x0;
	v55 =	vmpcnt.ones.xlane vm9  }
0x369: {  	v56 =	vmul.f32 v21, v21;
	v11 =	vadd.s32 v11, v17;
	(v2sf) =	vpush v29, $0x0  }
0x36a: {  	v2 =	vadd.s32 v8, v53;
	v7 =	vadd.f32 v7, v54;
	v58 =	vadd.f32 v14, v18  }
0x36b: {  	v1 =	vmul.f32 v1, v1;
	v60 =	vadd.f32 v16, v57;
	(v2sf) =	vpush v32, $0x0  }
0x36c: {  	v59 =	vadd.f32 v56, v15;
	v61 =	vadd.s32 v11, v55;
	(v2sf) =	vpush v31, $0x0  }
0x36d: {  	v1 =	vadd.f32 v1, v12;
	vm11 =	vlt.s32 v10, v60;
	vm14 =	vlt.s32 v10, v7  }
0x36e: {  	vm15 =	vlt.s32 v10, v58;
	(v2sf) =	vpush v6, $0x0;
	v8 =	vmpcnt.ones.xlane vm11  }
0x36f: {  	vm10 =	vlt.s32 v10, v59;
	v7 =	vmpcnt.ones.xlane vm14;
	v62 =	vmpcnt.ones.xlane vm15  }
0x370: {  	(v2sf) =	vpush v3, $0x0;
	vm13 =	vlt.s32 v10, v1;
	v6 =	vmpcnt.ones.xlane vm10  }
0x371: {  	v3 =	vmpcnt.ones.xlane vm13;
	v1 =	vadd.s32 v7, v61;
	v2 =	vadd.s32 v2, v8  }
0x372: {  	v7 =	vmpcnt.ones.xlane vm8;
	v2 =	vadd.s32 v6, v2;
	v1 =	vadd.s32 v62, v1  }
0x373: {  	v0 =	vadd.s32 v0, v2;
	v1 =	vadd.s32 v3, v1  }
0x374: {  	v0 =	vadd.s32 v7, v0;
	(v2sf) =	vpush v1, $0x0  }
0x375: {  	(v2sf) =	vpush v0, $0x0;
	_ =	sdelay $0x6  }
0x376: {  	s0 =	spop (v2sf)  }
0x377: {  	s3 =	spop (v2sf)  }
0x378: {  	s7 =	spop (v2sf)  }
0x379: {  	s0 =	sadd.s32 s0, s3;
	s3 =	simm.f32 $1.000000000e+00;
	s8 =	spop (v2sf)  }
0x37a: {  	p0 =	slt.s32 s0, $0x400;
	s0 =	simm.f32 $1.000000000e+00;
	s7 =	sadd.s32 s7, s8  }
0x37b: {  	s12 =	spop (v2sf);
	s0 =	simm.s32 @!p0 $0x0;
	p0 =	slt.s32 s7, $0x400  }
0x37c: {  	s13 =	spop (v2sf);
	s8 =	ssub.f32 $1.000000000e+00, s0;
	v63 =	vmov s0;
	s3 =	simm.s32 @!p0 $0x0  }
0x37d: {  	s12 =	sadd.s32 s12, s13;
	v0 =	vnsel vm0, $0x0, v63;
	s15 =	ssub.f32 $1.000000000e+00, s3;
	s14 =	spop (v2sf)  }
0x37e: {  	p0 =	slt.s32 s12, $0x400;
	s12 =	simm.f32 $1.000000000e+00;
	v0 =	vsel vm1, s8, v0;
	s16 =	spop (v2sf)  }
0x37f: {  	s12 =	simm.s32 @!p0 $0x0;
	v0 =	vsel vm2, s3, v0;
	s0 =	sadd.s32 s14, s16  }
0x380: {  	s17 =	ssub.f32 $1.000000000e+00, s12;
	v0 =	vsel vm3, s15, v0;
	p0 =	slt.s32 s0, $0x400;
	s0 =	simm.f32 $1.000000000e+00  }
0x381: {  	v0 =	vsel vm4, s12, v0;
	s0 =	simm.s32 @!p0 $0x0  }
0x382: {  	v0 =	vsel vm5, s17, v0;
	s18 =	ssub.f32 $1.000000000e+00, s0  }
0x383: {  	v0 =	vsel vm6, s0, v0  }
0x384: {  	v0 =	vsel vm7, s18, v0  }
0x385: {  	s19 =	rddreg [dreg:$0xd];
	s29 =	simm.s32 $0x18900;
	[tilespmem:$0x18900] =	vst v0  }
0x386: {  	[hbm4b:s19+s5] =	stream.linear.scatter [tilespmem:s29], [sflag:$0x5], $0x8, $0x38;
	[tilespmem:$0x18980] =	vst v63  }
0x387: {  	_ =	swait.ge [sflag:s24], $0x8  }
0x388: {  	s30 =	sadd.s32 $0x1, s30;
	s31 =	rddreg [dreg:$0xe]  }
0x389: {  	p0 =	sne.s32 s30, s31  }
.Ltmp8:
0x38a: {  	_ = 	snop;
	(pc) =	sbr.rel @p0 .LBB2_1-.Ltmp8, $3  }
0x38b: {  	_ =	sdelay $0x1  }
0x38c: {  	[sflag:s24] =	ssyncset.done $0x0  }
0x38d: {  	[sflag:s24] =	ssyncadd.s32 $0xFFFFFFF8  }
0x38e: {  	_ =	sfence.sel $0x180000  }
0x38f: {  	[bflag:$0x0] =	sbarrier.arrive $0xFFFF  }
0x390: {  	_ =	strace $0x90000047  }
0x391: {  	s0 =	stileid.u32;
	[bflag:$0x2] =	sbarrier.arrive $0xFFFF  }
0x392: {  	p0 =	sne.s32 s0, $0x0;
	s0 =	rddreg [dreg:$0x4]  }
0x393: {  	s0 =	sadd.s32 @!p0 $0x100000, s0  }
0x394: {  	[sflag:s0] =	ssyncadd.tile.s32 @!p0 $0x1;
	_ =	shalt  }
.Lfunc_end2:
_tile_overlayer_lowered:
.L_overlay_start_2:
0x395: {  	(tag) =	ssettag $0x2  }
0x396: {  	s0 =	rddreg [dreg:$0x0];
	s2 =	stileid.u32  }
0x397: {  	s1 =	rddreg [dreg:$0x1];
	p0 =	sne.s32 s2, $0x0  }
0x398: {  	s3 =	rddreg [dreg:$0x2];
	[bflag:$0x3] =	sbarrier.arrive $0xFFFF;
	s2 =	simm.s32 @!p0 $0x1C05  }
0x399: {  	[timem:s3], [sflag:s2] =	dma.local @!p0 [hbm:s0], s1  }
0x39a: {  	s0 =	simm.s32 @!p0 $0x5  }
0x39b: {  	_ =	swait.ge @!p0 [sflag:s0], s1  }
0x39c: {  	s1 =	ssub.s32 @!p0 $0x0, s1;
	[sflag:s0] =	ssyncset.done @!p0 $0x0  }
0x39d: {  	[sflag:s0] =	ssyncadd.s32 @!p0 s1  }
0x39e: {  	[bflag:$0x3] =	sbarrier.arrive $0xFFFF  }
0x39f: {  	_ =	shalt  }

</sc_bundles>
